<compile_context>
chip_gen: v7x
topology: tpu7x:2x2x1
jax: 0.10.2.dev20260603
libtpu: 0.0.44.dev20260713+nightly
codegen_flags: <defaults>
</compile_context>

<pallas_src>
import functools

import jax
import jax.numpy as jnp
from jax import lax
from jax.experimental import pallas as pl
from jax.experimental.pallas import tpu as pltpu
from jax.experimental.pallas import tpu_sc as plsc

N = 50000
NPAD = 50048
NG = 64
E = 800000
CHUNK = 128
NW = 32
NBUF = 4
NCHT0 = 160
NCHT1 = 232
NCHM = max(NCHT0, NCHT1)
E0 = 16 * NCHT0 * CHUNK
E1 = 16 * NCHT1 * CHUNK
NTILES = 16
RPT = NPAD // NTILES
_SQRT_HALF = 0.7071067811865476


def _gelu(t):
    return 0.5 * t * (1.0 + lax.erf(t * _SQRT_HALF))



def _sc_mesh():
    return plsc.VectorSubcoreMesh(core_axis_name="c", subcore_axis_name="s",
                                  num_cores=2, num_subcores=NTILES)


@functools.cache
def _make_sc_degree():
    return functools.partial(
        pl.kernel,
        out_type=jax.ShapeDtypeStruct((2, NPAD), jnp.float32),
        mesh=_sc_mesh(),
        scratch_types=[
            pltpu.VMEM((NCHM, CHUNK), jnp.int32),
            pltpu.VMEM((CHUNK,), jnp.float32),
            pltpu.VMEM_SHARED((NPAD,), jnp.float32),
        ] + [pltpu.SemaphoreType.DMA] * NBUF,
        compiler_params=pltpu.CompilerParams(use_tc_tiling_on_sc=False),
    )(_sc_degree_body)


def _sc_degree_body(dst_hbm, zeros_hbm, out_hbm, dst_v, ones_v, acc, *ssems):
    c = lax.axis_index("c")
    s = lax.axis_index("s")
    wid = c * NTILES + s
    base = s * RPT
    nblk = jnp.where(c == 0, NCHT0 // NBUF, NCHT1 // NBUF)
    pltpu.sync_copy(zeros_hbm.at[pl.ds(base, RPT)], acc.at[pl.ds(base, RPT)])
    pltpu.sync_copy(dst_hbm.at[wid], dst_v)
    for i in range(CHUNK // 16):
        ones_v[pl.ds(i * 16, 16)] = jnp.ones((16,), jnp.float32)
    plsc.subcore_barrier()

    def body(i, carry):
        j0 = i * NBUF
        for b in range(NBUF):
            pltpu.async_copy(ones_v, acc.at[dst_v.at[j0 + b]], ssems[b],
                             add=True)
        for b in range(NBUF):
            pltpu.make_async_copy(ones_v, acc.at[dst_v.at[j0 + b]],
                                  ssems[b]).wait()
        return carry

    lax.fori_loop(0, nblk, body, 0)
    plsc.subcore_barrier()
    pltpu.sync_copy(acc.at[pl.ds(base, RPT)], out_hbm.at[c, pl.ds(base, RPT)])


FP = 16


@functools.cache
def _make_sc_prop(F=FP, dtype=jnp.float32):
    feat = (F,)

    @functools.partial(
        pl.kernel,
        out_type=jax.ShapeDtypeStruct((2, NPAD) + feat, dtype),
        mesh=_sc_mesh(),
        scratch_types=[
            pltpu.VMEM((NCHM, CHUNK), jnp.int32),
            pltpu.VMEM((NCHM, CHUNK), jnp.int32),
            pltpu.VMEM_SHARED((NPAD,) + feat, dtype),
        ] + [pltpu.VMEM((CHUNK,) + feat, dtype)] * NBUF
          + [pltpu.SemaphoreType.DMA] * (2 * NBUF),
        compiler_params=pltpu.CompilerParams(use_tc_tiling_on_sc=False),
    )
    def prop(src_hbm, dst_hbm, g_hbm, zeros_hbm, out_hbm,
             src_v, dst_v, acc, *rest):
        bufs = rest[:NBUF]
        gsems = rest[NBUF:2 * NBUF]
        ssems = rest[2 * NBUF:3 * NBUF]
        c = lax.axis_index("c")
        s = lax.axis_index("s")
        wid = c * NTILES + s
        base = s * RPT
        nblk = jnp.where(c == 0, NCHT0 // NBUF, NCHT1 // NBUF)
        pltpu.sync_copy(zeros_hbm.at[pl.ds(base, RPT)],
                        acc.at[pl.ds(base, RPT)])
        pltpu.sync_copy(src_hbm.at[wid], src_v)
        pltpu.sync_copy(dst_hbm.at[wid], dst_v)
        plsc.subcore_barrier()

        for b in range(NBUF):
            pltpu.async_copy(g_hbm.at[src_v.at[b]], bufs[b], gsems[b])

        def body(i, carry):
            j0 = i * NBUF
            for b in range(NBUF):
                pltpu.make_async_copy(g_hbm.at[src_v.at[j0 + b]],
                                      bufs[b], gsems[b]).wait()
                pltpu.async_copy(bufs[b], acc.at[dst_v.at[j0 + b]],
                                 ssems[b], add=True)
            for b in range(NBUF):
                pltpu.make_async_copy(bufs[b], acc.at[dst_v.at[j0 + b]],
                                      ssems[b]).wait()
                pltpu.async_copy(g_hbm.at[src_v.at[j0 + NBUF + b]],
                                 bufs[b], gsems[b])
            return carry

        lax.fori_loop(0, nblk - 1, body, 0)
        j0 = (nblk - 1) * NBUF
        for b in range(NBUF):
            pltpu.make_async_copy(g_hbm.at[src_v.at[j0 + b]],
                                  bufs[b], gsems[b]).wait()
            pltpu.async_copy(bufs[b], acc.at[dst_v.at[j0 + b]],
                             ssems[b], add=True)
        for b in range(NBUF):
            pltpu.make_async_copy(bufs[b], acc.at[dst_v.at[j0 + b]],
                                  ssems[b]).wait()
        plsc.subcore_barrier()
        pltpu.sync_copy(acc.at[pl.ds(base, RPT)],
                        out_hbm.at[c, pl.ds(base, RPT)])

    return prop



def _lane_mask():
    i = lax.broadcasted_iota(jnp.int32, (1, NPAD), 1)
    return (i < N).astype(jnp.float32)


def _k0_body(deg_ref, x_ref, dinv_ref, g1_ref):
    deg = deg_ref[0] + deg_ref[1] + 1.0
    dinv = lax.rsqrt(deg) * _lane_mask()
    dinv_ref[...] = dinv
    g1_ref[...] = jnp.concatenate(
        [dinv * x_ref[...], jnp.zeros((FP - 1, NPAD), jnp.float32)], axis=0)


_k0 = pl.pallas_call(
    _k0_body,
    out_shape=(jax.ShapeDtypeStruct((1, NPAD), jnp.float32),
               jax.ShapeDtypeStruct((FP, NPAD), jnp.float32)),
)


def _bn_scale(h, use_bn, gm_ref, be_ref, dinv):
    if not use_bn:
        return h
    msk = _lane_mask()
    mu = jnp.sum(h * msk, axis=1, keepdims=True) * (1.0 / N)
    d = (h - mu) * msk
    var = jnp.sum(d * d, axis=1, keepdims=True) * (1.0 / N)
    h = (h - mu) * lax.rsqrt(var + 1e-5) * gm_ref[...] + be_ref[...]
    return h * dinv


def _layer_body(fi, fo, use_bn,
                p_ref, g_ref, dinv_ref, wt_ref, b_ref, gm_ref, be_ref,
                out_ref):
    agg = (p_ref[0, :fi] + p_ref[1, :fi] + g_ref[:fi]) * dinv_ref[...]
    if fi == 1:
        c = wt_ref[...] * agg
    else:
        c = lax.dot_general(wt_ref[...], agg, (((1,), (0,)), ((), ())),
                            preferred_element_type=jnp.float32)
    h = _gelu(c + b_ref[...])
    h = _bn_scale(h, use_bn, gm_ref, be_ref, dinv_ref[...])
    if fo < FP:
        h = jnp.concatenate(
            [h, jnp.zeros((FP - fo, NPAD), jnp.float32)], axis=0)
    out_ref[...] = h


def _make_tc_layer(fi, fo, use_bn):
    return pl.pallas_call(
        functools.partial(_layer_body, fi, fo, use_bn),
        out_shape=jax.ShapeDtypeStruct((max(fo, FP), NPAD), jnp.float32),
    )


def _layer4_body(p_ref, g_ref, dinv_ref, wt_ref, b_ref, out_ref):
    pf = p_ref[...].astype(jnp.float32)
    agg = (pf[0] + pf[1] + g_ref[...]) * dinv_ref[...]
    c = lax.dot_general(wt_ref[...], agg, (((1,), (0,)), ((), ())),
                        preferred_element_type=jnp.float32)
    out_ref[...] = _gelu(c + b_ref[...])


_tc_layer4 = pl.pallas_call(
    _layer4_body,
    out_shape=jax.ShapeDtypeStruct((64, NPAD), jnp.float32),
)

_TC_LAYER = [_make_tc_layer(1, 8, True), _make_tc_layer(8, 16, True),
             _make_tc_layer(16, 32, True)]


def _pool_body(h4_ref, batch_ref, y_ref,
               l1a_ref, l1b_ref, l1bias_ref, l2w_ref, l2b_ref,
               l3w_ref, l3b_ref, l4w_ref, l4b_ref, out_ref):
    gi = lax.broadcasted_iota(jnp.int32, (NG, 1), 0)
    onehot = (batch_ref[...] == gi).astype(jnp.float32)
    pooled = lax.dot_general(onehot, h4_ref[...], (((1,), (1,)), ((), ())),
                             preferred_element_type=jnp.float32)
    cnt = jnp.sum(onehot, axis=1, keepdims=True)
    z = pooled / jnp.maximum(cnt, 1.0)
    mm = lambda a, w: lax.dot_general(a, w, (((1,), (0,)), ((), ())),
                                      preferred_element_type=jnp.float32)
    z = _gelu(mm(z, l1a_ref[...]) + mm(y_ref[...], l1b_ref[...])
              + l1bias_ref[...])
    z = _gelu(mm(z, l2w_ref[...]) + l2b_ref[...])
    z = _gelu(mm(z, l3w_ref[...]) + l3b_ref[...])
    out_ref[...] = jax.nn.sigmoid(mm(z, l4w_ref[...]) + l4b_ref[...])


_pool = pl.pallas_call(
    _pool_body,
    out_shape=jax.ShapeDtypeStruct((NG, 2), jnp.float32),
)



def kernel(x, edge_index, batch, y_extra, W1, b1, W2, b2, W3, b3, W4, b4,
           g1, be1, g2, be2, g3, be3, L1w, L1b, L2w, L2b, L3w, L3b, L4w, L4b):
    def split_edges(v):
        a = v[:E0].reshape(NTILES, NCHT0, CHUNK)
        a = jnp.pad(a, ((0, 0), (0, NCHM - NCHT0), (0, 0)),
                    constant_values=N)
        b = jnp.concatenate([v[E0:], jnp.full((E1 - (E - E0),), N,
                                              jnp.int32)])
        b = b.reshape(NTILES, NCHT1, CHUNK)
        b = jnp.pad(b, ((0, 0), (0, NCHM - NCHT1), (0, 0)),
                    constant_values=N)
        return jnp.concatenate([a, b], axis=0)

    srcp = split_edges(edge_index[0])
    dstp = split_edges(edge_index[1])
    xp = jnp.pad(x[:, 0], (0, NPAD - N)).reshape(1, NPAD)
    batchp = jnp.pad(batch, (0, NPAD - N),
                     constant_values=NG).reshape(1, NPAD)
    zeros1 = jnp.zeros((NPAD,), jnp.float32)
    zeros16 = jnp.zeros((NPAD, FP), jnp.float32)
    prop = _make_sc_prop()

    deg2 = _make_sc_degree()(dstp, zeros1)
    dinv, gcur = _k0(deg2.reshape(2, 1, NPAD), xp)

    specs = [(1, 8, W1, b1, g1, be1), (8, 16, W2, b2, g2, be2),
             (16, 32, W3, b3, g3, be3)]
    for i, (fi, fo, W, b, gm, be) in enumerate(specs):
        p = prop(srcp, dstp, gcur.T, zeros16)
        gcur = _TC_LAYER[i](jnp.transpose(p, (0, 2, 1)), gcur, dinv, W.T,
                            b.reshape(fo, 1), gm.reshape(fo, 1),
                            be.reshape(fo, 1))

    g4bf = gcur.astype(jnp.bfloat16).T
    zeros32 = jnp.zeros((NPAD, 32), jnp.bfloat16)
    p4 = _make_sc_prop(32, jnp.bfloat16)(srcp, dstp, g4bf, zeros32)
    h4 = _tc_layer4(jnp.transpose(p4, (0, 2, 1)), gcur, dinv, W4.T,
                    b4.reshape(64, 1))

    return _pool(h4, batchp, y_extra,
                 L1w[:NG], L1w[NG:], L1b.reshape(1, -1),
                 L2w, L2b.reshape(1, -1),
                 L3w, L3b.reshape(1, -1),
                 L4w, L4b.reshape(1, -1))

# --- scband reference (transcript-rebuilt; emitter-appended) ---
"""Pipeline reference for scband-gcn-82944408420994 (READ-ONLY COPY).

The authoritative reference and input builder live on the scoring server;
editing this copy changes nothing except your own understanding.
"""

import jax, jax.numpy as jnp
import numpy as np

N = 50000
E = 800000
NG = 64
H = 8

def _init(k, fi, fo):
    return jax.random.normal(k, (fi, fo), dtype=jnp.float32) / np.sqrt(fi)

def setup_inputs(seed: int = 0):
    key = jax.random.key(seed)
    ks = jax.random.split(key, 32)
    inp = {}
    inp["x"] = jax.random.normal(ks[0], (N, 1), dtype=jnp.float32)
    inp["edge_index"] = jax.random.randint(ks[1], (2, E), 0, N, dtype=jnp.int32)
    inp["batch"] = jnp.sort(jax.random.randint(ks[2], (N,), 0, NG, dtype=jnp.int32))
    inp["y_extra"] = jax.random.normal(ks[3], (NG, 7), dtype=jnp.float32)
    dims = [1, H, 2 * H, 4 * H, 8 * H]
    for i in range(4):
        inp[f"W{i+1}"] = _init(ks[4 + i], dims[i], dims[i + 1])
        inp[f"b{i+1}"] = jnp.zeros((dims[i + 1],), jnp.float32)
    for i in range(3):
        inp[f"g{i+1}"] = jnp.ones((dims[i + 1],), jnp.float32)
        inp[f"be{i+1}"] = jnp.zeros((dims[i + 1],), jnp.float32)
    ldims = [8 * H + 7, 128, 64, 32, 2]
    for i in range(4):
        inp[f"L{i+1}w"] = _init(ks[10 + i], ldims[i], ldims[i + 1])
        inp[f"L{i+1}b"] = jnp.zeros((ldims[i + 1],), jnp.float32)
    return inp

def reference(x, edge_index, batch, y_extra, W1, b1, W2, b2, W3, b3, W4, b4, g1, be1, g2, be2, g3, be3, L1w, L1b, L2w, L2b, L3w, L3b, L4w, L4b):
    n = x.shape[0]
    loop = jnp.arange(n, dtype=edge_index.dtype)
    src = jnp.concatenate([edge_index[0], loop])
    dst = jnp.concatenate([edge_index[1], loop])
    deg = jnp.zeros((n,), jnp.float32).at[dst].add(1.0)
    dinv = jnp.where(deg > 0, deg ** -0.5, 0.0)
    norm = dinv[src] * dinv[dst]

    def conv(h, W, b):
        hw = h @ W
        msg = hw[src] * norm[:, None]
        return jnp.zeros((n, W.shape[1]), jnp.float32).at[dst].add(msg) + b

    def bn(h, g, be):
        mu = h.mean(0)
        var = h.var(0)
        return (h - mu) / jnp.sqrt(var + 1e-5) * g + be

    gelu = lambda t: jax.nn.gelu(t, approximate=False)
    h = gelu(conv(x, W1, b1)); h = bn(h, g1, be1)
    h = gelu(conv(h, W2, b2)); h = bn(h, g2, be2)
    h = gelu(conv(h, W3, b3)); h = bn(h, g3, be3)
    h = gelu(conv(h, W4, b4))
    ng = y_extra.shape[0]
    sums = jax.ops.segment_sum(h, batch, num_segments=ng)
    cnt = jax.ops.segment_sum(jnp.ones((n,), jnp.float32), batch, num_segments=ng)
    pooled = sums / jnp.clip(cnt, 1.0)[:, None]
    z = jnp.concatenate([pooled, y_extra], axis=1)
    z = gelu(z @ L1w + L1b)
    z = gelu(z @ L2w + L2b)
    z = gelu(z @ L3w + L3b)
    z = jax.nn.sigmoid(z @ L4w + L4b)
    return z

if __name__ == "__main__":
    import jax
    _d = setup_inputs()
    print(jax.jit(kernel)(*tuple(_d.values())))

</pallas_src>

<mosaic_0001>
#map = affine_map<(d0, d1) -> (0, 0, 0)>
#map1 = affine_map<(d0, d1) -> (0, 0)>
module attributes {stable_mosaic.version = 14 : i64} {
  func.func @prop(%arg0: i32, %arg1: i32, %arg2: memref<32x232x128xi32, #tpu.memory_space<hbm>>, %arg3: memref<32x232x128xi32, #tpu.memory_space<hbm>>, %arg4: memref<50048x16xf32, #tpu.memory_space<hbm>>, %arg5: memref<50048x16xf32, #tpu.memory_space<hbm>>, %arg6: memref<2x50048x16xf32, #tpu.memory_space<hbm>>, %arg7: memref<232x128xi32, #tpu.memory_space<vmem>>, %arg8: memref<232x128xi32, #tpu.memory_space<vmem>>, %arg9: memref<50048x16xf32, #tpu.memory_space<vmem_shared>>, %arg10: memref<128x16xf32, #tpu.memory_space<vmem>>, %arg11: memref<128x16xf32, #tpu.memory_space<vmem>>, %arg12: memref<128x16xf32, #tpu.memory_space<vmem>>, %arg13: memref<128x16xf32, #tpu.memory_space<vmem>>, %arg14: memref<!tpu.dma_semaphore, #tpu.memory_space<semaphore_mem>>, %arg15: memref<!tpu.dma_semaphore, #tpu.memory_space<semaphore_mem>>, %arg16: memref<!tpu.dma_semaphore, #tpu.memory_space<semaphore_mem>>, %arg17: memref<!tpu.dma_semaphore, #tpu.memory_space<semaphore_mem>>, %arg18: memref<!tpu.dma_semaphore, #tpu.memory_space<semaphore_mem>>, %arg19: memref<!tpu.dma_semaphore, #tpu.memory_space<semaphore_mem>>, %arg20: memref<!tpu.dma_semaphore, #tpu.memory_space<semaphore_mem>>, %arg21: memref<!tpu.dma_semaphore, #tpu.memory_space<semaphore_mem>>) attributes {dimension_semantics = [#tpu.dimension_semantics<core_parallel>, #tpu.dimension_semantics<subcore_parallel>], iteration_bounds = array<i64: 2, 16>, scalar_prefetch = 0 : i64, scratch_operands = 15 : i64, tpu.core_type = #tpu.core_type<sc_vector_subcore>, window_params = [{transform_indices = #map}, {transform_indices = #map}, {transform_indices = #map1}, {transform_indices = #map1}, {transform_indices = #map}]} {
    %mul3A = arith.constant 16 : i32
    %mul3A_0 = arith.muli %arg0, %mul3A : i32
    %add3A = arith.addi %mul3A_0, %arg1 : i32
    %mul3A_1 = arith.constant 3128 : i32
    %mul3A_2 = arith.muli %arg1, %mul3A_1 : i32
    %eq3A = arith.constant 0 : i32
    %eq3A_3 = arith.cmpi eq, %arg0, %eq3A : i32
    %jit3A = arith.constant 40 : i32
    %jit3A_4 = arith.constant 58 : i32
    %select_n3A = arith.select %eq3A_3, %jit3A, %jit3A_4 : i32
    "tpu.region"() ({
      %run_scoped3A = tpu.sem_alloc : memref<!tpu.dma_semaphore, #tpu.memory_space<semaphore_mem>>
      %dma_start3A_142 = arith.constant 0 : i32
      %dma_start3A_143 = tpu.memref_slice %arg9[%mul3A_2, %dma_start3A_142] : memref<50048x16xf32, #tpu.memory_space<vmem_shared>> -> memref<3128x16xf32, #tpu.memory_space<vmem_shared>>
      %dma_start3A_144 = arith.constant 0 : i32
      %dma_start3A_145 = tpu.memref_slice %arg5[%mul3A_2, %dma_start3A_144] : memref<50048x16xf32, #tpu.memory_space<hbm>> -> memref<3128x16xf32, #tpu.memory_space<hbm>>
      tpu.enqueue_dma source(%dma_start3A_145 : memref<3128x16xf32, #tpu.memory_space<hbm>>) target(%dma_start3A_143 : memref<3128x16xf32, #tpu.memory_space<vmem_shared>>) target_semaphore(%run_scoped3A : memref<!tpu.dma_semaphore, #tpu.memory_space<semaphore_mem>>)
      %dma_wait3A_146 = arith.constant 0 : i32
      %dma_wait3A_147 = tpu.memref_slice %arg9[%mul3A_2, %dma_wait3A_146] : memref<50048x16xf32, #tpu.memory_space<vmem_shared>> -> memref<3128x16xf32, #tpu.memory_space<vmem_shared>>
      %dma_wait3A_148 = arith.constant 0 : i32
      %dma_wait3A_149 = tpu.memref_slice %arg5[%mul3A_2, %dma_wait3A_148] : memref<50048x16xf32, #tpu.memory_space<hbm>> -> memref<3128x16xf32, #tpu.memory_space<hbm>>
      tpu.wait_dma2 semaphore(%run_scoped3A : memref<!tpu.dma_semaphore, #tpu.memory_space<semaphore_mem>>) src(%dma_wait3A_149 : memref<3128x16xf32, #tpu.memory_space<hbm>>) dst(%dma_wait3A_147 : memref<3128x16xf32, #tpu.memory_space<vmem_shared>>)
      tpu.yield
    }) : () -> ()
    "tpu.region"() ({
      %run_scoped3A = tpu.sem_alloc : memref<!tpu.dma_semaphore, #tpu.memory_space<semaphore_mem>>
      %dma_start3A_142 = arith.constant 0 : i32
      %dma_start3A_143 = arith.constant 0 : i32
      %dma_start3A_144 = tpu.memref_slice %arg2[%add3A, %dma_start3A_142, %dma_start3A_143] : memref<32x232x128xi32, #tpu.memory_space<hbm>> -> memref<1x232x128xi32, #tpu.memory_space<hbm>>
      %dma_start3A_145 = tpu.memref_squeeze %dma_start3A_144 : memref<1x232x128xi32, #tpu.memory_space<hbm>> -> memref<232x128xi32, #tpu.memory_space<hbm>>
      %dma_start3A_146 = arith.constant 0 : i32
      %dma_start3A_147 = arith.constant 0 : i32
      %dma_start3A_148 = tpu.memref_slice %arg2[%add3A, %dma_start3A_146, %dma_start3A_147] : memref<32x232x128xi32, #tpu.memory_space<hbm>> -> memref<1x232x128xi32, #tpu.memory_space<hbm>>
      %dma_start3A_149 = tpu.memref_squeeze %dma_start3A_148 : memref<1x232x128xi32, #tpu.memory_space<hbm>> -> memref<232x128xi32, #tpu.memory_space<hbm>>
      tpu.enqueue_dma source(%dma_start3A_149 : memref<232x128xi32, #tpu.memory_space<hbm>>) target(%arg7 : memref<232x128xi32, #tpu.memory_space<vmem>>) target_semaphore(%run_scoped3A : memref<!tpu.dma_semaphore, #tpu.memory_space<semaphore_mem>>)
      %dma_wait3A_150 = arith.constant 0 : i32
      %dma_wait3A_151 = arith.constant 0 : i32
      %dma_wait3A_152 = tpu.memref_slice %arg2[%add3A, %dma_wait3A_150, %dma_wait3A_151] : memref<32x232x128xi32, #tpu.memory_space<hbm>> -> memref<1x232x128xi32, #tpu.memory_space<hbm>>
      %dma_wait3A_153 = tpu.memref_squeeze %dma_wait3A_152 : memref<1x232x128xi32, #tpu.memory_space<hbm>> -> memref<232x128xi32, #tpu.memory_space<hbm>>
      %dma_wait3A_154 = arith.constant 0 : i32
      %dma_wait3A_155 = arith.constant 0 : i32
      %dma_wait3A_156 = tpu.memref_slice %arg2[%add3A, %dma_wait3A_154, %dma_wait3A_155] : memref<32x232x128xi32, #tpu.memory_space<hbm>> -> memref<1x232x128xi32, #tpu.memory_space<hbm>>
      %dma_wait3A_157 = tpu.memref_squeeze %dma_wait3A_156 : memref<1x232x128xi32, #tpu.memory_space<hbm>> -> memref<232x128xi32, #tpu.memory_space<hbm>>
      tpu.wait_dma2 semaphore(%run_scoped3A : memref<!tpu.dma_semaphore, #tpu.memory_space<semaphore_mem>>) src(%dma_wait3A_157 : memref<232x128xi32, #tpu.memory_space<hbm>>) dst(%arg7 : memref<232x128xi32, #tpu.memory_space<vmem>>)
      tpu.yield
    }) : () -> ()
    "tpu.region"() ({
      %run_scoped3A = tpu.sem_alloc : memref<!tpu.dma_semaphore, #tpu.memory_space<semaphore_mem>>
      %dma_start3A_142 = arith.constant 0 : i32
      %dma_start3A_143 = arith.constant 0 : i32
      %dma_start3A_144 = tpu.memref_slice %arg3[%add3A, %dma_start3A_142, %dma_start3A_143] : memref<32x232x128xi32, #tpu.memory_space<hbm>> -> memref<1x232x128xi32, #tpu.memory_space<hbm>>
      %dma_start3A_145 = tpu.memref_squeeze %dma_start3A_144 : memref<1x232x128xi32, #tpu.memory_space<hbm>> -> memref<232x128xi32, #tpu.memory_space<hbm>>
      %dma_start3A_146 = arith.constant 0 : i32
      %dma_start3A_147 = arith.constant 0 : i32
      %dma_start3A_148 = tpu.memref_slice %arg3[%add3A, %dma_start3A_146, %dma_start3A_147] : memref<32x232x128xi32, #tpu.memory_space<hbm>> -> memref<1x232x128xi32, #tpu.memory_space<hbm>>
      %dma_start3A_149 = tpu.memref_squeeze %dma_start3A_148 : memref<1x232x128xi32, #tpu.memory_space<hbm>> -> memref<232x128xi32, #tpu.memory_space<hbm>>
      tpu.enqueue_dma source(%dma_start3A_149 : memref<232x128xi32, #tpu.memory_space<hbm>>) target(%arg8 : memref<232x128xi32, #tpu.memory_space<vmem>>) target_semaphore(%run_scoped3A : memref<!tpu.dma_semaphore, #tpu.memory_space<semaphore_mem>>)
      %dma_wait3A_150 = arith.constant 0 : i32
      %dma_wait3A_151 = arith.constant 0 : i32
      %dma_wait3A_152 = tpu.memref_slice %arg3[%add3A, %dma_wait3A_150, %dma_wait3A_151] : memref<32x232x128xi32, #tpu.memory_space<hbm>> -> memref<1x232x128xi32, #tpu.memory_space<hbm>>
      %dma_wait3A_153 = tpu.memref_squeeze %dma_wait3A_152 : memref<1x232x128xi32, #tpu.memory_space<hbm>> -> memref<232x128xi32, #tpu.memory_space<hbm>>
      %dma_wait3A_154 = arith.constant 0 : i32
      %dma_wait3A_155 = arith.constant 0 : i32
      %dma_wait3A_156 = tpu.memref_slice %arg3[%add3A, %dma_wait3A_154, %dma_wait3A_155] : memref<32x232x128xi32, #tpu.memory_space<hbm>> -> memref<1x232x128xi32, #tpu.memory_space<hbm>>
      %dma_wait3A_157 = tpu.memref_squeeze %dma_wait3A_156 : memref<1x232x128xi32, #tpu.memory_space<hbm>> -> memref<232x128xi32, #tpu.memory_space<hbm>>
      tpu.wait_dma2 semaphore(%run_scoped3A : memref<!tpu.dma_semaphore, #tpu.memory_space<semaphore_mem>>) src(%dma_wait3A_157 : memref<232x128xi32, #tpu.memory_space<hbm>>) dst(%arg8 : memref<232x128xi32, #tpu.memory_space<vmem>>)
      tpu.yield
    }) : () -> ()
    %barrier3A = arith.constant 0 : index
    tpu.barrier barrier_id(%barrier3A)
    %dma_start3A = arith.constant 0 : i32
    %dma_start3A_5 = arith.constant 0 : i32
    %dma_start3A_6 = tpu.memref_slice %arg7[%dma_start3A, %dma_start3A_5] : memref<232x128xi32, #tpu.memory_space<vmem>> -> memref<1x128xi32, #tpu.memory_space<vmem>>
    %dma_start3A_7 = tpu.memref_squeeze %dma_start3A_6 : memref<1x128xi32, #tpu.memory_space<vmem>> -> memref<128xi32, #tpu.memory_space<vmem>>
    %dma_start3A_8 = arith.constant 0 : i32
    %dma_start3A_9 = arith.constant 0 : i32
    %dma_start3A_10 = tpu.memref_slice %arg4[%dma_start3A_8, %dma_start3A_9] : memref<50048x16xf32, #tpu.memory_space<hbm>> -> memref<50048x16xf32, #tpu.memory_space<hbm>>
    tpu.enqueue_indirect_dma source(%dma_start3A_10 : memref<50048x16xf32, #tpu.memory_space<hbm>>) target(%arg10 : memref<128x16xf32, #tpu.memory_space<vmem>>) offsets(%dma_start3A_7 : memref<128xi32, #tpu.memory_space<vmem>>) semaphore(%arg14 : memref<!tpu.dma_semaphore, #tpu.memory_space<semaphore_mem>>)
    %dma_start3A_11 = arith.constant 1 : i32
    %dma_start3A_12 = arith.constant 0 : i32
    %dma_start3A_13 = tpu.memref_slice %arg7[%dma_start3A_11, %dma_start3A_12] : memref<232x128xi32, #tpu.memory_space<vmem>> -> memref<1x128xi32, #tpu.memory_space<vmem>>
    %dma_start3A_14 = tpu.memref_squeeze %dma_start3A_13 : memref<1x128xi32, #tpu.memory_space<vmem>> -> memref<128xi32, #tpu.memory_space<vmem>>
    %dma_start3A_15 = arith.constant 0 : i32
    %dma_start3A_16 = arith.constant 0 : i32
    %dma_start3A_17 = tpu.memref_slice %arg4[%dma_start3A_15, %dma_start3A_16] : memref<50048x16xf32, #tpu.memory_space<hbm>> -> memref<50048x16xf32, #tpu.memory_space<hbm>>
    tpu.enqueue_indirect_dma source(%dma_start3A_17 : memref<50048x16xf32, #tpu.memory_space<hbm>>) target(%arg11 : memref<128x16xf32, #tpu.memory_space<vmem>>) offsets(%dma_start3A_14 : memref<128xi32, #tpu.memory_space<vmem>>) semaphore(%arg15 : memref<!tpu.dma_semaphore, #tpu.memory_space<semaphore_mem>>)
    %dma_start3A_18 = arith.constant 2 : i32
    %dma_start3A_19 = arith.constant 0 : i32
    %dma_start3A_20 = tpu.memref_slice %arg7[%dma_start3A_18, %dma_start3A_19] : memref<232x128xi32, #tpu.memory_space<vmem>> -> memref<1x128xi32, #tpu.memory_space<vmem>>
    %dma_start3A_21 = tpu.memref_squeeze %dma_start3A_20 : memref<1x128xi32, #tpu.memory_space<vmem>> -> memref<128xi32, #tpu.memory_space<vmem>>
    %dma_start3A_22 = arith.constant 0 : i32
    %dma_start3A_23 = arith.constant 0 : i32
    %dma_start3A_24 = tpu.memref_slice %arg4[%dma_start3A_22, %dma_start3A_23] : memref<50048x16xf32, #tpu.memory_space<hbm>> -> memref<50048x16xf32, #tpu.memory_space<hbm>>
    tpu.enqueue_indirect_dma source(%dma_start3A_24 : memref<50048x16xf32, #tpu.memory_space<hbm>>) target(%arg12 : memref<128x16xf32, #tpu.memory_space<vmem>>) offsets(%dma_start3A_21 : memref<128xi32, #tpu.memory_space<vmem>>) semaphore(%arg16 : memref<!tpu.dma_semaphore, #tpu.memory_space<semaphore_mem>>)
    %dma_start3A_25 = arith.constant 3 : i32
    %dma_start3A_26 = arith.constant 0 : i32
    %dma_start3A_27 = tpu.memref_slice %arg7[%dma_start3A_25, %dma_start3A_26] : memref<232x128xi32, #tpu.memory_space<vmem>> -> memref<1x128xi32, #tpu.memory_space<vmem>>
    %dma_start3A_28 = tpu.memref_squeeze %dma_start3A_27 : memref<1x128xi32, #tpu.memory_space<vmem>> -> memref<128xi32, #tpu.memory_space<vmem>>
    %dma_start3A_29 = arith.constant 0 : i32
    %dma_start3A_30 = arith.constant 0 : i32
    %dma_start3A_31 = tpu.memref_slice %arg4[%dma_start3A_29, %dma_start3A_30] : memref<50048x16xf32, #tpu.memory_space<hbm>> -> memref<50048x16xf32, #tpu.memory_space<hbm>>
    tpu.enqueue_indirect_dma source(%dma_start3A_31 : memref<50048x16xf32, #tpu.memory_space<hbm>>) target(%arg13 : memref<128x16xf32, #tpu.memory_space<vmem>>) offsets(%dma_start3A_28 : memref<128xi32, #tpu.memory_space<vmem>>) semaphore(%arg17 : memref<!tpu.dma_semaphore, #tpu.memory_space<semaphore_mem>>)
    %sub3A = arith.constant 1 : i32
    %sub3A_32 = arith.subi %select_n3A, %sub3A : i32
    %while3A = arith.constant 0 : i32
    %while3A_33 = arith.constant 0 : i32
    %while3A_34 = arith.subi %sub3A_32, %while3A_33 : i32
    %while3A_35 = arith.addi %while3A_33, %while3A_34 : i32
    %while3A_36 = arith.constant 1 : i32
    %while3A_37 = arith.divsi %while3A_34, %while3A_36 : i32
    %while3A_38 = arith.muli %while3A_37, %while3A_36 : i32
    %while3A_39 = arith.addi %while3A_33, %while3A_38 : i32
    %while3A_40 = arith.constant 1 : i32
    scf.for %while3A_142 = %while3A_33 to %while3A_39 step %while3A_40  : i32 {
      %mul3A_143 = arith.constant 4 : i32
      %mul3A_144 = arith.muli %while3A_142, %mul3A_143 : i32
      %add3A_145 = arith.constant 0 : i32
      %add3A_146 = arith.addi %mul3A_144, %add3A_145 : i32
      %dma_wait3A_147 = arith.constant 0 : i32
      %dma_wait3A_148 = tpu.memref_slice %arg7[%add3A_146, %dma_wait3A_147] : memref<232x128xi32, #tpu.memory_space<vmem>> -> memref<1x128xi32, #tpu.memory_space<vmem>>
      %dma_wait3A_149 = tpu.memref_squeeze %dma_wait3A_148 : memref<1x128xi32, #tpu.memory_space<vmem>> -> memref<128xi32, #tpu.memory_space<vmem>>
      %dma_wait3A_150 = arith.constant 0 : i32
      %dma_wait3A_151 = arith.constant 0 : i32
      %dma_wait3A_152 = tpu.memref_slice %arg4[%dma_wait3A_150, %dma_wait3A_151] : memref<50048x16xf32, #tpu.memory_space<hbm>> -> memref<50048x16xf32, #tpu.memory_space<hbm>>
      tpu.wait_indirect_dma semaphore(%arg14 : memref<!tpu.dma_semaphore, #tpu.memory_space<semaphore_mem>>) src(%dma_wait3A_152 : memref<50048x16xf32, #tpu.memory_space<hbm>>) dst(%arg10 : memref<128x16xf32, #tpu.memory_space<vmem>>)
      %add3A_153 = arith.constant 0 : i32
      %add3A_154 = arith.addi %mul3A_144, %add3A_153 : i32
      %dma_start3A_155 = arith.constant 0 : i32
      %dma_start3A_156 = tpu.memref_slice %arg8[%add3A_154, %dma_start3A_155] : memref<232x128xi32, #tpu.memory_space<vmem>> -> memref<1x128xi32, #tpu.memory_space<vmem>>
      %dma_start3A_157 = tpu.memref_squeeze %dma_start3A_156 : memref<1x128xi32, #tpu.memory_space<vmem>> -> memref<128xi32, #tpu.memory_space<vmem>>
      %dma_start3A_158 = arith.constant 0 : i32
      %dma_start3A_159 = arith.constant 0 : i32
      %dma_start3A_160 = tpu.memref_slice %arg9[%dma_start3A_158, %dma_start3A_159] : memref<50048x16xf32, #tpu.memory_space<vmem_shared>> -> memref<50048x16xf32, #tpu.memory_space<vmem_shared>>
      tpu.enqueue_indirect_dma source(%arg10 : memref<128x16xf32, #tpu.memory_space<vmem>>) target(%dma_start3A_160 : memref<50048x16xf32, #tpu.memory_space<vmem_shared>>) offsets(%dma_start3A_157 : memref<128xi32, #tpu.memory_space<vmem>>) semaphore(%arg18 : memref<!tpu.dma_semaphore, #tpu.memory_space<semaphore_mem>>) {add = true}
      %add3A_161 = arith.constant 1 : i32
      %add3A_162 = arith.addi %mul3A_144, %add3A_161 : i32
      %dma_wait3A_163 = arith.constant 0 : i32
      %dma_wait3A_164 = tpu.memref_slice %arg7[%add3A_162, %dma_wait3A_163] : memref<232x128xi32, #tpu.memory_space<vmem>> -> memref<1x128xi32, #tpu.memory_space<vmem>>
      %dma_wait3A_165 = tpu.memref_squeeze %dma_wait3A_164 : memref<1x128xi32, #tpu.memory_space<vmem>> -> memref<128xi32, #tpu.memory_space<vmem>>
      %dma_wait3A_166 = arith.constant 0 : i32
      %dma_wait3A_167 = arith.constant 0 : i32
      %dma_wait3A_168 = tpu.memref_slice %arg4[%dma_wait3A_166, %dma_wait3A_167] : memref<50048x16xf32, #tpu.memory_space<hbm>> -> memref<50048x16xf32, #tpu.memory_space<hbm>>
      tpu.wait_indirect_dma semaphore(%arg15 : memref<!tpu.dma_semaphore, #tpu.memory_space<semaphore_mem>>) src(%dma_wait3A_168 : memref<50048x16xf32, #tpu.memory_space<hbm>>) dst(%arg11 : memref<128x16xf32, #tpu.memory_space<vmem>>)
      %add3A_169 = arith.constant 1 : i32
      %add3A_170 = arith.addi %mul3A_144, %add3A_169 : i32
      %dma_start3A_171 = arith.constant 0 : i32
      %dma_start3A_172 = tpu.memref_slice %arg8[%add3A_170, %dma_start3A_171] : memref<232x128xi32, #tpu.memory_space<vmem>> -> memref<1x128xi32, #tpu.memory_space<vmem>>
      %dma_start3A_173 = tpu.memref_squeeze %dma_start3A_172 : memref<1x128xi32, #tpu.memory_space<vmem>> -> memref<128xi32, #tpu.memory_space<vmem>>
      %dma_start3A_174 = arith.constant 0 : i32
      %dma_start3A_175 = arith.constant 0 : i32
      %dma_start3A_176 = tpu.memref_slice %arg9[%dma_start3A_174, %dma_start3A_175] : memref<50048x16xf32, #tpu.memory_space<vmem_shared>> -> memref<50048x16xf32, #tpu.memory_space<vmem_shared>>
      tpu.enqueue_indirect_dma source(%arg11 : memref<128x16xf32, #tpu.memory_space<vmem>>) target(%dma_start3A_176 : memref<50048x16xf32, #tpu.memory_space<vmem_shared>>) offsets(%dma_start3A_173 : memref<128xi32, #tpu.memory_space<vmem>>) semaphore(%arg19 : memref<!tpu.dma_semaphore, #tpu.memory_space<semaphore_mem>>) {add = true}
      %add3A_177 = arith.constant 2 : i32
      %add3A_178 = arith.addi %mul3A_144, %add3A_177 : i32
      %dma_wait3A_179 = arith.constant 0 : i32
      %dma_wait3A_180 = tpu.memref_slice %arg7[%add3A_178, %dma_wait3A_179] : memref<232x128xi32, #tpu.memory_space<vmem>> -> memref<1x128xi32, #tpu.memory_space<vmem>>
      %dma_wait3A_181 = tpu.memref_squeeze %dma_wait3A_180 : memref<1x128xi32, #tpu.memory_space<vmem>> -> memref<128xi32, #tpu.memory_space<vmem>>
      %dma_wait3A_182 = arith.constant 0 : i32
      %dma_wait3A_183 = arith.constant 0 : i32
      %dma_wait3A_184 = tpu.memref_slice %arg4[%dma_wait3A_182, %dma_wait3A_183] : memref<50048x16xf32, #tpu.memory_space<hbm>> -> memref<50048x16xf32, #tpu.memory_space<hbm>>
      tpu.wait_indirect_dma semaphore(%arg16 : memref<!tpu.dma_semaphore, #tpu.memory_space<semaphore_mem>>) src(%dma_wait3A_184 : memref<50048x16xf32, #tpu.memory_space<hbm>>) dst(%arg12 : memref<128x16xf32, #tpu.memory_space<vmem>>)
      %add3A_185 = arith.constant 2 : i32
      %add3A_186 = arith.addi %mul3A_144, %add3A_185 : i32
      %dma_start3A_187 = arith.constant 0 : i32
      %dma_start3A_188 = tpu.memref_slice %arg8[%add3A_186, %dma_start3A_187] : memref<232x128xi32, #tpu.memory_space<vmem>> -> memref<1x128xi32, #tpu.memory_space<vmem>>
      %dma_start3A_189 = tpu.memref_squeeze %dma_start3A_188 : memref<1x128xi32, #tpu.memory_space<vmem>> -> memref<128xi32, #tpu.memory_space<vmem>>
      %dma_start3A_190 = arith.constant 0 : i32
      %dma_start3A_191 = arith.constant 0 : i32
      %dma_start3A_192 = tpu.memref_slice %arg9[%dma_start3A_190, %dma_start3A_191] : memref<50048x16xf32, #tpu.memory_space<vmem_shared>> -> memref<50048x16xf32, #tpu.memory_space<vmem_shared>>
      tpu.enqueue_indirect_dma source(%arg12 : memref<128x16xf32, #tpu.memory_space<vmem>>) target(%dma_start3A_192 : memref<50048x16xf32, #tpu.memory_space<vmem_shared>>) offsets(%dma_start3A_189 : memref<128xi32, #tpu.memory_space<vmem>>) semaphore(%arg20 : memref<!tpu.dma_semaphore, #tpu.memory_space<semaphore_mem>>) {add = true}
      %add3A_193 = arith.constant 3 : i32
      %add3A_194 = arith.addi %mul3A_144, %add3A_193 : i32
      %dma_wait3A_195 = arith.constant 0 : i32
      %dma_wait3A_196 = tpu.memref_slice %arg7[%add3A_194, %dma_wait3A_195] : memref<232x128xi32, #tpu.memory_space<vmem>> -> memref<1x128xi32, #tpu.memory_space<vmem>>
      %dma_wait3A_197 = tpu.memref_squeeze %dma_wait3A_196 : memref<1x128xi32, #tpu.memory_space<vmem>> -> memref<128xi32, #tpu.memory_space<vmem>>
      %dma_wait3A_198 = arith.constant 0 : i32
      %dma_wait3A_199 = arith.constant 0 : i32
      %dma_wait3A_200 = tpu.memref_slice %arg4[%dma_wait3A_198, %dma_wait3A_199] : memref<50048x16xf32, #tpu.memory_space<hbm>> -> memref<50048x16xf32, #tpu.memory_space<hbm>>
      tpu.wait_indirect_dma semaphore(%arg17 : memref<!tpu.dma_semaphore, #tpu.memory_space<semaphore_mem>>) src(%dma_wait3A_200 : memref<50048x16xf32, #tpu.memory_space<hbm>>) dst(%arg13 : memref<128x16xf32, #tpu.memory_space<vmem>>)
      %add3A_201 = arith.constant 3 : i32
      %add3A_202 = arith.addi %mul3A_144, %add3A_201 : i32
      %dma_start3A_203 = arith.constant 0 : i32
      %dma_start3A_204 = tpu.memref_slice %arg8[%add3A_202, %dma_start3A_203] : memref<232x128xi32, #tpu.memory_space<vmem>> -> memref<1x128xi32, #tpu.memory_space<vmem>>
      %dma_start3A_205 = tpu.memref_squeeze %dma_start3A_204 : memref<1x128xi32, #tpu.memory_space<vmem>> -> memref<128xi32, #tpu.memory_space<vmem>>
      %dma_start3A_206 = arith.constant 0 : i32
      %dma_start3A_207 = arith.constant 0 : i32
      %dma_start3A_208 = tpu.memref_slice %arg9[%dma_start3A_206, %dma_start3A_207] : memref<50048x16xf32, #tpu.memory_space<vmem_shared>> -> memref<50048x16xf32, #tpu.memory_space<vmem_shared>>
      tpu.enqueue_indirect_dma source(%arg13 : memref<128x16xf32, #tpu.memory_space<vmem>>) target(%dma_start3A_208 : memref<50048x16xf32, #tpu.memory_space<vmem_shared>>) offsets(%dma_start3A_205 : memref<128xi32, #tpu.memory_space<vmem>>) semaphore(%arg21 : memref<!tpu.dma_semaphore, #tpu.memory_space<semaphore_mem>>) {add = true}
      %add3A_209 = arith.constant 0 : i32
      %add3A_210 = arith.addi %mul3A_144, %add3A_209 : i32
      %dma_wait3A_211 = arith.constant 0 : i32
      %dma_wait3A_212 = tpu.memref_slice %arg8[%add3A_210, %dma_wait3A_211] : memref<232x128xi32, #tpu.memory_space<vmem>> -> memref<1x128xi32, #tpu.memory_space<vmem>>
      %dma_wait3A_213 = tpu.memref_squeeze %dma_wait3A_212 : memref<1x128xi32, #tpu.memory_space<vmem>> -> memref<128xi32, #tpu.memory_space<vmem>>
      %dma_wait3A_214 = arith.constant 0 : i32
      %dma_wait3A_215 = arith.constant 0 : i32
      %dma_wait3A_216 = tpu.memref_slice %arg9[%dma_wait3A_214, %dma_wait3A_215] : memref<50048x16xf32, #tpu.memory_space<vmem_shared>> -> memref<50048x16xf32, #tpu.memory_space<vmem_shared>>
      tpu.wait_indirect_dma semaphore(%arg18 : memref<!tpu.dma_semaphore, #tpu.memory_space<semaphore_mem>>) src(%arg10 : memref<128x16xf32, #tpu.memory_space<vmem>>) dst(%dma_wait3A_216 : memref<50048x16xf32, #tpu.memory_space<vmem_shared>>)
      %add3A_217 = arith.constant 4 : i32
      %add3A_218 = arith.addi %mul3A_144, %add3A_217 : i32
      %add3A_219 = arith.constant 0 : i32
      %add3A_220 = arith.addi %add3A_218, %add3A_219 : i32
      %dma_start3A_221 = arith.constant 0 : i32
      %dma_start3A_222 = tpu.memref_slice %arg7[%add3A_220, %dma_start3A_221] : memref<232x128xi32, #tpu.memory_space<vmem>> -> memref<1x128xi32, #tpu.memory_space<vmem>>
      %dma_start3A_223 = tpu.memref_squeeze %dma_start3A_222 : memref<1x128xi32, #tpu.memory_space<vmem>> -> memref<128xi32, #tpu.memory_space<vmem>>
      %dma_start3A_224 = arith.constant 0 : i32
      %dma_start3A_225 = arith.constant 0 : i32
      %dma_start3A_226 = tpu.memref_slice %arg4[%dma_start3A_224, %dma_start3A_225] : memref<50048x16xf32, #tpu.memory_space<hbm>> -> memref<50048x16xf32, #tpu.memory_space<hbm>>
      tpu.enqueue_indirect_dma source(%dma_start3A_226 : memref<50048x16xf32, #tpu.memory_space<hbm>>) target(%arg10 : memref<128x16xf32, #tpu.memory_space<vmem>>) offsets(%dma_start3A_223 : memref<128xi32, #tpu.memory_space<vmem>>) semaphore(%arg14 : memref<!tpu.dma_semaphore, #tpu.memory_space<semaphore_mem>>)
      %add3A_227 = arith.constant 1 : i32
      %add3A_228 = arith.addi %mul3A_144, %add3A_227 : i32
      %dma_wait3A_229 = arith.constant 0 : i32
      %dma_wait3A_230 = tpu.memref_slice %arg8[%add3A_228, %dma_wait3A_229] : memref<232x128xi32, #tpu.memory_space<vmem>> -> memref<1x128xi32, #tpu.memory_space<vmem>>
      %dma_wait3A_231 = tpu.memref_squeeze %dma_wait3A_230 : memref<1x128xi32, #tpu.memory_space<vmem>> -> memref<128xi32, #tpu.memory_space<vmem>>
      %dma_wait3A_232 = arith.constant 0 : i32
      %dma_wait3A_233 = arith.constant 0 : i32
      %dma_wait3A_234 = tpu.memref_slice %arg9[%dma_wait3A_232, %dma_wait3A_233] : memref<50048x16xf32, #tpu.memory_space<vmem_shared>> -> memref<50048x16xf32, #tpu.memory_space<vmem_shared>>
      tpu.wait_indirect_dma semaphore(%arg19 : memref<!tpu.dma_semaphore, #tpu.memory_space<semaphore_mem>>) src(%arg11 : memref<128x16xf32, #tpu.memory_space<vmem>>) dst(%dma_wait3A_234 : memref<50048x16xf32, #tpu.memory_space<vmem_shared>>)
      %add3A_235 = arith.constant 4 : i32
      %add3A_236 = arith.addi %mul3A_144, %add3A_235 : i32
      %add3A_237 = arith.constant 1 : i32
      %add3A_238 = arith.addi %add3A_236, %add3A_237 : i32
      %dma_start3A_239 = arith.constant 0 : i32
      %dma_start3A_240 = tpu.memref_slice %arg7[%add3A_238, %dma_start3A_239] : memref<232x128xi32, #tpu.memory_space<vmem>> -> memref<1x128xi32, #tpu.memory_space<vmem>>
      %dma_start3A_241 = tpu.memref_squeeze %dma_start3A_240 : memref<1x128xi32, #tpu.memory_space<vmem>> -> memref<128xi32, #tpu.memory_space<vmem>>
      %dma_start3A_242 = arith.constant 0 : i32
      %dma_start3A_243 = arith.constant 0 : i32
      %dma_start3A_244 = tpu.memref_slice %arg4[%dma_start3A_242, %dma_start3A_243] : memref<50048x16xf32, #tpu.memory_space<hbm>> -> memref<50048x16xf32, #tpu.memory_space<hbm>>
      tpu.enqueue_indirect_dma source(%dma_start3A_244 : memref<50048x16xf32, #tpu.memory_space<hbm>>) target(%arg11 : memref<128x16xf32, #tpu.memory_space<vmem>>) offsets(%dma_start3A_241 : memref<128xi32, #tpu.memory_space<vmem>>) semaphore(%arg15 : memref<!tpu.dma_semaphore, #tpu.memory_space<semaphore_mem>>)
      %add3A_245 = arith.constant 2 : i32
      %add3A_246 = arith.addi %mul3A_144, %add3A_245 : i32
      %dma_wait3A_247 = arith.constant 0 : i32
      %dma_wait3A_248 = tpu.memref_slice %arg8[%add3A_246, %dma_wait3A_247] : memref<232x128xi32, #tpu.memory_space<vmem>> -> memref<1x128xi32, #tpu.memory_space<vmem>>
      %dma_wait3A_249 = tpu.memref_squeeze %dma_wait3A_248 : memref<1x128xi32, #tpu.memory_space<vmem>> -> memref<128xi32, #tpu.memory_space<vmem>>
      %dma_wait3A_250 = arith.constant 0 : i32
      %dma_wait3A_251 = arith.constant 0 : i32
      %dma_wait3A_252 = tpu.memref_slice %arg9[%dma_wait3A_250, %dma_wait3A_251] : memref<50048x16xf32, #tpu.memory_space<vmem_shared>> -> memref<50048x16xf32, #tpu.memory_space<vmem_shared>>
      tpu.wait_indirect_dma semaphore(%arg20 : memref<!tpu.dma_semaphore, #tpu.memory_space<semaphore_mem>>) src(%arg12 : memref<128x16xf32, #tpu.memory_space<vmem>>) dst(%dma_wait3A_252 : memref<50048x16xf32, #tpu.memory_space<vmem_shared>>)
      %add3A_253 = arith.constant 4 : i32
      %add3A_254 = arith.addi %mul3A_144, %add3A_253 : i32
      %add3A_255 = arith.constant 2 : i32
      %add3A_256 = arith.addi %add3A_254, %add3A_255 : i32
      %dma_start3A_257 = arith.constant 0 : i32
      %dma_start3A_258 = tpu.memref_slice %arg7[%add3A_256, %dma_start3A_257] : memref<232x128xi32, #tpu.memory_space<vmem>> -> memref<1x128xi32, #tpu.memory_space<vmem>>
      %dma_start3A_259 = tpu.memref_squeeze %dma_start3A_258 : memref<1x128xi32, #tpu.memory_space<vmem>> -> memref<128xi32, #tpu.memory_space<vmem>>
      %dma_start3A_260 = arith.constant 0 : i32
      %dma_start3A_261 = arith.constant 0 : i32
      %dma_start3A_262 = tpu.memref_slice %arg4[%dma_start3A_260, %dma_start3A_261] : memref<50048x16xf32, #tpu.memory_space<hbm>> -> memref<50048x16xf32, #tpu.memory_space<hbm>>
      tpu.enqueue_indirect_dma source(%dma_start3A_262 : memref<50048x16xf32, #tpu.memory_space<hbm>>) target(%arg12 : memref<128x16xf32, #tpu.memory_space<vmem>>) offsets(%dma_start3A_259 : memref<128xi32, #tpu.memory_space<vmem>>) semaphore(%arg16 : memref<!tpu.dma_semaphore, #tpu.memory_space<semaphore_mem>>)
      %add3A_263 = arith.constant 3 : i32
      %add3A_264 = arith.addi %mul3A_144, %add3A_263 : i32
      %dma_wait3A_265 = arith.constant 0 : i32
      %dma_wait3A_266 = tpu.memref_slice %arg8[%add3A_264, %dma_wait3A_265] : memref<232x128xi32, #tpu.memory_space<vmem>> -> memref<1x128xi32, #tpu.memory_space<vmem>>
      %dma_wait3A_267 = tpu.memref_squeeze %dma_wait3A_266 : memref<1x128xi32, #tpu.memory_space<vmem>> -> memref<128xi32, #tpu.memory_space<vmem>>
      %dma_wait3A_268 = arith.constant 0 : i32
      %dma_wait3A_269 = arith.constant 0 : i32
      %dma_wait3A_270 = tpu.memref_slice %arg9[%dma_wait3A_268, %dma_wait3A_269] : memref<50048x16xf32, #tpu.memory_space<vmem_shared>> -> memref<50048x16xf32, #tpu.memory_space<vmem_shared>>
      tpu.wait_indirect_dma semaphore(%arg21 : memref<!tpu.dma_semaphore, #tpu.memory_space<semaphore_mem>>) src(%arg13 : memref<128x16xf32, #tpu.memory_space<vmem>>) dst(%dma_wait3A_270 : memref<50048x16xf32, #tpu.memory_space<vmem_shared>>)
      %add3A_271 = arith.constant 4 : i32
      %add3A_272 = arith.addi %mul3A_144, %add3A_271 : i32
      %add3A_273 = arith.constant 3 : i32
      %add3A_274 = arith.addi %add3A_272, %add3A_273 : i32
      %dma_start3A_275 = arith.constant 0 : i32
      %dma_start3A_276 = tpu.memref_slice %arg7[%add3A_274, %dma_start3A_275] : memref<232x128xi32, #tpu.memory_space<vmem>> -> memref<1x128xi32, #tpu.memory_space<vmem>>
      %dma_start3A_277 = tpu.memref_squeeze %dma_start3A_276 : memref<1x128xi32, #tpu.memory_space<vmem>> -> memref<128xi32, #tpu.memory_space<vmem>>
      %dma_start3A_278 = arith.constant 0 : i32
      %dma_start3A_279 = arith.constant 0 : i32
      %dma_start3A_280 = tpu.memref_slice %arg4[%dma_start3A_278, %dma_start3A_279] : memref<50048x16xf32, #tpu.memory_space<hbm>> -> memref<50048x16xf32, #tpu.memory_space<hbm>>
      tpu.enqueue_indirect_dma source(%dma_start3A_280 : memref<50048x16xf32, #tpu.memory_space<hbm>>) target(%arg13 : memref<128x16xf32, #tpu.memory_space<vmem>>) offsets(%dma_start3A_277 : memref<128xi32, #tpu.memory_space<vmem>>) semaphore(%arg17 : memref<!tpu.dma_semaphore, #tpu.memory_space<semaphore_mem>>)
    }
    %while3A_41 = arith.constant 1 : i32
    scf.for %while3A_142 = %while3A_39 to %while3A_35 step %while3A_41  : i32 {
      %mul3A_143 = arith.constant 4 : i32
      %mul3A_144 = arith.muli %while3A_142, %mul3A_143 : i32
      %add3A_145 = arith.constant 0 : i32
      %add3A_146 = arith.addi %mul3A_144, %add3A_145 : i32
      %dma_wait3A_147 = arith.constant 0 : i32
      %dma_wait3A_148 = tpu.memref_slice %arg7[%add3A_146, %dma_wait3A_147] : memref<232x128xi32, #tpu.memory_space<vmem>> -> memref<1x128xi32, #tpu.memory_space<vmem>>
      %dma_wait3A_149 = tpu.memref_squeeze %dma_wait3A_148 : memref<1x128xi32, #tpu.memory_space<vmem>> -> memref<128xi32, #tpu.memory_space<vmem>>
      %dma_wait3A_150 = arith.constant 0 : i32
      %dma_wait3A_151 = arith.constant 0 : i32
      %dma_wait3A_152 = tpu.memref_slice %arg4[%dma_wait3A_150, %dma_wait3A_151] : memref<50048x16xf32, #tpu.memory_space<hbm>> -> memref<50048x16xf32, #tpu.memory_space<hbm>>
      tpu.wait_indirect_dma semaphore(%arg14 : memref<!tpu.dma_semaphore, #tpu.memory_space<semaphore_mem>>) src(%dma_wait3A_152 : memref<50048x16xf32, #tpu.memory_space<hbm>>) dst(%arg10 : memref<128x16xf32, #tpu.memory_space<vmem>>)
      %add3A_153 = arith.constant 0 : i32
      %add3A_154 = arith.addi %mul3A_144, %add3A_153 : i32
      %dma_start3A_155 = arith.constant 0 : i32
      %dma_start3A_156 = tpu.memref_slice %arg8[%add3A_154, %dma_start3A_155] : memref<232x128xi32, #tpu.memory_space<vmem>> -> memref<1x128xi32, #tpu.memory_space<vmem>>
      %dma_start3A_157 = tpu.memref_squeeze %dma_start3A_156 : memref<1x128xi32, #tpu.memory_space<vmem>> -> memref<128xi32, #tpu.memory_space<vmem>>
      %dma_start3A_158 = arith.constant 0 : i32
      %dma_start3A_159 = arith.constant 0 : i32
      %dma_start3A_160 = tpu.memref_slice %arg9[%dma_start3A_158, %dma_start3A_159] : memref<50048x16xf32, #tpu.memory_space<vmem_shared>> -> memref<50048x16xf32, #tpu.memory_space<vmem_shared>>
      tpu.enqueue_indirect_dma source(%arg10 : memref<128x16xf32, #tpu.memory_space<vmem>>) target(%dma_start3A_160 : memref<50048x16xf32, #tpu.memory_space<vmem_shared>>) offsets(%dma_start3A_157 : memref<128xi32, #tpu.memory_space<vmem>>) semaphore(%arg18 : memref<!tpu.dma_semaphore, #tpu.memory_space<semaphore_mem>>) {add = true}
      %add3A_161 = arith.constant 1 : i32
      %add3A_162 = arith.addi %mul3A_144, %add3A_161 : i32
      %dma_wait3A_163 = arith.constant 0 : i32
      %dma_wait3A_164 = tpu.memref_slice %arg7[%add3A_162, %dma_wait3A_163] : memref<232x128xi32, #tpu.memory_space<vmem>> -> memref<1x128xi32, #tpu.memory_space<vmem>>
      %dma_wait3A_165 = tpu.memref_squeeze %dma_wait3A_164 : memref<1x128xi32, #tpu.memory_space<vmem>> -> memref<128xi32, #tpu.memory_space<vmem>>
      %dma_wait3A_166 = arith.constant 0 : i32
      %dma_wait3A_167 = arith.constant 0 : i32
      %dma_wait3A_168 = tpu.memref_slice %arg4[%dma_wait3A_166, %dma_wait3A_167] : memref<50048x16xf32, #tpu.memory_space<hbm>> -> memref<50048x16xf32, #tpu.memory_space<hbm>>
      tpu.wait_indirect_dma semaphore(%arg15 : memref<!tpu.dma_semaphore, #tpu.memory_space<semaphore_mem>>) src(%dma_wait3A_168 : memref<50048x16xf32, #tpu.memory_space<hbm>>) dst(%arg11 : memref<128x16xf32, #tpu.memory_space<vmem>>)
      %add3A_169 = arith.constant 1 : i32
      %add3A_170 = arith.addi %mul3A_144, %add3A_169 : i32
      %dma_start3A_171 = arith.constant 0 : i32
      %dma_start3A_172 = tpu.memref_slice %arg8[%add3A_170, %dma_start3A_171] : memref<232x128xi32, #tpu.memory_space<vmem>> -> memref<1x128xi32, #tpu.memory_space<vmem>>
      %dma_start3A_173 = tpu.memref_squeeze %dma_start3A_172 : memref<1x128xi32, #tpu.memory_space<vmem>> -> memref<128xi32, #tpu.memory_space<vmem>>
      %dma_start3A_174 = arith.constant 0 : i32
      %dma_start3A_175 = arith.constant 0 : i32
      %dma_start3A_176 = tpu.memref_slice %arg9[%dma_start3A_174, %dma_start3A_175] : memref<50048x16xf32, #tpu.memory_space<vmem_shared>> -> memref<50048x16xf32, #tpu.memory_space<vmem_shared>>
      tpu.enqueue_indirect_dma source(%arg11 : memref<128x16xf32, #tpu.memory_space<vmem>>) target(%dma_start3A_176 : memref<50048x16xf32, #tpu.memory_space<vmem_shared>>) offsets(%dma_start3A_173 : memref<128xi32, #tpu.memory_space<vmem>>) semaphore(%arg19 : memref<!tpu.dma_semaphore, #tpu.memory_space<semaphore_mem>>) {add = true}
      %add3A_177 = arith.constant 2 : i32
      %add3A_178 = arith.addi %mul3A_144, %add3A_177 : i32
      %dma_wait3A_179 = arith.constant 0 : i32
      %dma_wait3A_180 = tpu.memref_slice %arg7[%add3A_178, %dma_wait3A_179] : memref<232x128xi32, #tpu.memory_space<vmem>> -> memref<1x128xi32, #tpu.memory_space<vmem>>
      %dma_wait3A_181 = tpu.memref_squeeze %dma_wait3A_180 : memref<1x128xi32, #tpu.memory_space<vmem>> -> memref<128xi32, #tpu.memory_space<vmem>>
      %dma_wait3A_182 = arith.constant 0 : i32
      %dma_wait3A_183 = arith.constant 0 : i32
      %dma_wait3A_184 = tpu.memref_slice %arg4[%dma_wait3A_182, %dma_wait3A_183] : memref<50048x16xf32, #tpu.memory_space<hbm>> -> memref<50048x16xf32, #tpu.memory_space<hbm>>
      tpu.wait_indirect_dma semaphore(%arg16 : memref<!tpu.dma_semaphore, #tpu.memory_space<semaphore_mem>>) src(%dma_wait3A_184 : memref<50048x16xf32, #tpu.memory_space<hbm>>) dst(%arg12 : memref<128x16xf32, #tpu.memory_space<vmem>>)
      %add3A_185 = arith.constant 2 : i32
      %add3A_186 = arith.addi %mul3A_144, %add3A_185 : i32
      %dma_start3A_187 = arith.constant 0 : i32
      %dma_start3A_188 = tpu.memref_slice %arg8[%add3A_186, %dma_start3A_187] : memref<232x128xi32, #tpu.memory_space<vmem>> -> memref<1x128xi32, #tpu.memory_space<vmem>>
      %dma_start3A_189 = tpu.memref_squeeze %dma_start3A_188 : memref<1x128xi32, #tpu.memory_space<vmem>> -> memref<128xi32, #tpu.memory_space<vmem>>
      %dma_start3A_190 = arith.constant 0 : i32
      %dma_start3A_191 = arith.constant 0 : i32
      %dma_start3A_192 = tpu.memref_slice %arg9[%dma_start3A_190, %dma_start3A_191] : memref<50048x16xf32, #tpu.memory_space<vmem_shared>> -> memref<50048x16xf32, #tpu.memory_space<vmem_shared>>
      tpu.enqueue_indirect_dma source(%arg12 : memref<128x16xf32, #tpu.memory_space<vmem>>) target(%dma_start3A_192 : memref<50048x16xf32, #tpu.memory_space<vmem_shared>>) offsets(%dma_start3A_189 : memref<128xi32, #tpu.memory_space<vmem>>) semaphore(%arg20 : memref<!tpu.dma_semaphore, #tpu.memory_space<semaphore_mem>>) {add = true}
      %add3A_193 = arith.constant 3 : i32
      %add3A_194 = arith.addi %mul3A_144, %add3A_193 : i32
      %dma_wait3A_195 = arith.constant 0 : i32
      %dma_wait3A_196 = tpu.memref_slice %arg7[%add3A_194, %dma_wait3A_195] : memref<232x128xi32, #tpu.memory_space<vmem>> -> memref<1x128xi32, #tpu.memory_space<vmem>>
      %dma_wait3A_197 = tpu.memref_squeeze %dma_wait3A_196 : memref<1x128xi32, #tpu.memory_space<vmem>> -> memref<128xi32, #tpu.memory_space<vmem>>
      %dma_wait3A_198 = arith.constant 0 : i32
      %dma_wait3A_199 = arith.constant 0 : i32
      %dma_wait3A_200 = tpu.memref_slice %arg4[%dma_wait3A_198, %dma_wait3A_199] : memref<50048x16xf32, #tpu.memory_space<hbm>> -> memref<50048x16xf32, #tpu.memory_space<hbm>>
      tpu.wait_indirect_dma semaphore(%arg17 : memref<!tpu.dma_semaphore, #tpu.memory_space<semaphore_mem>>) src(%dma_wait3A_200 : memref<50048x16xf32, #tpu.memory_space<hbm>>) dst(%arg13 : memref<128x16xf32, #tpu.memory_space<vmem>>)
      %add3A_201 = arith.constant 3 : i32
      %add3A_202 = arith.addi %mul3A_144, %add3A_201 : i32
      %dma_start3A_203 = arith.constant 0 : i32
      %dma_start3A_204 = tpu.memref_slice %arg8[%add3A_202, %dma_start3A_203] : memref<232x128xi32, #tpu.memory_space<vmem>> -> memref<1x128xi32, #tpu.memory_space<vmem>>
      %dma_start3A_205 = tpu.memref_squeeze %dma_start3A_204 : memref<1x128xi32, #tpu.memory_space<vmem>> -> memref<128xi32, #tpu.memory_space<vmem>>
      %dma_start3A_206 = arith.constant 0 : i32
      %dma_start3A_207 = arith.constant 0 : i32
      %dma_start3A_208 = tpu.memref_slice %arg9[%dma_start3A_206, %dma_start3A_207] : memref<50048x16xf32, #tpu.memory_space<vmem_shared>> -> memref<50048x16xf32, #tpu.memory_space<vmem_shared>>
      tpu.enqueue_indirect_dma source(%arg13 : memref<128x16xf32, #tpu.memory_space<vmem>>) target(%dma_start3A_208 : memref<50048x16xf32, #tpu.memory_space<vmem_shared>>) offsets(%dma_start3A_205 : memref<128xi32, #tpu.memory_space<vmem>>) semaphore(%arg21 : memref<!tpu.dma_semaphore, #tpu.memory_space<semaphore_mem>>) {add = true}
      %add3A_209 = arith.constant 0 : i32
      %add3A_210 = arith.addi %mul3A_144, %add3A_209 : i32
      %dma_wait3A_211 = arith.constant 0 : i32
      %dma_wait3A_212 = tpu.memref_slice %arg8[%add3A_210, %dma_wait3A_211] : memref<232x128xi32, #tpu.memory_space<vmem>> -> memref<1x128xi32, #tpu.memory_space<vmem>>
      %dma_wait3A_213 = tpu.memref_squeeze %dma_wait3A_212 : memref<1x128xi32, #tpu.memory_space<vmem>> -> memref<128xi32, #tpu.memory_space<vmem>>
      %dma_wait3A_214 = arith.constant 0 : i32
      %dma_wait3A_215 = arith.constant 0 : i32
      %dma_wait3A_216 = tpu.memref_slice %arg9[%dma_wait3A_214, %dma_wait3A_215] : memref<50048x16xf32, #tpu.memory_space<vmem_shared>> -> memref<50048x16xf32, #tpu.memory_space<vmem_shared>>
      tpu.wait_indirect_dma semaphore(%arg18 : memref<!tpu.dma_semaphore, #tpu.memory_space<semaphore_mem>>) src(%arg10 : memref<128x16xf32, #tpu.memory_space<vmem>>) dst(%dma_wait3A_216 : memref<50048x16xf32, #tpu.memory_space<vmem_shared>>)
      %add3A_217 = arith.constant 4 : i32
      %add3A_218 = arith.addi %mul3A_144, %add3A_217 : i32
      %add3A_219 = arith.constant 0 : i32
      %add3A_220 = arith.addi %add3A_218, %add3A_219 : i32
      %dma_start3A_221 = arith.constant 0 : i32
      %dma_start3A_222 = tpu.memref_slice %arg7[%add3A_220, %dma_start3A_221] : memref<232x128xi32, #tpu.memory_space<vmem>> -> memref<1x128xi32, #tpu.memory_space<vmem>>
      %dma_start3A_223 = tpu.memref_squeeze %dma_start3A_222 : memref<1x128xi32, #tpu.memory_space<vmem>> -> memref<128xi32, #tpu.memory_space<vmem>>
      %dma_start3A_224 = arith.constant 0 : i32
      %dma_start3A_225 = arith.constant 0 : i32
      %dma_start3A_226 = tpu.memref_slice %arg4[%dma_start3A_224, %dma_start3A_225] : memref<50048x16xf32, #tpu.memory_space<hbm>> -> memref<50048x16xf32, #tpu.memory_space<hbm>>
      tpu.enqueue_indirect_dma source(%dma_start3A_226 : memref<50048x16xf32, #tpu.memory_space<hbm>>) target(%arg10 : memref<128x16xf32, #tpu.memory_space<vmem>>) offsets(%dma_start3A_223 : memref<128xi32, #tpu.memory_space<vmem>>) semaphore(%arg14 : memref<!tpu.dma_semaphore, #tpu.memory_space<semaphore_mem>>)
      %add3A_227 = arith.constant 1 : i32
      %add3A_228 = arith.addi %mul3A_144, %add3A_227 : i32
      %dma_wait3A_229 = arith.constant 0 : i32
      %dma_wait3A_230 = tpu.memref_slice %arg8[%add3A_228, %dma_wait3A_229] : memref<232x128xi32, #tpu.memory_space<vmem>> -> memref<1x128xi32, #tpu.memory_space<vmem>>
      %dma_wait3A_231 = tpu.memref_squeeze %dma_wait3A_230 : memref<1x128xi32, #tpu.memory_space<vmem>> -> memref<128xi32, #tpu.memory_space<vmem>>
      %dma_wait3A_232 = arith.constant 0 : i32
      %dma_wait3A_233 = arith.constant 0 : i32
      %dma_wait3A_234 = tpu.memref_slice %arg9[%dma_wait3A_232, %dma_wait3A_233] : memref<50048x16xf32, #tpu.memory_space<vmem_shared>> -> memref<50048x16xf32, #tpu.memory_space<vmem_shared>>
      tpu.wait_indirect_dma semaphore(%arg19 : memref<!tpu.dma_semaphore, #tpu.memory_space<semaphore_mem>>) src(%arg11 : memref<128x16xf32, #tpu.memory_space<vmem>>) dst(%dma_wait3A_234 : memref<50048x16xf32, #tpu.memory_space<vmem_shared>>)
      %add3A_235 = arith.constant 4 : i32
      %add3A_236 = arith.addi %mul3A_144, %add3A_235 : i32
      %add3A_237 = arith.constant 1 : i32
      %add3A_238 = arith.addi %add3A_236, %add3A_237 : i32
      %dma_start3A_239 = arith.constant 0 : i32
      %dma_start3A_240 = tpu.memref_slice %arg7[%add3A_238, %dma_start3A_239] : memref<232x128xi32, #tpu.memory_space<vmem>> -> memref<1x128xi32, #tpu.memory_space<vmem>>
      %dma_start3A_241 = tpu.memref_squeeze %dma_start3A_240 : memref<1x128xi32, #tpu.memory_space<vmem>> -> memref<128xi32, #tpu.memory_space<vmem>>
      %dma_start3A_242 = arith.constant 0 : i32
      %dma_start3A_243 = arith.constant 0 : i32
      %dma_start3A_244 = tpu.memref_slice %arg4[%dma_start3A_242, %dma_start3A_243] : memref<50048x16xf32, #tpu.memory_space<hbm>> -> memref<50048x16xf32, #tpu.memory_space<hbm>>
      tpu.enqueue_indirect_dma source(%dma_start3A_244 : memref<50048x16xf32, #tpu.memory_space<hbm>>) target(%arg11 : memref<128x16xf32, #tpu.memory_space<vmem>>) offsets(%dma_start3A_241 : memref<128xi32, #tpu.memory_space<vmem>>) semaphore(%arg15 : memref<!tpu.dma_semaphore, #tpu.memory_space<semaphore_mem>>)
      %add3A_245 = arith.constant 2 : i32
      %add3A_246 = arith.addi %mul3A_144, %add3A_245 : i32
      %dma_wait3A_247 = arith.constant 0 : i32
      %dma_wait3A_248 = tpu.memref_slice %arg8[%add3A_246, %dma_wait3A_247] : memref<232x128xi32, #tpu.memory_space<vmem>> -> memref<1x128xi32, #tpu.memory_space<vmem>>
      %dma_wait3A_249 = tpu.memref_squeeze %dma_wait3A_248 : memref<1x128xi32, #tpu.memory_space<vmem>> -> memref<128xi32, #tpu.memory_space<vmem>>
      %dma_wait3A_250 = arith.constant 0 : i32
      %dma_wait3A_251 = arith.constant 0 : i32
      %dma_wait3A_252 = tpu.memref_slice %arg9[%dma_wait3A_250, %dma_wait3A_251] : memref<50048x16xf32, #tpu.memory_space<vmem_shared>> -> memref<50048x16xf32, #tpu.memory_space<vmem_shared>>
      tpu.wait_indirect_dma semaphore(%arg20 : memref<!tpu.dma_semaphore, #tpu.memory_space<semaphore_mem>>) src(%arg12 : memref<128x16xf32, #tpu.memory_space<vmem>>) dst(%dma_wait3A_252 : memref<50048x16xf32, #tpu.memory_space<vmem_shared>>)
      %add3A_253 = arith.constant 4 : i32
      %add3A_254 = arith.addi %mul3A_144, %add3A_253 : i32
      %add3A_255 = arith.constant 2 : i32
      %add3A_256 = arith.addi %add3A_254, %add3A_255 : i32
      %dma_start3A_257 = arith.constant 0 : i32
      %dma_start3A_258 = tpu.memref_slice %arg7[%add3A_256, %dma_start3A_257] : memref<232x128xi32, #tpu.memory_space<vmem>> -> memref<1x128xi32, #tpu.memory_space<vmem>>
      %dma_start3A_259 = tpu.memref_squeeze %dma_start3A_258 : memref<1x128xi32, #tpu.memory_space<vmem>> -> memref<128xi32, #tpu.memory_space<vmem>>
      %dma_start3A_260 = arith.constant 0 : i32
      %dma_start3A_261 = arith.constant 0 : i32
      %dma_start3A_262 = tpu.memref_slice %arg4[%dma_start3A_260, %dma_start3A_261] : memref<50048x16xf32, #tpu.memory_space<hbm>> -> memref<50048x16xf32, #tpu.memory_space<hbm>>
      tpu.enqueue_indirect_dma source(%dma_start3A_262 : memref<50048x16xf32, #tpu.memory_space<hbm>>) target(%arg12 : memref<128x16xf32, #tpu.memory_space<vmem>>) offsets(%dma_start3A_259 : memref<128xi32, #tpu.memory_space<vmem>>) semaphore(%arg16 : memref<!tpu.dma_semaphore, #tpu.memory_space<semaphore_mem>>)
      %add3A_263 = arith.constant 3 : i32
      %add3A_264 = arith.addi %mul3A_144, %add3A_263 : i32
      %dma_wait3A_265 = arith.constant 0 : i32
      %dma_wait3A_266 = tpu.memref_slice %arg8[%add3A_264, %dma_wait3A_265] : memref<232x128xi32, #tpu.memory_space<vmem>> -> memref<1x128xi32, #tpu.memory_space<vmem>>
      %dma_wait3A_267 = tpu.memref_squeeze %dma_wait3A_266 : memref<1x128xi32, #tpu.memory_space<vmem>> -> memref<128xi32, #tpu.memory_space<vmem>>
      %dma_wait3A_268 = arith.constant 0 : i32
      %dma_wait3A_269 = arith.constant 0 : i32
      %dma_wait3A_270 = tpu.memref_slice %arg9[%dma_wait3A_268, %dma_wait3A_269] : memref<50048x16xf32, #tpu.memory_space<vmem_shared>> -> memref<50048x16xf32, #tpu.memory_space<vmem_shared>>
      tpu.wait_indirect_dma semaphore(%arg21 : memref<!tpu.dma_semaphore, #tpu.memory_space<semaphore_mem>>) src(%arg13 : memref<128x16xf32, #tpu.memory_space<vmem>>) dst(%dma_wait3A_270 : memref<50048x16xf32, #tpu.memory_space<vmem_shared>>)
      %add3A_271 = arith.constant 4 : i32
      %add3A_272 = arith.addi %mul3A_144, %add3A_271 : i32
      %add3A_273 = arith.constant 3 : i32
      %add3A_274 = arith.addi %add3A_272, %add3A_273 : i32
      %dma_start3A_275 = arith.constant 0 : i32
      %dma_start3A_276 = tpu.memref_slice %arg7[%add3A_274, %dma_start3A_275] : memref<232x128xi32, #tpu.memory_space<vmem>> -> memref<1x128xi32, #tpu.memory_space<vmem>>
      %dma_start3A_277 = tpu.memref_squeeze %dma_start3A_276 : memref<1x128xi32, #tpu.memory_space<vmem>> -> memref<128xi32, #tpu.memory_space<vmem>>
      %dma_start3A_278 = arith.constant 0 : i32
      %dma_start3A_279 = arith.constant 0 : i32
      %dma_start3A_280 = tpu.memref_slice %arg4[%dma_start3A_278, %dma_start3A_279] : memref<50048x16xf32, #tpu.memory_space<hbm>> -> memref<50048x16xf32, #tpu.memory_space<hbm>>
      tpu.enqueue_indirect_dma source(%dma_start3A_280 : memref<50048x16xf32, #tpu.memory_space<hbm>>) target(%arg13 : memref<128x16xf32, #tpu.memory_space<vmem>>) offsets(%dma_start3A_277 : memref<128xi32, #tpu.memory_space<vmem>>) semaphore(%arg17 : memref<!tpu.dma_semaphore, #tpu.memory_space<semaphore_mem>>)
    }
    %sub3A_42 = arith.constant 1 : i32
    %sub3A_43 = arith.subi %select_n3A, %sub3A_42 : i32
    %mul3A_44 = arith.constant 4 : i32
    %mul3A_45 = arith.muli %sub3A_43, %mul3A_44 : i32
    %add3A_46 = arith.constant 0 : i32
    %add3A_47 = arith.addi %mul3A_45, %add3A_46 : i32
    %dma_wait3A = arith.constant 0 : i32
    %dma_wait3A_48 = tpu.memref_slice %arg7[%add3A_47, %dma_wait3A] : memref<232x128xi32, #tpu.memory_space<vmem>> -> memref<1x128xi32, #tpu.memory_space<vmem>>
    %dma_wait3A_49 = tpu.memref_squeeze %dma_wait3A_48 : memref<1x128xi32, #tpu.memory_space<vmem>> -> memref<128xi32, #tpu.memory_space<vmem>>
    %dma_wait3A_50 = arith.constant 0 : i32
    %dma_wait3A_51 = arith.constant 0 : i32
    %dma_wait3A_52 = tpu.memref_slice %arg4[%dma_wait3A_50, %dma_wait3A_51] : memref<50048x16xf32, #tpu.memory_space<hbm>> -> memref<50048x16xf32, #tpu.memory_space<hbm>>
    tpu.wait_indirect_dma semaphore(%arg14 : memref<!tpu.dma_semaphore, #tpu.memory_space<semaphore_mem>>) src(%dma_wait3A_52 : memref<50048x16xf32, #tpu.memory_space<hbm>>) dst(%arg10 : memref<128x16xf32, #tpu.memory_space<vmem>>)
    %add3A_53 = arith.constant 0 : i32
    %add3A_54 = arith.addi %mul3A_45, %add3A_53 : i32
    %dma_start3A_55 = arith.constant 0 : i32
    %dma_start3A_56 = tpu.memref_slice %arg8[%add3A_54, %dma_start3A_55] : memref<232x128xi32, #tpu.memory_space<vmem>> -> memref<1x128xi32, #tpu.memory_space<vmem>>
    %dma_start3A_57 = tpu.memref_squeeze %dma_start3A_56 : memref<1x128xi32, #tpu.memory_space<vmem>> -> memref<128xi32, #tpu.memory_space<vmem>>
    %dma_start3A_58 = arith.constant 0 : i32
    %dma_start3A_59 = arith.constant 0 : i32
    %dma_start3A_60 = tpu.memref_slice %arg9[%dma_start3A_58, %dma_start3A_59] : memref<50048x16xf32, #tpu.memory_space<vmem_shared>> -> memref<50048x16xf32, #tpu.memory_space<vmem_shared>>
    tpu.enqueue_indirect_dma source(%arg10 : memref<128x16xf32, #tpu.memory_space<vmem>>) target(%dma_start3A_60 : memref<50048x16xf32, #tpu.memory_space<vmem_shared>>) offsets(%dma_start3A_57 : memref<128xi32, #tpu.memory_space<vmem>>) semaphore(%arg18 : memref<!tpu.dma_semaphore, #tpu.memory_space<semaphore_mem>>) {add = true}
    %add3A_61 = arith.constant 1 : i32
    %add3A_62 = arith.addi %mul3A_45, %add3A_61 : i32
    %dma_wait3A_63 = arith.constant 0 : i32
    %dma_wait3A_64 = tpu.memref_slice %arg7[%add3A_62, %dma_wait3A_63] : memref<232x128xi32, #tpu.memory_space<vmem>> -> memref<1x128xi32, #tpu.memory_space<vmem>>
    %dma_wait3A_65 = tpu.memref_squeeze %dma_wait3A_64 : memref<1x128xi32, #tpu.memory_space<vmem>> -> memref<128xi32, #tpu.memory_space<vmem>>
    %dma_wait3A_66 = arith.constant 0 : i32
    %dma_wait3A_67 = arith.constant 0 : i32
    %dma_wait3A_68 = tpu.memref_slice %arg4[%dma_wait3A_66, %dma_wait3A_67] : memref<50048x16xf32, #tpu.memory_space<hbm>> -> memref<50048x16xf32, #tpu.memory_space<hbm>>
    tpu.wait_indirect_dma semaphore(%arg15 : memref<!tpu.dma_semaphore, #tpu.memory_space<semaphore_mem>>) src(%dma_wait3A_68 : memref<50048x16xf32, #tpu.memory_space<hbm>>) dst(%arg11 : memref<128x16xf32, #tpu.memory_space<vmem>>)
    %add3A_69 = arith.constant 1 : i32
    %add3A_70 = arith.addi %mul3A_45, %add3A_69 : i32
    %dma_start3A_71 = arith.constant 0 : i32
    %dma_start3A_72 = tpu.memref_slice %arg8[%add3A_70, %dma_start3A_71] : memref<232x128xi32, #tpu.memory_space<vmem>> -> memref<1x128xi32, #tpu.memory_space<vmem>>
    %dma_start3A_73 = tpu.memref_squeeze %dma_start3A_72 : memref<1x128xi32, #tpu.memory_space<vmem>> -> memref<128xi32, #tpu.memory_space<vmem>>
    %dma_start3A_74 = arith.constant 0 : i32
    %dma_start3A_75 = arith.constant 0 : i32
    %dma_start3A_76 = tpu.memref_slice %arg9[%dma_start3A_74, %dma_start3A_75] : memref<50048x16xf32, #tpu.memory_space<vmem_shared>> -> memref<50048x16xf32, #tpu.memory_space<vmem_shared>>
    tpu.enqueue_indirect_dma source(%arg11 : memref<128x16xf32, #tpu.memory_space<vmem>>) target(%dma_start3A_76 : memref<50048x16xf32, #tpu.memory_space<vmem_shared>>) offsets(%dma_start3A_73 : memref<128xi32, #tpu.memory_space<vmem>>) semaphore(%arg19 : memref<!tpu.dma_semaphore, #tpu.memory_space<semaphore_mem>>) {add = true}
    %add3A_77 = arith.constant 2 : i32
    %add3A_78 = arith.addi %mul3A_45, %add3A_77 : i32
    %dma_wait3A_79 = arith.constant 0 : i32
    %dma_wait3A_80 = tpu.memref_slice %arg7[%add3A_78, %dma_wait3A_79] : memref<232x128xi32, #tpu.memory_space<vmem>> -> memref<1x128xi32, #tpu.memory_space<vmem>>
    %dma_wait3A_81 = tpu.memref_squeeze %dma_wait3A_80 : memref<1x128xi32, #tpu.memory_space<vmem>> -> memref<128xi32, #tpu.memory_space<vmem>>
    %dma_wait3A_82 = arith.constant 0 : i32
    %dma_wait3A_83 = arith.constant 0 : i32
    %dma_wait3A_84 = tpu.memref_slice %arg4[%dma_wait3A_82, %dma_wait3A_83] : memref<50048x16xf32, #tpu.memory_space<hbm>> -> memref<50048x16xf32, #tpu.memory_space<hbm>>
    tpu.wait_indirect_dma semaphore(%arg16 : memref<!tpu.dma_semaphore, #tpu.memory_space<semaphore_mem>>) src(%dma_wait3A_84 : memref<50048x16xf32, #tpu.memory_space<hbm>>) dst(%arg12 : memref<128x16xf32, #tpu.memory_space<vmem>>)
    %add3A_85 = arith.constant 2 : i32
    %add3A_86 = arith.addi %mul3A_45, %add3A_85 : i32
    %dma_start3A_87 = arith.constant 0 : i32
    %dma_start3A_88 = tpu.memref_slice %arg8[%add3A_86, %dma_start3A_87] : memref<232x128xi32, #tpu.memory_space<vmem>> -> memref<1x128xi32, #tpu.memory_space<vmem>>
    %dma_start3A_89 = tpu.memref_squeeze %dma_start3A_88 : memref<1x128xi32, #tpu.memory_space<vmem>> -> memref<128xi32, #tpu.memory_space<vmem>>
    %dma_start3A_90 = arith.constant 0 : i32
    %dma_start3A_91 = arith.constant 0 : i32
    %dma_start3A_92 = tpu.memref_slice %arg9[%dma_start3A_90, %dma_start3A_91] : memref<50048x16xf32, #tpu.memory_space<vmem_shared>> -> memref<50048x16xf32, #tpu.memory_space<vmem_shared>>
    tpu.enqueue_indirect_dma source(%arg12 : memref<128x16xf32, #tpu.memory_space<vmem>>) target(%dma_start3A_92 : memref<50048x16xf32, #tpu.memory_space<vmem_shared>>) offsets(%dma_start3A_89 : memref<128xi32, #tpu.memory_space<vmem>>) semaphore(%arg20 : memref<!tpu.dma_semaphore, #tpu.memory_space<semaphore_mem>>) {add = true}
    %add3A_93 = arith.constant 3 : i32
    %add3A_94 = arith.addi %mul3A_45, %add3A_93 : i32
    %dma_wait3A_95 = arith.constant 0 : i32
    %dma_wait3A_96 = tpu.memref_slice %arg7[%add3A_94, %dma_wait3A_95] : memref<232x128xi32, #tpu.memory_space<vmem>> -> memref<1x128xi32, #tpu.memory_space<vmem>>
    %dma_wait3A_97 = tpu.memref_squeeze %dma_wait3A_96 : memref<1x128xi32, #tpu.memory_space<vmem>> -> memref<128xi32, #tpu.memory_space<vmem>>
    %dma_wait3A_98 = arith.constant 0 : i32
    %dma_wait3A_99 = arith.constant 0 : i32
    %dma_wait3A_100 = tpu.memref_slice %arg4[%dma_wait3A_98, %dma_wait3A_99] : memref<50048x16xf32, #tpu.memory_space<hbm>> -> memref<50048x16xf32, #tpu.memory_space<hbm>>
    tpu.wait_indirect_dma semaphore(%arg17 : memref<!tpu.dma_semaphore, #tpu.memory_space<semaphore_mem>>) src(%dma_wait3A_100 : memref<50048x16xf32, #tpu.memory_space<hbm>>) dst(%arg13 : memref<128x16xf32, #tpu.memory_space<vmem>>)
    %add3A_101 = arith.constant 3 : i32
    %add3A_102 = arith.addi %mul3A_45, %add3A_101 : i32
    %dma_start3A_103 = arith.constant 0 : i32
    %dma_start3A_104 = tpu.memref_slice %arg8[%add3A_102, %dma_start3A_103] : memref<232x128xi32, #tpu.memory_space<vmem>> -> memref<1x128xi32, #tpu.memory_space<vmem>>
    %dma_start3A_105 = tpu.memref_squeeze %dma_start3A_104 : memref<1x128xi32, #tpu.memory_space<vmem>> -> memref<128xi32, #tpu.memory_space<vmem>>
    %dma_start3A_106 = arith.constant 0 : i32
    %dma_start3A_107 = arith.constant 0 : i32
    %dma_start3A_108 = tpu.memref_slice %arg9[%dma_start3A_106, %dma_start3A_107] : memref<50048x16xf32, #tpu.memory_space<vmem_shared>> -> memref<50048x16xf32, #tpu.memory_space<vmem_shared>>
    tpu.enqueue_indirect_dma source(%arg13 : memref<128x16xf32, #tpu.memory_space<vmem>>) target(%dma_start3A_108 : memref<50048x16xf32, #tpu.memory_space<vmem_shared>>) offsets(%dma_start3A_105 : memref<128xi32, #tpu.memory_space<vmem>>) semaphore(%arg21 : memref<!tpu.dma_semaphore, #tpu.memory_space<semaphore_mem>>) {add = true}
    %add3A_109 = arith.constant 0 : i32
    %add3A_110 = arith.addi %mul3A_45, %add3A_109 : i32
    %dma_wait3A_111 = arith.constant 0 : i32
    %dma_wait3A_112 = tpu.memref_slice %arg8[%add3A_110, %dma_wait3A_111] : memref<232x128xi32, #tpu.memory_space<vmem>> -> memref<1x128xi32, #tpu.memory_space<vmem>>
    %dma_wait3A_113 = tpu.memref_squeeze %dma_wait3A_112 : memref<1x128xi32, #tpu.memory_space<vmem>> -> memref<128xi32, #tpu.memory_space<vmem>>
    %dma_wait3A_114 = arith.constant 0 : i32
    %dma_wait3A_115 = arith.constant 0 : i32
    %dma_wait3A_116 = tpu.memref_slice %arg9[%dma_wait3A_114, %dma_wait3A_115] : memref<50048x16xf32, #tpu.memory_space<vmem_shared>> -> memref<50048x16xf32, #tpu.memory_space<vmem_shared>>
    tpu.wait_indirect_dma semaphore(%arg18 : memref<!tpu.dma_semaphore, #tpu.memory_space<semaphore_mem>>) src(%arg10 : memref<128x16xf32, #tpu.memory_space<vmem>>) dst(%dma_wait3A_116 : memref<50048x16xf32, #tpu.memory_space<vmem_shared>>)
    %add3A_117 = arith.constant 1 : i32
    %add3A_118 = arith.addi %mul3A_45, %add3A_117 : i32
    %dma_wait3A_119 = arith.constant 0 : i32
    %dma_wait3A_120 = tpu.memref_slice %arg8[%add3A_118, %dma_wait3A_119] : memref<232x128xi32, #tpu.memory_space<vmem>> -> memref<1x128xi32, #tpu.memory_space<vmem>>
    %dma_wait3A_121 = tpu.memref_squeeze %dma_wait3A_120 : memref<1x128xi32, #tpu.memory_space<vmem>> -> memref<128xi32, #tpu.memory_space<vmem>>
    %dma_wait3A_122 = arith.constant 0 : i32
    %dma_wait3A_123 = arith.constant 0 : i32
    %dma_wait3A_124 = tpu.memref_slice %arg9[%dma_wait3A_122, %dma_wait3A_123] : memref<50048x16xf32, #tpu.memory_space<vmem_shared>> -> memref<50048x16xf32, #tpu.memory_space<vmem_shared>>
    tpu.wait_indirect_dma semaphore(%arg19 : memref<!tpu.dma_semaphore, #tpu.memory_space<semaphore_mem>>) src(%arg11 : memref<128x16xf32, #tpu.memory_space<vmem>>) dst(%dma_wait3A_124 : memref<50048x16xf32, #tpu.memory_space<vmem_shared>>)
    %add3A_125 = arith.constant 2 : i32
    %add3A_126 = arith.addi %mul3A_45, %add3A_125 : i32
    %dma_wait3A_127 = arith.constant 0 : i32
    %dma_wait3A_128 = tpu.memref_slice %arg8[%add3A_126, %dma_wait3A_127] : memref<232x128xi32, #tpu.memory_space<vmem>> -> memref<1x128xi32, #tpu.memory_space<vmem>>
    %dma_wait3A_129 = tpu.memref_squeeze %dma_wait3A_128 : memref<1x128xi32, #tpu.memory_space<vmem>> -> memref<128xi32, #tpu.memory_space<vmem>>
    %dma_wait3A_130 = arith.constant 0 : i32
    %dma_wait3A_131 = arith.constant 0 : i32
    %dma_wait3A_132 = tpu.memref_slice %arg9[%dma_wait3A_130, %dma_wait3A_131] : memref<50048x16xf32, #tpu.memory_space<vmem_shared>> -> memref<50048x16xf32, #tpu.memory_space<vmem_shared>>
    tpu.wait_indirect_dma semaphore(%arg20 : memref<!tpu.dma_semaphore, #tpu.memory_space<semaphore_mem>>) src(%arg12 : memref<128x16xf32, #tpu.memory_space<vmem>>) dst(%dma_wait3A_132 : memref<50048x16xf32, #tpu.memory_space<vmem_shared>>)
    %add3A_133 = arith.constant 3 : i32
    %add3A_134 = arith.addi %mul3A_45, %add3A_133 : i32
    %dma_wait3A_135 = arith.constant 0 : i32
    %dma_wait3A_136 = tpu.memref_slice %arg8[%add3A_134, %dma_wait3A_135] : memref<232x128xi32, #tpu.memory_space<vmem>> -> memref<1x128xi32, #tpu.memory_space<vmem>>
    %dma_wait3A_137 = tpu.memref_squeeze %dma_wait3A_136 : memref<1x128xi32, #tpu.memory_space<vmem>> -> memref<128xi32, #tpu.memory_space<vmem>>
    %dma_wait3A_138 = arith.constant 0 : i32
    %dma_wait3A_139 = arith.constant 0 : i32
    %dma_wait3A_140 = tpu.memref_slice %arg9[%dma_wait3A_138, %dma_wait3A_139] : memref<50048x16xf32, #tpu.memory_space<vmem_shared>> -> memref<50048x16xf32, #tpu.memory_space<vmem_shared>>
    tpu.wait_indirect_dma semaphore(%arg21 : memref<!tpu.dma_semaphore, #tpu.memory_space<semaphore_mem>>) src(%arg13 : memref<128x16xf32, #tpu.memory_space<vmem>>) dst(%dma_wait3A_140 : memref<50048x16xf32, #tpu.memory_space<vmem_shared>>)
    %barrier3A_141 = arith.constant 0 : index
    tpu.barrier barrier_id(%barrier3A_141)
    "tpu.region"() ({
      %run_scoped3A = tpu.sem_alloc : memref<!tpu.dma_semaphore, #tpu.memory_space<semaphore_mem>>
      %dma_start3A_142 = arith.constant 0 : i32
      %dma_start3A_143 = tpu.memref_slice %arg6[%arg0, %mul3A_2, %dma_start3A_142] : memref<2x50048x16xf32, #tpu.memory_space<hbm>> -> memref<1x3128x16xf32, #tpu.memory_space<hbm>>
      %dma_start3A_144 = tpu.memref_squeeze %dma_start3A_143 : memref<1x3128x16xf32, #tpu.memory_space<hbm>> -> memref<3128x16xf32, #tpu.memory_space<hbm>>
      %dma_start3A_145 = arith.constant 0 : i32
      %dma_start3A_146 = tpu.memref_slice %arg9[%mul3A_2, %dma_start3A_145] : memref<50048x16xf32, #tpu.memory_space<vmem_shared>> -> memref<3128x16xf32, #tpu.memory_space<vmem_shared>>
      tpu.enqueue_dma source(%dma_start3A_146 : memref<3128x16xf32, #tpu.memory_space<vmem_shared>>) target(%dma_start3A_144 : memref<3128x16xf32, #tpu.memory_space<hbm>>) target_semaphore(%run_scoped3A : memref<!tpu.dma_semaphore, #tpu.memory_space<semaphore_mem>>)
      %dma_wait3A_147 = arith.constant 0 : i32
      %dma_wait3A_148 = tpu.memref_slice %arg6[%arg0, %mul3A_2, %dma_wait3A_147] : memref<2x50048x16xf32, #tpu.memory_space<hbm>> -> memref<1x3128x16xf32, #tpu.memory_space<hbm>>
      %dma_wait3A_149 = tpu.memref_squeeze %dma_wait3A_148 : memref<1x3128x16xf32, #tpu.memory_space<hbm>> -> memref<3128x16xf32, #tpu.memory_space<hbm>>
      %dma_wait3A_150 = arith.constant 0 : i32
      %dma_wait3A_151 = tpu.memref_slice %arg9[%mul3A_2, %dma_wait3A_150] : memref<50048x16xf32, #tpu.memory_space<vmem_shared>> -> memref<3128x16xf32, #tpu.memory_space<vmem_shared>>
      tpu.wait_dma2 semaphore(%run_scoped3A : memref<!tpu.dma_semaphore, #tpu.memory_space<semaphore_mem>>) src(%dma_wait3A_151 : memref<3128x16xf32, #tpu.memory_space<vmem_shared>>) dst(%dma_wait3A_149 : memref<3128x16xf32, #tpu.memory_space<hbm>>)
      tpu.yield
    }) : () -> ()
    return
  }
}

#map = affine_map<(d0, d1) -> (0, 0, 0)>
#map1 = affine_map<(d0, d1) -> (0)>
#map2 = affine_map<(d0, d1) -> (0, 0)>
module attributes {stable_mosaic.version = 14 : i64} {
  func.func @_sc_degree_body(%arg0: i32, %arg1: i32, %arg2: memref<32x232x128xi32, #tpu.memory_space<hbm>>, %arg3: memref<50048xf32, #tpu.memory_space<hbm>>, %arg4: memref<2x50048xf32, #tpu.memory_space<hbm>>, %arg5: memref<232x128xi32, #tpu.memory_space<vmem>>, %arg6: memref<128xf32, #tpu.memory_space<vmem>>, %arg7: memref<50048xf32, #tpu.memory_space<vmem_shared>>, %arg8: memref<!tpu.dma_semaphore, #tpu.memory_space<semaphore_mem>>, %arg9: memref<!tpu.dma_semaphore, #tpu.memory_space<semaphore_mem>>, %arg10: memref<!tpu.dma_semaphore, #tpu.memory_space<semaphore_mem>>, %arg11: memref<!tpu.dma_semaphore, #tpu.memory_space<semaphore_mem>>) attributes {dimension_semantics = [#tpu.dimension_semantics<core_parallel>, #tpu.dimension_semantics<subcore_parallel>], iteration_bounds = array<i64: 2, 16>, scalar_prefetch = 0 : i64, scratch_operands = 7 : i64, tpu.core_type = #tpu.core_type<sc_vector_subcore>, window_params = [{transform_indices = #map}, {transform_indices = #map1}, {transform_indices = #map2}]} {
    %mul3A = arith.constant 16 : i32
    %mul3A_0 = arith.muli %arg0, %mul3A : i32
    %add3A = arith.addi %mul3A_0, %arg1 : i32
    %mul3A_1 = arith.constant 3128 : i32
    %mul3A_2 = arith.muli %arg1, %mul3A_1 : i32
    %eq3A = arith.constant 0 : i32
    %eq3A_3 = arith.cmpi eq, %arg0, %eq3A : i32
    %jit3A = arith.constant 40 : i32
    %jit3A_4 = arith.constant 58 : i32
    %select_n3A = arith.select %eq3A_3, %jit3A, %jit3A_4 : i32
    "tpu.region"() ({
      %run_scoped3A = tpu.sem_alloc : memref<!tpu.dma_semaphore, #tpu.memory_space<semaphore_mem>>
      %dma_start3A = tpu.memref_slice %arg7[%mul3A_2] : memref<50048xf32, #tpu.memory_space<vmem_shared>> -> memref<3128xf32, #tpu.memory_space<vmem_shared>>
      %dma_start3A_61 = tpu.memref_slice %arg3[%mul3A_2] : memref<50048xf32, #tpu.memory_space<hbm>> -> memref<3128xf32, #tpu.memory_space<hbm>>
      tpu.enqueue_dma source(%dma_start3A_61 : memref<3128xf32, #tpu.memory_space<hbm>>) target(%dma_start3A : memref<3128xf32, #tpu.memory_space<vmem_shared>>) target_semaphore(%run_scoped3A : memref<!tpu.dma_semaphore, #tpu.memory_space<semaphore_mem>>)
      %dma_wait3A = tpu.memref_slice %arg7[%mul3A_2] : memref<50048xf32, #tpu.memory_space<vmem_shared>> -> memref<3128xf32, #tpu.memory_space<vmem_shared>>
      %dma_wait3A_62 = tpu.memref_slice %arg3[%mul3A_2] : memref<50048xf32, #tpu.memory_space<hbm>> -> memref<3128xf32, #tpu.memory_space<hbm>>
      tpu.wait_dma2 semaphore(%run_scoped3A : memref<!tpu.dma_semaphore, #tpu.memory_space<semaphore_mem>>) src(%dma_wait3A_62 : memref<3128xf32, #tpu.memory_space<hbm>>) dst(%dma_wait3A : memref<3128xf32, #tpu.memory_space<vmem_shared>>)
      tpu.yield
    }) : () -> ()
    "tpu.region"() ({
      %run_scoped3A = tpu.sem_alloc : memref<!tpu.dma_semaphore, #tpu.memory_space<semaphore_mem>>
      %dma_start3A = arith.constant 0 : i32
      %dma_start3A_61 = arith.constant 0 : i32
      %dma_start3A_62 = tpu.memref_slice %arg2[%add3A, %dma_start3A, %dma_start3A_61] : memref<32x232x128xi32, #tpu.memory_space<hbm>> -> memref<1x232x128xi32, #tpu.memory_space<hbm>>
      %dma_start3A_63 = tpu.memref_squeeze %dma_start3A_62 : memref<1x232x128xi32, #tpu.memory_space<hbm>> -> memref<232x128xi32, #tpu.memory_space<hbm>>
      %dma_start3A_64 = arith.constant 0 : i32
      %dma_start3A_65 = arith.constant 0 : i32
      %dma_start3A_66 = tpu.memref_slice %arg2[%add3A, %dma_start3A_64, %dma_start3A_65] : memref<32x232x128xi32, #tpu.memory_space<hbm>> -> memref<1x232x128xi32, #tpu.memory_space<hbm>>
      %dma_start3A_67 = tpu.memref_squeeze %dma_start3A_66 : memref<1x232x128xi32, #tpu.memory_space<hbm>> -> memref<232x128xi32, #tpu.memory_space<hbm>>
      tpu.enqueue_dma source(%dma_start3A_67 : memref<232x128xi32, #tpu.memory_space<hbm>>) target(%arg5 : memref<232x128xi32, #tpu.memory_space<vmem>>) target_semaphore(%run_scoped3A : memref<!tpu.dma_semaphore, #tpu.memory_space<semaphore_mem>>)
      %dma_wait3A = arith.constant 0 : i32
      %dma_wait3A_68 = arith.constant 0 : i32
      %dma_wait3A_69 = tpu.memref_slice %arg2[%add3A, %dma_wait3A, %dma_wait3A_68] : memref<32x232x128xi32, #tpu.memory_space<hbm>> -> memref<1x232x128xi32, #tpu.memory_space<hbm>>
      %dma_wait3A_70 = tpu.memref_squeeze %dma_wait3A_69 : memref<1x232x128xi32, #tpu.memory_space<hbm>> -> memref<232x128xi32, #tpu.memory_space<hbm>>
      %dma_wait3A_71 = arith.constant 0 : i32
      %dma_wait3A_72 = arith.constant 0 : i32
      %dma_wait3A_73 = tpu.memref_slice %arg2[%add3A, %dma_wait3A_71, %dma_wait3A_72] : memref<32x232x128xi32, #tpu.memory_space<hbm>> -> memref<1x232x128xi32, #tpu.memory_space<hbm>>
      %dma_wait3A_74 = tpu.memref_squeeze %dma_wait3A_73 : memref<1x232x128xi32, #tpu.memory_space<hbm>> -> memref<232x128xi32, #tpu.memory_space<hbm>>
      tpu.wait_dma2 semaphore(%run_scoped3A : memref<!tpu.dma_semaphore, #tpu.memory_space<semaphore_mem>>) src(%dma_wait3A_74 : memref<232x128xi32, #tpu.memory_space<hbm>>) dst(%arg5 : memref<232x128xi32, #tpu.memory_space<vmem>>)
      tpu.yield
    }) : () -> ()
    %broadcast_in_dim3A = arith.constant 1.000000e+00 : f32
    %broadcast_in_dim3A_5 = vector.broadcast %broadcast_in_dim3A : f32 to vector<16xf32>
    %swap3A = arith.constant 0 : index
    %swap3A_6 = tpu.vector_load %arg6[%swap3A] {strides = array<i32>} : memref<128xf32, #tpu.memory_space<vmem>>, vector<16xf32>,
    %swap3A_7 = vector.shape_cast %swap3A_6 : vector<16xf32> to vector<16xf32>
    %swap3A_8 = vector.shape_cast %broadcast_in_dim3A_5 : vector<16xf32> to vector<16xf32>
    tpu.vector_store %arg6[%swap3A], %swap3A_8 {strides = array<i32>} : memref<128xf32, #tpu.memory_space<vmem>>, vector<16xf32>,
    %broadcast_in_dim3A_9 = arith.constant 1.000000e+00 : f32
    %broadcast_in_dim3A_10 = vector.broadcast %broadcast_in_dim3A_9 : f32 to vector<16xf32>
    %swap3A_11 = arith.constant 16 : index
    %swap3A_12 = tpu.vector_load %arg6[%swap3A_11] {strides = array<i32>} : memref<128xf32, #tpu.memory_space<vmem>>, vector<16xf32>,
    %swap3A_13 = vector.shape_cast %swap3A_12 : vector<16xf32> to vector<16xf32>
    %swap3A_14 = vector.shape_cast %broadcast_in_dim3A_10 : vector<16xf32> to vector<16xf32>
    tpu.vector_store %arg6[%swap3A_11], %swap3A_14 {strides = array<i32>} : memref<128xf32, #tpu.memory_space<vmem>>, vector<16xf32>,
    %broadcast_in_dim3A_15 = arith.constant 1.000000e+00 : f32
    %broadcast_in_dim3A_16 = vector.broadcast %broadcast_in_dim3A_15 : f32 to vector<16xf32>
    %swap3A_17 = arith.constant 32 : index
    %swap3A_18 = tpu.vector_load %arg6[%swap3A_17] {strides = array<i32>} : memref<128xf32, #tpu.memory_space<vmem>>, vector<16xf32>,
    %swap3A_19 = vector.shape_cast %swap3A_18 : vector<16xf32> to vector<16xf32>
    %swap3A_20 = vector.shape_cast %broadcast_in_dim3A_16 : vector<16xf32> to vector<16xf32>
    tpu.vector_store %arg6[%swap3A_17], %swap3A_20 {strides = array<i32>} : memref<128xf32, #tpu.memory_space<vmem>>, vector<16xf32>,
    %broadcast_in_dim3A_21 = arith.constant 1.000000e+00 : f32
    %broadcast_in_dim3A_22 = vector.broadcast %broadcast_in_dim3A_21 : f32 to vector<16xf32>
    %swap3A_23 = arith.constant 48 : index
    %swap3A_24 = tpu.vector_load %arg6[%swap3A_23] {strides = array<i32>} : memref<128xf32, #tpu.memory_space<vmem>>, vector<16xf32>,
    %swap3A_25 = vector.shape_cast %swap3A_24 : vector<16xf32> to vector<16xf32>
    %swap3A_26 = vector.shape_cast %broadcast_in_dim3A_22 : vector<16xf32> to vector<16xf32>
    tpu.vector_store %arg6[%swap3A_23], %swap3A_26 {strides = array<i32>} : memref<128xf32, #tpu.memory_space<vmem>>, vector<16xf32>,
    %broadcast_in_dim3A_27 = arith.constant 1.000000e+00 : f32
    %broadcast_in_dim3A_28 = vector.broadcast %broadcast_in_dim3A_27 : f32 to vector<16xf32>
    %swap3A_29 = arith.constant 64 : index
    %swap3A_30 = tpu.vector_load %arg6[%swap3A_29] {strides = array<i32>} : memref<128xf32, #tpu.memory_space<vmem>>, vector<16xf32>,
    %swap3A_31 = vector.shape_cast %swap3A_30 : vector<16xf32> to vector<16xf32>
    %swap3A_32 = vector.shape_cast %broadcast_in_dim3A_28 : vector<16xf32> to vector<16xf32>
    tpu.vector_store %arg6[%swap3A_29], %swap3A_32 {strides = array<i32>} : memref<128xf32, #tpu.memory_space<vmem>>, vector<16xf32>,
    %broadcast_in_dim3A_33 = arith.constant 1.000000e+00 : f32
    %broadcast_in_dim3A_34 = vector.broadcast %broadcast_in_dim3A_33 : f32 to vector<16xf32>
    %swap3A_35 = arith.constant 80 : index
    %swap3A_36 = tpu.vector_load %arg6[%swap3A_35] {strides = array<i32>} : memref<128xf32, #tpu.memory_space<vmem>>, vector<16xf32>,
    %swap3A_37 = vector.shape_cast %swap3A_36 : vector<16xf32> to vector<16xf32>
    %swap3A_38 = vector.shape_cast %broadcast_in_dim3A_34 : vector<16xf32> to vector<16xf32>
    tpu.vector_store %arg6[%swap3A_35], %swap3A_38 {strides = array<i32>} : memref<128xf32, #tpu.memory_space<vmem>>, vector<16xf32>,
    %broadcast_in_dim3A_39 = arith.constant 1.000000e+00 : f32
    %broadcast_in_dim3A_40 = vector.broadcast %broadcast_in_dim3A_39 : f32 to vector<16xf32>
    %swap3A_41 = arith.constant 96 : index
    %swap3A_42 = tpu.vector_load %arg6[%swap3A_41] {strides = array<i32>} : memref<128xf32, #tpu.memory_space<vmem>>, vector<16xf32>,
    %swap3A_43 = vector.shape_cast %swap3A_42 : vector<16xf32> to vector<16xf32>
    %swap3A_44 = vector.shape_cast %broadcast_in_dim3A_40 : vector<16xf32> to vector<16xf32>
    tpu.vector_store %arg6[%swap3A_41], %swap3A_44 {strides = array<i32>} : memref<128xf32, #tpu.memory_space<vmem>>, vector<16xf32>,
    %broadcast_in_dim3A_45 = arith.constant 1.000000e+00 : f32
    %broadcast_in_dim3A_46 = vector.broadcast %broadcast_in_dim3A_45 : f32 to vector<16xf32>
    %swap3A_47 = arith.constant 112 : index
    %swap3A_48 = tpu.vector_load %arg6[%swap3A_47] {strides = array<i32>} : memref<128xf32, #tpu.memory_space<vmem>>, vector<16xf32>,
    %swap3A_49 = vector.shape_cast %swap3A_48 : vector<16xf32> to vector<16xf32>
    %swap3A_50 = vector.shape_cast %broadcast_in_dim3A_46 : vector<16xf32> to vector<16xf32>
    tpu.vector_store %arg6[%swap3A_47], %swap3A_50 {strides = array<i32>} : memref<128xf32, #tpu.memory_space<vmem>>, vector<16xf32>,
    %barrier3A = arith.constant 0 : index
    tpu.barrier barrier_id(%barrier3A)
    %while3A = arith.constant 0 : i32
    %while3A_51 = arith.constant 0 : i32
    %while3A_52 = arith.subi %select_n3A, %while3A_51 : i32
    %while3A_53 = arith.addi %while3A_51, %while3A_52 : i32
    %while3A_54 = arith.constant 1 : i32
    %while3A_55 = arith.divsi %while3A_52, %while3A_54 : i32
    %while3A_56 = arith.muli %while3A_55, %while3A_54 : i32
    %while3A_57 = arith.addi %while3A_51, %while3A_56 : i32
    %while3A_58 = arith.constant 1 : i32
    scf.for %while3A_61 = %while3A_51 to %while3A_57 step %while3A_58  : i32 {
      %mul3A_62 = arith.constant 4 : i32
      %mul3A_63 = arith.muli %while3A_61, %mul3A_62 : i32
      %add3A_64 = arith.constant 0 : i32
      %add3A_65 = arith.addi %mul3A_63, %add3A_64 : i32
      %dma_start3A = arith.constant 0 : i32
      %dma_start3A_66 = tpu.memref_slice %arg5[%add3A_65, %dma_start3A] : memref<232x128xi32, #tpu.memory_space<vmem>> -> memref<1x128xi32, #tpu.memory_space<vmem>>
      %dma_start3A_67 = tpu.memref_squeeze %dma_start3A_66 : memref<1x128xi32, #tpu.memory_space<vmem>> -> memref<128xi32, #tpu.memory_space<vmem>>
      %dma_start3A_68 = arith.constant 0 : i32
      %dma_start3A_69 = tpu.memref_slice %arg7[%dma_start3A_68] : memref<50048xf32, #tpu.memory_space<vmem_shared>> -> memref<50048xf32, #tpu.memory_space<vmem_shared>>
      tpu.enqueue_indirect_dma source(%arg6 : memref<128xf32, #tpu.memory_space<vmem>>) target(%dma_start3A_69 : memref<50048xf32, #tpu.memory_space<vmem_shared>>) offsets(%dma_start3A_67 : memref<128xi32, #tpu.memory_space<vmem>>) semaphore(%arg8 : memref<!tpu.dma_semaphore, #tpu.memory_space<semaphore_mem>>) {add = true}
      %add3A_70 = arith.constant 1 : i32
      %add3A_71 = arith.addi %mul3A_63, %add3A_70 : i32
      %dma_start3A_72 = arith.constant 0 : i32
      %dma_start3A_73 = tpu.memref_slice %arg5[%add3A_71, %dma_start3A_72] : memref<232x128xi32, #tpu.memory_space<vmem>> -> memref<1x128xi32, #tpu.memory_space<vmem>>
      %dma_start3A_74 = tpu.memref_squeeze %dma_start3A_73 : memref<1x128xi32, #tpu.memory_space<vmem>> -> memref<128xi32, #tpu.memory_space<vmem>>
      %dma_start3A_75 = arith.constant 0 : i32
      %dma_start3A_76 = tpu.memref_slice %arg7[%dma_start3A_75] : memref<50048xf32, #tpu.memory_space<vmem_shared>> -> memref<50048xf32, #tpu.memory_space<vmem_shared>>
      tpu.enqueue_indirect_dma source(%arg6 : memref<128xf32, #tpu.memory_space<vmem>>) target(%dma_start3A_76 : memref<50048xf32, #tpu.memory_space<vmem_shared>>) offsets(%dma_start3A_74 : memref<128xi32, #tpu.memory_space<vmem>>) semaphore(%arg9 : memref<!tpu.dma_semaphore, #tpu.memory_space<semaphore_mem>>) {add = true}
      %add3A_77 = arith.constant 2 : i32
      %add3A_78 = arith.addi %mul3A_63, %add3A_77 : i32
      %dma_start3A_79 = arith.constant 0 : i32
      %dma_start3A_80 = tpu.memref_slice %arg5[%add3A_78, %dma_start3A_79] : memref<232x128xi32, #tpu.memory_space<vmem>> -> memref<1x128xi32, #tpu.memory_space<vmem>>
      %dma_start3A_81 = tpu.memref_squeeze %dma_start3A_80 : memref<1x128xi32, #tpu.memory_space<vmem>> -> memref<128xi32, #tpu.memory_space<vmem>>
      %dma_start3A_82 = arith.constant 0 : i32
      %dma_start3A_83 = tpu.memref_slice %arg7[%dma_start3A_82] : memref<50048xf32, #tpu.memory_space<vmem_shared>> -> memref<50048xf32, #tpu.memory_space<vmem_shared>>
      tpu.enqueue_indirect_dma source(%arg6 : memref<128xf32, #tpu.memory_space<vmem>>) target(%dma_start3A_83 : memref<50048xf32, #tpu.memory_space<vmem_shared>>) offsets(%dma_start3A_81 : memref<128xi32, #tpu.memory_space<vmem>>) semaphore(%arg10 : memref<!tpu.dma_semaphore, #tpu.memory_space<semaphore_mem>>) {add = true}
      %add3A_84 = arith.constant 3 : i32
      %add3A_85 = arith.addi %mul3A_63, %add3A_84 : i32
      %dma_start3A_86 = arith.constant 0 : i32
      %dma_start3A_87 = tpu.memref_slice %arg5[%add3A_85, %dma_start3A_86] : memref<232x128xi32, #tpu.memory_space<vmem>> -> memref<1x128xi32, #tpu.memory_space<vmem>>
      %dma_start3A_88 = tpu.memref_squeeze %dma_start3A_87 : memref<1x128xi32, #tpu.memory_space<vmem>> -> memref<128xi32, #tpu.memory_space<vmem>>
      %dma_start3A_89 = arith.constant 0 : i32
      %dma_start3A_90 = tpu.memref_slice %arg7[%dma_start3A_89] : memref<50048xf32, #tpu.memory_space<vmem_shared>> -> memref<50048xf32, #tpu.memory_space<vmem_shared>>
      tpu.enqueue_indirect_dma source(%arg6 : memref<128xf32, #tpu.memory_space<vmem>>) target(%dma_start3A_90 : memref<50048xf32, #tpu.memory_space<vmem_shared>>) offsets(%dma_start3A_88 : memref<128xi32, #tpu.memory_space<vmem>>) semaphore(%arg11 : memref<!tpu.dma_semaphore, #tpu.memory_space<semaphore_mem>>) {add = true}
      %add3A_91 = arith.constant 0 : i32
      %add3A_92 = arith.addi %mul3A_63, %add3A_91 : i32
      %dma_wait3A = arith.constant 0 : i32
      %dma_wait3A_93 = tpu.memref_slice %arg5[%add3A_92, %dma_wait3A] : memref<232x128xi32, #tpu.memory_space<vmem>> -> memref<1x128xi32, #tpu.memory_space<vmem>>
      %dma_wait3A_94 = tpu.memref_squeeze %dma_wait3A_93 : memref<1x128xi32, #tpu.memory_space<vmem>> -> memref<128xi32, #tpu.memory_space<vmem>>
      %dma_wait3A_95 = arith.constant 0 : i32
      %dma_wait3A_96 = tpu.memref_slice %arg7[%dma_wait3A_95] : memref<50048xf32, #tpu.memory_space<vmem_shared>> -> memref<50048xf32, #tpu.memory_space<vmem_shared>>
      tpu.wait_indirect_dma semaphore(%arg8 : memref<!tpu.dma_semaphore, #tpu.memory_space<semaphore_mem>>) src(%arg6 : memref<128xf32, #tpu.memory_space<vmem>>) dst(%dma_wait3A_96 : memref<50048xf32, #tpu.memory_space<vmem_shared>>)
      %add3A_97 = arith.constant 1 : i32
      %add3A_98 = arith.addi %mul3A_63, %add3A_97 : i32
      %dma_wait3A_99 = arith.constant 0 : i32
      %dma_wait3A_100 = tpu.memref_slice %arg5[%add3A_98, %dma_wait3A_99] : memref<232x128xi32, #tpu.memory_space<vmem>> -> memref<1x128xi32, #tpu.memory_space<vmem>>
      %dma_wait3A_101 = tpu.memref_squeeze %dma_wait3A_100 : memref<1x128xi32, #tpu.memory_space<vmem>> -> memref<128xi32, #tpu.memory_space<vmem>>
      %dma_wait3A_102 = arith.constant 0 : i32
      %dma_wait3A_103 = tpu.memref_slice %arg7[%dma_wait3A_102] : memref<50048xf32, #tpu.memory_space<vmem_shared>> -> memref<50048xf32, #tpu.memory_space<vmem_shared>>
      tpu.wait_indirect_dma semaphore(%arg9 : memref<!tpu.dma_semaphore, #tpu.memory_space<semaphore_mem>>) src(%arg6 : memref<128xf32, #tpu.memory_space<vmem>>) dst(%dma_wait3A_103 : memref<50048xf32, #tpu.memory_space<vmem_shared>>)
      %add3A_104 = arith.constant 2 : i32
      %add3A_105 = arith.addi %mul3A_63, %add3A_104 : i32
      %dma_wait3A_106 = arith.constant 0 : i32
      %dma_wait3A_107 = tpu.memref_slice %arg5[%add3A_105, %dma_wait3A_106] : memref<232x128xi32, #tpu.memory_space<vmem>> -> memref<1x128xi32, #tpu.memory_space<vmem>>
      %dma_wait3A_108 = tpu.memref_squeeze %dma_wait3A_107 : memref<1x128xi32, #tpu.memory_space<vmem>> -> memref<128xi32, #tpu.memory_space<vmem>>
      %dma_wait3A_109 = arith.constant 0 : i32
      %dma_wait3A_110 = tpu.memref_slice %arg7[%dma_wait3A_109] : memref<50048xf32, #tpu.memory_space<vmem_shared>> -> memref<50048xf32, #tpu.memory_space<vmem_shared>>
      tpu.wait_indirect_dma semaphore(%arg10 : memref<!tpu.dma_semaphore, #tpu.memory_space<semaphore_mem>>) src(%arg6 : memref<128xf32, #tpu.memory_space<vmem>>) dst(%dma_wait3A_110 : memref<50048xf32, #tpu.memory_space<vmem_shared>>)
      %add3A_111 = arith.constant 3 : i32
      %add3A_112 = arith.addi %mul3A_63, %add3A_111 : i32
      %dma_wait3A_113 = arith.constant 0 : i32
      %dma_wait3A_114 = tpu.memref_slice %arg5[%add3A_112, %dma_wait3A_113] : memref<232x128xi32, #tpu.memory_space<vmem>> -> memref<1x128xi32, #tpu.memory_space<vmem>>
      %dma_wait3A_115 = tpu.memref_squeeze %dma_wait3A_114 : memref<1x128xi32, #tpu.memory_space<vmem>> -> memref<128xi32, #tpu.memory_space<vmem>>
      %dma_wait3A_116 = arith.constant 0 : i32
      %dma_wait3A_117 = tpu.memref_slice %arg7[%dma_wait3A_116] : memref<50048xf32, #tpu.memory_space<vmem_shared>> -> memref<50048xf32, #tpu.memory_space<vmem_shared>>
      tpu.wait_indirect_dma semaphore(%arg11 : memref<!tpu.dma_semaphore, #tpu.memory_space<semaphore_mem>>) src(%arg6 : memref<128xf32, #tpu.memory_space<vmem>>) dst(%dma_wait3A_117 : memref<50048xf32, #tpu.memory_space<vmem_shared>>)
    }
    %while3A_59 = arith.constant 1 : i32
    scf.for %while3A_61 = %while3A_57 to %while3A_53 step %while3A_59  : i32 {
      %mul3A_62 = arith.constant 4 : i32
      %mul3A_63 = arith.muli %while3A_61, %mul3A_62 : i32
      %add3A_64 = arith.constant 0 : i32
      %add3A_65 = arith.addi %mul3A_63, %add3A_64 : i32
      %dma_start3A = arith.constant 0 : i32
      %dma_start3A_66 = tpu.memref_slice %arg5[%add3A_65, %dma_start3A] : memref<232x128xi32, #tpu.memory_space<vmem>> -> memref<1x128xi32, #tpu.memory_space<vmem>>
      %dma_start3A_67 = tpu.memref_squeeze %dma_start3A_66 : memref<1x128xi32, #tpu.memory_space<vmem>> -> memref<128xi32, #tpu.memory_space<vmem>>
      %dma_start3A_68 = arith.constant 0 : i32
      %dma_start3A_69 = tpu.memref_slice %arg7[%dma_start3A_68] : memref<50048xf32, #tpu.memory_space<vmem_shared>> -> memref<50048xf32, #tpu.memory_space<vmem_shared>>
      tpu.enqueue_indirect_dma source(%arg6 : memref<128xf32, #tpu.memory_space<vmem>>) target(%dma_start3A_69 : memref<50048xf32, #tpu.memory_space<vmem_shared>>) offsets(%dma_start3A_67 : memref<128xi32, #tpu.memory_space<vmem>>) semaphore(%arg8 : memref<!tpu.dma_semaphore, #tpu.memory_space<semaphore_mem>>) {add = true}
      %add3A_70 = arith.constant 1 : i32
      %add3A_71 = arith.addi %mul3A_63, %add3A_70 : i32
      %dma_start3A_72 = arith.constant 0 : i32
      %dma_start3A_73 = tpu.memref_slice %arg5[%add3A_71, %dma_start3A_72] : memref<232x128xi32, #tpu.memory_space<vmem>> -> memref<1x128xi32, #tpu.memory_space<vmem>>
      %dma_start3A_74 = tpu.memref_squeeze %dma_start3A_73 : memref<1x128xi32, #tpu.memory_space<vmem>> -> memref<128xi32, #tpu.memory_space<vmem>>
      %dma_start3A_75 = arith.constant 0 : i32
      %dma_start3A_76 = tpu.memref_slice %arg7[%dma_start3A_75] : memref<50048xf32, #tpu.memory_space<vmem_shared>> -> memref<50048xf32, #tpu.memory_space<vmem_shared>>
      tpu.enqueue_indirect_dma source(%arg6 : memref<128xf32, #tpu.memory_space<vmem>>) target(%dma_start3A_76 : memref<50048xf32, #tpu.memory_space<vmem_shared>>) offsets(%dma_start3A_74 : memref<128xi32, #tpu.memory_space<vmem>>) semaphore(%arg9 : memref<!tpu.dma_semaphore, #tpu.memory_space<semaphore_mem>>) {add = true}
      %add3A_77 = arith.constant 2 : i32
      %add3A_78 = arith.addi %mul3A_63, %add3A_77 : i32
      %dma_start3A_79 = arith.constant 0 : i32
      %dma_start3A_80 = tpu.memref_slice %arg5[%add3A_78, %dma_start3A_79] : memref<232x128xi32, #tpu.memory_space<vmem>> -> memref<1x128xi32, #tpu.memory_space<vmem>>
      %dma_start3A_81 = tpu.memref_squeeze %dma_start3A_80 : memref<1x128xi32, #tpu.memory_space<vmem>> -> memref<128xi32, #tpu.memory_space<vmem>>
      %dma_start3A_82 = arith.constant 0 : i32
      %dma_start3A_83 = tpu.memref_slice %arg7[%dma_start3A_82] : memref<50048xf32, #tpu.memory_space<vmem_shared>> -> memref<50048xf32, #tpu.memory_space<vmem_shared>>
      tpu.enqueue_indirect_dma source(%arg6 : memref<128xf32, #tpu.memory_space<vmem>>) target(%dma_start3A_83 : memref<50048xf32, #tpu.memory_space<vmem_shared>>) offsets(%dma_start3A_81 : memref<128xi32, #tpu.memory_space<vmem>>) semaphore(%arg10 : memref<!tpu.dma_semaphore, #tpu.memory_space<semaphore_mem>>) {add = true}
      %add3A_84 = arith.constant 3 : i32
      %add3A_85 = arith.addi %mul3A_63, %add3A_84 : i32
      %dma_start3A_86 = arith.constant 0 : i32
      %dma_start3A_87 = tpu.memref_slice %arg5[%add3A_85, %dma_start3A_86] : memref<232x128xi32, #tpu.memory_space<vmem>> -> memref<1x128xi32, #tpu.memory_space<vmem>>
      %dma_start3A_88 = tpu.memref_squeeze %dma_start3A_87 : memref<1x128xi32, #tpu.memory_space<vmem>> -> memref<128xi32, #tpu.memory_space<vmem>>
      %dma_start3A_89 = arith.constant 0 : i32
      %dma_start3A_90 = tpu.memref_slice %arg7[%dma_start3A_89] : memref<50048xf32, #tpu.memory_space<vmem_shared>> -> memref<50048xf32, #tpu.memory_space<vmem_shared>>
      tpu.enqueue_indirect_dma source(%arg6 : memref<128xf32, #tpu.memory_space<vmem>>) target(%dma_start3A_90 : memref<50048xf32, #tpu.memory_space<vmem_shared>>) offsets(%dma_start3A_88 : memref<128xi32, #tpu.memory_space<vmem>>) semaphore(%arg11 : memref<!tpu.dma_semaphore, #tpu.memory_space<semaphore_mem>>) {add = true}
      %add3A_91 = arith.constant 0 : i32
      %add3A_92 = arith.addi %mul3A_63, %add3A_91 : i32
      %dma_wait3A = arith.constant 0 : i32
      %dma_wait3A_93 = tpu.memref_slice %arg5[%add3A_92, %dma_wait3A] : memref<232x128xi32, #tpu.memory_space<vmem>> -> memref<1x128xi32, #tpu.memory_space<vmem>>
      %dma_wait3A_94 = tpu.memref_squeeze %dma_wait3A_93 : memref<1x128xi32, #tpu.memory_space<vmem>> -> memref<128xi32, #tpu.memory_space<vmem>>
      %dma_wait3A_95 = arith.constant 0 : i32
      %dma_wait3A_96 = tpu.memref_slice %arg7[%dma_wait3A_95] : memref<50048xf32, #tpu.memory_space<vmem_shared>> -> memref<50048xf32, #tpu.memory_space<vmem_shared>>
      tpu.wait_indirect_dma semaphore(%arg8 : memref<!tpu.dma_semaphore, #tpu.memory_space<semaphore_mem>>) src(%arg6 : memref<128xf32, #tpu.memory_space<vmem>>) dst(%dma_wait3A_96 : memref<50048xf32, #tpu.memory_space<vmem_shared>>)
      %add3A_97 = arith.constant 1 : i32
      %add3A_98 = arith.addi %mul3A_63, %add3A_97 : i32
      %dma_wait3A_99 = arith.constant 0 : i32
      %dma_wait3A_100 = tpu.memref_slice %arg5[%add3A_98, %dma_wait3A_99] : memref<232x128xi32, #tpu.memory_space<vmem>> -> memref<1x128xi32, #tpu.memory_space<vmem>>
      %dma_wait3A_101 = tpu.memref_squeeze %dma_wait3A_100 : memref<1x128xi32, #tpu.memory_space<vmem>> -> memref<128xi32, #tpu.memory_space<vmem>>
      %dma_wait3A_102 = arith.constant 0 : i32
      %dma_wait3A_103 = tpu.memref_slice %arg7[%dma_wait3A_102] : memref<50048xf32, #tpu.memory_space<vmem_shared>> -> memref<50048xf32, #tpu.memory_space<vmem_shared>>
      tpu.wait_indirect_dma semaphore(%arg9 : memref<!tpu.dma_semaphore, #tpu.memory_space<semaphore_mem>>) src(%arg6 : memref<128xf32, #tpu.memory_space<vmem>>) dst(%dma_wait3A_103 : memref<50048xf32, #tpu.memory_space<vmem_shared>>)
      %add3A_104 = arith.constant 2 : i32
      %add3A_105 = arith.addi %mul3A_63, %add3A_104 : i32
      %dma_wait3A_106 = arith.constant 0 : i32
      %dma_wait3A_107 = tpu.memref_slice %arg5[%add3A_105, %dma_wait3A_106] : memref<232x128xi32, #tpu.memory_space<vmem>> -> memref<1x128xi32, #tpu.memory_space<vmem>>
      %dma_wait3A_108 = tpu.memref_squeeze %dma_wait3A_107 : memref<1x128xi32, #tpu.memory_space<vmem>> -> memref<128xi32, #tpu.memory_space<vmem>>
      %dma_wait3A_109 = arith.constant 0 : i32
      %dma_wait3A_110 = tpu.memref_slice %arg7[%dma_wait3A_109] : memref<50048xf32, #tpu.memory_space<vmem_shared>> -> memref<50048xf32, #tpu.memory_space<vmem_shared>>
      tpu.wait_indirect_dma semaphore(%arg10 : memref<!tpu.dma_semaphore, #tpu.memory_space<semaphore_mem>>) src(%arg6 : memref<128xf32, #tpu.memory_space<vmem>>) dst(%dma_wait3A_110 : memref<50048xf32, #tpu.memory_space<vmem_shared>>)
      %add3A_111 = arith.constant 3 : i32
      %add3A_112 = arith.addi %mul3A_63, %add3A_111 : i32
      %dma_wait3A_113 = arith.constant 0 : i32
      %dma_wait3A_114 = tpu.memref_slice %arg5[%add3A_112, %dma_wait3A_113] : memref<232x128xi32, #tpu.memory_space<vmem>> -> memref<1x128xi32, #tpu.memory_space<vmem>>
      %dma_wait3A_115 = tpu.memref_squeeze %dma_wait3A_114 : memref<1x128xi32, #tpu.memory_space<vmem>> -> memref<128xi32, #tpu.memory_space<vmem>>
      %dma_wait3A_116 = arith.constant 0 : i32
      %dma_wait3A_117 = tpu.memref_slice %arg7[%dma_wait3A_116] : memref<50048xf32, #tpu.memory_space<vmem_shared>> -> memref<50048xf32, #tpu.memory_space<vmem_shared>>
      tpu.wait_indirect_dma semaphore(%arg11 : memref<!tpu.dma_semaphore, #tpu.memory_space<semaphore_mem>>) src(%arg6 : memref<128xf32, #tpu.memory_space<vmem>>) dst(%dma_wait3A_117 : memref<50048xf32, #tpu.memory_space<vmem_shared>>)
    }
    %barrier3A_60 = arith.constant 0 : index
    tpu.barrier barrier_id(%barrier3A_60)
    "tpu.region"() ({
      %run_scoped3A = tpu.sem_alloc : memref<!tpu.dma_semaphore, #tpu.memory_space<semaphore_mem>>
      %dma_start3A = tpu.memref_slice %arg4[%arg0, %mul3A_2] : memref<2x50048xf32, #tpu.memory_space<hbm>> -> memref<1x3128xf32, #tpu.memory_space<hbm>>
      %dma_start3A_61 = tpu.memref_squeeze %dma_start3A : memref<1x3128xf32, #tpu.memory_space<hbm>> -> memref<3128xf32, #tpu.memory_space<hbm>>
      %dma_start3A_62 = tpu.memref_slice %arg7[%mul3A_2] : memref<50048xf32, #tpu.memory_space<vmem_shared>> -> memref<3128xf32, #tpu.memory_space<vmem_shared>>
      tpu.enqueue_dma source(%dma_start3A_62 : memref<3128xf32, #tpu.memory_space<vmem_shared>>) target(%dma_start3A_61 : memref<3128xf32, #tpu.memory_space<hbm>>) target_semaphore(%run_scoped3A : memref<!tpu.dma_semaphore, #tpu.memory_space<semaphore_mem>>)
      %dma_wait3A = tpu.memref_slice %arg4[%arg0, %mul3A_2] : memref<2x50048xf32, #tpu.memory_space<hbm>> -> memref<1x3128xf32, #tpu.memory_space<hbm>>
      %dma_wait3A_63 = tpu.memref_squeeze %dma_wait3A : memref<1x3128xf32, #tpu.memory_space<hbm>> -> memref<3128xf32, #tpu.memory_space<hbm>>
      %dma_wait3A_64 = tpu.memref_slice %arg7[%mul3A_2] : memref<50048xf32, #tpu.memory_space<vmem_shared>> -> memref<3128xf32, #tpu.memory_space<vmem_shared>>
      tpu.wait_dma2 semaphore(%run_scoped3A : memref<!tpu.dma_semaphore, #tpu.memory_space<semaphore_mem>>) src(%dma_wait3A_64 : memref<3128xf32, #tpu.memory_space<vmem_shared>>) dst(%dma_wait3A_63 : memref<3128xf32, #tpu.memory_space<hbm>>)
      tpu.yield
    }) : () -> ()
    return
  }
}

#map = affine_map<(d0, d1) -> (0, 0, 0)>
#map1 = affine_map<(d0, d1) -> (0, 0)>
module attributes {stable_mosaic.version = 14 : i64} {
  func.func @prop(%arg0: i32, %arg1: i32, %arg2: memref<32x232x128xi32, #tpu.memory_space<hbm>>, %arg3: memref<32x232x128xi32, #tpu.memory_space<hbm>>, %arg4: memref<50048x16xf32, #tpu.memory_space<hbm>>, %arg5: memref<50048x16xf32, #tpu.memory_space<hbm>>, %arg6: memref<2x50048x16xf32, #tpu.memory_space<hbm>>, %arg7: memref<232x128xi32, #tpu.memory_space<vmem>>, %arg8: memref<232x128xi32, #tpu.memory_space<vmem>>, %arg9: memref<50048x16xf32, #tpu.memory_space<vmem_shared>>, %arg10: memref<128x16xf32, #tpu.memory_space<vmem>>, %arg11: memref<128x16xf32, #tpu.memory_space<vmem>>, %arg12: memref<128x16xf32, #tpu.memory_space<vmem>>, %arg13: memref<128x16xf32, #tpu.memory_space<vmem>>, %arg14: memref<!tpu.dma_semaphore, #tpu.memory_space<semaphore_mem>>, %arg15: memref<!tpu.dma_semaphore, #tpu.memory_space<semaphore_mem>>, %arg16: memref<!tpu.dma_semaphore, #tpu.memory_space<semaphore_mem>>, %arg17: memref<!tpu.dma_semaphore, #tpu.memory_space<semaphore_mem>>, %arg18: memref<!tpu.dma_semaphore, #tpu.memory_space<semaphore_mem>>, %arg19: memref<!tpu.dma_semaphore, #tpu.memory_space<semaphore_mem>>, %arg20: memref<!tpu.dma_semaphore, #tpu.memory_space<semaphore_mem>>, %arg21: memref<!tpu.dma_semaphore, #tpu.memory_space<semaphore_mem>>) attributes {dimension_semantics = [#tpu.dimension_semantics<core_parallel>, #tpu.dimension_semantics<subcore_parallel>], iteration_bounds = array<i64: 2, 16>, scalar_prefetch = 0 : i64, scratch_operands = 15 : i64, tpu.core_type = #tpu.core_type<sc_vector_subcore>, window_params = [{transform_indices = #map}, {transform_indices = #map}, {transform_indices = #map1}, {transform_indices = #map1}, {transform_indices = #map}]} {
    %mul3A = arith.constant 16 : i32
    %mul3A_0 = arith.muli %arg0, %mul3A : i32
    %add3A = arith.addi %mul3A_0, %arg1 : i32
    %mul3A_1 = arith.constant 3128 : i32
    %mul3A_2 = arith.muli %arg1, %mul3A_1 : i32
    %eq3A = arith.constant 0 : i32
    %eq3A_3 = arith.cmpi eq, %arg0, %eq3A : i32
    %jit3A = arith.constant 40 : i32
    %jit3A_4 = arith.constant 58 : i32
    %select_n3A = arith.select %eq3A_3, %jit3A, %jit3A_4 : i32
    "tpu.region"() ({
      %run_scoped3A = tpu.sem_alloc : memref<!tpu.dma_semaphore, #tpu.memory_space<semaphore_mem>>
      %dma_start3A_142 = arith.constant 0 : i32
      %dma_start3A_143 = tpu.memref_slice %arg9[%mul3A_2, %dma_start3A_142] : memref<50048x16xf32, #tpu.memory_space<vmem_shared>> -> memref<3128x16xf32, #tpu.memory_space<vmem_shared>>
      %dma_start3A_144 = arith.constant 0 : i32
      %dma_start3A_145 = tpu.memref_slice %arg5[%mul3A_2, %dma_start3A_144] : memref<50048x16xf32, #tpu.memory_space<hbm>> -> memref<3128x16xf32, #tpu.memory_space<hbm>>
      tpu.enqueue_dma source(%dma_start3A_145 : memref<3128x16xf32, #tpu.memory_space<hbm>>) target(%dma_start3A_143 : memref<3128x16xf32, #tpu.memory_space<vmem_shared>>) target_semaphore(%run_scoped3A : memref<!tpu.dma_semaphore, #tpu.memory_space<semaphore_mem>>)
      %dma_wait3A_146 = arith.constant 0 : i32
      %dma_wait3A_147 = tpu.memref_slice %arg9[%mul3A_2, %dma_wait3A_146] : memref<50048x16xf32, #tpu.memory_space<vmem_shared>> -> memref<3128x16xf32, #tpu.memory_space<vmem_shared>>
      %dma_wait3A_148 = arith.constant 0 : i32
      %dma_wait3A_149 = tpu.memref_slice %arg5[%mul3A_2, %dma_wait3A_148] : memref<50048x16xf32, #tpu.memory_space<hbm>> -> memref<3128x16xf32, #tpu.memory_space<hbm>>
      tpu.wait_dma2 semaphore(%run_scoped3A : memref<!tpu.dma_semaphore, #tpu.memory_space<semaphore_mem>>) src(%dma_wait3A_149 : memref<3128x16xf32, #tpu.memory_space<hbm>>) dst(%dma_wait3A_147 : memref<3128x16xf32, #tpu.memory_space<vmem_shared>>)
      tpu.yield
    }) : () -> ()
    "tpu.region"() ({
      %run_scoped3A = tpu.sem_alloc : memref<!tpu.dma_semaphore, #tpu.memory_space<semaphore_mem>>
      %dma_start3A_142 = arith.constant 0 : i32
      %dma_start3A_143 = arith.constant 0 : i32
      %dma_start3A_144 = tpu.memref_slice %arg2[%add3A, %dma_start3A_142, %dma_start3A_143] : memref<32x232x128xi32, #tpu.memory_space<hbm>> -> memref<1x232x128xi32, #tpu.memory_space<hbm>>
      %dma_start3A_145 = tpu.memref_squeeze %dma_start3A_144 : memref<1x232x128xi32, #tpu.memory_space<hbm>> -> memref<232x128xi32, #tpu.memory_space<hbm>>
      %dma_start3A_146 = arith.constant 0 : i32
      %dma_start3A_147 = arith.constant 0 : i32
      %dma_start3A_148 = tpu.memref_slice %arg2[%add3A, %dma_start3A_146, %dma_start3A_147] : memref<32x232x128xi32, #tpu.memory_space<hbm>> -> memref<1x232x128xi32, #tpu.memory_space<hbm>>
      %dma_start3A_149 = tpu.memref_squeeze %dma_start3A_148 : memref<1x232x128xi32, #tpu.memory_space<hbm>> -> memref<232x128xi32, #tpu.memory_space<hbm>>
      tpu.enqueue_dma source(%dma_start3A_149 : memref<232x128xi32, #tpu.memory_space<hbm>>) target(%arg7 : memref<232x128xi32, #tpu.memory_space<vmem>>) target_semaphore(%run_scoped3A : memref<!tpu.dma_semaphore, #tpu.memory_space<semaphore_mem>>)
      %dma_wait3A_150 = arith.constant 0 : i32
      %dma_wait3A_151 = arith.constant 0 : i32
      %dma_wait3A_152 = tpu.memref_slice %arg2[%add3A, %dma_wait3A_150, %dma_wait3A_151] : memref<32x232x128xi32, #tpu.memory_space<hbm>> -> memref<1x232x128xi32, #tpu.memory_space<hbm>>
      %dma_wait3A_153 = tpu.memref_squeeze %dma_wait3A_152 : memref<1x232x128xi32, #tpu.memory_space<hbm>> -> memref<232x128xi32, #tpu.memory_space<hbm>>
      %dma_wait3A_154 = arith.constant 0 : i32
      %dma_wait3A_155 = arith.constant 0 : i32
      %dma_wait3A_156 = tpu.memref_slice %arg2[%add3A, %dma_wait3A_154, %dma_wait3A_155] : memref<32x232x128xi32, #tpu.memory_space<hbm>> -> memref<1x232x128xi32, #tpu.memory_space<hbm>>
      %dma_wait3A_157 = tpu.memref_squeeze %dma_wait3A_156 : memref<1x232x128xi32, #tpu.memory_space<hbm>> -> memref<232x128xi32, #tpu.memory_space<hbm>>
      tpu.wait_dma2 semaphore(%run_scoped3A : memref<!tpu.dma_semaphore, #tpu.memory_space<semaphore_mem>>) src(%dma_wait3A_157 : memref<232x128xi32, #tpu.memory_space<hbm>>) dst(%arg7 : memref<232x128xi32, #tpu.memory_space<vmem>>)
      tpu.yield
    }) : () -> ()
    "tpu.region"() ({
      %run_scoped3A = tpu.sem_alloc : memref<!tpu.dma_semaphore, #tpu.memory_space<semaphore_mem>>
      %dma_start3A_142 = arith.constant 0 : i32
      %dma_start3A_143 = arith.constant 0 : i32
      %dma_start3A_144 = tpu.memref_slice %arg3[%add3A, %dma_start3A_142, %dma_start3A_143] : memref<32x232x128xi32, #tpu.memory_space<hbm>> -> memref<1x232x128xi32, #tpu.memory_space<hbm>>
      %dma_start3A_145 = tpu.memref_squeeze %dma_start3A_144 : memref<1x232x128xi32, #tpu.memory_space<hbm>> -> memref<232x128xi32, #tpu.memory_space<hbm>>
      %dma_start3A_146 = arith.constant 0 : i32
      %dma_start3A_147 = arith.constant 0 : i32
      %dma_start3A_148 = tpu.memref_slice %arg3[%add3A, %dma_start3A_146, %dma_start3A_147] : memref<32x232x128xi32, #tpu.memory_space<hbm>> -> memref<1x232x128xi32, #tpu.memory_space<hbm>>
      %dma_start3A_149 = tpu.memref_squeeze %dma_start3A_148 : memref<1x232x128xi32, #tpu.memory_space<hbm>> -> memref<232x128xi32, #tpu.memory_space<hbm>>
      tpu.enqueue_dma source(%dma_start3A_149 : memref<232x128xi32, #tpu.memory_space<hbm>>) target(%arg8 : memref<232x128xi32, #tpu.memory_space<vmem>>) target_semaphore(%run_scoped3A : memref<!tpu.dma_semaphore, #tpu.memory_space<semaphore_mem>>)
      %dma_wait3A_150 = arith.constant 0 : i32
      %dma_wait3A_151 = arith.constant 0 : i32
      %dma_wait3A_152 = tpu.memref_slice %arg3[%add3A, %dma_wait3A_150, %dma_wait3A_151] : memref<32x232x128xi32, #tpu.memory_space<hbm>> -> memref<1x232x128xi32, #tpu.memory_space<hbm>>
      %dma_wait3A_153 = tpu.memref_squeeze %dma_wait3A_152 : memref<1x232x128xi32, #tpu.memory_space<hbm>> -> memref<232x128xi32, #tpu.memory_space<hbm>>
      %dma_wait3A_154 = arith.constant 0 : i32
      %dma_wait3A_155 = arith.constant 0 : i32
      %dma_wait3A_156 = tpu.memref_slice %arg3[%add3A, %dma_wait3A_154, %dma_wait3A_155] : memref<32x232x128xi32, #tpu.memory_space<hbm>> -> memref<1x232x128xi32, #tpu.memory_space<hbm>>
      %dma_wait3A_157 = tpu.memref_squeeze %dma_wait3A_156 : memref<1x232x128xi32, #tpu.memory_space<hbm>> -> memref<232x128xi32, #tpu.memory_space<hbm>>
      tpu.wait_dma2 semaphore(%run_scoped3A : memref<!tpu.dma_semaphore, #tpu.memory_space<semaphore_mem>>) src(%dma_wait3A_157 : memref<232x128xi32, #tpu.memory_space<hbm>>) dst(%arg8 : memref<232x128xi32, #tpu.memory_space<vmem>>)
      tpu.yield
    }) : () -> ()
    %barrier3A = arith.constant 0 : index
    tpu.barrier barrier_id(%barrier3A)
    %dma_start3A = arith.constant 0 : i32
    %dma_start3A_5 = arith.constant 0 : i32
    %dma_start3A_6 = tpu.memref_slice %arg7[%dma_start3A, %dma_start3A_5] : memref<232x128xi32, #tpu.memory_space<vmem>> -> memref<1x128xi32, #tpu.memory_space<vmem>>
    %dma_start3A_7 = tpu.memref_squeeze %dma_start3A_6 : memref<1x128xi32, #tpu.memory_space<vmem>> -> memref<128xi32, #tpu.memory_space<vmem>>
    %dma_start3A_8 = arith.constant 0 : i32
    %dma_start3A_9 = arith.constant 0 : i32
    %dma_start3A_10 = tpu.memref_slice %arg4[%dma_start3A_8, %dma_start3A_9] : memref<50048x16xf32, #tpu.memory_space<hbm>> -> memref<50048x16xf32, #tpu.memory_space<hbm>>
    tpu.enqueue_indirect_dma source(%dma_start3A_10 : memref<50048x16xf32, #tpu.memory_space<hbm>>) target(%arg10 : memref<128x16xf32, #tpu.memory_space<vmem>>) offsets(%dma_start3A_7 : memref<128xi32, #tpu.memory_space<vmem>>) semaphore(%arg14 : memref<!tpu.dma_semaphore, #tpu.memory_space<semaphore_mem>>)
    %dma_start3A_11 = arith.constant 1 : i32
    %dma_start3A_12 = arith.constant 0 : i32
    %dma_start3A_13 = tpu.memref_slice %arg7[%dma_start3A_11, %dma_start3A_12] : memref<232x128xi32, #tpu.memory_space<vmem>> -> memref<1x128xi32, #tpu.memory_space<vmem>>
    %dma_start3A_14 = tpu.memref_squeeze %dma_start3A_13 : memref<1x128xi32, #tpu.memory_space<vmem>> -> memref<128xi32, #tpu.memory_space<vmem>>
    %dma_start3A_15 = arith.constant 0 : i32
    %dma_start3A_16 = arith.constant 0 : i32
    %dma_start3A_17 = tpu.memref_slice %arg4[%dma_start3A_15, %dma_start3A_16] : memref<50048x16xf32, #tpu.memory_space<hbm>> -> memref<50048x16xf32, #tpu.memory_space<hbm>>
    tpu.enqueue_indirect_dma source(%dma_start3A_17 : memref<50048x16xf32, #tpu.memory_space<hbm>>) target(%arg11 : memref<128x16xf32, #tpu.memory_space<vmem>>) offsets(%dma_start3A_14 : memref<128xi32, #tpu.memory_space<vmem>>) semaphore(%arg15 : memref<!tpu.dma_semaphore, #tpu.memory_space<semaphore_mem>>)
    %dma_start3A_18 = arith.constant 2 : i32
    %dma_start3A_19 = arith.constant 0 : i32
    %dma_start3A_20 = tpu.memref_slice %arg7[%dma_start3A_18, %dma_start3A_19] : memref<232x128xi32, #tpu.memory_space<vmem>> -> memref<1x128xi32, #tpu.memory_space<vmem>>
    %dma_start3A_21 = tpu.memref_squeeze %dma_start3A_20 : memref<1x128xi32, #tpu.memory_space<vmem>> -> memref<128xi32, #tpu.memory_space<vmem>>
    %dma_start3A_22 = arith.constant 0 : i32
    %dma_start3A_23 = arith.constant 0 : i32
    %dma_start3A_24 = tpu.memref_slice %arg4[%dma_start3A_22, %dma_start3A_23] : memref<50048x16xf32, #tpu.memory_space<hbm>> -> memref<50048x16xf32, #tpu.memory_space<hbm>>
    tpu.enqueue_indirect_dma source(%dma_start3A_24 : memref<50048x16xf32, #tpu.memory_space<hbm>>) target(%arg12 : memref<128x16xf32, #tpu.memory_space<vmem>>) offsets(%dma_start3A_21 : memref<128xi32, #tpu.memory_space<vmem>>) semaphore(%arg16 : memref<!tpu.dma_semaphore, #tpu.memory_space<semaphore_mem>>)
    %dma_start3A_25 = arith.constant 3 : i32
    %dma_start3A_26 = arith.constant 0 : i32
    %dma_start3A_27 = tpu.memref_slice %arg7[%dma_start3A_25, %dma_start3A_26] : memref<232x128xi32, #tpu.memory_space<vmem>> -> memref<1x128xi32, #tpu.memory_space<vmem>>
    %dma_start3A_28 = tpu.memref_squeeze %dma_start3A_27 : memref<1x128xi32, #tpu.memory_space<vmem>> -> memref<128xi32, #tpu.memory_space<vmem>>
    %dma_start3A_29 = arith.constant 0 : i32
    %dma_start3A_30 = arith.constant 0 : i32
    %dma_start3A_31 = tpu.memref_slice %arg4[%dma_start3A_29, %dma_start3A_30] : memref<50048x16xf32, #tpu.memory_space<hbm>> -> memref<50048x16xf32, #tpu.memory_space<hbm>>
    tpu.enqueue_indirect_dma source(%dma_start3A_31 : memref<50048x16xf32, #tpu.memory_space<hbm>>) target(%arg13 : memref<128x16xf32, #tpu.memory_space<vmem>>) offsets(%dma_start3A_28 : memref<128xi32, #tpu.memory_space<vmem>>) semaphore(%arg17 : memref<!tpu.dma_semaphore, #tpu.memory_space<semaphore_mem>>)
    %sub3A = arith.constant 1 : i32
    %sub3A_32 = arith.subi %select_n3A, %sub3A : i32
    %while3A = arith.constant 0 : i32
    %while3A_33 = arith.constant 0 : i32
    %while3A_34 = arith.subi %sub3A_32, %while3A_33 : i32
    %while3A_35 = arith.addi %while3A_33, %while3A_34 : i32
    %while3A_36 = arith.constant 1 : i32
    %while3A_37 = arith.divsi %while3A_34, %while3A_36 : i32
    %while3A_38 = arith.muli %while3A_37, %while3A_36 : i32
    %while3A_39 = arith.addi %while3A_33, %while3A_38 : i32
    %while3A_40 = arith.constant 1 : i32
    scf.for %while3A_142 = %while3A_33 to %while3A_39 step %while3A_40  : i32 {
      %mul3A_143 = arith.constant 4 : i32
      %mul3A_144 = arith.muli %while3A_142, %mul3A_143 : i32
      %add3A_145 = arith.constant 0 : i32
      %add3A_146 = arith.addi %mul3A_144, %add3A_145 : i32
      %dma_wait3A_147 = arith.constant 0 : i32
      %dma_wait3A_148 = tpu.memref_slice %arg7[%add3A_146, %dma_wait3A_147] : memref<232x128xi32, #tpu.memory_space<vmem>> -> memref<1x128xi32, #tpu.memory_space<vmem>>
      %dma_wait3A_149 = tpu.memref_squeeze %dma_wait3A_148 : memref<1x128xi32, #tpu.memory_space<vmem>> -> memref<128xi32, #tpu.memory_space<vmem>>
      %dma_wait3A_150 = arith.constant 0 : i32
      %dma_wait3A_151 = arith.constant 0 : i32
      %dma_wait3A_152 = tpu.memref_slice %arg4[%dma_wait3A_150, %dma_wait3A_151] : memref<50048x16xf32, #tpu.memory_space<hbm>> -> memref<50048x16xf32, #tpu.memory_space<hbm>>
      tpu.wait_indirect_dma semaphore(%arg14 : memref<!tpu.dma_semaphore, #tpu.memory_space<semaphore_mem>>) src(%dma_wait3A_152 : memref<50048x16xf32, #tpu.memory_space<hbm>>) dst(%arg10 : memref<128x16xf32, #tpu.memory_space<vmem>>)
      %add3A_153 = arith.constant 0 : i32
      %add3A_154 = arith.addi %mul3A_144, %add3A_153 : i32
      %dma_start3A_155 = arith.constant 0 : i32
      %dma_start3A_156 = tpu.memref_slice %arg8[%add3A_154, %dma_start3A_155] : memref<232x128xi32, #tpu.memory_space<vmem>> -> memref<1x128xi32, #tpu.memory_space<vmem>>
      %dma_start3A_157 = tpu.memref_squeeze %dma_start3A_156 : memref<1x128xi32, #tpu.memory_space<vmem>> -> memref<128xi32, #tpu.memory_space<vmem>>
      %dma_start3A_158 = arith.constant 0 : i32
      %dma_start3A_159 = arith.constant 0 : i32
      %dma_start3A_160 = tpu.memref_slice %arg9[%dma_start3A_158, %dma_start3A_159] : memref<50048x16xf32, #tpu.memory_space<vmem_shared>> -> memref<50048x16xf32, #tpu.memory_space<vmem_shared>>
      tpu.enqueue_indirect_dma source(%arg10 : memref<128x16xf32, #tpu.memory_space<vmem>>) target(%dma_start3A_160 : memref<50048x16xf32, #tpu.memory_space<vmem_shared>>) offsets(%dma_start3A_157 : memref<128xi32, #tpu.memory_space<vmem>>) semaphore(%arg18 : memref<!tpu.dma_semaphore, #tpu.memory_space<semaphore_mem>>) {add = true}
      %add3A_161 = arith.constant 1 : i32
      %add3A_162 = arith.addi %mul3A_144, %add3A_161 : i32
      %dma_wait3A_163 = arith.constant 0 : i32
      %dma_wait3A_164 = tpu.memref_slice %arg7[%add3A_162, %dma_wait3A_163] : memref<232x128xi32, #tpu.memory_space<vmem>> -> memref<1x128xi32, #tpu.memory_space<vmem>>
      %dma_wait3A_165 = tpu.memref_squeeze %dma_wait3A_164 : memref<1x128xi32, #tpu.memory_space<vmem>> -> memref<128xi32, #tpu.memory_space<vmem>>
      %dma_wait3A_166 = arith.constant 0 : i32
      %dma_wait3A_167 = arith.constant 0 : i32
      %dma_wait3A_168 = tpu.memref_slice %arg4[%dma_wait3A_166, %dma_wait3A_167] : memref<50048x16xf32, #tpu.memory_space<hbm>> -> memref<50048x16xf32, #tpu.memory_space<hbm>>
      tpu.wait_indirect_dma semaphore(%arg15 : memref<!tpu.dma_semaphore, #tpu.memory_space<semaphore_mem>>) src(%dma_wait3A_168 : memref<50048x16xf32, #tpu.memory_space<hbm>>) dst(%arg11 : memref<128x16xf32, #tpu.memory_space<vmem>>)
      %add3A_169 = arith.constant 1 : i32
      %add3A_170 = arith.addi %mul3A_144, %add3A_169 : i32
      %dma_start3A_171 = arith.constant 0 : i32
      %dma_start3A_172 = tpu.memref_slice %arg8[%add3A_170, %dma_start3A_171] : memref<232x128xi32, #tpu.memory_space<vmem>> -> memref<1x128xi32, #tpu.memory_space<vmem>>
      %dma_start3A_173 = tpu.memref_squeeze %dma_start3A_172 : memref<1x128xi32, #tpu.memory_space<vmem>> -> memref<128xi32, #tpu.memory_space<vmem>>
      %dma_start3A_174 = arith.constant 0 : i32
      %dma_start3A_175 = arith.constant 0 : i32
      %dma_start3A_176 = tpu.memref_slice %arg9[%dma_start3A_174, %dma_start3A_175] : memref<50048x16xf32, #tpu.memory_space<vmem_shared>> -> memref<50048x16xf32, #tpu.memory_space<vmem_shared>>
      tpu.enqueue_indirect_dma source(%arg11 : memref<128x16xf32, #tpu.memory_space<vmem>>) target(%dma_start3A_176 : memref<50048x16xf32, #tpu.memory_space<vmem_shared>>) offsets(%dma_start3A_173 : memref<128xi32, #tpu.memory_space<vmem>>) semaphore(%arg19 : memref<!tpu.dma_semaphore, #tpu.memory_space<semaphore_mem>>) {add = true}
      %add3A_177 = arith.constant 2 : i32
      %add3A_178 = arith.addi %mul3A_144, %add3A_177 : i32
      %dma_wait3A_179 = arith.constant 0 : i32
      %dma_wait3A_180 = tpu.memref_slice %arg7[%add3A_178, %dma_wait3A_179] : memref<232x128xi32, #tpu.memory_space<vmem>> -> memref<1x128xi32, #tpu.memory_space<vmem>>
      %dma_wait3A_181 = tpu.memref_squeeze %dma_wait3A_180 : memref<1x128xi32, #tpu.memory_space<vmem>> -> memref<128xi32, #tpu.memory_space<vmem>>
      %dma_wait3A_182 = arith.constant 0 : i32
      %dma_wait3A_183 = arith.constant 0 : i32
      %dma_wait3A_184 = tpu.memref_slice %arg4[%dma_wait3A_182, %dma_wait3A_183] : memref<50048x16xf32, #tpu.memory_space<hbm>> -> memref<50048x16xf32, #tpu.memory_space<hbm>>
      tpu.wait_indirect_dma semaphore(%arg16 : memref<!tpu.dma_semaphore, #tpu.memory_space<semaphore_mem>>) src(%dma_wait3A_184 : memref<50048x16xf32, #tpu.memory_space<hbm>>) dst(%arg12 : memref<128x16xf32, #tpu.memory_space<vmem>>)
      %add3A_185 = arith.constant 2 : i32
      %add3A_186 = arith.addi %mul3A_144, %add3A_185 : i32
      %dma_start3A_187 = arith.constant 0 : i32
      %dma_start3A_188 = tpu.memref_slice %arg8[%add3A_186, %dma_start3A_187] : memref<232x128xi32, #tpu.memory_space<vmem>> -> memref<1x128xi32, #tpu.memory_space<vmem>>
      %dma_start3A_189 = tpu.memref_squeeze %dma_start3A_188 : memref<1x128xi32, #tpu.memory_space<vmem>> -> memref<128xi32, #tpu.memory_space<vmem>>
      %dma_start3A_190 = arith.constant 0 : i32
      %dma_start3A_191 = arith.constant 0 : i32
      %dma_start3A_192 = tpu.memref_slice %arg9[%dma_start3A_190, %dma_start3A_191] : memref<50048x16xf32, #tpu.memory_space<vmem_shared>> -> memref<50048x16xf32, #tpu.memory_space<vmem_shared>>
      tpu.enqueue_indirect_dma source(%arg12 : memref<128x16xf32, #tpu.memory_space<vmem>>) target(%dma_start3A_192 : memref<50048x16xf32, #tpu.memory_space<vmem_shared>>) offsets(%dma_start3A_189 : memref<128xi32, #tpu.memory_space<vmem>>) semaphore(%arg20 : memref<!tpu.dma_semaphore, #tpu.memory_space<semaphore_mem>>) {add = true}
      %add3A_193 = arith.constant 3 : i32
      %add3A_194 = arith.addi %mul3A_144, %add3A_193 : i32
      %dma_wait3A_195 = arith.constant 0 : i32
      %dma_wait3A_196 = tpu.memref_slice %arg7[%add3A_194, %dma_wait3A_195] : memref<232x128xi32, #tpu.memory_space<vmem>> -> memref<1x128xi32, #tpu.memory_space<vmem>>
      %dma_wait3A_197 = tpu.memref_squeeze %dma_wait3A_196 : memref<1x128xi32, #tpu.memory_space<vmem>> -> memref<128xi32, #tpu.memory_space<vmem>>
      %dma_wait3A_198 = arith.constant 0 : i32
      %dma_wait3A_199 = arith.constant 0 : i32
      %dma_wait3A_200 = tpu.memref_slice %arg4[%dma_wait3A_198, %dma_wait3A_199] : memref<50048x16xf32, #tpu.memory_space<hbm>> -> memref<50048x16xf32, #tpu.memory_space<hbm>>
      tpu.wait_indirect_dma semaphore(%arg17 : memref<!tpu.dma_semaphore, #tpu.memory_space<semaphore_mem>>) src(%dma_wait3A_200 : memref<50048x16xf32, #tpu.memory_space<hbm>>) dst(%arg13 : memref<128x16xf32, #tpu.memory_space<vmem>>)
      %add3A_201 = arith.constant 3 : i32
      %add3A_202 = arith.addi %mul3A_144, %add3A_201 : i32
      %dma_start3A_203 = arith.constant 0 : i32
      %dma_start3A_204 = tpu.memref_slice %arg8[%add3A_202, %dma_start3A_203] : memref<232x128xi32, #tpu.memory_space<vmem>> -> memref<1x128xi32, #tpu.memory_space<vmem>>
      %dma_start3A_205 = tpu.memref_squeeze %dma_start3A_204 : memref<1x128xi32, #tpu.memory_space<vmem>> -> memref<128xi32, #tpu.memory_space<vmem>>
      %dma_start3A_206 = arith.constant 0 : i32
      %dma_start3A_207 = arith.constant 0 : i32
      %dma_start3A_208 = tpu.memref_slice %arg9[%dma_start3A_206, %dma_start3A_207] : memref<50048x16xf32, #tpu.memory_space<vmem_shared>> -> memref<50048x16xf32, #tpu.memory_space<vmem_shared>>
      tpu.enqueue_indirect_dma source(%arg13 : memref<128x16xf32, #tpu.memory_space<vmem>>) target(%dma_start3A_208 : memref<50048x16xf32, #tpu.memory_space<vmem_shared>>) offsets(%dma_start3A_205 : memref<128xi32, #tpu.memory_space<vmem>>) semaphore(%arg21 : memref<!tpu.dma_semaphore, #tpu.memory_space<semaphore_mem>>) {add = true}
      %add3A_209 = arith.constant 0 : i32
      %add3A_210 = arith.addi %mul3A_144, %add3A_209 : i32
      %dma_wait3A_211 = arith.constant 0 : i32
      %dma_wait3A_212 = tpu.memref_slice %arg8[%add3A_210, %dma_wait3A_211] : memref<232x128xi32, #tpu.memory_space<vmem>> -> memref<1x128xi32, #tpu.memory_space<vmem>>
      %dma_wait3A_213 = tpu.memref_squeeze %dma_wait3A_212 : memref<1x128xi32, #tpu.memory_space<vmem>> -> memref<128xi32, #tpu.memory_space<vmem>>
      %dma_wait3A_214 = arith.constant 0 : i32
      %dma_wait3A_215 = arith.constant 0 : i32
      %dma_wait3A_216 = tpu.memref_slice %arg9[%dma_wait3A_214, %dma_wait3A_215] : memref<50048x16xf32, #tpu.memory_space<vmem_shared>> -> memref<50048x16xf32, #tpu.memory_space<vmem_shared>>
      tpu.wait_indirect_dma semaphore(%arg18 : memref<!tpu.dma_semaphore, #tpu.memory_space<semaphore_mem>>) src(%arg10 : memref<128x16xf32, #tpu.memory_space<vmem>>) dst(%dma_wait3A_216 : memref<50048x16xf32, #tpu.memory_space<vmem_shared>>)
      %add3A_217 = arith.constant 4 : i32
      %add3A_218 = arith.addi %mul3A_144, %add3A_217 : i32
      %add3A_219 = arith.constant 0 : i32
      %add3A_220 = arith.addi %add3A_218, %add3A_219 : i32
      %dma_start3A_221 = arith.constant 0 : i32
      %dma_start3A_222 = tpu.memref_slice %arg7[%add3A_220, %dma_start3A_221] : memref<232x128xi32, #tpu.memory_space<vmem>> -> memref<1x128xi32, #tpu.memory_space<vmem>>
      %dma_start3A_223 = tpu.memref_squeeze %dma_start3A_222 : memref<1x128xi32, #tpu.memory_space<vmem>> -> memref<128xi32, #tpu.memory_space<vmem>>
      %dma_start3A_224 = arith.constant 0 : i32
      %dma_start3A_225 = arith.constant 0 : i32
      %dma_start3A_226 = tpu.memref_slice %arg4[%dma_start3A_224, %dma_start3A_225] : memref<50048x16xf32, #tpu.memory_space<hbm>> -> memref<50048x16xf32, #tpu.memory_space<hbm>>
      tpu.enqueue_indirect_dma source(%dma_start3A_226 : memref<50048x16xf32, #tpu.memory_space<hbm>>) target(%arg10 : memref<128x16xf32, #tpu.memory_space<vmem>>) offsets(%dma_start3A_223 : memref<128xi32, #tpu.memory_space<vmem>>) semaphore(%arg14 : memref<!tpu.dma_semaphore, #tpu.memory_space<semaphore_mem>>)
      %add3A_227 = arith.constant 1 : i32
      %add3A_228 = arith.addi %mul3A_144, %add3A_227 : i32
      %dma_wait3A_229 = arith.constant 0 : i32
      %dma_wait3A_230 = tpu.memref_slice %arg8[%add3A_228, %dma_wait3A_229] : memref<232x128xi32, #tpu.memory_space<vmem>> -> memref<1x128xi32, #tpu.memory_space<vmem>>
      %dma_wait3A_231 = tpu.memref_squeeze %dma_wait3A_230 : memref<1x128xi32, #tpu.memory_space<vmem>> -> memref<128xi32, #tpu.memory_space<vmem>>
      %dma_wait3A_232 = arith.constant 0 : i32
      %dma_wait3A_233 = arith.constant 0 : i32
      %dma_wait3A_234 = tpu.memref_slice %arg9[%dma_wait3A_232, %dma_wait3A_233] : memref<50048x16xf32, #tpu.memory_space<vmem_shared>> -> memref<50048x16xf32, #tpu.memory_space<vmem_shared>>
      tpu.wait_indirect_dma semaphore(%arg19 : memref<!tpu.dma_semaphore, #tpu.memory_space<semaphore_mem>>) src(%arg11 : memref<128x16xf32, #tpu.memory_space<vmem>>) dst(%dma_wait3A_234 : memref<50048x16xf32, #tpu.memory_space<vmem_shared>>)
      %add3A_235 = arith.constant 4 : i32
      %add3A_236 = arith.addi %mul3A_144, %add3A_235 : i32
      %add3A_237 = arith.constant 1 : i32
      %add3A_238 = arith.addi %add3A_236, %add3A_237 : i32
      %dma_start3A_239 = arith.constant 0 : i32
      %dma_start3A_240 = tpu.memref_slice %arg7[%add3A_238, %dma_start3A_239] : memref<232x128xi32, #tpu.memory_space<vmem>> -> memref<1x128xi32, #tpu.memory_space<vmem>>
      %dma_start3A_241 = tpu.memref_squeeze %dma_start3A_240 : memref<1x128xi32, #tpu.memory_space<vmem>> -> memref<128xi32, #tpu.memory_space<vmem>>
      %dma_start3A_242 = arith.constant 0 : i32
      %dma_start3A_243 = arith.constant 0 : i32
      %dma_start3A_244 = tpu.memref_slice %arg4[%dma_start3A_242, %dma_start3A_243] : memref<50048x16xf32, #tpu.memory_space<hbm>> -> memref<50048x16xf32, #tpu.memory_space<hbm>>
      tpu.enqueue_indirect_dma source(%dma_start3A_244 : memref<50048x16xf32, #tpu.memory_space<hbm>>) target(%arg11 : memref<128x16xf32, #tpu.memory_space<vmem>>) offsets(%dma_start3A_241 : memref<128xi32, #tpu.memory_space<vmem>>) semaphore(%arg15 : memref<!tpu.dma_semaphore, #tpu.memory_space<semaphore_mem>>)
      %add3A_245 = arith.constant 2 : i32
      %add3A_246 = arith.addi %mul3A_144, %add3A_245 : i32
      %dma_wait3A_247 = arith.constant 0 : i32
      %dma_wait3A_248 = tpu.memref_slice %arg8[%add3A_246, %dma_wait3A_247] : memref<232x128xi32, #tpu.memory_space<vmem>> -> memref<1x128xi32, #tpu.memory_space<vmem>>
      %dma_wait3A_249 = tpu.memref_squeeze %dma_wait3A_248 : memref<1x128xi32, #tpu.memory_space<vmem>> -> memref<128xi32, #tpu.memory_space<vmem>>
      %dma_wait3A_250 = arith.constant 0 : i32
      %dma_wait3A_251 = arith.constant 0 : i32
      %dma_wait3A_252 = tpu.memref_slice %arg9[%dma_wait3A_250, %dma_wait3A_251] : memref<50048x16xf32, #tpu.memory_space<vmem_shared>> -> memref<50048x16xf32, #tpu.memory_space<vmem_shared>>
      tpu.wait_indirect_dma semaphore(%arg20 : memref<!tpu.dma_semaphore, #tpu.memory_space<semaphore_mem>>) src(%arg12 : memref<128x16xf32, #tpu.memory_space<vmem>>) dst(%dma_wait3A_252 : memref<50048x16xf32, #tpu.memory_space<vmem_shared>>)
      %add3A_253 = arith.constant 4 : i32
      %add3A_254 = arith.addi %mul3A_144, %add3A_253 : i32
      %add3A_255 = arith.constant 2 : i32
      %add3A_256 = arith.addi %add3A_254, %add3A_255 : i32
      %dma_start3A_257 = arith.constant 0 : i32
      %dma_start3A_258 = tpu.memref_slice %arg7[%add3A_256, %dma_start3A_257] : memref<232x128xi32, #tpu.memory_space<vmem>> -> memref<1x128xi32, #tpu.memory_space<vmem>>
      %dma_start3A_259 = tpu.memref_squeeze %dma_start3A_258 : memref<1x128xi32, #tpu.memory_space<vmem>> -> memref<128xi32, #tpu.memory_space<vmem>>
      %dma_start3A_260 = arith.constant 0 : i32
      %dma_start3A_261 = arith.constant 0 : i32
      %dma_start3A_262 = tpu.memref_slice %arg4[%dma_start3A_260, %dma_start3A_261] : memref<50048x16xf32, #tpu.memory_space<hbm>> -> memref<50048x16xf32, #tpu.memory_space<hbm>>
      tpu.enqueue_indirect_dma source(%dma_start3A_262 : memref<50048x16xf32, #tpu.memory_space<hbm>>) target(%arg12 : memref<128x16xf32, #tpu.memory_space<vmem>>) offsets(%dma_start3A_259 : memref<128xi32, #tpu.memory_space<vmem>>) semaphore(%arg16 : memref<!tpu.dma_semaphore, #tpu.memory_space<semaphore_mem>>)
      %add3A_263 = arith.constant 3 : i32
      %add3A_264 = arith.addi %mul3A_144, %add3A_263 : i32
      %dma_wait3A_265 = arith.constant 0 : i32
      %dma_wait3A_266 = tpu.memref_slice %arg8[%add3A_264, %dma_wait3A_265] : memref<232x128xi32, #tpu.memory_space<vmem>> -> memref<1x128xi32, #tpu.memory_space<vmem>>
      %dma_wait3A_267 = tpu.memref_squeeze %dma_wait3A_266 : memref<1x128xi32, #tpu.memory_space<vmem>> -> memref<128xi32, #tpu.memory_space<vmem>>
      %dma_wait3A_268 = arith.constant 0 : i32
      %dma_wait3A_269 = arith.constant 0 : i32
      %dma_wait3A_270 = tpu.memref_slice %arg9[%dma_wait3A_268, %dma_wait3A_269] : memref<50048x16xf32, #tpu.memory_space<vmem_shared>> -> memref<50048x16xf32, #tpu.memory_space<vmem_shared>>
      tpu.wait_indirect_dma semaphore(%arg21 : memref<!tpu.dma_semaphore, #tpu.memory_space<semaphore_mem>>) src(%arg13 : memref<128x16xf32, #tpu.memory_space<vmem>>) dst(%dma_wait3A_270 : memref<50048x16xf32, #tpu.memory_space<vmem_shared>>)
      %add3A_271 = arith.constant 4 : i32
      %add3A_272 = arith.addi %mul3A_144, %add3A_271 : i32
      %add3A_273 = arith.constant 3 : i32
      %add3A_274 = arith.addi %add3A_272, %add3A_273 : i32
      %dma_start3A_275 = arith.constant 0 : i32
      %dma_start3A_276 = tpu.memref_slice %arg7[%add3A_274, %dma_start3A_275] : memref<232x128xi32, #tpu.memory_space<vmem>> -> memref<1x128xi32, #tpu.memory_space<vmem>>
      %dma_start3A_277 = tpu.memref_squeeze %dma_start3A_276 : memref<1x128xi32, #tpu.memory_space<vmem>> -> memref<128xi32, #tpu.memory_space<vmem>>
      %dma_start3A_278 = arith.constant 0 : i32
      %dma_start3A_279 = arith.constant 0 : i32
      %dma_start3A_280 = tpu.memref_slice %arg4[%dma_start3A_278, %dma_start3A_279] : memref<50048x16xf32, #tpu.memory_space<hbm>> -> memref<50048x16xf32, #tpu.memory_space<hbm>>
      tpu.enqueue_indirect_dma source(%dma_start3A_280 : memref<50048x16xf32, #tpu.memory_space<hbm>>) target(%arg13 : memref<128x16xf32, #tpu.memory_space<vmem>>) offsets(%dma_start3A_277 : memref<128xi32, #tpu.memory_space<vmem>>) semaphore(%arg17 : memref<!tpu.dma_semaphore, #tpu.memory_space<semaphore_mem>>)
    }
    %while3A_41 = arith.constant 1 : i32
    scf.for %while3A_142 = %while3A_39 to %while3A_35 step %while3A_41  : i32 {
      %mul3A_143 = arith.constant 4 : i32
      %mul3A_144 = arith.muli %while3A_142, %mul3A_143 : i32
      %add3A_145 = arith.constant 0 : i32
      %add3A_146 = arith.addi %mul3A_144, %add3A_145 : i32
      %dma_wait3A_147 = arith.constant 0 : i32
      %dma_wait3A_148 = tpu.memref_slice %arg7[%add3A_146, %dma_wait3A_147] : memref<232x128xi32, #tpu.memory_space<vmem>> -> memref<1x128xi32, #tpu.memory_space<vmem>>
      %dma_wait3A_149 = tpu.memref_squeeze %dma_wait3A_148 : memref<1x128xi32, #tpu.memory_space<vmem>> -> memref<128xi32, #tpu.memory_space<vmem>>
      %dma_wait3A_150 = arith.constant 0 : i32
      %dma_wait3A_151 = arith.constant 0 : i32
      %dma_wait3A_152 = tpu.memref_slice %arg4[%dma_wait3A_150, %dma_wait3A_151] : memref<50048x16xf32, #tpu.memory_space<hbm>> -> memref<50048x16xf32, #tpu.memory_space<hbm>>
      tpu.wait_indirect_dma semaphore(%arg14 : memref<!tpu.dma_semaphore, #tpu.memory_space<semaphore_mem>>) src(%dma_wait3A_152 : memref<50048x16xf32, #tpu.memory_space<hbm>>) dst(%arg10 : memref<128x16xf32, #tpu.memory_space<vmem>>)
      %add3A_153 = arith.constant 0 : i32
      %add3A_154 = arith.addi %mul3A_144, %add3A_153 : i32
      %dma_start3A_155 = arith.constant 0 : i32
      %dma_start3A_156 = tpu.memref_slice %arg8[%add3A_154, %dma_start3A_155] : memref<232x128xi32, #tpu.memory_space<vmem>> -> memref<1x128xi32, #tpu.memory_space<vmem>>
      %dma_start3A_157 = tpu.memref_squeeze %dma_start3A_156 : memref<1x128xi32, #tpu.memory_space<vmem>> -> memref<128xi32, #tpu.memory_space<vmem>>
      %dma_start3A_158 = arith.constant 0 : i32
      %dma_start3A_159 = arith.constant 0 : i32
      %dma_start3A_160 = tpu.memref_slice %arg9[%dma_start3A_158, %dma_start3A_159] : memref<50048x16xf32, #tpu.memory_space<vmem_shared>> -> memref<50048x16xf32, #tpu.memory_space<vmem_shared>>
      tpu.enqueue_indirect_dma source(%arg10 : memref<128x16xf32, #tpu.memory_space<vmem>>) target(%dma_start3A_160 : memref<50048x16xf32, #tpu.memory_space<vmem_shared>>) offsets(%dma_start3A_157 : memref<128xi32, #tpu.memory_space<vmem>>) semaphore(%arg18 : memref<!tpu.dma_semaphore, #tpu.memory_space<semaphore_mem>>) {add = true}
      %add3A_161 = arith.constant 1 : i32
      %add3A_162 = arith.addi %mul3A_144, %add3A_161 : i32
      %dma_wait3A_163 = arith.constant 0 : i32
      %dma_wait3A_164 = tpu.memref_slice %arg7[%add3A_162, %dma_wait3A_163] : memref<232x128xi32, #tpu.memory_space<vmem>> -> memref<1x128xi32, #tpu.memory_space<vmem>>
      %dma_wait3A_165 = tpu.memref_squeeze %dma_wait3A_164 : memref<1x128xi32, #tpu.memory_space<vmem>> -> memref<128xi32, #tpu.memory_space<vmem>>
      %dma_wait3A_166 = arith.constant 0 : i32
      %dma_wait3A_167 = arith.constant 0 : i32
      %dma_wait3A_168 = tpu.memref_slice %arg4[%dma_wait3A_166, %dma_wait3A_167] : memref<50048x16xf32, #tpu.memory_space<hbm>> -> memref<50048x16xf32, #tpu.memory_space<hbm>>
      tpu.wait_indirect_dma semaphore(%arg15 : memref<!tpu.dma_semaphore, #tpu.memory_space<semaphore_mem>>) src(%dma_wait3A_168 : memref<50048x16xf32, #tpu.memory_space<hbm>>) dst(%arg11 : memref<128x16xf32, #tpu.memory_space<vmem>>)
      %add3A_169 = arith.constant 1 : i32
      %add3A_170 = arith.addi %mul3A_144, %add3A_169 : i32
      %dma_start3A_171 = arith.constant 0 : i32
      %dma_start3A_172 = tpu.memref_slice %arg8[%add3A_170, %dma_start3A_171] : memref<232x128xi32, #tpu.memory_space<vmem>> -> memref<1x128xi32, #tpu.memory_space<vmem>>
      %dma_start3A_173 = tpu.memref_squeeze %dma_start3A_172 : memref<1x128xi32, #tpu.memory_space<vmem>> -> memref<128xi32, #tpu.memory_space<vmem>>
      %dma_start3A_174 = arith.constant 0 : i32
      %dma_start3A_175 = arith.constant 0 : i32
      %dma_start3A_176 = tpu.memref_slice %arg9[%dma_start3A_174, %dma_start3A_175] : memref<50048x16xf32, #tpu.memory_space<vmem_shared>> -> memref<50048x16xf32, #tpu.memory_space<vmem_shared>>
      tpu.enqueue_indirect_dma source(%arg11 : memref<128x16xf32, #tpu.memory_space<vmem>>) target(%dma_start3A_176 : memref<50048x16xf32, #tpu.memory_space<vmem_shared>>) offsets(%dma_start3A_173 : memref<128xi32, #tpu.memory_space<vmem>>) semaphore(%arg19 : memref<!tpu.dma_semaphore, #tpu.memory_space<semaphore_mem>>) {add = true}
      %add3A_177 = arith.constant 2 : i32
      %add3A_178 = arith.addi %mul3A_144, %add3A_177 : i32
      %dma_wait3A_179 = arith.constant 0 : i32
      %dma_wait3A_180 = tpu.memref_slice %arg7[%add3A_178, %dma_wait3A_179] : memref<232x128xi32, #tpu.memory_space<vmem>> -> memref<1x128xi32, #tpu.memory_space<vmem>>
      %dma_wait3A_181 = tpu.memref_squeeze %dma_wait3A_180 : memref<1x128xi32, #tpu.memory_space<vmem>> -> memref<128xi32, #tpu.memory_space<vmem>>
      %dma_wait3A_182 = arith.constant 0 : i32
      %dma_wait3A_183 = arith.constant 0 : i32
      %dma_wait3A_184 = tpu.memref_slice %arg4[%dma_wait3A_182, %dma_wait3A_183] : memref<50048x16xf32, #tpu.memory_space<hbm>> -> memref<50048x16xf32, #tpu.memory_space<hbm>>
      tpu.wait_indirect_dma semaphore(%arg16 : memref<!tpu.dma_semaphore, #tpu.memory_space<semaphore_mem>>) src(%dma_wait3A_184 : memref<50048x16xf32, #tpu.memory_space<hbm>>) dst(%arg12 : memref<128x16xf32, #tpu.memory_space<vmem>>)
      %add3A_185 = arith.constant 2 : i32
      %add3A_186 = arith.addi %mul3A_144, %add3A_185 : i32
      %dma_start3A_187 = arith.constant 0 : i32
      %dma_start3A_188 = tpu.memref_slice %arg8[%add3A_186, %dma_start3A_187] : memref<232x128xi32, #tpu.memory_space<vmem>> -> memref<1x128xi32, #tpu.memory_space<vmem>>
      %dma_start3A_189 = tpu.memref_squeeze %dma_start3A_188 : memref<1x128xi32, #tpu.memory_space<vmem>> -> memref<128xi32, #tpu.memory_space<vmem>>
      %dma_start3A_190 = arith.constant 0 : i32
      %dma_start3A_191 = arith.constant 0 : i32
      %dma_start3A_192 = tpu.memref_slice %arg9[%dma_start3A_190, %dma_start3A_191] : memref<50048x16xf32, #tpu.memory_space<vmem_shared>> -> memref<50048x16xf32, #tpu.memory_space<vmem_shared>>
      tpu.enqueue_indirect_dma source(%arg12 : memref<128x16xf32, #tpu.memory_space<vmem>>) target(%dma_start3A_192 : memref<50048x16xf32, #tpu.memory_space<vmem_shared>>) offsets(%dma_start3A_189 : memref<128xi32, #tpu.memory_space<vmem>>) semaphore(%arg20 : memref<!tpu.dma_semaphore, #tpu.memory_space<semaphore_mem>>) {add = true}
      %add3A_193 = arith.constant 3 : i32
      %add3A_194 = arith.addi %mul3A_144, %add3A_193 : i32
      %dma_wait3A_195 = arith.constant 0 : i32
      %dma_wait3A_196 = tpu.memref_slice %arg7[%add3A_194, %dma_wait3A_195] : memref<232x128xi32, #tpu.memory_space<vmem>> -> memref<1x128xi32, #tpu.memory_space<vmem>>
      %dma_wait3A_197 = tpu.memref_squeeze %dma_wait3A_196 : memref<1x128xi32, #tpu.memory_space<vmem>> -> memref<128xi32, #tpu.memory_space<vmem>>
      %dma_wait3A_198 = arith.constant 0 : i32
      %dma_wait3A_199 = arith.constant 0 : i32
      %dma_wait3A_200 = tpu.memref_slice %arg4[%dma_wait3A_198, %dma_wait3A_199] : memref<50048x16xf32, #tpu.memory_space<hbm>> -> memref<50048x16xf32, #tpu.memory_space<hbm>>
      tpu.wait_indirect_dma semaphore(%arg17 : memref<!tpu.dma_semaphore, #tpu.memory_space<semaphore_mem>>) src(%dma_wait3A_200 : memref<50048x16xf32, #tpu.memory_space<hbm>>) dst(%arg13 : memref<128x16xf32, #tpu.memory_space<vmem>>)
      %add3A_201 = arith.constant 3 : i32
      %add3A_202 = arith.addi %mul3A_144, %add3A_201 : i32
      %dma_start3A_203 = arith.constant 0 : i32
      %dma_start3A_204 = tpu.memref_slice %arg8[%add3A_202, %dma_start3A_203] : memref<232x128xi32, #tpu.memory_space<vmem>> -> memref<1x128xi32, #tpu.memory_space<vmem>>
      %dma_start3A_205 = tpu.memref_squeeze %dma_start3A_204 : memref<1x128xi32, #tpu.memory_space<vmem>> -> memref<128xi32, #tpu.memory_space<vmem>>
      %dma_start3A_206 = arith.constant 0 : i32
      %dma_start3A_207 = arith.constant 0 : i32
      %dma_start3A_208 = tpu.memref_slice %arg9[%dma_start3A_206, %dma_start3A_207] : memref<50048x16xf32, #tpu.memory_space<vmem_shared>> -> memref<50048x16xf32, #tpu.memory_space<vmem_shared>>
      tpu.enqueue_indirect_dma source(%arg13 : memref<128x16xf32, #tpu.memory_space<vmem>>) target(%dma_start3A_208 : memref<50048x16xf32, #tpu.memory_space<vmem_shared>>) offsets(%dma_start3A_205 : memref<128xi32, #tpu.memory_space<vmem>>) semaphore(%arg21 : memref<!tpu.dma_semaphore, #tpu.memory_space<semaphore_mem>>) {add = true}
      %add3A_209 = arith.constant 0 : i32
      %add3A_210 = arith.addi %mul3A_144, %add3A_209 : i32
      %dma_wait3A_211 = arith.constant 0 : i32
      %dma_wait3A_212 = tpu.memref_slice %arg8[%add3A_210, %dma_wait3A_211] : memref<232x128xi32, #tpu.memory_space<vmem>> -> memref<1x128xi32, #tpu.memory_space<vmem>>
      %dma_wait3A_213 = tpu.memref_squeeze %dma_wait3A_212 : memref<1x128xi32, #tpu.memory_space<vmem>> -> memref<128xi32, #tpu.memory_space<vmem>>
      %dma_wait3A_214 = arith.constant 0 : i32
      %dma_wait3A_215 = arith.constant 0 : i32
      %dma_wait3A_216 = tpu.memref_slice %arg9[%dma_wait3A_214, %dma_wait3A_215] : memref<50048x16xf32, #tpu.memory_space<vmem_shared>> -> memref<50048x16xf32, #tpu.memory_space<vmem_shared>>
      tpu.wait_indirect_dma semaphore(%arg18 : memref<!tpu.dma_semaphore, #tpu.memory_space<semaphore_mem>>) src(%arg10 : memref<128x16xf32, #tpu.memory_space<vmem>>) dst(%dma_wait3A_216 : memref<50048x16xf32, #tpu.memory_space<vmem_shared>>)
      %add3A_217 = arith.constant 4 : i32
      %add3A_218 = arith.addi %mul3A_144, %add3A_217 : i32
      %add3A_219 = arith.constant 0 : i32
      %add3A_220 = arith.addi %add3A_218, %add3A_219 : i32
      %dma_start3A_221 = arith.constant 0 : i32
      %dma_start3A_222 = tpu.memref_slice %arg7[%add3A_220, %dma_start3A_221] : memref<232x128xi32, #tpu.memory_space<vmem>> -> memref<1x128xi32, #tpu.memory_space<vmem>>
      %dma_start3A_223 = tpu.memref_squeeze %dma_start3A_222 : memref<1x128xi32, #tpu.memory_space<vmem>> -> memref<128xi32, #tpu.memory_space<vmem>>
      %dma_start3A_224 = arith.constant 0 : i32
      %dma_start3A_225 = arith.constant 0 : i32
      %dma_start3A_226 = tpu.memref_slice %arg4[%dma_start3A_224, %dma_start3A_225] : memref<50048x16xf32, #tpu.memory_space<hbm>> -> memref<50048x16xf32, #tpu.memory_space<hbm>>
      tpu.enqueue_indirect_dma source(%dma_start3A_226 : memref<50048x16xf32, #tpu.memory_space<hbm>>) target(%arg10 : memref<128x16xf32, #tpu.memory_space<vmem>>) offsets(%dma_start3A_223 : memref<128xi32, #tpu.memory_space<vmem>>) semaphore(%arg14 : memref<!tpu.dma_semaphore, #tpu.memory_space<semaphore_mem>>)
      %add3A_227 = arith.constant 1 : i32
      %add3A_228 = arith.addi %mul3A_144, %add3A_227 : i32
      %dma_wait3A_229 = arith.constant 0 : i32
      %dma_wait3A_230 = tpu.memref_slice %arg8[%add3A_228, %dma_wait3A_229] : memref<232x128xi32, #tpu.memory_space<vmem>> -> memref<1x128xi32, #tpu.memory_space<vmem>>
      %dma_wait3A_231 = tpu.memref_squeeze %dma_wait3A_230 : memref<1x128xi32, #tpu.memory_space<vmem>> -> memref<128xi32, #tpu.memory_space<vmem>>
      %dma_wait3A_232 = arith.constant 0 : i32
      %dma_wait3A_233 = arith.constant 0 : i32
      %dma_wait3A_234 = tpu.memref_slice %arg9[%dma_wait3A_232, %dma_wait3A_233] : memref<50048x16xf32, #tpu.memory_space<vmem_shared>> -> memref<50048x16xf32, #tpu.memory_space<vmem_shared>>
      tpu.wait_indirect_dma semaphore(%arg19 : memref<!tpu.dma_semaphore, #tpu.memory_space<semaphore_mem>>) src(%arg11 : memref<128x16xf32, #tpu.memory_space<vmem>>) dst(%dma_wait3A_234 : memref<50048x16xf32, #tpu.memory_space<vmem_shared>>)
      %add3A_235 = arith.constant 4 : i32
      %add3A_236 = arith.addi %mul3A_144, %add3A_235 : i32
      %add3A_237 = arith.constant 1 : i32
      %add3A_238 = arith.addi %add3A_236, %add3A_237 : i32
      %dma_start3A_239 = arith.constant 0 : i32
      %dma_start3A_240 = tpu.memref_slice %arg7[%add3A_238, %dma_start3A_239] : memref<232x128xi32, #tpu.memory_space<vmem>> -> memref<1x128xi32, #tpu.memory_space<vmem>>
      %dma_start3A_241 = tpu.memref_squeeze %dma_start3A_240 : memref<1x128xi32, #tpu.memory_space<vmem>> -> memref<128xi32, #tpu.memory_space<vmem>>
      %dma_start3A_242 = arith.constant 0 : i32
      %dma_start3A_243 = arith.constant 0 : i32
      %dma_start3A_244 = tpu.memref_slice %arg4[%dma_start3A_242, %dma_start3A_243] : memref<50048x16xf32, #tpu.memory_space<hbm>> -> memref<50048x16xf32, #tpu.memory_space<hbm>>
      tpu.enqueue_indirect_dma source(%dma_start3A_244 : memref<50048x16xf32, #tpu.memory_space<hbm>>) target(%arg11 : memref<128x16xf32, #tpu.memory_space<vmem>>) offsets(%dma_start3A_241 : memref<128xi32, #tpu.memory_space<vmem>>) semaphore(%arg15 : memref<!tpu.dma_semaphore, #tpu.memory_space<semaphore_mem>>)
      %add3A_245 = arith.constant 2 : i32
      %add3A_246 = arith.addi %mul3A_144, %add3A_245 : i32
      %dma_wait3A_247 = arith.constant 0 : i32
      %dma_wait3A_248 = tpu.memref_slice %arg8[%add3A_246, %dma_wait3A_247] : memref<232x128xi32, #tpu.memory_space<vmem>> -> memref<1x128xi32, #tpu.memory_space<vmem>>
      %dma_wait3A_249 = tpu.memref_squeeze %dma_wait3A_248 : memref<1x128xi32, #tpu.memory_space<vmem>> -> memref<128xi32, #tpu.memory_space<vmem>>
      %dma_wait3A_250 = arith.constant 0 : i32
      %dma_wait3A_251 = arith.constant 0 : i32
      %dma_wait3A_252 = tpu.memref_slice %arg9[%dma_wait3A_250, %dma_wait3A_251] : memref<50048x16xf32, #tpu.memory_space<vmem_shared>> -> memref<50048x16xf32, #tpu.memory_space<vmem_shared>>
      tpu.wait_indirect_dma semaphore(%arg20 : memref<!tpu.dma_semaphore, #tpu.memory_space<semaphore_mem>>) src(%arg12 : memref<128x16xf32, #tpu.memory_space<vmem>>) dst(%dma_wait3A_252 : memref<50048x16xf32, #tpu.memory_space<vmem_shared>>)
      %add3A_253 = arith.constant 4 : i32
      %add3A_254 = arith.addi %mul3A_144, %add3A_253 : i32
      %add3A_255 = arith.constant 2 : i32
      %add3A_256 = arith.addi %add3A_254, %add3A_255 : i32
      %dma_start3A_257 = arith.constant 0 : i32
      %dma_start3A_258 = tpu.memref_slice %arg7[%add3A_256, %dma_start3A_257] : memref<232x128xi32, #tpu.memory_space<vmem>> -> memref<1x128xi32, #tpu.memory_space<vmem>>
      %dma_start3A_259 = tpu.memref_squeeze %dma_start3A_258 : memref<1x128xi32, #tpu.memory_space<vmem>> -> memref<128xi32, #tpu.memory_space<vmem>>
      %dma_start3A_260 = arith.constant 0 : i32
      %dma_start3A_261 = arith.constant 0 : i32
      %dma_start3A_262 = tpu.memref_slice %arg4[%dma_start3A_260, %dma_start3A_261] : memref<50048x16xf32, #tpu.memory_space<hbm>> -> memref<50048x16xf32, #tpu.memory_space<hbm>>
      tpu.enqueue_indirect_dma source(%dma_start3A_262 : memref<50048x16xf32, #tpu.memory_space<hbm>>) target(%arg12 : memref<128x16xf32, #tpu.memory_space<vmem>>) offsets(%dma_start3A_259 : memref<128xi32, #tpu.memory_space<vmem>>) semaphore(%arg16 : memref<!tpu.dma_semaphore, #tpu.memory_space<semaphore_mem>>)
      %add3A_263 = arith.constant 3 : i32
      %add3A_264 = arith.addi %mul3A_144, %add3A_263 : i32
      %dma_wait3A_265 = arith.constant 0 : i32
      %dma_wait3A_266 = tpu.memref_slice %arg8[%add3A_264, %dma_wait3A_265] : memref<232x128xi32, #tpu.memory_space<vmem>> -> memref<1x128xi32, #tpu.memory_space<vmem>>
      %dma_wait3A_267 = tpu.memref_squeeze %dma_wait3A_266 : memref<1x128xi32, #tpu.memory_space<vmem>> -> memref<128xi32, #tpu.memory_space<vmem>>
      %dma_wait3A_268 = arith.constant 0 : i32
      %dma_wait3A_269 = arith.constant 0 : i32
      %dma_wait3A_270 = tpu.memref_slice %arg9[%dma_wait3A_268, %dma_wait3A_269] : memref<50048x16xf32, #tpu.memory_space<vmem_shared>> -> memref<50048x16xf32, #tpu.memory_space<vmem_shared>>
      tpu.wait_indirect_dma semaphore(%arg21 : memref<!tpu.dma_semaphore, #tpu.memory_space<semaphore_mem>>) src(%arg13 : memref<128x16xf32, #tpu.memory_space<vmem>>) dst(%dma_wait3A_270 : memref<50048x16xf32, #tpu.memory_space<vmem_shared>>)
      %add3A_271 = arith.constant 4 : i32
      %add3A_272 = arith.addi %mul3A_144, %add3A_271 : i32
      %add3A_273 = arith.constant 3 : i32
      %add3A_274 = arith.addi %add3A_272, %add3A_273 : i32
      %dma_start3A_275 = arith.constant 0 : i32
      %dma_start3A_276 = tpu.memref_slice %arg7[%add3A_274, %dma_start3A_275] : memref<232x128xi32, #tpu.memory_space<vmem>> -> memref<1x128xi32, #tpu.memory_space<vmem>>
      %dma_start3A_277 = tpu.memref_squeeze %dma_start3A_276 : memref<1x128xi32, #tpu.memory_space<vmem>> -> memref<128xi32, #tpu.memory_space<vmem>>
      %dma_start3A_278 = arith.constant 0 : i32
      %dma_start3A_279 = arith.constant 0 : i32
      %dma_start3A_280 = tpu.memref_slice %arg4[%dma_start3A_278, %dma_start3A_279] : memref<50048x16xf32, #tpu.memory_space<hbm>> -> memref<50048x16xf32, #tpu.memory_space<hbm>>
      tpu.enqueue_indirect_dma source(%dma_start3A_280 : memref<50048x16xf32, #tpu.memory_space<hbm>>) target(%arg13 : memref<128x16xf32, #tpu.memory_space<vmem>>) offsets(%dma_start3A_277 : memref<128xi32, #tpu.memory_space<vmem>>) semaphore(%arg17 : memref<!tpu.dma_semaphore, #tpu.memory_space<semaphore_mem>>)
    }
    %sub3A_42 = arith.constant 1 : i32
    %sub3A_43 = arith.subi %select_n3A, %sub3A_42 : i32
    %mul3A_44 = arith.constant 4 : i32
    %mul3A_45 = arith.muli %sub3A_43, %mul3A_44 : i32
    %add3A_46 = arith.constant 0 : i32
    %add3A_47 = arith.addi %mul3A_45, %add3A_46 : i32
    %dma_wait3A = arith.constant 0 : i32
    %dma_wait3A_48 = tpu.memref_slice %arg7[%add3A_47, %dma_wait3A] : memref<232x128xi32, #tpu.memory_space<vmem>> -> memref<1x128xi32, #tpu.memory_space<vmem>>
    %dma_wait3A_49 = tpu.memref_squeeze %dma_wait3A_48 : memref<1x128xi32, #tpu.memory_space<vmem>> -> memref<128xi32, #tpu.memory_space<vmem>>
    %dma_wait3A_50 = arith.constant 0 : i32
    %dma_wait3A_51 = arith.constant 0 : i32
    %dma_wait3A_52 = tpu.memref_slice %arg4[%dma_wait3A_50, %dma_wait3A_51] : memref<50048x16xf32, #tpu.memory_space<hbm>> -> memref<50048x16xf32, #tpu.memory_space<hbm>>
    tpu.wait_indirect_dma semaphore(%arg14 : memref<!tpu.dma_semaphore, #tpu.memory_space<semaphore_mem>>) src(%dma_wait3A_52 : memref<50048x16xf32, #tpu.memory_space<hbm>>) dst(%arg10 : memref<128x16xf32, #tpu.memory_space<vmem>>)
    %add3A_53 = arith.constant 0 : i32
    %add3A_54 = arith.addi %mul3A_45, %add3A_53 : i32
    %dma_start3A_55 = arith.constant 0 : i32
    %dma_start3A_56 = tpu.memref_slice %arg8[%add3A_54, %dma_start3A_55] : memref<232x128xi32, #tpu.memory_space<vmem>> -> memref<1x128xi32, #tpu.memory_space<vmem>>
    %dma_start3A_57 = tpu.memref_squeeze %dma_start3A_56 : memref<1x128xi32, #tpu.memory_space<vmem>> -> memref<128xi32, #tpu.memory_space<vmem>>
    %dma_start3A_58 = arith.constant 0 : i32
    %dma_start3A_59 = arith.constant 0 : i32
    %dma_start3A_60 = tpu.memref_slice %arg9[%dma_start3A_58, %dma_start3A_59] : memref<50048x16xf32, #tpu.memory_space<vmem_shared>> -> memref<50048x16xf32, #tpu.memory_space<vmem_shared>>
    tpu.enqueue_indirect_dma source(%arg10 : memref<128x16xf32, #tpu.memory_space<vmem>>) target(%dma_start3A_60 : memref<50048x16xf32, #tpu.memory_space<vmem_shared>>) offsets(%dma_start3A_57 : memref<128xi32, #tpu.memory_space<vmem>>) semaphore(%arg18 : memref<!tpu.dma_semaphore, #tpu.memory_space<semaphore_mem>>) {add = true}
    %add3A_61 = arith.constant 1 : i32
    %add3A_62 = arith.addi %mul3A_45, %add3A_61 : i32
    %dma_wait3A_63 = arith.constant 0 : i32
    %dma_wait3A_64 = tpu.memref_slice %arg7[%add3A_62, %dma_wait3A_63] : memref<232x128xi32, #tpu.memory_space<vmem>> -> memref<1x128xi32, #tpu.memory_space<vmem>>
    %dma_wait3A_65 = tpu.memref_squeeze %dma_wait3A_64 : memref<1x128xi32, #tpu.memory_space<vmem>> -> memref<128xi32, #tpu.memory_space<vmem>>
    %dma_wait3A_66 = arith.constant 0 : i32
    %dma_wait3A_67 = arith.constant 0 : i32
    %dma_wait3A_68 = tpu.memref_slice %arg4[%dma_wait3A_66, %dma_wait3A_67] : memref<50048x16xf32, #tpu.memory_space<hbm>> -> memref<50048x16xf32, #tpu.memory_space<hbm>>
    tpu.wait_indirect_dma semaphore(%arg15 : memref<!tpu.dma_semaphore, #tpu.memory_space<semaphore_mem>>) src(%dma_wait3A_68 : memref<50048x16xf32, #tpu.memory_space<hbm>>) dst(%arg11 : memref<128x16xf32, #tpu.memory_space<vmem>>)
    %add3A_69 = arith.constant 1 : i32
    %add3A_70 = arith.addi %mul3A_45, %add3A_69 : i32
    %dma_start3A_71 = arith.constant 0 : i32
    %dma_start3A_72 = tpu.memref_slice %arg8[%add3A_70, %dma_start3A_71] : memref<232x128xi32, #tpu.memory_space<vmem>> -> memref<1x128xi32, #tpu.memory_space<vmem>>
    %dma_start3A_73 = tpu.memref_squeeze %dma_start3A_72 : memref<1x128xi32, #tpu.memory_space<vmem>> -> memref<128xi32, #tpu.memory_space<vmem>>
    %dma_start3A_74 = arith.constant 0 : i32
    %dma_start3A_75 = arith.constant 0 : i32
    %dma_start3A_76 = tpu.memref_slice %arg9[%dma_start3A_74, %dma_start3A_75] : memref<50048x16xf32, #tpu.memory_space<vmem_shared>> -> memref<50048x16xf32, #tpu.memory_space<vmem_shared>>
    tpu.enqueue_indirect_dma source(%arg11 : memref<128x16xf32, #tpu.memory_space<vmem>>) target(%dma_start3A_76 : memref<50048x16xf32, #tpu.memory_space<vmem_shared>>) offsets(%dma_start3A_73 : memref<128xi32, #tpu.memory_space<vmem>>) semaphore(%arg19 : memref<!tpu.dma_semaphore, #tpu.memory_space<semaphore_mem>>) {add = true}
    %add3A_77 = arith.constant 2 : i32
    %add3A_78 = arith.addi %mul3A_45, %add3A_77 : i32
    %dma_wait3A_79 = arith.constant 0 : i32
    %dma_wait3A_80 = tpu.memref_slice %arg7[%add3A_78, %dma_wait3A_79] : memref<232x128xi32, #tpu.memory_space<vmem>> -> memref<1x128xi32, #tpu.memory_space<vmem>>
    %dma_wait3A_81 = tpu.memref_squeeze %dma_wait3A_80 : memref<1x128xi32, #tpu.memory_space<vmem>> -> memref<128xi32, #tpu.memory_space<vmem>>
    %dma_wait3A_82 = arith.constant 0 : i32
    %dma_wait3A_83 = arith.constant 0 : i32
    %dma_wait3A_84 = tpu.memref_slice %arg4[%dma_wait3A_82, %dma_wait3A_83] : memref<50048x16xf32, #tpu.memory_space<hbm>> -> memref<50048x16xf32, #tpu.memory_space<hbm>>
    tpu.wait_indirect_dma semaphore(%arg16 : memref<!tpu.dma_semaphore, #tpu.memory_space<semaphore_mem>>) src(%dma_wait3A_84 : memref<50048x16xf32, #tpu.memory_space<hbm>>) dst(%arg12 : memref<128x16xf32, #tpu.memory_space<vmem>>)
    %add3A_85 = arith.constant 2 : i32
    %add3A_86 = arith.addi %mul3A_45, %add3A_85 : i32
    %dma_start3A_87 = arith.constant 0 : i32
    %dma_start3A_88 = tpu.memref_slice %arg8[%add3A_86, %dma_start3A_87] : memref<232x128xi32, #tpu.memory_space<vmem>> -> memref<1x128xi32, #tpu.memory_space<vmem>>
    %dma_start3A_89 = tpu.memref_squeeze %dma_start3A_88 : memref<1x128xi32, #tpu.memory_space<vmem>> -> memref<128xi32, #tpu.memory_space<vmem>>
    %dma_start3A_90 = arith.constant 0 : i32
    %dma_start3A_91 = arith.constant 0 : i32
    %dma_start3A_92 = tpu.memref_slice %arg9[%dma_start3A_90, %dma_start3A_91] : memref<50048x16xf32, #tpu.memory_space<vmem_shared>> -> memref<50048x16xf32, #tpu.memory_space<vmem_shared>>
    tpu.enqueue_indirect_dma source(%arg12 : memref<128x16xf32, #tpu.memory_space<vmem>>) target(%dma_start3A_92 : memref<50048x16xf32, #tpu.memory_space<vmem_shared>>) offsets(%dma_start3A_89 : memref<128xi32, #tpu.memory_space<vmem>>) semaphore(%arg20 : memref<!tpu.dma_semaphore, #tpu.memory_space<semaphore_mem>>) {add = true}
    %add3A_93 = arith.constant 3 : i32
    %add3A_94 = arith.addi %mul3A_45, %add3A_93 : i32
    %dma_wait3A_95 = arith.constant 0 : i32
    %dma_wait3A_96 = tpu.memref_slice %arg7[%add3A_94, %dma_wait3A_95] : memref<232x128xi32, #tpu.memory_space<vmem>> -> memref<1x128xi32, #tpu.memory_space<vmem>>
    %dma_wait3A_97 = tpu.memref_squeeze %dma_wait3A_96 : memref<1x128xi32, #tpu.memory_space<vmem>> -> memref<128xi32, #tpu.memory_space<vmem>>
    %dma_wait3A_98 = arith.constant 0 : i32
    %dma_wait3A_99 = arith.constant 0 : i32
    %dma_wait3A_100 = tpu.memref_slice %arg4[%dma_wait3A_98, %dma_wait3A_99] : memref<50048x16xf32, #tpu.memory_space<hbm>> -> memref<50048x16xf32, #tpu.memory_space<hbm>>
    tpu.wait_indirect_dma semaphore(%arg17 : memref<!tpu.dma_semaphore, #tpu.memory_space<semaphore_mem>>) src(%dma_wait3A_100 : memref<50048x16xf32, #tpu.memory_space<hbm>>) dst(%arg13 : memref<128x16xf32, #tpu.memory_space<vmem>>)
    %add3A_101 = arith.constant 3 : i32
    %add3A_102 = arith.addi %mul3A_45, %add3A_101 : i32
    %dma_start3A_103 = arith.constant 0 : i32
    %dma_start3A_104 = tpu.memref_slice %arg8[%add3A_102, %dma_start3A_103] : memref<232x128xi32, #tpu.memory_space<vmem>> -> memref<1x128xi32, #tpu.memory_space<vmem>>
    %dma_start3A_105 = tpu.memref_squeeze %dma_start3A_104 : memref<1x128xi32, #tpu.memory_space<vmem>> -> memref<128xi32, #tpu.memory_space<vmem>>
    %dma_start3A_106 = arith.constant 0 : i32
    %dma_start3A_107 = arith.constant 0 : i32
    %dma_start3A_108 = tpu.memref_slice %arg9[%dma_start3A_106, %dma_start3A_107] : memref<50048x16xf32, #tpu.memory_space<vmem_shared>> -> memref<50048x16xf32, #tpu.memory_space<vmem_shared>>
    tpu.enqueue_indirect_dma source(%arg13 : memref<128x16xf32, #tpu.memory_space<vmem>>) target(%dma_start3A_108 : memref<50048x16xf32, #tpu.memory_space<vmem_shared>>) offsets(%dma_start3A_105 : memref<128xi32, #tpu.memory_space<vmem>>) semaphore(%arg21 : memref<!tpu.dma_semaphore, #tpu.memory_space<semaphore_mem>>) {add = true}
    %add3A_109 = arith.constant 0 : i32
    %add3A_110 = arith.addi %mul3A_45, %add3A_109 : i32
    %dma_wait3A_111 = arith.constant 0 : i32
    %dma_wait3A_112 = tpu.memref_slice %arg8[%add3A_110, %dma_wait3A_111] : memref<232x128xi32, #tpu.memory_space<vmem>> -> memref<1x128xi32, #tpu.memory_space<vmem>>
    %dma_wait3A_113 = tpu.memref_squeeze %dma_wait3A_112 : memref<1x128xi32, #tpu.memory_space<vmem>> -> memref<128xi32, #tpu.memory_space<vmem>>
    %dma_wait3A_114 = arith.constant 0 : i32
    %dma_wait3A_115 = arith.constant 0 : i32
    %dma_wait3A_116 = tpu.memref_slice %arg9[%dma_wait3A_114, %dma_wait3A_115] : memref<50048x16xf32, #tpu.memory_space<vmem_shared>> -> memref<50048x16xf32, #tpu.memory_space<vmem_shared>>
    tpu.wait_indirect_dma semaphore(%arg18 : memref<!tpu.dma_semaphore, #tpu.memory_space<semaphore_mem>>) src(%arg10 : memref<128x16xf32, #tpu.memory_space<vmem>>) dst(%dma_wait3A_116 : memref<50048x16xf32, #tpu.memory_space<vmem_shared>>)
    %add3A_117 = arith.constant 1 : i32
    %add3A_118 = arith.addi %mul3A_45, %add3A_117 : i32
    %dma_wait3A_119 = arith.constant 0 : i32
    %dma_wait3A_120 = tpu.memref_slice %arg8[%add3A_118, %dma_wait3A_119] : memref<232x128xi32, #tpu.memory_space<vmem>> -> memref<1x128xi32, #tpu.memory_space<vmem>>
    %dma_wait3A_121 = tpu.memref_squeeze %dma_wait3A_120 : memref<1x128xi32, #tpu.memory_space<vmem>> -> memref<128xi32, #tpu.memory_space<vmem>>
    %dma_wait3A_122 = arith.constant 0 : i32
    %dma_wait3A_123 = arith.constant 0 : i32
    %dma_wait3A_124 = tpu.memref_slice %arg9[%dma_wait3A_122, %dma_wait3A_123] : memref<50048x16xf32, #tpu.memory_space<vmem_shared>> -> memref<50048x16xf32, #tpu.memory_space<vmem_shared>>
    tpu.wait_indirect_dma semaphore(%arg19 : memref<!tpu.dma_semaphore, #tpu.memory_space<semaphore_mem>>) src(%arg11 : memref<128x16xf32, #tpu.memory_space<vmem>>) dst(%dma_wait3A_124 : memref<50048x16xf32, #tpu.memory_space<vmem_shared>>)
    %add3A_125 = arith.constant 2 : i32
    %add3A_126 = arith.addi %mul3A_45, %add3A_125 : i32
    %dma_wait3A_127 = arith.constant 0 : i32
    %dma_wait3A_128 = tpu.memref_slice %arg8[%add3A_126, %dma_wait3A_127] : memref<232x128xi32, #tpu.memory_space<vmem>> -> memref<1x128xi32, #tpu.memory_space<vmem>>
    %dma_wait3A_129 = tpu.memref_squeeze %dma_wait3A_128 : memref<1x128xi32, #tpu.memory_space<vmem>> -> memref<128xi32, #tpu.memory_space<vmem>>
    %dma_wait3A_130 = arith.constant 0 : i32
    %dma_wait3A_131 = arith.constant 0 : i32
    %dma_wait3A_132 = tpu.memref_slice %arg9[%dma_wait3A_130, %dma_wait3A_131] : memref<50048x16xf32, #tpu.memory_space<vmem_shared>> -> memref<50048x16xf32, #tpu.memory_space<vmem_shared>>
    tpu.wait_indirect_dma semaphore(%arg20 : memref<!tpu.dma_semaphore, #tpu.memory_space<semaphore_mem>>) src(%arg12 : memref<128x16xf32, #tpu.memory_space<vmem>>) dst(%dma_wait3A_132 : memref<50048x16xf32, #tpu.memory_space<vmem_shared>>)
    %add3A_133 = arith.constant 3 : i32
    %add3A_134 = arith.addi %mul3A_45, %add3A_133 : i32
    %dma_wait3A_135 = arith.constant 0 : i32
    %dma_wait3A_136 = tpu.memref_slice %arg8[%add3A_134, %dma_wait3A_135] : memref<232x128xi32, #tpu.memory_space<vmem>> -> memref<1x128xi32, #tpu.memory_space<vmem>>
    %dma_wait3A_137 = tpu.memref_squeeze %dma_wait3A_136 : memref<1x128xi32, #tpu.memory_space<vmem>> -> memref<128xi32, #tpu.memory_space<vmem>>
    %dma_wait3A_138 = arith.constant 0 : i32
    %dma_wait3A_139 = arith.constant 0 : i32
    %dma_wait3A_140 = tpu.memref_slice %arg9[%dma_wait3A_138, %dma_wait3A_139] : memref<50048x16xf32, #tpu.memory_space<vmem_shared>> -> memref<50048x16xf32, #tpu.memory_space<vmem_shared>>
    tpu.wait_indirect_dma semaphore(%arg21 : memref<!tpu.dma_semaphore, #tpu.memory_space<semaphore_mem>>) src(%arg13 : memref<128x16xf32, #tpu.memory_space<vmem>>) dst(%dma_wait3A_140 : memref<50048x16xf32, #tpu.memory_space<vmem_shared>>)
    %barrier3A_141 = arith.constant 0 : index
    tpu.barrier barrier_id(%barrier3A_141)
    "tpu.region"() ({
      %run_scoped3A = tpu.sem_alloc : memref<!tpu.dma_semaphore, #tpu.memory_space<semaphore_mem>>
      %dma_start3A_142 = arith.constant 0 : i32
      %dma_start3A_143 = tpu.memref_slice %arg6[%arg0, %mul3A_2, %dma_start3A_142] : memref<2x50048x16xf32, #tpu.memory_space<hbm>> -> memref<1x3128x16xf32, #tpu.memory_space<hbm>>
      %dma_start3A_144 = tpu.memref_squeeze %dma_start3A_143 : memref<1x3128x16xf32, #tpu.memory_space<hbm>> -> memref<3128x16xf32, #tpu.memory_space<hbm>>
      %dma_start3A_145 = arith.constant 0 : i32
      %dma_start3A_146 = tpu.memref_slice %arg9[%mul3A_2, %dma_start3A_145] : memref<50048x16xf32, #tpu.memory_space<vmem_shared>> -> memref<3128x16xf32, #tpu.memory_space<vmem_shared>>
      tpu.enqueue_dma source(%dma_start3A_146 : memref<3128x16xf32, #tpu.memory_space<vmem_shared>>) target(%dma_start3A_144 : memref<3128x16xf32, #tpu.memory_space<hbm>>) target_semaphore(%run_scoped3A : memref<!tpu.dma_semaphore, #tpu.memory_space<semaphore_mem>>)
      %dma_wait3A_147 = arith.constant 0 : i32
      %dma_wait3A_148 = tpu.memref_slice %arg6[%arg0, %mul3A_2, %dma_wait3A_147] : memref<2x50048x16xf32, #tpu.memory_space<hbm>> -> memref<1x3128x16xf32, #tpu.memory_space<hbm>>
      %dma_wait3A_149 = tpu.memref_squeeze %dma_wait3A_148 : memref<1x3128x16xf32, #tpu.memory_space<hbm>> -> memref<3128x16xf32, #tpu.memory_space<hbm>>
      %dma_wait3A_150 = arith.constant 0 : i32
      %dma_wait3A_151 = tpu.memref_slice %arg9[%mul3A_2, %dma_wait3A_150] : memref<50048x16xf32, #tpu.memory_space<vmem_shared>> -> memref<3128x16xf32, #tpu.memory_space<vmem_shared>>
      tpu.wait_dma2 semaphore(%run_scoped3A : memref<!tpu.dma_semaphore, #tpu.memory_space<semaphore_mem>>) src(%dma_wait3A_151 : memref<3128x16xf32, #tpu.memory_space<vmem_shared>>) dst(%dma_wait3A_149 : memref<3128x16xf32, #tpu.memory_space<hbm>>)
      tpu.yield
    }) : () -> ()
    return
  }
}

#map = affine_map<(d0, d1) -> (0, 0, 0)>
#map1 = affine_map<(d0, d1) -> (0, 0)>
module attributes {stable_mosaic.version = 14 : i64} {
  func.func @prop(%arg0: i32, %arg1: i32, %arg2: memref<32x232x128xi32, #tpu.memory_space<hbm>>, %arg3: memref<32x232x128xi32, #tpu.memory_space<hbm>>, %arg4: memref<50048x16xf32, #tpu.memory_space<hbm>>, %arg5: memref<50048x16xf32, #tpu.memory_space<hbm>>, %arg6: memref<2x50048x16xf32, #tpu.memory_space<hbm>>, %arg7: memref<232x128xi32, #tpu.memory_space<vmem>>, %arg8: memref<232x128xi32, #tpu.memory_space<vmem>>, %arg9: memref<50048x16xf32, #tpu.memory_space<vmem_shared>>, %arg10: memref<128x16xf32, #tpu.memory_space<vmem>>, %arg11: memref<128x16xf32, #tpu.memory_space<vmem>>, %arg12: memref<128x16xf32, #tpu.memory_space<vmem>>, %arg13: memref<128x16xf32, #tpu.memory_space<vmem>>, %arg14: memref<!tpu.dma_semaphore, #tpu.memory_space<semaphore_mem>>, %arg15: memref<!tpu.dma_semaphore, #tpu.memory_space<semaphore_mem>>, %arg16: memref<!tpu.dma_semaphore, #tpu.memory_space<semaphore_mem>>, %arg17: memref<!tpu.dma_semaphore, #tpu.memory_space<semaphore_mem>>, %arg18: memref<!tpu.dma_semaphore, #tpu.memory_space<semaphore_mem>>, %arg19: memref<!tpu.dma_semaphore, #tpu.memory_space<semaphore_mem>>, %arg20: memref<!tpu.dma_semaphore, #tpu.memory_space<semaphore_mem>>, %arg21: memref<!tpu.dma_semaphore, #tpu.memory_space<semaphore_mem>>) attributes {dimension_semantics = [#tpu.dimension_semantics<core_parallel>, #tpu.dimension_semantics<subcore_parallel>], iteration_bounds = array<i64: 2, 16>, scalar_prefetch = 0 : i64, scratch_operands = 15 : i64, tpu.core_type = #tpu.core_type<sc_vector_subcore>, window_params = [{transform_indices = #map}, {transform_indices = #map}, {transform_indices = #map1}, {transform_indices = #map1}, {transform_indices = #map}]} {
    %mul3A = arith.constant 16 : i32
    %mul3A_0 = arith.muli %arg0, %mul3A : i32
    %add3A = arith.addi %mul3A_0, %arg1 : i32
    %mul3A_1 = arith.constant 3128 : i32
    %mul3A_2 = arith.muli %arg1, %mul3A_1 : i32
    %eq3A = arith.constant 0 : i32
    %eq3A_3 = arith.cmpi eq, %arg0, %eq3A : i32
    %jit3A = arith.constant 40 : i32
    %jit3A_4 = arith.constant 58 : i32
    %select_n3A = arith.select %eq3A_3, %jit3A, %jit3A_4 : i32
    "tpu.region"() ({
      %run_scoped3A = tpu.sem_alloc : memref<!tpu.dma_semaphore, #tpu.memory_space<semaphore_mem>>
      %dma_start3A_142 = arith.constant 0 : i32
      %dma_start3A_143 = tpu.memref_slice %arg9[%mul3A_2, %dma_start3A_142] : memref<50048x16xf32, #tpu.memory_space<vmem_shared>> -> memref<3128x16xf32, #tpu.memory_space<vmem_shared>>
      %dma_start3A_144 = arith.constant 0 : i32
      %dma_start3A_145 = tpu.memref_slice %arg5[%mul3A_2, %dma_start3A_144] : memref<50048x16xf32, #tpu.memory_space<hbm>> -> memref<3128x16xf32, #tpu.memory_space<hbm>>
      tpu.enqueue_dma source(%dma_start3A_145 : memref<3128x16xf32, #tpu.memory_space<hbm>>) target(%dma_start3A_143 : memref<3128x16xf32, #tpu.memory_space<vmem_shared>>) target_semaphore(%run_scoped3A : memref<!tpu.dma_semaphore, #tpu.memory_space<semaphore_mem>>)
      %dma_wait3A_146 = arith.constant 0 : i32
      %dma_wait3A_147 = tpu.memref_slice %arg9[%mul3A_2, %dma_wait3A_146] : memref<50048x16xf32, #tpu.memory_space<vmem_shared>> -> memref<3128x16xf32, #tpu.memory_space<vmem_shared>>
      %dma_wait3A_148 = arith.constant 0 : i32
      %dma_wait3A_149 = tpu.memref_slice %arg5[%mul3A_2, %dma_wait3A_148] : memref<50048x16xf32, #tpu.memory_space<hbm>> -> memref<3128x16xf32, #tpu.memory_space<hbm>>
      tpu.wait_dma2 semaphore(%run_scoped3A : memref<!tpu.dma_semaphore, #tpu.memory_space<semaphore_mem>>) src(%dma_wait3A_149 : memref<3128x16xf32, #tpu.memory_space<hbm>>) dst(%dma_wait3A_147 : memref<3128x16xf32, #tpu.memory_space<vmem_shared>>)
      tpu.yield
    }) : () -> ()
    "tpu.region"() ({
      %run_scoped3A = tpu.sem_alloc : memref<!tpu.dma_semaphore, #tpu.memory_space<semaphore_mem>>
      %dma_start3A_142 = arith.constant 0 : i32
      %dma_start3A_143 = arith.constant 0 : i32
      %dma_start3A_144 = tpu.memref_slice %arg2[%add3A, %dma_start3A_142, %dma_start3A_143] : memref<32x232x128xi32, #tpu.memory_space<hbm>> -> memref<1x232x128xi32, #tpu.memory_space<hbm>>
      %dma_start3A_145 = tpu.memref_squeeze %dma_start3A_144 : memref<1x232x128xi32, #tpu.memory_space<hbm>> -> memref<232x128xi32, #tpu.memory_space<hbm>>
      %dma_start3A_146 = arith.constant 0 : i32
      %dma_start3A_147 = arith.constant 0 : i32
      %dma_start3A_148 = tpu.memref_slice %arg2[%add3A, %dma_start3A_146, %dma_start3A_147] : memref<32x232x128xi32, #tpu.memory_space<hbm>> -> memref<1x232x128xi32, #tpu.memory_space<hbm>>
      %dma_start3A_149 = tpu.memref_squeeze %dma_start3A_148 : memref<1x232x128xi32, #tpu.memory_space<hbm>> -> memref<232x128xi32, #tpu.memory_space<hbm>>
      tpu.enqueue_dma source(%dma_start3A_149 : memref<232x128xi32, #tpu.memory_space<hbm>>) target(%arg7 : memref<232x128xi32, #tpu.memory_space<vmem>>) target_semaphore(%run_scoped3A : memref<!tpu.dma_semaphore, #tpu.memory_space<semaphore_mem>>)
      %dma_wait3A_150 = arith.constant 0 : i32
      %dma_wait3A_151 = arith.constant 0 : i32
      %dma_wait3A_152 = tpu.memref_slice %arg2[%add3A, %dma_wait3A_150, %dma_wait3A_151] : memref<32x232x128xi32, #tpu.memory_space<hbm>> -> memref<1x232x128xi32, #tpu.memory_space<hbm>>
      %dma_wait3A_153 = tpu.memref_squeeze %dma_wait3A_152 : memref<1x232x128xi32, #tpu.memory_space<hbm>> -> memref<232x128xi32, #tpu.memory_space<hbm>>
      %dma_wait3A_154 = arith.constant 0 : i32
      %dma_wait3A_155 = arith.constant 0 : i32
      %dma_wait3A_156 = tpu.memref_slice %arg2[%add3A, %dma_wait3A_154, %dma_wait3A_155] : memref<32x232x128xi32, #tpu.memory_space<hbm>> -> memref<1x232x128xi32, #tpu.memory_space<hbm>>
      %dma_wait3A_157 = tpu.memref_squeeze %dma_wait3A_156 : memref<1x232x128xi32, #tpu.memory_space<hbm>> -> memref<232x128xi32, #tpu.memory_space<hbm>>
      tpu.wait_dma2 semaphore(%run_scoped3A : memref<!tpu.dma_semaphore, #tpu.memory_space<semaphore_mem>>) src(%dma_wait3A_157 : memref<232x128xi32, #tpu.memory_space<hbm>>) dst(%arg7 : memref<232x128xi32, #tpu.memory_space<vmem>>)
      tpu.yield
    }) : () -> ()
    "tpu.region"() ({
      %run_scoped3A = tpu.sem_alloc : memref<!tpu.dma_semaphore, #tpu.memory_space<semaphore_mem>>
      %dma_start3A_142 = arith.constant 0 : i32
      %dma_start3A_143 = arith.constant 0 : i32
      %dma_start3A_144 = tpu.memref_slice %arg3[%add3A, %dma_start3A_142, %dma_start3A_143] : memref<32x232x128xi32, #tpu.memory_space<hbm>> -> memref<1x232x128xi32, #tpu.memory_space<hbm>>
      %dma_start3A_145 = tpu.memref_squeeze %dma_start3A_144 : memref<1x232x128xi32, #tpu.memory_space<hbm>> -> memref<232x128xi32, #tpu.memory_space<hbm>>
      %dma_start3A_146 = arith.constant 0 : i32
      %dma_start3A_147 = arith.constant 0 : i32
      %dma_start3A_148 = tpu.memref_slice %arg3[%add3A, %dma_start3A_146, %dma_start3A_147] : memref<32x232x128xi32, #tpu.memory_space<hbm>> -> memref<1x232x128xi32, #tpu.memory_space<hbm>>
      %dma_start3A_149 = tpu.memref_squeeze %dma_start3A_148 : memref<1x232x128xi32, #tpu.memory_space<hbm>> -> memref<232x128xi32, #tpu.memory_space<hbm>>
      tpu.enqueue_dma source(%dma_start3A_149 : memref<232x128xi32, #tpu.memory_space<hbm>>) target(%arg8 : memref<232x128xi32, #tpu.memory_space<vmem>>) target_semaphore(%run_scoped3A : memref<!tpu.dma_semaphore, #tpu.memory_space<semaphore_mem>>)
      %dma_wait3A_150 = arith.constant 0 : i32
      %dma_wait3A_151 = arith.constant 0 : i32
      %dma_wait3A_152 = tpu.memref_slice %arg3[%add3A, %dma_wait3A_150, %dma_wait3A_151] : memref<32x232x128xi32, #tpu.memory_space<hbm>> -> memref<1x232x128xi32, #tpu.memory_space<hbm>>
      %dma_wait3A_153 = tpu.memref_squeeze %dma_wait3A_152 : memref<1x232x128xi32, #tpu.memory_space<hbm>> -> memref<232x128xi32, #tpu.memory_space<hbm>>
      %dma_wait3A_154 = arith.constant 0 : i32
      %dma_wait3A_155 = arith.constant 0 : i32
      %dma_wait3A_156 = tpu.memref_slice %arg3[%add3A, %dma_wait3A_154, %dma_wait3A_155] : memref<32x232x128xi32, #tpu.memory_space<hbm>> -> memref<1x232x128xi32, #tpu.memory_space<hbm>>
      %dma_wait3A_157 = tpu.memref_squeeze %dma_wait3A_156 : memref<1x232x128xi32, #tpu.memory_space<hbm>> -> memref<232x128xi32, #tpu.memory_space<hbm>>
      tpu.wait_dma2 semaphore(%run_scoped3A : memref<!tpu.dma_semaphore, #tpu.memory_space<semaphore_mem>>) src(%dma_wait3A_157 : memref<232x128xi32, #tpu.memory_space<hbm>>) dst(%arg8 : memref<232x128xi32, #tpu.memory_space<vmem>>)
      tpu.yield
    }) : () -> ()
    %barrier3A = arith.constant 0 : index
    tpu.barrier barrier_id(%barrier3A)
    %dma_start3A = arith.constant 0 : i32
    %dma_start3A_5 = arith.constant 0 : i32
    %dma_start3A_6 = tpu.memref_slice %arg7[%dma_start3A, %dma_start3A_5] : memref<232x128xi32, #tpu.memory_space<vmem>> -> memref<1x128xi32, #tpu.memory_space<vmem>>
    %dma_start3A_7 = tpu.memref_squeeze %dma_start3A_6 : memref<1x128xi32, #tpu.memory_space<vmem>> -> memref<128xi32, #tpu.memory_space<vmem>>
    %dma_start3A_8 = arith.constant 0 : i32
    %dma_start3A_9 = arith.constant 0 : i32
    %dma_start3A_10 = tpu.memref_slice %arg4[%dma_start3A_8, %dma_start3A_9] : memref<50048x16xf32, #tpu.memory_space<hbm>> -> memref<50048x16xf32, #tpu.memory_space<hbm>>
    tpu.enqueue_indirect_dma source(%dma_start3A_10 : memref<50048x16xf32, #tpu.memory_space<hbm>>) target(%arg10 : memref<128x16xf32, #tpu.memory_space<vmem>>) offsets(%dma_start3A_7 : memref<128xi32, #tpu.memory_space<vmem>>) semaphore(%arg14 : memref<!tpu.dma_semaphore, #tpu.memory_space<semaphore_mem>>)
    %dma_start3A_11 = arith.constant 1 : i32
    %dma_start3A_12 = arith.constant 0 : i32
    %dma_start3A_13 = tpu.memref_slice %arg7[%dma_start3A_11, %dma_start3A_12] : memref<232x128xi32, #tpu.memory_space<vmem>> -> memref<1x128xi32, #tpu.memory_space<vmem>>
    %dma_start3A_14 = tpu.memref_squeeze %dma_start3A_13 : memref<1x128xi32, #tpu.memory_space<vmem>> -> memref<128xi32, #tpu.memory_space<vmem>>
    %dma_start3A_15 = arith.constant 0 : i32
    %dma_start3A_16 = arith.constant 0 : i32
    %dma_start3A_17 = tpu.memref_slice %arg4[%dma_start3A_15, %dma_start3A_16] : memref<50048x16xf32, #tpu.memory_space<hbm>> -> memref<50048x16xf32, #tpu.memory_space<hbm>>
    tpu.enqueue_indirect_dma source(%dma_start3A_17 : memref<50048x16xf32, #tpu.memory_space<hbm>>) target(%arg11 : memref<128x16xf32, #tpu.memory_space<vmem>>) offsets(%dma_start3A_14 : memref<128xi32, #tpu.memory_space<vmem>>) semaphore(%arg15 : memref<!tpu.dma_semaphore, #tpu.memory_space<semaphore_mem>>)
    %dma_start3A_18 = arith.constant 2 : i32
    %dma_start3A_19 = arith.constant 0 : i32
    %dma_start3A_20 = tpu.memref_slice %arg7[%dma_start3A_18, %dma_start3A_19] : memref<232x128xi32, #tpu.memory_space<vmem>> -> memref<1x128xi32, #tpu.memory_space<vmem>>
    %dma_start3A_21 = tpu.memref_squeeze %dma_start3A_20 : memref<1x128xi32, #tpu.memory_space<vmem>> -> memref<128xi32, #tpu.memory_space<vmem>>
    %dma_start3A_22 = arith.constant 0 : i32
    %dma_start3A_23 = arith.constant 0 : i32
    %dma_start3A_24 = tpu.memref_slice %arg4[%dma_start3A_22, %dma_start3A_23] : memref<50048x16xf32, #tpu.memory_space<hbm>> -> memref<50048x16xf32, #tpu.memory_space<hbm>>
    tpu.enqueue_indirect_dma source(%dma_start3A_24 : memref<50048x16xf32, #tpu.memory_space<hbm>>) target(%arg12 : memref<128x16xf32, #tpu.memory_space<vmem>>) offsets(%dma_start3A_21 : memref<128xi32, #tpu.memory_space<vmem>>) semaphore(%arg16 : memref<!tpu.dma_semaphore, #tpu.memory_space<semaphore_mem>>)
    %dma_start3A_25 = arith.constant 3 : i32
    %dma_start3A_26 = arith.constant 0 : i32
    %dma_start3A_27 = tpu.memref_slice %arg7[%dma_start3A_25, %dma_start3A_26] : memref<232x128xi32, #tpu.memory_space<vmem>> -> memref<1x128xi32, #tpu.memory_space<vmem>>
    %dma_start3A_28 = tpu.memref_squeeze %dma_start3A_27 : memref<1x128xi32, #tpu.memory_space<vmem>> -> memref<128xi32, #tpu.memory_space<vmem>>
    %dma_start3A_29 = arith.constant 0 : i32
    %dma_start3A_30 = arith.constant 0 : i32
    %dma_start3A_31 = tpu.memref_slice %arg4[%dma_start3A_29, %dma_start3A_30] : memref<50048x16xf32, #tpu.memory_space<hbm>> -> memref<50048x16xf32, #tpu.memory_space<hbm>>
    tpu.enqueue_indirect_dma source(%dma_start3A_31 : memref<50048x16xf32, #tpu.memory_space<hbm>>) target(%arg13 : memref<128x16xf32, #tpu.memory_space<vmem>>) offsets(%dma_start3A_28 : memref<128xi32, #tpu.memory_space<vmem>>) semaphore(%arg17 : memref<!tpu.dma_semaphore, #tpu.memory_space<semaphore_mem>>)
    %sub3A = arith.constant 1 : i32
    %sub3A_32 = arith.subi %select_n3A, %sub3A : i32
    %while3A = arith.constant 0 : i32
    %while3A_33 = arith.constant 0 : i32
    %while3A_34 = arith.subi %sub3A_32, %while3A_33 : i32
    %while3A_35 = arith.addi %while3A_33, %while3A_34 : i32
    %while3A_36 = arith.constant 1 : i32
    %while3A_37 = arith.divsi %while3A_34, %while3A_36 : i32
    %while3A_38 = arith.muli %while3A_37, %while3A_36 : i32
    %while3A_39 = arith.addi %while3A_33, %while3A_38 : i32
    %while3A_40 = arith.constant 1 : i32
    scf.for %while3A_142 = %while3A_33 to %while3A_39 step %while3A_40  : i32 {
      %mul3A_143 = arith.constant 4 : i32
      %mul3A_144 = arith.muli %while3A_142, %mul3A_143 : i32
      %add3A_145 = arith.constant 0 : i32
      %add3A_146 = arith.addi %mul3A_144, %add3A_145 : i32
      %dma_wait3A_147 = arith.constant 0 : i32
      %dma_wait3A_148 = tpu.memref_slice %arg7[%add3A_146, %dma_wait3A_147] : memref<232x128xi32, #tpu.memory_space<vmem>> -> memref<1x128xi32, #tpu.memory_space<vmem>>
      %dma_wait3A_149 = tpu.memref_squeeze %dma_wait3A_148 : memref<1x128xi32, #tpu.memory_space<vmem>> -> memref<128xi32, #tpu.memory_space<vmem>>
      %dma_wait3A_150 = arith.constant 0 : i32
      %dma_wait3A_151 = arith.constant 0 : i32
      %dma_wait3A_152 = tpu.memref_slice %arg4[%dma_wait3A_150, %dma_wait3A_151] : memref<50048x16xf32, #tpu.memory_space<hbm>> -> memref<50048x16xf32, #tpu.memory_space<hbm>>
      tpu.wait_indirect_dma semaphore(%arg14 : memref<!tpu.dma_semaphore, #tpu.memory_space<semaphore_mem>>) src(%dma_wait3A_152 : memref<50048x16xf32, #tpu.memory_space<hbm>>) dst(%arg10 : memref<128x16xf32, #tpu.memory_space<vmem>>)
      %add3A_153 = arith.constant 0 : i32
      %add3A_154 = arith.addi %mul3A_144, %add3A_153 : i32
      %dma_start3A_155 = arith.constant 0 : i32
      %dma_start3A_156 = tpu.memref_slice %arg8[%add3A_154, %dma_start3A_155] : memref<232x128xi32, #tpu.memory_space<vmem>> -> memref<1x128xi32, #tpu.memory_space<vmem>>
      %dma_start3A_157 = tpu.memref_squeeze %dma_start3A_156 : memref<1x128xi32, #tpu.memory_space<vmem>> -> memref<128xi32, #tpu.memory_space<vmem>>
      %dma_start3A_158 = arith.constant 0 : i32
      %dma_start3A_159 = arith.constant 0 : i32
      %dma_start3A_160 = tpu.memref_slice %arg9[%dma_start3A_158, %dma_start3A_159] : memref<50048x16xf32, #tpu.memory_space<vmem_shared>> -> memref<50048x16xf32, #tpu.memory_space<vmem_shared>>
      tpu.enqueue_indirect_dma source(%arg10 : memref<128x16xf32, #tpu.memory_space<vmem>>) target(%dma_start3A_160 : memref<50048x16xf32, #tpu.memory_space<vmem_shared>>) offsets(%dma_start3A_157 : memref<128xi32, #tpu.memory_space<vmem>>) semaphore(%arg18 : memref<!tpu.dma_semaphore, #tpu.memory_space<semaphore_mem>>) {add = true}
      %add3A_161 = arith.constant 1 : i32
      %add3A_162 = arith.addi %mul3A_144, %add3A_161 : i32
      %dma_wait3A_163 = arith.constant 0 : i32
      %dma_wait3A_164 = tpu.memref_slice %arg7[%add3A_162, %dma_wait3A_163] : memref<232x128xi32, #tpu.memory_space<vmem>> -> memref<1x128xi32, #tpu.memory_space<vmem>>
      %dma_wait3A_165 = tpu.memref_squeeze %dma_wait3A_164 : memref<1x128xi32, #tpu.memory_space<vmem>> -> memref<128xi32, #tpu.memory_space<vmem>>
      %dma_wait3A_166 = arith.constant 0 : i32
      %dma_wait3A_167 = arith.constant 0 : i32
      %dma_wait3A_168 = tpu.memref_slice %arg4[%dma_wait3A_166, %dma_wait3A_167] : memref<50048x16xf32, #tpu.memory_space<hbm>> -> memref<50048x16xf32, #tpu.memory_space<hbm>>
      tpu.wait_indirect_dma semaphore(%arg15 : memref<!tpu.dma_semaphore, #tpu.memory_space<semaphore_mem>>) src(%dma_wait3A_168 : memref<50048x16xf32, #tpu.memory_space<hbm>>) dst(%arg11 : memref<128x16xf32, #tpu.memory_space<vmem>>)
      %add3A_169 = arith.constant 1 : i32
      %add3A_170 = arith.addi %mul3A_144, %add3A_169 : i32
      %dma_start3A_171 = arith.constant 0 : i32
      %dma_start3A_172 = tpu.memref_slice %arg8[%add3A_170, %dma_start3A_171] : memref<232x128xi32, #tpu.memory_space<vmem>> -> memref<1x128xi32, #tpu.memory_space<vmem>>
      %dma_start3A_173 = tpu.memref_squeeze %dma_start3A_172 : memref<1x128xi32, #tpu.memory_space<vmem>> -> memref<128xi32, #tpu.memory_space<vmem>>
      %dma_start3A_174 = arith.constant 0 : i32
      %dma_start3A_175 = arith.constant 0 : i32
      %dma_start3A_176 = tpu.memref_slice %arg9[%dma_start3A_174, %dma_start3A_175] : memref<50048x16xf32, #tpu.memory_space<vmem_shared>> -> memref<50048x16xf32, #tpu.memory_space<vmem_shared>>
      tpu.enqueue_indirect_dma source(%arg11 : memref<128x16xf32, #tpu.memory_space<vmem>>) target(%dma_start3A_176 : memref<50048x16xf32, #tpu.memory_space<vmem_shared>>) offsets(%dma_start3A_173 : memref<128xi32, #tpu.memory_space<vmem>>) semaphore(%arg19 : memref<!tpu.dma_semaphore, #tpu.memory_space<semaphore_mem>>) {add = true}
      %add3A_177 = arith.constant 2 : i32
      %add3A_178 = arith.addi %mul3A_144, %add3A_177 : i32
      %dma_wait3A_179 = arith.constant 0 : i32
      %dma_wait3A_180 = tpu.memref_slice %arg7[%add3A_178, %dma_wait3A_179] : memref<232x128xi32, #tpu.memory_space<vmem>> -> memref<1x128xi32, #tpu.memory_space<vmem>>
      %dma_wait3A_181 = tpu.memref_squeeze %dma_wait3A_180 : memref<1x128xi32, #tpu.memory_space<vmem>> -> memref<128xi32, #tpu.memory_space<vmem>>
      %dma_wait3A_182 = arith.constant 0 : i32
      %dma_wait3A_183 = arith.constant 0 : i32
      %dma_wait3A_184 = tpu.memref_slice %arg4[%dma_wait3A_182, %dma_wait3A_183] : memref<50048x16xf32, #tpu.memory_space<hbm>> -> memref<50048x16xf32, #tpu.memory_space<hbm>>
      tpu.wait_indirect_dma semaphore(%arg16 : memref<!tpu.dma_semaphore, #tpu.memory_space<semaphore_mem>>) src(%dma_wait3A_184 : memref<50048x16xf32, #tpu.memory_space<hbm>>) dst(%arg12 : memref<128x16xf32, #tpu.memory_space<vmem>>)
      %add3A_185 = arith.constant 2 : i32
      %add3A_186 = arith.addi %mul3A_144, %add3A_185 : i32
      %dma_start3A_187 = arith.constant 0 : i32
      %dma_start3A_188 = tpu.memref_slice %arg8[%add3A_186, %dma_start3A_187] : memref<232x128xi32, #tpu.memory_space<vmem>> -> memref<1x128xi32, #tpu.memory_space<vmem>>
      %dma_start3A_189 = tpu.memref_squeeze %dma_start3A_188 : memref<1x128xi32, #tpu.memory_space<vmem>> -> memref<128xi32, #tpu.memory_space<vmem>>
      %dma_start3A_190 = arith.constant 0 : i32
      %dma_start3A_191 = arith.constant 0 : i32
      %dma_start3A_192 = tpu.memref_slice %arg9[%dma_start3A_190, %dma_start3A_191] : memref<50048x16xf32, #tpu.memory_space<vmem_shared>> -> memref<50048x16xf32, #tpu.memory_space<vmem_shared>>
      tpu.enqueue_indirect_dma source(%arg12 : memref<128x16xf32, #tpu.memory_space<vmem>>) target(%dma_start3A_192 : memref<50048x16xf32, #tpu.memory_space<vmem_shared>>) offsets(%dma_start3A_189 : memref<128xi32, #tpu.memory_space<vmem>>) semaphore(%arg20 : memref<!tpu.dma_semaphore, #tpu.memory_space<semaphore_mem>>) {add = true}
      %add3A_193 = arith.constant 3 : i32
      %add3A_194 = arith.addi %mul3A_144, %add3A_193 : i32
      %dma_wait3A_195 = arith.constant 0 : i32
      %dma_wait3A_196 = tpu.memref_slice %arg7[%add3A_194, %dma_wait3A_195] : memref<232x128xi32, #tpu.memory_space<vmem>> -> memref<1x128xi32, #tpu.memory_space<vmem>>
      %dma_wait3A_197 = tpu.memref_squeeze %dma_wait3A_196 : memref<1x128xi32, #tpu.memory_space<vmem>> -> memref<128xi32, #tpu.memory_space<vmem>>
      %dma_wait3A_198 = arith.constant 0 : i32
      %dma_wait3A_199 = arith.constant 0 : i32
      %dma_wait3A_200 = tpu.memref_slice %arg4[%dma_wait3A_198, %dma_wait3A_199] : memref<50048x16xf32, #tpu.memory_space<hbm>> -> memref<50048x16xf32, #tpu.memory_space<hbm>>
      tpu.wait_indirect_dma semaphore(%arg17 : memref<!tpu.dma_semaphore, #tpu.memory_space<semaphore_mem>>) src(%dma_wait3A_200 : memref<50048x16xf32, #tpu.memory_space<hbm>>) dst(%arg13 : memref<128x16xf32, #tpu.memory_space<vmem>>)
      %add3A_201 = arith.constant 3 : i32
      %add3A_202 = arith.addi %mul3A_144, %add3A_201 : i32
      %dma_start3A_203 = arith.constant 0 : i32
      %dma_start3A_204 = tpu.memref_slice %arg8[%add3A_202, %dma_start3A_203] : memref<232x128xi32, #tpu.memory_space<vmem>> -> memref<1x128xi32, #tpu.memory_space<vmem>>
      %dma_start3A_205 = tpu.memref_squeeze %dma_start3A_204 : memref<1x128xi32, #tpu.memory_space<vmem>> -> memref<128xi32, #tpu.memory_space<vmem>>
      %dma_start3A_206 = arith.constant 0 : i32
      %dma_start3A_207 = arith.constant 0 : i32
      %dma_start3A_208 = tpu.memref_slice %arg9[%dma_start3A_206, %dma_start3A_207] : memref<50048x16xf32, #tpu.memory_space<vmem_shared>> -> memref<50048x16xf32, #tpu.memory_space<vmem_shared>>
      tpu.enqueue_indirect_dma source(%arg13 : memref<128x16xf32, #tpu.memory_space<vmem>>) target(%dma_start3A_208 : memref<50048x16xf32, #tpu.memory_space<vmem_shared>>) offsets(%dma_start3A_205 : memref<128xi32, #tpu.memory_space<vmem>>) semaphore(%arg21 : memref<!tpu.dma_semaphore, #tpu.memory_space<semaphore_mem>>) {add = true}
      %add3A_209 = arith.constant 0 : i32
      %add3A_210 = arith.addi %mul3A_144, %add3A_209 : i32
      %dma_wait3A_211 = arith.constant 0 : i32
      %dma_wait3A_212 = tpu.memref_slice %arg8[%add3A_210, %dma_wait3A_211] : memref<232x128xi32, #tpu.memory_space<vmem>> -> memref<1x128xi32, #tpu.memory_space<vmem>>
      %dma_wait3A_213 = tpu.memref_squeeze %dma_wait3A_212 : memref<1x128xi32, #tpu.memory_space<vmem>> -> memref<128xi32, #tpu.memory_space<vmem>>
      %dma_wait3A_214 = arith.constant 0 : i32
      %dma_wait3A_215 = arith.constant 0 : i32
      %dma_wait3A_216 = tpu.memref_slice %arg9[%dma_wait3A_214, %dma_wait3A_215] : memref<50048x16xf32, #tpu.memory_space<vmem_shared>> -> memref<50048x16xf32, #tpu.memory_space<vmem_shared>>
      tpu.wait_indirect_dma semaphore(%arg18 : memref<!tpu.dma_semaphore, #tpu.memory_space<semaphore_mem>>) src(%arg10 : memref<128x16xf32, #tpu.memory_space<vmem>>) dst(%dma_wait3A_216 : memref<50048x16xf32, #tpu.memory_space<vmem_shared>>)
      %add3A_217 = arith.constant 4 : i32
      %add3A_218 = arith.addi %mul3A_144, %add3A_217 : i32
      %add3A_219 = arith.constant 0 : i32
      %add3A_220 = arith.addi %add3A_218, %add3A_219 : i32
      %dma_start3A_221 = arith.constant 0 : i32
      %dma_start3A_222 = tpu.memref_slice %arg7[%add3A_220, %dma_start3A_221] : memref<232x128xi32, #tpu.memory_space<vmem>> -> memref<1x128xi32, #tpu.memory_space<vmem>>
      %dma_start3A_223 = tpu.memref_squeeze %dma_start3A_222 : memref<1x128xi32, #tpu.memory_space<vmem>> -> memref<128xi32, #tpu.memory_space<vmem>>
      %dma_start3A_224 = arith.constant 0 : i32
      %dma_start3A_225 = arith.constant 0 : i32
      %dma_start3A_226 = tpu.memref_slice %arg4[%dma_start3A_224, %dma_start3A_225] : memref<50048x16xf32, #tpu.memory_space<hbm>> -> memref<50048x16xf32, #tpu.memory_space<hbm>>
      tpu.enqueue_indirect_dma source(%dma_start3A_226 : memref<50048x16xf32, #tpu.memory_space<hbm>>) target(%arg10 : memref<128x16xf32, #tpu.memory_space<vmem>>) offsets(%dma_start3A_223 : memref<128xi32, #tpu.memory_space<vmem>>) semaphore(%arg14 : memref<!tpu.dma_semaphore, #tpu.memory_space<semaphore_mem>>)
      %add3A_227 = arith.constant 1 : i32
      %add3A_228 = arith.addi %mul3A_144, %add3A_227 : i32
      %dma_wait3A_229 = arith.constant 0 : i32
      %dma_wait3A_230 = tpu.memref_slice %arg8[%add3A_228, %dma_wait3A_229] : memref<232x128xi32, #tpu.memory_space<vmem>> -> memref<1x128xi32, #tpu.memory_space<vmem>>
      %dma_wait3A_231 = tpu.memref_squeeze %dma_wait3A_230 : memref<1x128xi32, #tpu.memory_space<vmem>> -> memref<128xi32, #tpu.memory_space<vmem>>
      %dma_wait3A_232 = arith.constant 0 : i32
      %dma_wait3A_233 = arith.constant 0 : i32
      %dma_wait3A_234 = tpu.memref_slice %arg9[%dma_wait3A_232, %dma_wait3A_233] : memref<50048x16xf32, #tpu.memory_space<vmem_shared>> -> memref<50048x16xf32, #tpu.memory_space<vmem_shared>>
      tpu.wait_indirect_dma semaphore(%arg19 : memref<!tpu.dma_semaphore, #tpu.memory_space<semaphore_mem>>) src(%arg11 : memref<128x16xf32, #tpu.memory_space<vmem>>) dst(%dma_wait3A_234 : memref<50048x16xf32, #tpu.memory_space<vmem_shared>>)
      %add3A_235 = arith.constant 4 : i32
      %add3A_236 = arith.addi %mul3A_144, %add3A_235 : i32
      %add3A_237 = arith.constant 1 : i32
      %add3A_238 = arith.addi %add3A_236, %add3A_237 : i32
      %dma_start3A_239 = arith.constant 0 : i32
      %dma_start3A_240 = tpu.memref_slice %arg7[%add3A_238, %dma_start3A_239] : memref<232x128xi32, #tpu.memory_space<vmem>> -> memref<1x128xi32, #tpu.memory_space<vmem>>
      %dma_start3A_241 = tpu.memref_squeeze %dma_start3A_240 : memref<1x128xi32, #tpu.memory_space<vmem>> -> memref<128xi32, #tpu.memory_space<vmem>>
      %dma_start3A_242 = arith.constant 0 : i32
      %dma_start3A_243 = arith.constant 0 : i32
      %dma_start3A_244 = tpu.memref_slice %arg4[%dma_start3A_242, %dma_start3A_243] : memref<50048x16xf32, #tpu.memory_space<hbm>> -> memref<50048x16xf32, #tpu.memory_space<hbm>>
      tpu.enqueue_indirect_dma source(%dma_start3A_244 : memref<50048x16xf32, #tpu.memory_space<hbm>>) target(%arg11 : memref<128x16xf32, #tpu.memory_space<vmem>>) offsets(%dma_start3A_241 : memref<128xi32, #tpu.memory_space<vmem>>) semaphore(%arg15 : memref<!tpu.dma_semaphore, #tpu.memory_space<semaphore_mem>>)
      %add3A_245 = arith.constant 2 : i32
      %add3A_246 = arith.addi %mul3A_144, %add3A_245 : i32
      %dma_wait3A_247 = arith.constant 0 : i32
      %dma_wait3A_248 = tpu.memref_slice %arg8[%add3A_246, %dma_wait3A_247] : memref<232x128xi32, #tpu.memory_space<vmem>> -> memref<1x128xi32, #tpu.memory_space<vmem>>
      %dma_wait3A_249 = tpu.memref_squeeze %dma_wait3A_248 : memref<1x128xi32, #tpu.memory_space<vmem>> -> memref<128xi32, #tpu.memory_space<vmem>>
      %dma_wait3A_250 = arith.constant 0 : i32
      %dma_wait3A_251 = arith.constant 0 : i32
      %dma_wait3A_252 = tpu.memref_slice %arg9[%dma_wait3A_250, %dma_wait3A_251] : memref<50048x16xf32, #tpu.memory_space<vmem_shared>> -> memref<50048x16xf32, #tpu.memory_space<vmem_shared>>
      tpu.wait_indirect_dma semaphore(%arg20 : memref<!tpu.dma_semaphore, #tpu.memory_space<semaphore_mem>>) src(%arg12 : memref<128x16xf32, #tpu.memory_space<vmem>>) dst(%dma_wait3A_252 : memref<50048x16xf32, #tpu.memory_space<vmem_shared>>)
      %add3A_253 = arith.constant 4 : i32
      %add3A_254 = arith.addi %mul3A_144, %add3A_253 : i32
      %add3A_255 = arith.constant 2 : i32
      %add3A_256 = arith.addi %add3A_254, %add3A_255 : i32
      %dma_start3A_257 = arith.constant 0 : i32
      %dma_start3A_258 = tpu.memref_slice %arg7[%add3A_256, %dma_start3A_257] : memref<232x128xi32, #tpu.memory_space<vmem>> -> memref<1x128xi32, #tpu.memory_space<vmem>>
      %dma_start3A_259 = tpu.memref_squeeze %dma_start3A_258 : memref<1x128xi32, #tpu.memory_space<vmem>> -> memref<128xi32, #tpu.memory_space<vmem>>
      %dma_start3A_260 = arith.constant 0 : i32
      %dma_start3A_261 = arith.constant 0 : i32
      %dma_start3A_262 = tpu.memref_slice %arg4[%dma_start3A_260, %dma_start3A_261] : memref<50048x16xf32, #tpu.memory_space<hbm>> -> memref<50048x16xf32, #tpu.memory_space<hbm>>
      tpu.enqueue_indirect_dma source(%dma_start3A_262 : memref<50048x16xf32, #tpu.memory_space<hbm>>) target(%arg12 : memref<128x16xf32, #tpu.memory_space<vmem>>) offsets(%dma_start3A_259 : memref<128xi32, #tpu.memory_space<vmem>>) semaphore(%arg16 : memref<!tpu.dma_semaphore, #tpu.memory_space<semaphore_mem>>)
      %add3A_263 = arith.constant 3 : i32
      %add3A_264 = arith.addi %mul3A_144, %add3A_263 : i32
      %dma_wait3A_265 = arith.constant 0 : i32
      %dma_wait3A_266 = tpu.memref_slice %arg8[%add3A_264, %dma_wait3A_265] : memref<232x128xi32, #tpu.memory_space<vmem>> -> memref<1x128xi32, #tpu.memory_space<vmem>>
      %dma_wait3A_267 = tpu.memref_squeeze %dma_wait3A_266 : memref<1x128xi32, #tpu.memory_space<vmem>> -> memref<128xi32, #tpu.memory_space<vmem>>
      %dma_wait3A_268 = arith.constant 0 : i32
      %dma_wait3A_269 = arith.constant 0 : i32
      %dma_wait3A_270 = tpu.memref_slice %arg9[%dma_wait3A_268, %dma_wait3A_269] : memref<50048x16xf32, #tpu.memory_space<vmem_shared>> -> memref<50048x16xf32, #tpu.memory_space<vmem_shared>>
      tpu.wait_indirect_dma semaphore(%arg21 : memref<!tpu.dma_semaphore, #tpu.memory_space<semaphore_mem>>) src(%arg13 : memref<128x16xf32, #tpu.memory_space<vmem>>) dst(%dma_wait3A_270 : memref<50048x16xf32, #tpu.memory_space<vmem_shared>>)
      %add3A_271 = arith.constant 4 : i32
      %add3A_272 = arith.addi %mul3A_144, %add3A_271 : i32
      %add3A_273 = arith.constant 3 : i32
      %add3A_274 = arith.addi %add3A_272, %add3A_273 : i32
      %dma_start3A_275 = arith.constant 0 : i32
      %dma_start3A_276 = tpu.memref_slice %arg7[%add3A_274, %dma_start3A_275] : memref<232x128xi32, #tpu.memory_space<vmem>> -> memref<1x128xi32, #tpu.memory_space<vmem>>
      %dma_start3A_277 = tpu.memref_squeeze %dma_start3A_276 : memref<1x128xi32, #tpu.memory_space<vmem>> -> memref<128xi32, #tpu.memory_space<vmem>>
      %dma_start3A_278 = arith.constant 0 : i32
      %dma_start3A_279 = arith.constant 0 : i32
      %dma_start3A_280 = tpu.memref_slice %arg4[%dma_start3A_278, %dma_start3A_279] : memref<50048x16xf32, #tpu.memory_space<hbm>> -> memref<50048x16xf32, #tpu.memory_space<hbm>>
      tpu.enqueue_indirect_dma source(%dma_start3A_280 : memref<50048x16xf32, #tpu.memory_space<hbm>>) target(%arg13 : memref<128x16xf32, #tpu.memory_space<vmem>>) offsets(%dma_start3A_277 : memref<128xi32, #tpu.memory_space<vmem>>) semaphore(%arg17 : memref<!tpu.dma_semaphore, #tpu.memory_space<semaphore_mem>>)
    }
    %while3A_41 = arith.constant 1 : i32
    scf.for %while3A_142 = %while3A_39 to %while3A_35 step %while3A_41  : i32 {
      %mul3A_143 = arith.constant 4 : i32
      %mul3A_144 = arith.muli %while3A_142, %mul3A_143 : i32
      %add3A_145 = arith.constant 0 : i32
      %add3A_146 = arith.addi %mul3A_144, %add3A_145 : i32
      %dma_wait3A_147 = arith.constant 0 : i32
      %dma_wait3A_148 = tpu.memref_slice %arg7[%add3A_146, %dma_wait3A_147] : memref<232x128xi32, #tpu.memory_space<vmem>> -> memref<1x128xi32, #tpu.memory_space<vmem>>
      %dma_wait3A_149 = tpu.memref_squeeze %dma_wait3A_148 : memref<1x128xi32, #tpu.memory_space<vmem>> -> memref<128xi32, #tpu.memory_space<vmem>>
      %dma_wait3A_150 = arith.constant 0 : i32
      %dma_wait3A_151 = arith.constant 0 : i32
      %dma_wait3A_152 = tpu.memref_slice %arg4[%dma_wait3A_150, %dma_wait3A_151] : memref<50048x16xf32, #tpu.memory_space<hbm>> -> memref<50048x16xf32, #tpu.memory_space<hbm>>
      tpu.wait_indirect_dma semaphore(%arg14 : memref<!tpu.dma_semaphore, #tpu.memory_space<semaphore_mem>>) src(%dma_wait3A_152 : memref<50048x16xf32, #tpu.memory_space<hbm>>) dst(%arg10 : memref<128x16xf32, #tpu.memory_space<vmem>>)
      %add3A_153 = arith.constant 0 : i32
      %add3A_154 = arith.addi %mul3A_144, %add3A_153 : i32
      %dma_start3A_155 = arith.constant 0 : i32
      %dma_start3A_156 = tpu.memref_slice %arg8[%add3A_154, %dma_start3A_155] : memref<232x128xi32, #tpu.memory_space<vmem>> -> memref<1x128xi32, #tpu.memory_space<vmem>>
      %dma_start3A_157 = tpu.memref_squeeze %dma_start3A_156 : memref<1x128xi32, #tpu.memory_space<vmem>> -> memref<128xi32, #tpu.memory_space<vmem>>
      %dma_start3A_158 = arith.constant 0 : i32
      %dma_start3A_159 = arith.constant 0 : i32
      %dma_start3A_160 = tpu.memref_slice %arg9[%dma_start3A_158, %dma_start3A_159] : memref<50048x16xf32, #tpu.memory_space<vmem_shared>> -> memref<50048x16xf32, #tpu.memory_space<vmem_shared>>
      tpu.enqueue_indirect_dma source(%arg10 : memref<128x16xf32, #tpu.memory_space<vmem>>) target(%dma_start3A_160 : memref<50048x16xf32, #tpu.memory_space<vmem_shared>>) offsets(%dma_start3A_157 : memref<128xi32, #tpu.memory_space<vmem>>) semaphore(%arg18 : memref<!tpu.dma_semaphore, #tpu.memory_space<semaphore_mem>>) {add = true}
      %add3A_161 = arith.constant 1 : i32
      %add3A_162 = arith.addi %mul3A_144, %add3A_161 : i32
      %dma_wait3A_163 = arith.constant 0 : i32
      %dma_wait3A_164 = tpu.memref_slice %arg7[%add3A_162, %dma_wait3A_163] : memref<232x128xi32, #tpu.memory_space<vmem>> -> memref<1x128xi32, #tpu.memory_space<vmem>>
      %dma_wait3A_165 = tpu.memref_squeeze %dma_wait3A_164 : memref<1x128xi32, #tpu.memory_space<vmem>> -> memref<128xi32, #tpu.memory_space<vmem>>
      %dma_wait3A_166 = arith.constant 0 : i32
      %dma_wait3A_167 = arith.constant 0 : i32
      %dma_wait3A_168 = tpu.memref_slice %arg4[%dma_wait3A_166, %dma_wait3A_167] : memref<50048x16xf32, #tpu.memory_space<hbm>> -> memref<50048x16xf32, #tpu.memory_space<hbm>>
      tpu.wait_indirect_dma semaphore(%arg15 : memref<!tpu.dma_semaphore, #tpu.memory_space<semaphore_mem>>) src(%dma_wait3A_168 : memref<50048x16xf32, #tpu.memory_space<hbm>>) dst(%arg11 : memref<128x16xf32, #tpu.memory_space<vmem>>)
      %add3A_169 = arith.constant 1 : i32
      %add3A_170 = arith.addi %mul3A_144, %add3A_169 : i32
      %dma_start3A_171 = arith.constant 0 : i32
      %dma_start3A_172 = tpu.memref_slice %arg8[%add3A_170, %dma_start3A_171] : memref<232x128xi32, #tpu.memory_space<vmem>> -> memref<1x128xi32, #tpu.memory_space<vmem>>
      %dma_start3A_173 = tpu.memref_squeeze %dma_start3A_172 : memref<1x128xi32, #tpu.memory_space<vmem>> -> memref<128xi32, #tpu.memory_space<vmem>>
      %dma_start3A_174 = arith.constant 0 : i32
      %dma_start3A_175 = arith.constant 0 : i32
      %dma_start3A_176 = tpu.memref_slice %arg9[%dma_start3A_174, %dma_start3A_175] : memref<50048x16xf32, #tpu.memory_space<vmem_shared>> -> memref<50048x16xf32, #tpu.memory_space<vmem_shared>>
      tpu.enqueue_indirect_dma source(%arg11 : memref<128x16xf32, #tpu.memory_space<vmem>>) target(%dma_start3A_176 : memref<50048x16xf32, #tpu.memory_space<vmem_shared>>) offsets(%dma_start3A_173 : memref<128xi32, #tpu.memory_space<vmem>>) semaphore(%arg19 : memref<!tpu.dma_semaphore, #tpu.memory_space<semaphore_mem>>) {add = true}
      %add3A_177 = arith.constant 2 : i32
      %add3A_178 = arith.addi %mul3A_144, %add3A_177 : i32
      %dma_wait3A_179 = arith.constant 0 : i32
      %dma_wait3A_180 = tpu.memref_slice %arg7[%add3A_178, %dma_wait3A_179] : memref<232x128xi32, #tpu.memory_space<vmem>> -> memref<1x128xi32, #tpu.memory_space<vmem>>
      %dma_wait3A_181 = tpu.memref_squeeze %dma_wait3A_180 : memref<1x128xi32, #tpu.memory_space<vmem>> -> memref<128xi32, #tpu.memory_space<vmem>>
      %dma_wait3A_182 = arith.constant 0 : i32
      %dma_wait3A_183 = arith.constant 0 : i32
      %dma_wait3A_184 = tpu.memref_slice %arg4[%dma_wait3A_182, %dma_wait3A_183] : memref<50048x16xf32, #tpu.memory_space<hbm>> -> memref<50048x16xf32, #tpu.memory_space<hbm>>
      tpu.wait_indirect_dma semaphore(%arg16 : memref<!tpu.dma_semaphore, #tpu.memory_space<semaphore_mem>>) src(%dma_wait3A_184 : memref<50048x16xf32, #tpu.memory_space<hbm>>) dst(%arg12 : memref<128x16xf32, #tpu.memory_space<vmem>>)
      %add3A_185 = arith.constant 2 : i32
      %add3A_186 = arith.addi %mul3A_144, %add3A_185 : i32
      %dma_start3A_187 = arith.constant 0 : i32
      %dma_start3A_188 = tpu.memref_slice %arg8[%add3A_186, %dma_start3A_187] : memref<232x128xi32, #tpu.memory_space<vmem>> -> memref<1x128xi32, #tpu.memory_space<vmem>>
      %dma_start3A_189 = tpu.memref_squeeze %dma_start3A_188 : memref<1x128xi32, #tpu.memory_space<vmem>> -> memref<128xi32, #tpu.memory_space<vmem>>
      %dma_start3A_190 = arith.constant 0 : i32
      %dma_start3A_191 = arith.constant 0 : i32
      %dma_start3A_192 = tpu.memref_slice %arg9[%dma_start3A_190, %dma_start3A_191] : memref<50048x16xf32, #tpu.memory_space<vmem_shared>> -> memref<50048x16xf32, #tpu.memory_space<vmem_shared>>
      tpu.enqueue_indirect_dma source(%arg12 : memref<128x16xf32, #tpu.memory_space<vmem>>) target(%dma_start3A_192 : memref<50048x16xf32, #tpu.memory_space<vmem_shared>>) offsets(%dma_start3A_189 : memref<128xi32, #tpu.memory_space<vmem>>) semaphore(%arg20 : memref<!tpu.dma_semaphore, #tpu.memory_space<semaphore_mem>>) {add = true}
      %add3A_193 = arith.constant 3 : i32
      %add3A_194 = arith.addi %mul3A_144, %add3A_193 : i32
      %dma_wait3A_195 = arith.constant 0 : i32
      %dma_wait3A_196 = tpu.memref_slice %arg7[%add3A_194, %dma_wait3A_195] : memref<232x128xi32, #tpu.memory_space<vmem>> -> memref<1x128xi32, #tpu.memory_space<vmem>>
      %dma_wait3A_197 = tpu.memref_squeeze %dma_wait3A_196 : memref<1x128xi32, #tpu.memory_space<vmem>> -> memref<128xi32, #tpu.memory_space<vmem>>
      %dma_wait3A_198 = arith.constant 0 : i32
      %dma_wait3A_199 = arith.constant 0 : i32
      %dma_wait3A_200 = tpu.memref_slice %arg4[%dma_wait3A_198, %dma_wait3A_199] : memref<50048x16xf32, #tpu.memory_space<hbm>> -> memref<50048x16xf32, #tpu.memory_space<hbm>>
      tpu.wait_indirect_dma semaphore(%arg17 : memref<!tpu.dma_semaphore, #tpu.memory_space<semaphore_mem>>) src(%dma_wait3A_200 : memref<50048x16xf32, #tpu.memory_space<hbm>>) dst(%arg13 : memref<128x16xf32, #tpu.memory_space<vmem>>)
      %add3A_201 = arith.constant 3 : i32
      %add3A_202 = arith.addi %mul3A_144, %add3A_201 : i32
      %dma_start3A_203 = arith.constant 0 : i32
      %dma_start3A_204 = tpu.memref_slice %arg8[%add3A_202, %dma_start3A_203] : memref<232x128xi32, #tpu.memory_space<vmem>> -> memref<1x128xi32, #tpu.memory_space<vmem>>
      %dma_start3A_205 = tpu.memref_squeeze %dma_start3A_204 : memref<1x128xi32, #tpu.memory_space<vmem>> -> memref<128xi32, #tpu.memory_space<vmem>>
      %dma_start3A_206 = arith.constant 0 : i32
      %dma_start3A_207 = arith.constant 0 : i32
      %dma_start3A_208 = tpu.memref_slice %arg9[%dma_start3A_206, %dma_start3A_207] : memref<50048x16xf32, #tpu.memory_space<vmem_shared>> -> memref<50048x16xf32, #tpu.memory_space<vmem_shared>>
      tpu.enqueue_indirect_dma source(%arg13 : memref<128x16xf32, #tpu.memory_space<vmem>>) target(%dma_start3A_208 : memref<50048x16xf32, #tpu.memory_space<vmem_shared>>) offsets(%dma_start3A_205 : memref<128xi32, #tpu.memory_space<vmem>>) semaphore(%arg21 : memref<!tpu.dma_semaphore, #tpu.memory_space<semaphore_mem>>) {add = true}
      %add3A_209 = arith.constant 0 : i32
      %add3A_210 = arith.addi %mul3A_144, %add3A_209 : i32
      %dma_wait3A_211 = arith.constant 0 : i32
      %dma_wait3A_212 = tpu.memref_slice %arg8[%add3A_210, %dma_wait3A_211] : memref<232x128xi32, #tpu.memory_space<vmem>> -> memref<1x128xi32, #tpu.memory_space<vmem>>
      %dma_wait3A_213 = tpu.memref_squeeze %dma_wait3A_212 : memref<1x128xi32, #tpu.memory_space<vmem>> -> memref<128xi32, #tpu.memory_space<vmem>>
      %dma_wait3A_214 = arith.constant 0 : i32
      %dma_wait3A_215 = arith.constant 0 : i32
      %dma_wait3A_216 = tpu.memref_slice %arg9[%dma_wait3A_214, %dma_wait3A_215] : memref<50048x16xf32, #tpu.memory_space<vmem_shared>> -> memref<50048x16xf32, #tpu.memory_space<vmem_shared>>
      tpu.wait_indirect_dma semaphore(%arg18 : memref<!tpu.dma_semaphore, #tpu.memory_space<semaphore_mem>>) src(%arg10 : memref<128x16xf32, #tpu.memory_space<vmem>>) dst(%dma_wait3A_216 : memref<50048x16xf32, #tpu.memory_space<vmem_shared>>)
      %add3A_217 = arith.constant 4 : i32
      %add3A_218 = arith.addi %mul3A_144, %add3A_217 : i32
      %add3A_219 = arith.constant 0 : i32
      %add3A_220 = arith.addi %add3A_218, %add3A_219 : i32
      %dma_start3A_221 = arith.constant 0 : i32
      %dma_start3A_222 = tpu.memref_slice %arg7[%add3A_220, %dma_start3A_221] : memref<232x128xi32, #tpu.memory_space<vmem>> -> memref<1x128xi32, #tpu.memory_space<vmem>>
      %dma_start3A_223 = tpu.memref_squeeze %dma_start3A_222 : memref<1x128xi32, #tpu.memory_space<vmem>> -> memref<128xi32, #tpu.memory_space<vmem>>
      %dma_start3A_224 = arith.constant 0 : i32
      %dma_start3A_225 = arith.constant 0 : i32
      %dma_start3A_226 = tpu.memref_slice %arg4[%dma_start3A_224, %dma_start3A_225] : memref<50048x16xf32, #tpu.memory_space<hbm>> -> memref<50048x16xf32, #tpu.memory_space<hbm>>
      tpu.enqueue_indirect_dma source(%dma_start3A_226 : memref<50048x16xf32, #tpu.memory_space<hbm>>) target(%arg10 : memref<128x16xf32, #tpu.memory_space<vmem>>) offsets(%dma_start3A_223 : memref<128xi32, #tpu.memory_space<vmem>>) semaphore(%arg14 : memref<!tpu.dma_semaphore, #tpu.memory_space<semaphore_mem>>)
      %add3A_227 = arith.constant 1 : i32
      %add3A_228 = arith.addi %mul3A_144, %add3A_227 : i32
      %dma_wait3A_229 = arith.constant 0 : i32
      %dma_wait3A_230 = tpu.memref_slice %arg8[%add3A_228, %dma_wait3A_229] : memref<232x128xi32, #tpu.memory_space<vmem>> -> memref<1x128xi32, #tpu.memory_space<vmem>>
      %dma_wait3A_231 = tpu.memref_squeeze %dma_wait3A_230 : memref<1x128xi32, #tpu.memory_space<vmem>> -> memref<128xi32, #tpu.memory_space<vmem>>
      %dma_wait3A_232 = arith.constant 0 : i32
      %dma_wait3A_233 = arith.constant 0 : i32
      %dma_wait3A_234 = tpu.memref_slice %arg9[%dma_wait3A_232, %dma_wait3A_233] : memref<50048x16xf32, #tpu.memory_space<vmem_shared>> -> memref<50048x16xf32, #tpu.memory_space<vmem_shared>>
      tpu.wait_indirect_dma semaphore(%arg19 : memref<!tpu.dma_semaphore, #tpu.memory_space<semaphore_mem>>) src(%arg11 : memref<128x16xf32, #tpu.memory_space<vmem>>) dst(%dma_wait3A_234 : memref<50048x16xf32, #tpu.memory_space<vmem_shared>>)
      %add3A_235 = arith.constant 4 : i32
      %add3A_236 = arith.addi %mul3A_144, %add3A_235 : i32
      %add3A_237 = arith.constant 1 : i32
      %add3A_238 = arith.addi %add3A_236, %add3A_237 : i32
      %dma_start3A_239 = arith.constant 0 : i32
      %dma_start3A_240 = tpu.memref_slice %arg7[%add3A_238, %dma_start3A_239] : memref<232x128xi32, #tpu.memory_space<vmem>> -> memref<1x128xi32, #tpu.memory_space<vmem>>
      %dma_start3A_241 = tpu.memref_squeeze %dma_start3A_240 : memref<1x128xi32, #tpu.memory_space<vmem>> -> memref<128xi32, #tpu.memory_space<vmem>>
      %dma_start3A_242 = arith.constant 0 : i32
      %dma_start3A_243 = arith.constant 0 : i32
      %dma_start3A_244 = tpu.memref_slice %arg4[%dma_start3A_242, %dma_start3A_243] : memref<50048x16xf32, #tpu.memory_space<hbm>> -> memref<50048x16xf32, #tpu.memory_space<hbm>>
      tpu.enqueue_indirect_dma source(%dma_start3A_244 : memref<50048x16xf32, #tpu.memory_space<hbm>>) target(%arg11 : memref<128x16xf32, #tpu.memory_space<vmem>>) offsets(%dma_start3A_241 : memref<128xi32, #tpu.memory_space<vmem>>) semaphore(%arg15 : memref<!tpu.dma_semaphore, #tpu.memory_space<semaphore_mem>>)
      %add3A_245 = arith.constant 2 : i32
      %add3A_246 = arith.addi %mul3A_144, %add3A_245 : i32
      %dma_wait3A_247 = arith.constant 0 : i32
      %dma_wait3A_248 = tpu.memref_slice %arg8[%add3A_246, %dma_wait3A_247] : memref<232x128xi32, #tpu.memory_space<vmem>> -> memref<1x128xi32, #tpu.memory_space<vmem>>
      %dma_wait3A_249 = tpu.memref_squeeze %dma_wait3A_248 : memref<1x128xi32, #tpu.memory_space<vmem>> -> memref<128xi32, #tpu.memory_space<vmem>>
      %dma_wait3A_250 = arith.constant 0 : i32
      %dma_wait3A_251 = arith.constant 0 : i32
      %dma_wait3A_252 = tpu.memref_slice %arg9[%dma_wait3A_250, %dma_wait3A_251] : memref<50048x16xf32, #tpu.memory_space<vmem_shared>> -> memref<50048x16xf32, #tpu.memory_space<vmem_shared>>
      tpu.wait_indirect_dma semaphore(%arg20 : memref<!tpu.dma_semaphore, #tpu.memory_space<semaphore_mem>>) src(%arg12 : memref<128x16xf32, #tpu.memory_space<vmem>>) dst(%dma_wait3A_252 : memref<50048x16xf32, #tpu.memory_space<vmem_shared>>)
      %add3A_253 = arith.constant 4 : i32
      %add3A_254 = arith.addi %mul3A_144, %add3A_253 : i32
      %add3A_255 = arith.constant 2 : i32
      %add3A_256 = arith.addi %add3A_254, %add3A_255 : i32
      %dma_start3A_257 = arith.constant 0 : i32
      %dma_start3A_258 = tpu.memref_slice %arg7[%add3A_256, %dma_start3A_257] : memref<232x128xi32, #tpu.memory_space<vmem>> -> memref<1x128xi32, #tpu.memory_space<vmem>>
      %dma_start3A_259 = tpu.memref_squeeze %dma_start3A_258 : memref<1x128xi32, #tpu.memory_space<vmem>> -> memref<128xi32, #tpu.memory_space<vmem>>
      %dma_start3A_260 = arith.constant 0 : i32
      %dma_start3A_261 = arith.constant 0 : i32
      %dma_start3A_262 = tpu.memref_slice %arg4[%dma_start3A_260, %dma_start3A_261] : memref<50048x16xf32, #tpu.memory_space<hbm>> -> memref<50048x16xf32, #tpu.memory_space<hbm>>
      tpu.enqueue_indirect_dma source(%dma_start3A_262 : memref<50048x16xf32, #tpu.memory_space<hbm>>) target(%arg12 : memref<128x16xf32, #tpu.memory_space<vmem>>) offsets(%dma_start3A_259 : memref<128xi32, #tpu.memory_space<vmem>>) semaphore(%arg16 : memref<!tpu.dma_semaphore, #tpu.memory_space<semaphore_mem>>)
      %add3A_263 = arith.constant 3 : i32
      %add3A_264 = arith.addi %mul3A_144, %add3A_263 : i32
      %dma_wait3A_265 = arith.constant 0 : i32
      %dma_wait3A_266 = tpu.memref_slice %arg8[%add3A_264, %dma_wait3A_265] : memref<232x128xi32, #tpu.memory_space<vmem>> -> memref<1x128xi32, #tpu.memory_space<vmem>>
      %dma_wait3A_267 = tpu.memref_squeeze %dma_wait3A_266 : memref<1x128xi32, #tpu.memory_space<vmem>> -> memref<128xi32, #tpu.memory_space<vmem>>
      %dma_wait3A_268 = arith.constant 0 : i32
      %dma_wait3A_269 = arith.constant 0 : i32
      %dma_wait3A_270 = tpu.memref_slice %arg9[%dma_wait3A_268, %dma_wait3A_269] : memref<50048x16xf32, #tpu.memory_space<vmem_shared>> -> memref<50048x16xf32, #tpu.memory_space<vmem_shared>>
      tpu.wait_indirect_dma semaphore(%arg21 : memref<!tpu.dma_semaphore, #tpu.memory_space<semaphore_mem>>) src(%arg13 : memref<128x16xf32, #tpu.memory_space<vmem>>) dst(%dma_wait3A_270 : memref<50048x16xf32, #tpu.memory_space<vmem_shared>>)
      %add3A_271 = arith.constant 4 : i32
      %add3A_272 = arith.addi %mul3A_144, %add3A_271 : i32
      %add3A_273 = arith.constant 3 : i32
      %add3A_274 = arith.addi %add3A_272, %add3A_273 : i32
      %dma_start3A_275 = arith.constant 0 : i32
      %dma_start3A_276 = tpu.memref_slice %arg7[%add3A_274, %dma_start3A_275] : memref<232x128xi32, #tpu.memory_space<vmem>> -> memref<1x128xi32, #tpu.memory_space<vmem>>
      %dma_start3A_277 = tpu.memref_squeeze %dma_start3A_276 : memref<1x128xi32, #tpu.memory_space<vmem>> -> memref<128xi32, #tpu.memory_space<vmem>>
      %dma_start3A_278 = arith.constant 0 : i32
      %dma_start3A_279 = arith.constant 0 : i32
      %dma_start3A_280 = tpu.memref_slice %arg4[%dma_start3A_278, %dma_start3A_279] : memref<50048x16xf32, #tpu.memory_space<hbm>> -> memref<50048x16xf32, #tpu.memory_space<hbm>>
      tpu.enqueue_indirect_dma source(%dma_start3A_280 : memref<50048x16xf32, #tpu.memory_space<hbm>>) target(%arg13 : memref<128x16xf32, #tpu.memory_space<vmem>>) offsets(%dma_start3A_277 : memref<128xi32, #tpu.memory_space<vmem>>) semaphore(%arg17 : memref<!tpu.dma_semaphore, #tpu.memory_space<semaphore_mem>>)
    }
    %sub3A_42 = arith.constant 1 : i32
    %sub3A_43 = arith.subi %select_n3A, %sub3A_42 : i32
    %mul3A_44 = arith.constant 4 : i32
    %mul3A_45 = arith.muli %sub3A_43, %mul3A_44 : i32
    %add3A_46 = arith.constant 0 : i32
    %add3A_47 = arith.addi %mul3A_45, %add3A_46 : i32
    %dma_wait3A = arith.constant 0 : i32
    %dma_wait3A_48 = tpu.memref_slice %arg7[%add3A_47, %dma_wait3A] : memref<232x128xi32, #tpu.memory_space<vmem>> -> memref<1x128xi32, #tpu.memory_space<vmem>>
    %dma_wait3A_49 = tpu.memref_squeeze %dma_wait3A_48 : memref<1x128xi32, #tpu.memory_space<vmem>> -> memref<128xi32, #tpu.memory_space<vmem>>
    %dma_wait3A_50 = arith.constant 0 : i32
    %dma_wait3A_51 = arith.constant 0 : i32
    %dma_wait3A_52 = tpu.memref_slice %arg4[%dma_wait3A_50, %dma_wait3A_51] : memref<50048x16xf32, #tpu.memory_space<hbm>> -> memref<50048x16xf32, #tpu.memory_space<hbm>>
    tpu.wait_indirect_dma semaphore(%arg14 : memref<!tpu.dma_semaphore, #tpu.memory_space<semaphore_mem>>) src(%dma_wait3A_52 : memref<50048x16xf32, #tpu.memory_space<hbm>>) dst(%arg10 : memref<128x16xf32, #tpu.memory_space<vmem>>)
    %add3A_53 = arith.constant 0 : i32
    %add3A_54 = arith.addi %mul3A_45, %add3A_53 : i32
    %dma_start3A_55 = arith.constant 0 : i32
    %dma_start3A_56 = tpu.memref_slice %arg8[%add3A_54, %dma_start3A_55] : memref<232x128xi32, #tpu.memory_space<vmem>> -> memref<1x128xi32, #tpu.memory_space<vmem>>
    %dma_start3A_57 = tpu.memref_squeeze %dma_start3A_56 : memref<1x128xi32, #tpu.memory_space<vmem>> -> memref<128xi32, #tpu.memory_space<vmem>>
    %dma_start3A_58 = arith.constant 0 : i32
    %dma_start3A_59 = arith.constant 0 : i32
    %dma_start3A_60 = tpu.memref_slice %arg9[%dma_start3A_58, %dma_start3A_59] : memref<50048x16xf32, #tpu.memory_space<vmem_shared>> -> memref<50048x16xf32, #tpu.memory_space<vmem_shared>>
    tpu.enqueue_indirect_dma source(%arg10 : memref<128x16xf32, #tpu.memory_space<vmem>>) target(%dma_start3A_60 : memref<50048x16xf32, #tpu.memory_space<vmem_shared>>) offsets(%dma_start3A_57 : memref<128xi32, #tpu.memory_space<vmem>>) semaphore(%arg18 : memref<!tpu.dma_semaphore, #tpu.memory_space<semaphore_mem>>) {add = true}
    %add3A_61 = arith.constant 1 : i32
    %add3A_62 = arith.addi %mul3A_45, %add3A_61 : i32
    %dma_wait3A_63 = arith.constant 0 : i32
    %dma_wait3A_64 = tpu.memref_slice %arg7[%add3A_62, %dma_wait3A_63] : memref<232x128xi32, #tpu.memory_space<vmem>> -> memref<1x128xi32, #tpu.memory_space<vmem>>
    %dma_wait3A_65 = tpu.memref_squeeze %dma_wait3A_64 : memref<1x128xi32, #tpu.memory_space<vmem>> -> memref<128xi32, #tpu.memory_space<vmem>>
    %dma_wait3A_66 = arith.constant 0 : i32
    %dma_wait3A_67 = arith.constant 0 : i32
    %dma_wait3A_68 = tpu.memref_slice %arg4[%dma_wait3A_66, %dma_wait3A_67] : memref<50048x16xf32, #tpu.memory_space<hbm>> -> memref<50048x16xf32, #tpu.memory_space<hbm>>
    tpu.wait_indirect_dma semaphore(%arg15 : memref<!tpu.dma_semaphore, #tpu.memory_space<semaphore_mem>>) src(%dma_wait3A_68 : memref<50048x16xf32, #tpu.memory_space<hbm>>) dst(%arg11 : memref<128x16xf32, #tpu.memory_space<vmem>>)
    %add3A_69 = arith.constant 1 : i32
    %add3A_70 = arith.addi %mul3A_45, %add3A_69 : i32
    %dma_start3A_71 = arith.constant 0 : i32
    %dma_start3A_72 = tpu.memref_slice %arg8[%add3A_70, %dma_start3A_71] : memref<232x128xi32, #tpu.memory_space<vmem>> -> memref<1x128xi32, #tpu.memory_space<vmem>>
    %dma_start3A_73 = tpu.memref_squeeze %dma_start3A_72 : memref<1x128xi32, #tpu.memory_space<vmem>> -> memref<128xi32, #tpu.memory_space<vmem>>
    %dma_start3A_74 = arith.constant 0 : i32
    %dma_start3A_75 = arith.constant 0 : i32
    %dma_start3A_76 = tpu.memref_slice %arg9[%dma_start3A_74, %dma_start3A_75] : memref<50048x16xf32, #tpu.memory_space<vmem_shared>> -> memref<50048x16xf32, #tpu.memory_space<vmem_shared>>
    tpu.enqueue_indirect_dma source(%arg11 : memref<128x16xf32, #tpu.memory_space<vmem>>) target(%dma_start3A_76 : memref<50048x16xf32, #tpu.memory_space<vmem_shared>>) offsets(%dma_start3A_73 : memref<128xi32, #tpu.memory_space<vmem>>) semaphore(%arg19 : memref<!tpu.dma_semaphore, #tpu.memory_space<semaphore_mem>>) {add = true}
    %add3A_77 = arith.constant 2 : i32
    %add3A_78 = arith.addi %mul3A_45, %add3A_77 : i32
    %dma_wait3A_79 = arith.constant 0 : i32
    %dma_wait3A_80 = tpu.memref_slice %arg7[%add3A_78, %dma_wait3A_79] : memref<232x128xi32, #tpu.memory_space<vmem>> -> memref<1x128xi32, #tpu.memory_space<vmem>>
    %dma_wait3A_81 = tpu.memref_squeeze %dma_wait3A_80 : memref<1x128xi32, #tpu.memory_space<vmem>> -> memref<128xi32, #tpu.memory_space<vmem>>
    %dma_wait3A_82 = arith.constant 0 : i32
    %dma_wait3A_83 = arith.constant 0 : i32
    %dma_wait3A_84 = tpu.memref_slice %arg4[%dma_wait3A_82, %dma_wait3A_83] : memref<50048x16xf32, #tpu.memory_space<hbm>> -> memref<50048x16xf32, #tpu.memory_space<hbm>>
    tpu.wait_indirect_dma semaphore(%arg16 : memref<!tpu.dma_semaphore, #tpu.memory_space<semaphore_mem>>) src(%dma_wait3A_84 : memref<50048x16xf32, #tpu.memory_space<hbm>>) dst(%arg12 : memref<128x16xf32, #tpu.memory_space<vmem>>)
    %add3A_85 = arith.constant 2 : i32
    %add3A_86 = arith.addi %mul3A_45, %add3A_85 : i32
    %dma_start3A_87 = arith.constant 0 : i32
    %dma_start3A_88 = tpu.memref_slice %arg8[%add3A_86, %dma_start3A_87] : memref<232x128xi32, #tpu.memory_space<vmem>> -> memref<1x128xi32, #tpu.memory_space<vmem>>
    %dma_start3A_89 = tpu.memref_squeeze %dma_start3A_88 : memref<1x128xi32, #tpu.memory_space<vmem>> -> memref<128xi32, #tpu.memory_space<vmem>>
    %dma_start3A_90 = arith.constant 0 : i32
    %dma_start3A_91 = arith.constant 0 : i32
    %dma_start3A_92 = tpu.memref_slice %arg9[%dma_start3A_90, %dma_start3A_91] : memref<50048x16xf32, #tpu.memory_space<vmem_shared>> -> memref<50048x16xf32, #tpu.memory_space<vmem_shared>>
    tpu.enqueue_indirect_dma source(%arg12 : memref<128x16xf32, #tpu.memory_space<vmem>>) target(%dma_start3A_92 : memref<50048x16xf32, #tpu.memory_space<vmem_shared>>) offsets(%dma_start3A_89 : memref<128xi32, #tpu.memory_space<vmem>>) semaphore(%arg20 : memref<!tpu.dma_semaphore, #tpu.memory_space<semaphore_mem>>) {add = true}
    %add3A_93 = arith.constant 3 : i32
    %add3A_94 = arith.addi %mul3A_45, %add3A_93 : i32
    %dma_wait3A_95 = arith.constant 0 : i32
    %dma_wait3A_96 = tpu.memref_slice %arg7[%add3A_94, %dma_wait3A_95] : memref<232x128xi32, #tpu.memory_space<vmem>> -> memref<1x128xi32, #tpu.memory_space<vmem>>
    %dma_wait3A_97 = tpu.memref_squeeze %dma_wait3A_96 : memref<1x128xi32, #tpu.memory_space<vmem>> -> memref<128xi32, #tpu.memory_space<vmem>>
    %dma_wait3A_98 = arith.constant 0 : i32
    %dma_wait3A_99 = arith.constant 0 : i32
    %dma_wait3A_100 = tpu.memref_slice %arg4[%dma_wait3A_98, %dma_wait3A_99] : memref<50048x16xf32, #tpu.memory_space<hbm>> -> memref<50048x16xf32, #tpu.memory_space<hbm>>
    tpu.wait_indirect_dma semaphore(%arg17 : memref<!tpu.dma_semaphore, #tpu.memory_space<semaphore_mem>>) src(%dma_wait3A_100 : memref<50048x16xf32, #tpu.memory_space<hbm>>) dst(%arg13 : memref<128x16xf32, #tpu.memory_space<vmem>>)
    %add3A_101 = arith.constant 3 : i32
    %add3A_102 = arith.addi %mul3A_45, %add3A_101 : i32
    %dma_start3A_103 = arith.constant 0 : i32
    %dma_start3A_104 = tpu.memref_slice %arg8[%add3A_102, %dma_start3A_103] : memref<232x128xi32, #tpu.memory_space<vmem>> -> memref<1x128xi32, #tpu.memory_space<vmem>>
    %dma_start3A_105 = tpu.memref_squeeze %dma_start3A_104 : memref<1x128xi32, #tpu.memory_space<vmem>> -> memref<128xi32, #tpu.memory_space<vmem>>
    %dma_start3A_106 = arith.constant 0 : i32
    %dma_start3A_107 = arith.constant 0 : i32
    %dma_start3A_108 = tpu.memref_slice %arg9[%dma_start3A_106, %dma_start3A_107] : memref<50048x16xf32, #tpu.memory_space<vmem_shared>> -> memref<50048x16xf32, #tpu.memory_space<vmem_shared>>
    tpu.enqueue_indirect_dma source(%arg13 : memref<128x16xf32, #tpu.memory_space<vmem>>) target(%dma_start3A_108 : memref<50048x16xf32, #tpu.memory_space<vmem_shared>>) offsets(%dma_start3A_105 : memref<128xi32, #tpu.memory_space<vmem>>) semaphore(%arg21 : memref<!tpu.dma_semaphore, #tpu.memory_space<semaphore_mem>>) {add = true}
    %add3A_109 = arith.constant 0 : i32
    %add3A_110 = arith.addi %mul3A_45, %add3A_109 : i32
    %dma_wait3A_111 = arith.constant 0 : i32
    %dma_wait3A_112 = tpu.memref_slice %arg8[%add3A_110, %dma_wait3A_111] : memref<232x128xi32, #tpu.memory_space<vmem>> -> memref<1x128xi32, #tpu.memory_space<vmem>>
    %dma_wait3A_113 = tpu.memref_squeeze %dma_wait3A_112 : memref<1x128xi32, #tpu.memory_space<vmem>> -> memref<128xi32, #tpu.memory_space<vmem>>
    %dma_wait3A_114 = arith.constant 0 : i32
    %dma_wait3A_115 = arith.constant 0 : i32
    %dma_wait3A_116 = tpu.memref_slice %arg9[%dma_wait3A_114, %dma_wait3A_115] : memref<50048x16xf32, #tpu.memory_space<vmem_shared>> -> memref<50048x16xf32, #tpu.memory_space<vmem_shared>>
    tpu.wait_indirect_dma semaphore(%arg18 : memref<!tpu.dma_semaphore, #tpu.memory_space<semaphore_mem>>) src(%arg10 : memref<128x16xf32, #tpu.memory_space<vmem>>) dst(%dma_wait3A_116 : memref<50048x16xf32, #tpu.memory_space<vmem_shared>>)
    %add3A_117 = arith.constant 1 : i32
    %add3A_118 = arith.addi %mul3A_45, %add3A_117 : i32
    %dma_wait3A_119 = arith.constant 0 : i32
    %dma_wait3A_120 = tpu.memref_slice %arg8[%add3A_118, %dma_wait3A_119] : memref<232x128xi32, #tpu.memory_space<vmem>> -> memref<1x128xi32, #tpu.memory_space<vmem>>
    %dma_wait3A_121 = tpu.memref_squeeze %dma_wait3A_120 : memref<1x128xi32, #tpu.memory_space<vmem>> -> memref<128xi32, #tpu.memory_space<vmem>>
    %dma_wait3A_122 = arith.constant 0 : i32
    %dma_wait3A_123 = arith.constant 0 : i32
    %dma_wait3A_124 = tpu.memref_slice %arg9[%dma_wait3A_122, %dma_wait3A_123] : memref<50048x16xf32, #tpu.memory_space<vmem_shared>> -> memref<50048x16xf32, #tpu.memory_space<vmem_shared>>
    tpu.wait_indirect_dma semaphore(%arg19 : memref<!tpu.dma_semaphore, #tpu.memory_space<semaphore_mem>>) src(%arg11 : memref<128x16xf32, #tpu.memory_space<vmem>>) dst(%dma_wait3A_124 : memref<50048x16xf32, #tpu.memory_space<vmem_shared>>)
    %add3A_125 = arith.constant 2 : i32
    %add3A_126 = arith.addi %mul3A_45, %add3A_125 : i32
    %dma_wait3A_127 = arith.constant 0 : i32
    %dma_wait3A_128 = tpu.memref_slice %arg8[%add3A_126, %dma_wait3A_127] : memref<232x128xi32, #tpu.memory_space<vmem>> -> memref<1x128xi32, #tpu.memory_space<vmem>>
    %dma_wait3A_129 = tpu.memref_squeeze %dma_wait3A_128 : memref<1x128xi32, #tpu.memory_space<vmem>> -> memref<128xi32, #tpu.memory_space<vmem>>
    %dma_wait3A_130 = arith.constant 0 : i32
    %dma_wait3A_131 = arith.constant 0 : i32
    %dma_wait3A_132 = tpu.memref_slice %arg9[%dma_wait3A_130, %dma_wait3A_131] : memref<50048x16xf32, #tpu.memory_space<vmem_shared>> -> memref<50048x16xf32, #tpu.memory_space<vmem_shared>>
    tpu.wait_indirect_dma semaphore(%arg20 : memref<!tpu.dma_semaphore, #tpu.memory_space<semaphore_mem>>) src(%arg12 : memref<128x16xf32, #tpu.memory_space<vmem>>) dst(%dma_wait3A_132 : memref<50048x16xf32, #tpu.memory_space<vmem_shared>>)
    %add3A_133 = arith.constant 3 : i32
    %add3A_134 = arith.addi %mul3A_45, %add3A_133 : i32
    %dma_wait3A_135 = arith.constant 0 : i32
    %dma_wait3A_136 = tpu.memref_slice %arg8[%add3A_134, %dma_wait3A_135] : memref<232x128xi32, #tpu.memory_space<vmem>> -> memref<1x128xi32, #tpu.memory_space<vmem>>
    %dma_wait3A_137 = tpu.memref_squeeze %dma_wait3A_136 : memref<1x128xi32, #tpu.memory_space<vmem>> -> memref<128xi32, #tpu.memory_space<vmem>>
    %dma_wait3A_138 = arith.constant 0 : i32
    %dma_wait3A_139 = arith.constant 0 : i32
    %dma_wait3A_140 = tpu.memref_slice %arg9[%dma_wait3A_138, %dma_wait3A_139] : memref<50048x16xf32, #tpu.memory_space<vmem_shared>> -> memref<50048x16xf32, #tpu.memory_space<vmem_shared>>
    tpu.wait_indirect_dma semaphore(%arg21 : memref<!tpu.dma_semaphore, #tpu.memory_space<semaphore_mem>>) src(%arg13 : memref<128x16xf32, #tpu.memory_space<vmem>>) dst(%dma_wait3A_140 : memref<50048x16xf32, #tpu.memory_space<vmem_shared>>)
    %barrier3A_141 = arith.constant 0 : index
    tpu.barrier barrier_id(%barrier3A_141)
    "tpu.region"() ({
      %run_scoped3A = tpu.sem_alloc : memref<!tpu.dma_semaphore, #tpu.memory_space<semaphore_mem>>
      %dma_start3A_142 = arith.constant 0 : i32
      %dma_start3A_143 = tpu.memref_slice %arg6[%arg0, %mul3A_2, %dma_start3A_142] : memref<2x50048x16xf32, #tpu.memory_space<hbm>> -> memref<1x3128x16xf32, #tpu.memory_space<hbm>>
      %dma_start3A_144 = tpu.memref_squeeze %dma_start3A_143 : memref<1x3128x16xf32, #tpu.memory_space<hbm>> -> memref<3128x16xf32, #tpu.memory_space<hbm>>
      %dma_start3A_145 = arith.constant 0 : i32
      %dma_start3A_146 = tpu.memref_slice %arg9[%mul3A_2, %dma_start3A_145] : memref<50048x16xf32, #tpu.memory_space<vmem_shared>> -> memref<3128x16xf32, #tpu.memory_space<vmem_shared>>
      tpu.enqueue_dma source(%dma_start3A_146 : memref<3128x16xf32, #tpu.memory_space<vmem_shared>>) target(%dma_start3A_144 : memref<3128x16xf32, #tpu.memory_space<hbm>>) target_semaphore(%run_scoped3A : memref<!tpu.dma_semaphore, #tpu.memory_space<semaphore_mem>>)
      %dma_wait3A_147 = arith.constant 0 : i32
      %dma_wait3A_148 = tpu.memref_slice %arg6[%arg0, %mul3A_2, %dma_wait3A_147] : memref<2x50048x16xf32, #tpu.memory_space<hbm>> -> memref<1x3128x16xf32, #tpu.memory_space<hbm>>
      %dma_wait3A_149 = tpu.memref_squeeze %dma_wait3A_148 : memref<1x3128x16xf32, #tpu.memory_space<hbm>> -> memref<3128x16xf32, #tpu.memory_space<hbm>>
      %dma_wait3A_150 = arith.constant 0 : i32
      %dma_wait3A_151 = tpu.memref_slice %arg9[%mul3A_2, %dma_wait3A_150] : memref<50048x16xf32, #tpu.memory_space<vmem_shared>> -> memref<3128x16xf32, #tpu.memory_space<vmem_shared>>
      tpu.wait_dma2 semaphore(%run_scoped3A : memref<!tpu.dma_semaphore, #tpu.memory_space<semaphore_mem>>) src(%dma_wait3A_151 : memref<3128x16xf32, #tpu.memory_space<vmem_shared>>) dst(%dma_wait3A_149 : memref<3128x16xf32, #tpu.memory_space<hbm>>)
      tpu.yield
    }) : () -> ()
    return
  }
}

#map = affine_map<(d0, d1) -> (0, 0, 0)>
#map1 = affine_map<(d0, d1) -> (0, 0)>
module attributes {stable_mosaic.version = 14 : i64} {
  func.func @prop(%arg0: i32, %arg1: i32, %arg2: memref<32x232x128xi32, #tpu.memory_space<hbm>>, %arg3: memref<32x232x128xi32, #tpu.memory_space<hbm>>, %arg4: memref<50048x32xbf16, #tpu.memory_space<hbm>>, %arg5: memref<50048x32xbf16, #tpu.memory_space<hbm>>, %arg6: memref<2x50048x32xbf16, #tpu.memory_space<hbm>>, %arg7: memref<232x128xi32, #tpu.memory_space<vmem>>, %arg8: memref<232x128xi32, #tpu.memory_space<vmem>>, %arg9: memref<50048x32xbf16, #tpu.memory_space<vmem_shared>>, %arg10: memref<128x32xbf16, #tpu.memory_space<vmem>>, %arg11: memref<128x32xbf16, #tpu.memory_space<vmem>>, %arg12: memref<128x32xbf16, #tpu.memory_space<vmem>>, %arg13: memref<128x32xbf16, #tpu.memory_space<vmem>>, %arg14: memref<!tpu.dma_semaphore, #tpu.memory_space<semaphore_mem>>, %arg15: memref<!tpu.dma_semaphore, #tpu.memory_space<semaphore_mem>>, %arg16: memref<!tpu.dma_semaphore, #tpu.memory_space<semaphore_mem>>, %arg17: memref<!tpu.dma_semaphore, #tpu.memory_space<semaphore_mem>>, %arg18: memref<!tpu.dma_semaphore, #tpu.memory_space<semaphore_mem>>, %arg19: memref<!tpu.dma_semaphore, #tpu.memory_space<semaphore_mem>>, %arg20: memref<!tpu.dma_semaphore, #tpu.memory_space<semaphore_mem>>, %arg21: memref<!tpu.dma_semaphore, #tpu.memory_space<semaphore_mem>>) attributes {dimension_semantics = [#tpu.dimension_semantics<core_parallel>, #tpu.dimension_semantics<subcore_parallel>], iteration_bounds = array<i64: 2, 16>, scalar_prefetch = 0 : i64, scratch_operands = 15 : i64, tpu.core_type = #tpu.core_type<sc_vector_subcore>, window_params = [{transform_indices = #map}, {transform_indices = #map}, {transform_indices = #map1}, {transform_indices = #map1}, {transform_indices = #map}]} {
    %mul3A = arith.constant 16 : i32
    %mul3A_0 = arith.muli %arg0, %mul3A : i32
    %add3A = arith.addi %mul3A_0, %arg1 : i32
    %mul3A_1 = arith.constant 3128 : i32
    %mul3A_2 = arith.muli %arg1, %mul3A_1 : i32
    %eq3A = arith.constant 0 : i32
    %eq3A_3 = arith.cmpi eq, %arg0, %eq3A : i32
    %jit3A = arith.constant 40 : i32
    %jit3A_4 = arith.constant 58 : i32
    %select_n3A = arith.select %eq3A_3, %jit3A, %jit3A_4 : i32
    "tpu.region"() ({
      %run_scoped3A = tpu.sem_alloc : memref<!tpu.dma_semaphore, #tpu.memory_space<semaphore_mem>>
      %dma_start3A_142 = arith.constant 0 : i32
      %dma_start3A_143 = tpu.memref_slice %arg9[%mul3A_2, %dma_start3A_142] : memref<50048x32xbf16, #tpu.memory_space<vmem_shared>> -> memref<3128x32xbf16, #tpu.memory_space<vmem_shared>>
      %dma_start3A_144 = arith.constant 0 : i32
      %dma_start3A_145 = tpu.memref_slice %arg5[%mul3A_2, %dma_start3A_144] : memref<50048x32xbf16, #tpu.memory_space<hbm>> -> memref<3128x32xbf16, #tpu.memory_space<hbm>>
      tpu.enqueue_dma source(%dma_start3A_145 : memref<3128x32xbf16, #tpu.memory_space<hbm>>) target(%dma_start3A_143 : memref<3128x32xbf16, #tpu.memory_space<vmem_shared>>) target_semaphore(%run_scoped3A : memref<!tpu.dma_semaphore, #tpu.memory_space<semaphore_mem>>)
      %dma_wait3A_146 = arith.constant 0 : i32
      %dma_wait3A_147 = tpu.memref_slice %arg9[%mul3A_2, %dma_wait3A_146] : memref<50048x32xbf16, #tpu.memory_space<vmem_shared>> -> memref<3128x32xbf16, #tpu.memory_space<vmem_shared>>
      %dma_wait3A_148 = arith.constant 0 : i32
      %dma_wait3A_149 = tpu.memref_slice %arg5[%mul3A_2, %dma_wait3A_148] : memref<50048x32xbf16, #tpu.memory_space<hbm>> -> memref<3128x32xbf16, #tpu.memory_space<hbm>>
      tpu.wait_dma2 semaphore(%run_scoped3A : memref<!tpu.dma_semaphore, #tpu.memory_space<semaphore_mem>>) src(%dma_wait3A_149 : memref<3128x32xbf16, #tpu.memory_space<hbm>>) dst(%dma_wait3A_147 : memref<3128x32xbf16, #tpu.memory_space<vmem_shared>>)
      tpu.yield
    }) : () -> ()
    "tpu.region"() ({
      %run_scoped3A = tpu.sem_alloc : memref<!tpu.dma_semaphore, #tpu.memory_space<semaphore_mem>>
      %dma_start3A_142 = arith.constant 0 : i32
      %dma_start3A_143 = arith.constant 0 : i32
      %dma_start3A_144 = tpu.memref_slice %arg2[%add3A, %dma_start3A_142, %dma_start3A_143] : memref<32x232x128xi32, #tpu.memory_space<hbm>> -> memref<1x232x128xi32, #tpu.memory_space<hbm>>
      %dma_start3A_145 = tpu.memref_squeeze %dma_start3A_144 : memref<1x232x128xi32, #tpu.memory_space<hbm>> -> memref<232x128xi32, #tpu.memory_space<hbm>>
      %dma_start3A_146 = arith.constant 0 : i32
      %dma_start3A_147 = arith.constant 0 : i32
      %dma_start3A_148 = tpu.memref_slice %arg2[%add3A, %dma_start3A_146, %dma_start3A_147] : memref<32x232x128xi32, #tpu.memory_space<hbm>> -> memref<1x232x128xi32, #tpu.memory_space<hbm>>
      %dma_start3A_149 = tpu.memref_squeeze %dma_start3A_148 : memref<1x232x128xi32, #tpu.memory_space<hbm>> -> memref<232x128xi32, #tpu.memory_space<hbm>>
      tpu.enqueue_dma source(%dma_start3A_149 : memref<232x128xi32, #tpu.memory_space<hbm>>) target(%arg7 : memref<232x128xi32, #tpu.memory_space<vmem>>) target_semaphore(%run_scoped3A : memref<!tpu.dma_semaphore, #tpu.memory_space<semaphore_mem>>)
      %dma_wait3A_150 = arith.constant 0 : i32
      %dma_wait3A_151 = arith.constant 0 : i32
      %dma_wait3A_152 = tpu.memref_slice %arg2[%add3A, %dma_wait3A_150, %dma_wait3A_151] : memref<32x232x128xi32, #tpu.memory_space<hbm>> -> memref<1x232x128xi32, #tpu.memory_space<hbm>>
      %dma_wait3A_153 = tpu.memref_squeeze %dma_wait3A_152 : memref<1x232x128xi32, #tpu.memory_space<hbm>> -> memref<232x128xi32, #tpu.memory_space<hbm>>
      %dma_wait3A_154 = arith.constant 0 : i32
      %dma_wait3A_155 = arith.constant 0 : i32
      %dma_wait3A_156 = tpu.memref_slice %arg2[%add3A, %dma_wait3A_154, %dma_wait3A_155] : memref<32x232x128xi32, #tpu.memory_space<hbm>> -> memref<1x232x128xi32, #tpu.memory_space<hbm>>
      %dma_wait3A_157 = tpu.memref_squeeze %dma_wait3A_156 : memref<1x232x128xi32, #tpu.memory_space<hbm>> -> memref<232x128xi32, #tpu.memory_space<hbm>>
      tpu.wait_dma2 semaphore(%run_scoped3A : memref<!tpu.dma_semaphore, #tpu.memory_space<semaphore_mem>>) src(%dma_wait3A_157 : memref<232x128xi32, #tpu.memory_space<hbm>>) dst(%arg7 : memref<232x128xi32, #tpu.memory_space<vmem>>)
      tpu.yield
    }) : () -> ()
    "tpu.region"() ({
      %run_scoped3A = tpu.sem_alloc : memref<!tpu.dma_semaphore, #tpu.memory_space<semaphore_mem>>
      %dma_start3A_142 = arith.constant 0 : i32
      %dma_start3A_143 = arith.constant 0 : i32
      %dma_start3A_144 = tpu.memref_slice %arg3[%add3A, %dma_start3A_142, %dma_start3A_143] : memref<32x232x128xi32, #tpu.memory_space<hbm>> -> memref<1x232x128xi32, #tpu.memory_space<hbm>>
      %dma_start3A_145 = tpu.memref_squeeze %dma_start3A_144 : memref<1x232x128xi32, #tpu.memory_space<hbm>> -> memref<232x128xi32, #tpu.memory_space<hbm>>
      %dma_start3A_146 = arith.constant 0 : i32
      %dma_start3A_147 = arith.constant 0 : i32
      %dma_start3A_148 = tpu.memref_slice %arg3[%add3A, %dma_start3A_146, %dma_start3A_147] : memref<32x232x128xi32, #tpu.memory_space<hbm>> -> memref<1x232x128xi32, #tpu.memory_space<hbm>>
      %dma_start3A_149 = tpu.memref_squeeze %dma_start3A_148 : memref<1x232x128xi32, #tpu.memory_space<hbm>> -> memref<232x128xi32, #tpu.memory_space<hbm>>
      tpu.enqueue_dma source(%dma_start3A_149 : memref<232x128xi32, #tpu.memory_space<hbm>>) target(%arg8 : memref<232x128xi32, #tpu.memory_space<vmem>>) target_semaphore(%run_scoped3A : memref<!tpu.dma_semaphore, #tpu.memory_space<semaphore_mem>>)
      %dma_wait3A_150 = arith.constant 0 : i32
      %dma_wait3A_151 = arith.constant 0 : i32
      %dma_wait3A_152 = tpu.memref_slice %arg3[%add3A, %dma_wait3A_150, %dma_wait3A_151] : memref<32x232x128xi32, #tpu.memory_space<hbm>> -> memref<1x232x128xi32, #tpu.memory_space<hbm>>
      %dma_wait3A_153 = tpu.memref_squeeze %dma_wait3A_152 : memref<1x232x128xi32, #tpu.memory_space<hbm>> -> memref<232x128xi32, #tpu.memory_space<hbm>>
      %dma_wait3A_154 = arith.constant 0 : i32
      %dma_wait3A_155 = arith.constant 0 : i32
      %dma_wait3A_156 = tpu.memref_slice %arg3[%add3A, %dma_wait3A_154, %dma_wait3A_155] : memref<32x232x128xi32, #tpu.memory_space<hbm>> -> memref<1x232x128xi32, #tpu.memory_space<hbm>>
      %dma_wait3A_157 = tpu.memref_squeeze %dma_wait3A_156 : memref<1x232x128xi32, #tpu.memory_space<hbm>> -> memref<232x128xi32, #tpu.memory_space<hbm>>
      tpu.wait_dma2 semaphore(%run_scoped3A : memref<!tpu.dma_semaphore, #tpu.memory_space<semaphore_mem>>) src(%dma_wait3A_157 : memref<232x128xi32, #tpu.memory_space<hbm>>) dst(%arg8 : memref<232x128xi32, #tpu.memory_space<vmem>>)
      tpu.yield
    }) : () -> ()
    %barrier3A = arith.constant 0 : index
    tpu.barrier barrier_id(%barrier3A)
    %dma_start3A = arith.constant 0 : i32
    %dma_start3A_5 = arith.constant 0 : i32
    %dma_start3A_6 = tpu.memref_slice %arg7[%dma_start3A, %dma_start3A_5] : memref<232x128xi32, #tpu.memory_space<vmem>> -> memref<1x128xi32, #tpu.memory_space<vmem>>
    %dma_start3A_7 = tpu.memref_squeeze %dma_start3A_6 : memref<1x128xi32, #tpu.memory_space<vmem>> -> memref<128xi32, #tpu.memory_space<vmem>>
    %dma_start3A_8 = arith.constant 0 : i32
    %dma_start3A_9 = arith.constant 0 : i32
    %dma_start3A_10 = tpu.memref_slice %arg4[%dma_start3A_8, %dma_start3A_9] : memref<50048x32xbf16, #tpu.memory_space<hbm>> -> memref<50048x32xbf16, #tpu.memory_space<hbm>>
    tpu.enqueue_indirect_dma source(%dma_start3A_10 : memref<50048x32xbf16, #tpu.memory_space<hbm>>) target(%arg10 : memref<128x32xbf16, #tpu.memory_space<vmem>>) offsets(%dma_start3A_7 : memref<128xi32, #tpu.memory_space<vmem>>) semaphore(%arg14 : memref<!tpu.dma_semaphore, #tpu.memory_space<semaphore_mem>>)
    %dma_start3A_11 = arith.constant 1 : i32
    %dma_start3A_12 = arith.constant 0 : i32
    %dma_start3A_13 = tpu.memref_slice %arg7[%dma_start3A_11, %dma_start3A_12] : memref<232x128xi32, #tpu.memory_space<vmem>> -> memref<1x128xi32, #tpu.memory_space<vmem>>
    %dma_start3A_14 = tpu.memref_squeeze %dma_start3A_13 : memref<1x128xi32, #tpu.memory_space<vmem>> -> memref<128xi32, #tpu.memory_space<vmem>>
    %dma_start3A_15 = arith.constant 0 : i32
    %dma_start3A_16 = arith.constant 0 : i32
    %dma_start3A_17 = tpu.memref_slice %arg4[%dma_start3A_15, %dma_start3A_16] : memref<50048x32xbf16, #tpu.memory_space<hbm>> -> memref<50048x32xbf16, #tpu.memory_space<hbm>>
    tpu.enqueue_indirect_dma source(%dma_start3A_17 : memref<50048x32xbf16, #tpu.memory_space<hbm>>) target(%arg11 : memref<128x32xbf16, #tpu.memory_space<vmem>>) offsets(%dma_start3A_14 : memref<128xi32, #tpu.memory_space<vmem>>) semaphore(%arg15 : memref<!tpu.dma_semaphore, #tpu.memory_space<semaphore_mem>>)
    %dma_start3A_18 = arith.constant 2 : i32
    %dma_start3A_19 = arith.constant 0 : i32
    %dma_start3A_20 = tpu.memref_slice %arg7[%dma_start3A_18, %dma_start3A_19] : memref<232x128xi32, #tpu.memory_space<vmem>> -> memref<1x128xi32, #tpu.memory_space<vmem>>
    %dma_start3A_21 = tpu.memref_squeeze %dma_start3A_20 : memref<1x128xi32, #tpu.memory_space<vmem>> -> memref<128xi32, #tpu.memory_space<vmem>>
    %dma_start3A_22 = arith.constant 0 : i32
    %dma_start3A_23 = arith.constant 0 : i32
    %dma_start3A_24 = tpu.memref_slice %arg4[%dma_start3A_22, %dma_start3A_23] : memref<50048x32xbf16, #tpu.memory_space<hbm>> -> memref<50048x32xbf16, #tpu.memory_space<hbm>>
    tpu.enqueue_indirect_dma source(%dma_start3A_24 : memref<50048x32xbf16, #tpu.memory_space<hbm>>) target(%arg12 : memref<128x32xbf16, #tpu.memory_space<vmem>>) offsets(%dma_start3A_21 : memref<128xi32, #tpu.memory_space<vmem>>) semaphore(%arg16 : memref<!tpu.dma_semaphore, #tpu.memory_space<semaphore_mem>>)
    %dma_start3A_25 = arith.constant 3 : i32
    %dma_start3A_26 = arith.constant 0 : i32
    %dma_start3A_27 = tpu.memref_slice %arg7[%dma_start3A_25, %dma_start3A_26] : memref<232x128xi32, #tpu.memory_space<vmem>> -> memref<1x128xi32, #tpu.memory_space<vmem>>
    %dma_start3A_28 = tpu.memref_squeeze %dma_start3A_27 : memref<1x128xi32, #tpu.memory_space<vmem>> -> memref<128xi32, #tpu.memory_space<vmem>>
    %dma_start3A_29 = arith.constant 0 : i32
    %dma_start3A_30 = arith.constant 0 : i32
    %dma_start3A_31 = tpu.memref_slice %arg4[%dma_start3A_29, %dma_start3A_30] : memref<50048x32xbf16, #tpu.memory_space<hbm>> -> memref<50048x32xbf16, #tpu.memory_space<hbm>>
    tpu.enqueue_indirect_dma source(%dma_start3A_31 : memref<50048x32xbf16, #tpu.memory_space<hbm>>) target(%arg13 : memref<128x32xbf16, #tpu.memory_space<vmem>>) offsets(%dma_start3A_28 : memref<128xi32, #tpu.memory_space<vmem>>) semaphore(%arg17 : memref<!tpu.dma_semaphore, #tpu.memory_space<semaphore_mem>>)
    %sub3A = arith.constant 1 : i32
    %sub3A_32 = arith.subi %select_n3A, %sub3A : i32
    %while3A = arith.constant 0 : i32
    %while3A_33 = arith.constant 0 : i32
    %while3A_34 = arith.subi %sub3A_32, %while3A_33 : i32
    %while3A_35 = arith.addi %while3A_33, %while3A_34 : i32
    %while3A_36 = arith.constant 1 : i32
    %while3A_37 = arith.divsi %while3A_34, %while3A_36 : i32
    %while3A_38 = arith.muli %while3A_37, %while3A_36 : i32
    %while3A_39 = arith.addi %while3A_33, %while3A_38 : i32
    %while3A_40 = arith.constant 1 : i32
    scf.for %while3A_142 = %while3A_33 to %while3A_39 step %while3A_40  : i32 {
      %mul3A_143 = arith.constant 4 : i32
      %mul3A_144 = arith.muli %while3A_142, %mul3A_143 : i32
      %add3A_145 = arith.constant 0 : i32
      %add3A_146 = arith.addi %mul3A_144, %add3A_145 : i32
      %dma_wait3A_147 = arith.constant 0 : i32
      %dma_wait3A_148 = tpu.memref_slice %arg7[%add3A_146, %dma_wait3A_147] : memref<232x128xi32, #tpu.memory_space<vmem>> -> memref<1x128xi32, #tpu.memory_space<vmem>>
      %dma_wait3A_149 = tpu.memref_squeeze %dma_wait3A_148 : memref<1x128xi32, #tpu.memory_space<vmem>> -> memref<128xi32, #tpu.memory_space<vmem>>
      %dma_wait3A_150 = arith.constant 0 : i32
      %dma_wait3A_151 = arith.constant 0 : i32
      %dma_wait3A_152 = tpu.memref_slice %arg4[%dma_wait3A_150, %dma_wait3A_151] : memref<50048x32xbf16, #tpu.memory_space<hbm>> -> memref<50048x32xbf16, #tpu.memory_space<hbm>>
      tpu.wait_indirect_dma semaphore(%arg14 : memref<!tpu.dma_semaphore, #tpu.memory_space<semaphore_mem>>) src(%dma_wait3A_152 : memref<50048x32xbf16, #tpu.memory_space<hbm>>) dst(%arg10 : memref<128x32xbf16, #tpu.memory_space<vmem>>)
      %add3A_153 = arith.constant 0 : i32
      %add3A_154 = arith.addi %mul3A_144, %add3A_153 : i32
      %dma_start3A_155 = arith.constant 0 : i32
      %dma_start3A_156 = tpu.memref_slice %arg8[%add3A_154, %dma_start3A_155] : memref<232x128xi32, #tpu.memory_space<vmem>> -> memref<1x128xi32, #tpu.memory_space<vmem>>
      %dma_start3A_157 = tpu.memref_squeeze %dma_start3A_156 : memref<1x128xi32, #tpu.memory_space<vmem>> -> memref<128xi32, #tpu.memory_space<vmem>>
      %dma_start3A_158 = arith.constant 0 : i32
      %dma_start3A_159 = arith.constant 0 : i32
      %dma_start3A_160 = tpu.memref_slice %arg9[%dma_start3A_158, %dma_start3A_159] : memref<50048x32xbf16, #tpu.memory_space<vmem_shared>> -> memref<50048x32xbf16, #tpu.memory_space<vmem_shared>>
      tpu.enqueue_indirect_dma source(%arg10 : memref<128x32xbf16, #tpu.memory_space<vmem>>) target(%dma_start3A_160 : memref<50048x32xbf16, #tpu.memory_space<vmem_shared>>) offsets(%dma_start3A_157 : memref<128xi32, #tpu.memory_space<vmem>>) semaphore(%arg18 : memref<!tpu.dma_semaphore, #tpu.memory_space<semaphore_mem>>) {add = true}
      %add3A_161 = arith.constant 1 : i32
      %add3A_162 = arith.addi %mul3A_144, %add3A_161 : i32
      %dma_wait3A_163 = arith.constant 0 : i32
      %dma_wait3A_164 = tpu.memref_slice %arg7[%add3A_162, %dma_wait3A_163] : memref<232x128xi32, #tpu.memory_space<vmem>> -> memref<1x128xi32, #tpu.memory_space<vmem>>
      %dma_wait3A_165 = tpu.memref_squeeze %dma_wait3A_164 : memref<1x128xi32, #tpu.memory_space<vmem>> -> memref<128xi32, #tpu.memory_space<vmem>>
      %dma_wait3A_166 = arith.constant 0 : i32
      %dma_wait3A_167 = arith.constant 0 : i32
      %dma_wait3A_168 = tpu.memref_slice %arg4[%dma_wait3A_166, %dma_wait3A_167] : memref<50048x32xbf16, #tpu.memory_space<hbm>> -> memref<50048x32xbf16, #tpu.memory_space<hbm>>
      tpu.wait_indirect_dma semaphore(%arg15 : memref<!tpu.dma_semaphore, #tpu.memory_space<semaphore_mem>>) src(%dma_wait3A_168 : memref<50048x32xbf16, #tpu.memory_space<hbm>>) dst(%arg11 : memref<128x32xbf16, #tpu.memory_space<vmem>>)
      %add3A_169 = arith.constant 1 : i32
      %add3A_170 = arith.addi %mul3A_144, %add3A_169 : i32
      %dma_start3A_171 = arith.constant 0 : i32
      %dma_start3A_172 = tpu.memref_slice %arg8[%add3A_170, %dma_start3A_171] : memref<232x128xi32, #tpu.memory_space<vmem>> -> memref<1x128xi32, #tpu.memory_space<vmem>>
      %dma_start3A_173 = tpu.memref_squeeze %dma_start3A_172 : memref<1x128xi32, #tpu.memory_space<vmem>> -> memref<128xi32, #tpu.memory_space<vmem>>
      %dma_start3A_174 = arith.constant 0 : i32
      %dma_start3A_175 = arith.constant 0 : i32
      %dma_start3A_176 = tpu.memref_slice %arg9[%dma_start3A_174, %dma_start3A_175] : memref<50048x32xbf16, #tpu.memory_space<vmem_shared>> -> memref<50048x32xbf16, #tpu.memory_space<vmem_shared>>
      tpu.enqueue_indirect_dma source(%arg11 : memref<128x32xbf16, #tpu.memory_space<vmem>>) target(%dma_start3A_176 : memref<50048x32xbf16, #tpu.memory_space<vmem_shared>>) offsets(%dma_start3A_173 : memref<128xi32, #tpu.memory_space<vmem>>) semaphore(%arg19 : memref<!tpu.dma_semaphore, #tpu.memory_space<semaphore_mem>>) {add = true}
      %add3A_177 = arith.constant 2 : i32
      %add3A_178 = arith.addi %mul3A_144, %add3A_177 : i32
      %dma_wait3A_179 = arith.constant 0 : i32
      %dma_wait3A_180 = tpu.memref_slice %arg7[%add3A_178, %dma_wait3A_179] : memref<232x128xi32, #tpu.memory_space<vmem>> -> memref<1x128xi32, #tpu.memory_space<vmem>>
      %dma_wait3A_181 = tpu.memref_squeeze %dma_wait3A_180 : memref<1x128xi32, #tpu.memory_space<vmem>> -> memref<128xi32, #tpu.memory_space<vmem>>
      %dma_wait3A_182 = arith.constant 0 : i32
      %dma_wait3A_183 = arith.constant 0 : i32
      %dma_wait3A_184 = tpu.memref_slice %arg4[%dma_wait3A_182, %dma_wait3A_183] : memref<50048x32xbf16, #tpu.memory_space<hbm>> -> memref<50048x32xbf16, #tpu.memory_space<hbm>>
      tpu.wait_indirect_dma semaphore(%arg16 : memref<!tpu.dma_semaphore, #tpu.memory_space<semaphore_mem>>) src(%dma_wait3A_184 : memref<50048x32xbf16, #tpu.memory_space<hbm>>) dst(%arg12 : memref<128x32xbf16, #tpu.memory_space<vmem>>)
      %add3A_185 = arith.constant 2 : i32
      %add3A_186 = arith.addi %mul3A_144, %add3A_185 : i32
      %dma_start3A_187 = arith.constant 0 : i32
      %dma_start3A_188 = tpu.memref_slice %arg8[%add3A_186, %dma_start3A_187] : memref<232x128xi32, #tpu.memory_space<vmem>> -> memref<1x128xi32, #tpu.memory_space<vmem>>
      %dma_start3A_189 = tpu.memref_squeeze %dma_start3A_188 : memref<1x128xi32, #tpu.memory_space<vmem>> -> memref<128xi32, #tpu.memory_space<vmem>>
      %dma_start3A_190 = arith.constant 0 : i32
      %dma_start3A_191 = arith.constant 0 : i32
      %dma_start3A_192 = tpu.memref_slice %arg9[%dma_start3A_190, %dma_start3A_191] : memref<50048x32xbf16, #tpu.memory_space<vmem_shared>> -> memref<50048x32xbf16, #tpu.memory_space<vmem_shared>>
      tpu.enqueue_indirect_dma source(%arg12 : memref<128x32xbf16, #tpu.memory_space<vmem>>) target(%dma_start3A_192 : memref<50048x32xbf16, #tpu.memory_space<vmem_shared>>) offsets(%dma_start3A_189 : memref<128xi32, #tpu.memory_space<vmem>>) semaphore(%arg20 : memref<!tpu.dma_semaphore, #tpu.memory_space<semaphore_mem>>) {add = true}
      %add3A_193 = arith.constant 3 : i32
      %add3A_194 = arith.addi %mul3A_144, %add3A_193 : i32
      %dma_wait3A_195 = arith.constant 0 : i32
      %dma_wait3A_196 = tpu.memref_slice %arg7[%add3A_194, %dma_wait3A_195] : memref<232x128xi32, #tpu.memory_space<vmem>> -> memref<1x128xi32, #tpu.memory_space<vmem>>
      %dma_wait3A_197 = tpu.memref_squeeze %dma_wait3A_196 : memref<1x128xi32, #tpu.memory_space<vmem>> -> memref<128xi32, #tpu.memory_space<vmem>>
      %dma_wait3A_198 = arith.constant 0 : i32
      %dma_wait3A_199 = arith.constant 0 : i32
      %dma_wait3A_200 = tpu.memref_slice %arg4[%dma_wait3A_198, %dma_wait3A_199] : memref<50048x32xbf16, #tpu.memory_space<hbm>> -> memref<50048x32xbf16, #tpu.memory_space<hbm>>
      tpu.wait_indirect_dma semaphore(%arg17 : memref<!tpu.dma_semaphore, #tpu.memory_space<semaphore_mem>>) src(%dma_wait3A_200 : memref<50048x32xbf16, #tpu.memory_space<hbm>>) dst(%arg13 : memref<128x32xbf16, #tpu.memory_space<vmem>>)
      %add3A_201 = arith.constant 3 : i32
      %add3A_202 = arith.addi %mul3A_144, %add3A_201 : i32
      %dma_start3A_203 = arith.constant 0 : i32
      %dma_start3A_204 = tpu.memref_slice %arg8[%add3A_202, %dma_start3A_203] : memref<232x128xi32, #tpu.memory_space<vmem>> -> memref<1x128xi32, #tpu.memory_space<vmem>>
      %dma_start3A_205 = tpu.memref_squeeze %dma_start3A_204 : memref<1x128xi32, #tpu.memory_space<vmem>> -> memref<128xi32, #tpu.memory_space<vmem>>
      %dma_start3A_206 = arith.constant 0 : i32
      %dma_start3A_207 = arith.constant 0 : i32
      %dma_start3A_208 = tpu.memref_slice %arg9[%dma_start3A_206, %dma_start3A_207] : memref<50048x32xbf16, #tpu.memory_space<vmem_shared>> -> memref<50048x32xbf16, #tpu.memory_space<vmem_shared>>
      tpu.enqueue_indirect_dma source(%arg13 : memref<128x32xbf16, #tpu.memory_space<vmem>>) target(%dma_start3A_208 : memref<50048x32xbf16, #tpu.memory_space<vmem_shared>>) offsets(%dma_start3A_205 : memref<128xi32, #tpu.memory_space<vmem>>) semaphore(%arg21 : memref<!tpu.dma_semaphore, #tpu.memory_space<semaphore_mem>>) {add = true}
      %add3A_209 = arith.constant 0 : i32
      %add3A_210 = arith.addi %mul3A_144, %add3A_209 : i32
      %dma_wait3A_211 = arith.constant 0 : i32
      %dma_wait3A_212 = tpu.memref_slice %arg8[%add3A_210, %dma_wait3A_211] : memref<232x128xi32, #tpu.memory_space<vmem>> -> memref<1x128xi32, #tpu.memory_space<vmem>>
      %dma_wait3A_213 = tpu.memref_squeeze %dma_wait3A_212 : memref<1x128xi32, #tpu.memory_space<vmem>> -> memref<128xi32, #tpu.memory_space<vmem>>
      %dma_wait3A_214 = arith.constant 0 : i32
      %dma_wait3A_215 = arith.constant 0 : i32
      %dma_wait3A_216 = tpu.memref_slice %arg9[%dma_wait3A_214, %dma_wait3A_215] : memref<50048x32xbf16, #tpu.memory_space<vmem_shared>> -> memref<50048x32xbf16, #tpu.memory_space<vmem_shared>>
      tpu.wait_indirect_dma semaphore(%arg18 : memref<!tpu.dma_semaphore, #tpu.memory_space<semaphore_mem>>) src(%arg10 : memref<128x32xbf16, #tpu.memory_space<vmem>>) dst(%dma_wait3A_216 : memref<50048x32xbf16, #tpu.memory_space<vmem_shared>>)
      %add3A_217 = arith.constant 4 : i32
      %add3A_218 = arith.addi %mul3A_144, %add3A_217 : i32
      %add3A_219 = arith.constant 0 : i32
      %add3A_220 = arith.addi %add3A_218, %add3A_219 : i32
      %dma_start3A_221 = arith.constant 0 : i32
      %dma_start3A_222 = tpu.memref_slice %arg7[%add3A_220, %dma_start3A_221] : memref<232x128xi32, #tpu.memory_space<vmem>> -> memref<1x128xi32, #tpu.memory_space<vmem>>
      %dma_start3A_223 = tpu.memref_squeeze %dma_start3A_222 : memref<1x128xi32, #tpu.memory_space<vmem>> -> memref<128xi32, #tpu.memory_space<vmem>>
      %dma_start3A_224 = arith.constant 0 : i32
      %dma_start3A_225 = arith.constant 0 : i32
      %dma_start3A_226 = tpu.memref_slice %arg4[%dma_start3A_224, %dma_start3A_225] : memref<50048x32xbf16, #tpu.memory_space<hbm>> -> memref<50048x32xbf16, #tpu.memory_space<hbm>>
      tpu.enqueue_indirect_dma source(%dma_start3A_226 : memref<50048x32xbf16, #tpu.memory_space<hbm>>) target(%arg10 : memref<128x32xbf16, #tpu.memory_space<vmem>>) offsets(%dma_start3A_223 : memref<128xi32, #tpu.memory_space<vmem>>) semaphore(%arg14 : memref<!tpu.dma_semaphore, #tpu.memory_space<semaphore_mem>>)
      %add3A_227 = arith.constant 1 : i32
      %add3A_228 = arith.addi %mul3A_144, %add3A_227 : i32
      %dma_wait3A_229 = arith.constant 0 : i32
      %dma_wait3A_230 = tpu.memref_slice %arg8[%add3A_228, %dma_wait3A_229] : memref<232x128xi32, #tpu.memory_space<vmem>> -> memref<1x128xi32, #tpu.memory_space<vmem>>
      %dma_wait3A_231 = tpu.memref_squeeze %dma_wait3A_230 : memref<1x128xi32, #tpu.memory_space<vmem>> -> memref<128xi32, #tpu.memory_space<vmem>>
      %dma_wait3A_232 = arith.constant 0 : i32
      %dma_wait3A_233 = arith.constant 0 : i32
      %dma_wait3A_234 = tpu.memref_slice %arg9[%dma_wait3A_232, %dma_wait3A_233] : memref<50048x32xbf16, #tpu.memory_space<vmem_shared>> -> memref<50048x32xbf16, #tpu.memory_space<vmem_shared>>
      tpu.wait_indirect_dma semaphore(%arg19 : memref<!tpu.dma_semaphore, #tpu.memory_space<semaphore_mem>>) src(%arg11 : memref<128x32xbf16, #tpu.memory_space<vmem>>) dst(%dma_wait3A_234 : memref<50048x32xbf16, #tpu.memory_space<vmem_shared>>)
      %add3A_235 = arith.constant 4 : i32
      %add3A_236 = arith.addi %mul3A_144, %add3A_235 : i32
      %add3A_237 = arith.constant 1 : i32
      %add3A_238 = arith.addi %add3A_236, %add3A_237 : i32
      %dma_start3A_239 = arith.constant 0 : i32
      %dma_start3A_240 = tpu.memref_slice %arg7[%add3A_238, %dma_start3A_239] : memref<232x128xi32, #tpu.memory_space<vmem>> -> memref<1x128xi32, #tpu.memory_space<vmem>>
      %dma_start3A_241 = tpu.memref_squeeze %dma_start3A_240 : memref<1x128xi32, #tpu.memory_space<vmem>> -> memref<128xi32, #tpu.memory_space<vmem>>
      %dma_start3A_242 = arith.constant 0 : i32
      %dma_start3A_243 = arith.constant 0 : i32
      %dma_start3A_244 = tpu.memref_slice %arg4[%dma_start3A_242, %dma_start3A_243] : memref<50048x32xbf16, #tpu.memory_space<hbm>> -> memref<50048x32xbf16, #tpu.memory_space<hbm>>
      tpu.enqueue_indirect_dma source(%dma_start3A_244 : memref<50048x32xbf16, #tpu.memory_space<hbm>>) target(%arg11 : memref<128x32xbf16, #tpu.memory_space<vmem>>) offsets(%dma_start3A_241 : memref<128xi32, #tpu.memory_space<vmem>>) semaphore(%arg15 : memref<!tpu.dma_semaphore, #tpu.memory_space<semaphore_mem>>)
      %add3A_245 = arith.constant 2 : i32
      %add3A_246 = arith.addi %mul3A_144, %add3A_245 : i32
      %dma_wait3A_247 = arith.constant 0 : i32
      %dma_wait3A_248 = tpu.memref_slice %arg8[%add3A_246, %dma_wait3A_247] : memref<232x128xi32, #tpu.memory_space<vmem>> -> memref<1x128xi32, #tpu.memory_space<vmem>>
      %dma_wait3A_249 = tpu.memref_squeeze %dma_wait3A_248 : memref<1x128xi32, #tpu.memory_space<vmem>> -> memref<128xi32, #tpu.memory_space<vmem>>
      %dma_wait3A_250 = arith.constant 0 : i32
      %dma_wait3A_251 = arith.constant 0 : i32
      %dma_wait3A_252 = tpu.memref_slice %arg9[%dma_wait3A_250, %dma_wait3A_251] : memref<50048x32xbf16, #tpu.memory_space<vmem_shared>> -> memref<50048x32xbf16, #tpu.memory_space<vmem_shared>>
      tpu.wait_indirect_dma semaphore(%arg20 : memref<!tpu.dma_semaphore, #tpu.memory_space<semaphore_mem>>) src(%arg12 : memref<128x32xbf16, #tpu.memory_space<vmem>>) dst(%dma_wait3A_252 : memref<50048x32xbf16, #tpu.memory_space<vmem_shared>>)
      %add3A_253 = arith.constant 4 : i32
      %add3A_254 = arith.addi %mul3A_144, %add3A_253 : i32
      %add3A_255 = arith.constant 2 : i32
      %add3A_256 = arith.addi %add3A_254, %add3A_255 : i32
      %dma_start3A_257 = arith.constant 0 : i32
      %dma_start3A_258 = tpu.memref_slice %arg7[%add3A_256, %dma_start3A_257] : memref<232x128xi32, #tpu.memory_space<vmem>> -> memref<1x128xi32, #tpu.memory_space<vmem>>
      %dma_start3A_259 = tpu.memref_squeeze %dma_start3A_258 : memref<1x128xi32, #tpu.memory_space<vmem>> -> memref<128xi32, #tpu.memory_space<vmem>>
      %dma_start3A_260 = arith.constant 0 : i32
      %dma_start3A_261 = arith.constant 0 : i32
      %dma_start3A_262 = tpu.memref_slice %arg4[%dma_start3A_260, %dma_start3A_261] : memref<50048x32xbf16, #tpu.memory_space<hbm>> -> memref<50048x32xbf16, #tpu.memory_space<hbm>>
      tpu.enqueue_indirect_dma source(%dma_start3A_262 : memref<50048x32xbf16, #tpu.memory_space<hbm>>) target(%arg12 : memref<128x32xbf16, #tpu.memory_space<vmem>>) offsets(%dma_start3A_259 : memref<128xi32, #tpu.memory_space<vmem>>) semaphore(%arg16 : memref<!tpu.dma_semaphore, #tpu.memory_space<semaphore_mem>>)
      %add3A_263 = arith.constant 3 : i32
      %add3A_264 = arith.addi %mul3A_144, %add3A_263 : i32
      %dma_wait3A_265 = arith.constant 0 : i32
      %dma_wait3A_266 = tpu.memref_slice %arg8[%add3A_264, %dma_wait3A_265] : memref<232x128xi32, #tpu.memory_space<vmem>> -> memref<1x128xi32, #tpu.memory_space<vmem>>
      %dma_wait3A_267 = tpu.memref_squeeze %dma_wait3A_266 : memref<1x128xi32, #tpu.memory_space<vmem>> -> memref<128xi32, #tpu.memory_space<vmem>>
      %dma_wait3A_268 = arith.constant 0 : i32
      %dma_wait3A_269 = arith.constant 0 : i32
      %dma_wait3A_270 = tpu.memref_slice %arg9[%dma_wait3A_268, %dma_wait3A_269] : memref<50048x32xbf16, #tpu.memory_space<vmem_shared>> -> memref<50048x32xbf16, #tpu.memory_space<vmem_shared>>
      tpu.wait_indirect_dma semaphore(%arg21 : memref<!tpu.dma_semaphore, #tpu.memory_space<semaphore_mem>>) src(%arg13 : memref<128x32xbf16, #tpu.memory_space<vmem>>) dst(%dma_wait3A_270 : memref<50048x32xbf16, #tpu.memory_space<vmem_shared>>)
      %add3A_271 = arith.constant 4 : i32
      %add3A_272 = arith.addi %mul3A_144, %add3A_271 : i32
      %add3A_273 = arith.constant 3 : i32
      %add3A_274 = arith.addi %add3A_272, %add3A_273 : i32
      %dma_start3A_275 = arith.constant 0 : i32
      %dma_start3A_276 = tpu.memref_slice %arg7[%add3A_274, %dma_start3A_275] : memref<232x128xi32, #tpu.memory_space<vmem>> -> memref<1x128xi32, #tpu.memory_space<vmem>>
      %dma_start3A_277 = tpu.memref_squeeze %dma_start3A_276 : memref<1x128xi32, #tpu.memory_space<vmem>> -> memref<128xi32, #tpu.memory_space<vmem>>
      %dma_start3A_278 = arith.constant 0 : i32
      %dma_start3A_279 = arith.constant 0 : i32
      %dma_start3A_280 = tpu.memref_slice %arg4[%dma_start3A_278, %dma_start3A_279] : memref<50048x32xbf16, #tpu.memory_space<hbm>> -> memref<50048x32xbf16, #tpu.memory_space<hbm>>
      tpu.enqueue_indirect_dma source(%dma_start3A_280 : memref<50048x32xbf16, #tpu.memory_space<hbm>>) target(%arg13 : memref<128x32xbf16, #tpu.memory_space<vmem>>) offsets(%dma_start3A_277 : memref<128xi32, #tpu.memory_space<vmem>>) semaphore(%arg17 : memref<!tpu.dma_semaphore, #tpu.memory_space<semaphore_mem>>)
    }
    %while3A_41 = arith.constant 1 : i32
    scf.for %while3A_142 = %while3A_39 to %while3A_35 step %while3A_41  : i32 {
      %mul3A_143 = arith.constant 4 : i32
      %mul3A_144 = arith.muli %while3A_142, %mul3A_143 : i32
      %add3A_145 = arith.constant 0 : i32
      %add3A_146 = arith.addi %mul3A_144, %add3A_145 : i32
      %dma_wait3A_147 = arith.constant 0 : i32
      %dma_wait3A_148 = tpu.memref_slice %arg7[%add3A_146, %dma_wait3A_147] : memref<232x128xi32, #tpu.memory_space<vmem>> -> memref<1x128xi32, #tpu.memory_space<vmem>>
      %dma_wait3A_149 = tpu.memref_squeeze %dma_wait3A_148 : memref<1x128xi32, #tpu.memory_space<vmem>> -> memref<128xi32, #tpu.memory_space<vmem>>
      %dma_wait3A_150 = arith.constant 0 : i32
      %dma_wait3A_151 = arith.constant 0 : i32
      %dma_wait3A_152 = tpu.memref_slice %arg4[%dma_wait3A_150, %dma_wait3A_151] : memref<50048x32xbf16, #tpu.memory_space<hbm>> -> memref<50048x32xbf16, #tpu.memory_space<hbm>>
      tpu.wait_indirect_dma semaphore(%arg14 : memref<!tpu.dma_semaphore, #tpu.memory_space<semaphore_mem>>) src(%dma_wait3A_152 : memref<50048x32xbf16, #tpu.memory_space<hbm>>) dst(%arg10 : memref<128x32xbf16, #tpu.memory_space<vmem>>)
      %add3A_153 = arith.constant 0 : i32
      %add3A_154 = arith.addi %mul3A_144, %add3A_153 : i32
      %dma_start3A_155 = arith.constant 0 : i32
      %dma_start3A_156 = tpu.memref_slice %arg8[%add3A_154, %dma_start3A_155] : memref<232x128xi32, #tpu.memory_space<vmem>> -> memref<1x128xi32, #tpu.memory_space<vmem>>
      %dma_start3A_157 = tpu.memref_squeeze %dma_start3A_156 : memref<1x128xi32, #tpu.memory_space<vmem>> -> memref<128xi32, #tpu.memory_space<vmem>>
      %dma_start3A_158 = arith.constant 0 : i32
      %dma_start3A_159 = arith.constant 0 : i32
      %dma_start3A_160 = tpu.memref_slice %arg9[%dma_start3A_158, %dma_start3A_159] : memref<50048x32xbf16, #tpu.memory_space<vmem_shared>> -> memref<50048x32xbf16, #tpu.memory_space<vmem_shared>>
      tpu.enqueue_indirect_dma source(%arg10 : memref<128x32xbf16, #tpu.memory_space<vmem>>) target(%dma_start3A_160 : memref<50048x32xbf16, #tpu.memory_space<vmem_shared>>) offsets(%dma_start3A_157 : memref<128xi32, #tpu.memory_space<vmem>>) semaphore(%arg18 : memref<!tpu.dma_semaphore, #tpu.memory_space<semaphore_mem>>) {add = true}
      %add3A_161 = arith.constant 1 : i32
      %add3A_162 = arith.addi %mul3A_144, %add3A_161 : i32
      %dma_wait3A_163 = arith.constant 0 : i32
      %dma_wait3A_164 = tpu.memref_slice %arg7[%add3A_162, %dma_wait3A_163] : memref<232x128xi32, #tpu.memory_space<vmem>> -> memref<1x128xi32, #tpu.memory_space<vmem>>
      %dma_wait3A_165 = tpu.memref_squeeze %dma_wait3A_164 : memref<1x128xi32, #tpu.memory_space<vmem>> -> memref<128xi32, #tpu.memory_space<vmem>>
      %dma_wait3A_166 = arith.constant 0 : i32
      %dma_wait3A_167 = arith.constant 0 : i32
      %dma_wait3A_168 = tpu.memref_slice %arg4[%dma_wait3A_166, %dma_wait3A_167] : memref<50048x32xbf16, #tpu.memory_space<hbm>> -> memref<50048x32xbf16, #tpu.memory_space<hbm>>
      tpu.wait_indirect_dma semaphore(%arg15 : memref<!tpu.dma_semaphore, #tpu.memory_space<semaphore_mem>>) src(%dma_wait3A_168 : memref<50048x32xbf16, #tpu.memory_space<hbm>>) dst(%arg11 : memref<128x32xbf16, #tpu.memory_space<vmem>>)
      %add3A_169 = arith.constant 1 : i32
      %add3A_170 = arith.addi %mul3A_144, %add3A_169 : i32
      %dma_start3A_171 = arith.constant 0 : i32
      %dma_start3A_172 = tpu.memref_slice %arg8[%add3A_170, %dma_start3A_171] : memref<232x128xi32, #tpu.memory_space<vmem>> -> memref<1x128xi32, #tpu.memory_space<vmem>>
      %dma_start3A_173 = tpu.memref_squeeze %dma_start3A_172 : memref<1x128xi32, #tpu.memory_space<vmem>> -> memref<128xi32, #tpu.memory_space<vmem>>
      %dma_start3A_174 = arith.constant 0 : i32
      %dma_start3A_175 = arith.constant 0 : i32
      %dma_start3A_176 = tpu.memref_slice %arg9[%dma_start3A_174, %dma_start3A_175] : memref<50048x32xbf16, #tpu.memory_space<vmem_shared>> -> memref<50048x32xbf16, #tpu.memory_space<vmem_shared>>
      tpu.enqueue_indirect_dma source(%arg11 : memref<128x32xbf16, #tpu.memory_space<vmem>>) target(%dma_start3A_176 : memref<50048x32xbf16, #tpu.memory_space<vmem_shared>>) offsets(%dma_start3A_173 : memref<128xi32, #tpu.memory_space<vmem>>) semaphore(%arg19 : memref<!tpu.dma_semaphore, #tpu.memory_space<semaphore_mem>>) {add = true}
      %add3A_177 = arith.constant 2 : i32
      %add3A_178 = arith.addi %mul3A_144, %add3A_177 : i32
      %dma_wait3A_179 = arith.constant 0 : i32
      %dma_wait3A_180 = tpu.memref_slice %arg7[%add3A_178, %dma_wait3A_179] : memref<232x128xi32, #tpu.memory_space<vmem>> -> memref<1x128xi32, #tpu.memory_space<vmem>>
      %dma_wait3A_181 = tpu.memref_squeeze %dma_wait3A_180 : memref<1x128xi32, #tpu.memory_space<vmem>> -> memref<128xi32, #tpu.memory_space<vmem>>
      %dma_wait3A_182 = arith.constant 0 : i32
      %dma_wait3A_183 = arith.constant 0 : i32
      %dma_wait3A_184 = tpu.memref_slice %arg4[%dma_wait3A_182, %dma_wait3A_183] : memref<50048x32xbf16, #tpu.memory_space<hbm>> -> memref<50048x32xbf16, #tpu.memory_space<hbm>>
      tpu.wait_indirect_dma semaphore(%arg16 : memref<!tpu.dma_semaphore, #tpu.memory_space<semaphore_mem>>) src(%dma_wait3A_184 : memref<50048x32xbf16, #tpu.memory_space<hbm>>) dst(%arg12 : memref<128x32xbf16, #tpu.memory_space<vmem>>)
      %add3A_185 = arith.constant 2 : i32
      %add3A_186 = arith.addi %mul3A_144, %add3A_185 : i32
      %dma_start3A_187 = arith.constant 0 : i32
      %dma_start3A_188 = tpu.memref_slice %arg8[%add3A_186, %dma_start3A_187] : memref<232x128xi32, #tpu.memory_space<vmem>> -> memref<1x128xi32, #tpu.memory_space<vmem>>
      %dma_start3A_189 = tpu.memref_squeeze %dma_start3A_188 : memref<1x128xi32, #tpu.memory_space<vmem>> -> memref<128xi32, #tpu.memory_space<vmem>>
      %dma_start3A_190 = arith.constant 0 : i32
      %dma_start3A_191 = arith.constant 0 : i32
      %dma_start3A_192 = tpu.memref_slice %arg9[%dma_start3A_190, %dma_start3A_191] : memref<50048x32xbf16, #tpu.memory_space<vmem_shared>> -> memref<50048x32xbf16, #tpu.memory_space<vmem_shared>>
      tpu.enqueue_indirect_dma source(%arg12 : memref<128x32xbf16, #tpu.memory_space<vmem>>) target(%dma_start3A_192 : memref<50048x32xbf16, #tpu.memory_space<vmem_shared>>) offsets(%dma_start3A_189 : memref<128xi32, #tpu.memory_space<vmem>>) semaphore(%arg20 : memref<!tpu.dma_semaphore, #tpu.memory_space<semaphore_mem>>) {add = true}
      %add3A_193 = arith.constant 3 : i32
      %add3A_194 = arith.addi %mul3A_144, %add3A_193 : i32
      %dma_wait3A_195 = arith.constant 0 : i32
      %dma_wait3A_196 = tpu.memref_slice %arg7[%add3A_194, %dma_wait3A_195] : memref<232x128xi32, #tpu.memory_space<vmem>> -> memref<1x128xi32, #tpu.memory_space<vmem>>
      %dma_wait3A_197 = tpu.memref_squeeze %dma_wait3A_196 : memref<1x128xi32, #tpu.memory_space<vmem>> -> memref<128xi32, #tpu.memory_space<vmem>>
      %dma_wait3A_198 = arith.constant 0 : i32
      %dma_wait3A_199 = arith.constant 0 : i32
      %dma_wait3A_200 = tpu.memref_slice %arg4[%dma_wait3A_198, %dma_wait3A_199] : memref<50048x32xbf16, #tpu.memory_space<hbm>> -> memref<50048x32xbf16, #tpu.memory_space<hbm>>
      tpu.wait_indirect_dma semaphore(%arg17 : memref<!tpu.dma_semaphore, #tpu.memory_space<semaphore_mem>>) src(%dma_wait3A_200 : memref<50048x32xbf16, #tpu.memory_space<hbm>>) dst(%arg13 : memref<128x32xbf16, #tpu.memory_space<vmem>>)
      %add3A_201 = arith.constant 3 : i32
      %add3A_202 = arith.addi %mul3A_144, %add3A_201 : i32
      %dma_start3A_203 = arith.constant 0 : i32
      %dma_start3A_204 = tpu.memref_slice %arg8[%add3A_202, %dma_start3A_203] : memref<232x128xi32, #tpu.memory_space<vmem>> -> memref<1x128xi32, #tpu.memory_space<vmem>>
      %dma_start3A_205 = tpu.memref_squeeze %dma_start3A_204 : memref<1x128xi32, #tpu.memory_space<vmem>> -> memref<128xi32, #tpu.memory_space<vmem>>
      %dma_start3A_206 = arith.constant 0 : i32
      %dma_start3A_207 = arith.constant 0 : i32
      %dma_start3A_208 = tpu.memref_slice %arg9[%dma_start3A_206, %dma_start3A_207] : memref<50048x32xbf16, #tpu.memory_space<vmem_shared>> -> memref<50048x32xbf16, #tpu.memory_space<vmem_shared>>
      tpu.enqueue_indirect_dma source(%arg13 : memref<128x32xbf16, #tpu.memory_space<vmem>>) target(%dma_start3A_208 : memref<50048x32xbf16, #tpu.memory_space<vmem_shared>>) offsets(%dma_start3A_205 : memref<128xi32, #tpu.memory_space<vmem>>) semaphore(%arg21 : memref<!tpu.dma_semaphore, #tpu.memory_space<semaphore_mem>>) {add = true}
      %add3A_209 = arith.constant 0 : i32
      %add3A_210 = arith.addi %mul3A_144, %add3A_209 : i32
      %dma_wait3A_211 = arith.constant 0 : i32
      %dma_wait3A_212 = tpu.memref_slice %arg8[%add3A_210, %dma_wait3A_211] : memref<232x128xi32, #tpu.memory_space<vmem>> -> memref<1x128xi32, #tpu.memory_space<vmem>>
      %dma_wait3A_213 = tpu.memref_squeeze %dma_wait3A_212 : memref<1x128xi32, #tpu.memory_space<vmem>> -> memref<128xi32, #tpu.memory_space<vmem>>
      %dma_wait3A_214 = arith.constant 0 : i32
      %dma_wait3A_215 = arith.constant 0 : i32
      %dma_wait3A_216 = tpu.memref_slice %arg9[%dma_wait3A_214, %dma_wait3A_215] : memref<50048x32xbf16, #tpu.memory_space<vmem_shared>> -> memref<50048x32xbf16, #tpu.memory_space<vmem_shared>>
      tpu.wait_indirect_dma semaphore(%arg18 : memref<!tpu.dma_semaphore, #tpu.memory_space<semaphore_mem>>) src(%arg10 : memref<128x32xbf16, #tpu.memory_space<vmem>>) dst(%dma_wait3A_216 : memref<50048x32xbf16, #tpu.memory_space<vmem_shared>>)
      %add3A_217 = arith.constant 4 : i32
      %add3A_218 = arith.addi %mul3A_144, %add3A_217 : i32
      %add3A_219 = arith.constant 0 : i32
      %add3A_220 = arith.addi %add3A_218, %add3A_219 : i32
      %dma_start3A_221 = arith.constant 0 : i32
      %dma_start3A_222 = tpu.memref_slice %arg7[%add3A_220, %dma_start3A_221] : memref<232x128xi32, #tpu.memory_space<vmem>> -> memref<1x128xi32, #tpu.memory_space<vmem>>
      %dma_start3A_223 = tpu.memref_squeeze %dma_start3A_222 : memref<1x128xi32, #tpu.memory_space<vmem>> -> memref<128xi32, #tpu.memory_space<vmem>>
      %dma_start3A_224 = arith.constant 0 : i32
      %dma_start3A_225 = arith.constant 0 : i32
      %dma_start3A_226 = tpu.memref_slice %arg4[%dma_start3A_224, %dma_start3A_225] : memref<50048x32xbf16, #tpu.memory_space<hbm>> -> memref<50048x32xbf16, #tpu.memory_space<hbm>>
      tpu.enqueue_indirect_dma source(%dma_start3A_226 : memref<50048x32xbf16, #tpu.memory_space<hbm>>) target(%arg10 : memref<128x32xbf16, #tpu.memory_space<vmem>>) offsets(%dma_start3A_223 : memref<128xi32, #tpu.memory_space<vmem>>) semaphore(%arg14 : memref<!tpu.dma_semaphore, #tpu.memory_space<semaphore_mem>>)
      %add3A_227 = arith.constant 1 : i32
      %add3A_228 = arith.addi %mul3A_144, %add3A_227 : i32
      %dma_wait3A_229 = arith.constant 0 : i32
      %dma_wait3A_230 = tpu.memref_slice %arg8[%add3A_228, %dma_wait3A_229] : memref<232x128xi32, #tpu.memory_space<vmem>> -> memref<1x128xi32, #tpu.memory_space<vmem>>
      %dma_wait3A_231 = tpu.memref_squeeze %dma_wait3A_230 : memref<1x128xi32, #tpu.memory_space<vmem>> -> memref<128xi32, #tpu.memory_space<vmem>>
      %dma_wait3A_232 = arith.constant 0 : i32
      %dma_wait3A_233 = arith.constant 0 : i32
      %dma_wait3A_234 = tpu.memref_slice %arg9[%dma_wait3A_232, %dma_wait3A_233] : memref<50048x32xbf16, #tpu.memory_space<vmem_shared>> -> memref<50048x32xbf16, #tpu.memory_space<vmem_shared>>
      tpu.wait_indirect_dma semaphore(%arg19 : memref<!tpu.dma_semaphore, #tpu.memory_space<semaphore_mem>>) src(%arg11 : memref<128x32xbf16, #tpu.memory_space<vmem>>) dst(%dma_wait3A_234 : memref<50048x32xbf16, #tpu.memory_space<vmem_shared>>)
      %add3A_235 = arith.constant 4 : i32
      %add3A_236 = arith.addi %mul3A_144, %add3A_235 : i32
      %add3A_237 = arith.constant 1 : i32
      %add3A_238 = arith.addi %add3A_236, %add3A_237 : i32
      %dma_start3A_239 = arith.constant 0 : i32
      %dma_start3A_240 = tpu.memref_slice %arg7[%add3A_238, %dma_start3A_239] : memref<232x128xi32, #tpu.memory_space<vmem>> -> memref<1x128xi32, #tpu.memory_space<vmem>>
      %dma_start3A_241 = tpu.memref_squeeze %dma_start3A_240 : memref<1x128xi32, #tpu.memory_space<vmem>> -> memref<128xi32, #tpu.memory_space<vmem>>
      %dma_start3A_242 = arith.constant 0 : i32
      %dma_start3A_243 = arith.constant 0 : i32
      %dma_start3A_244 = tpu.memref_slice %arg4[%dma_start3A_242, %dma_start3A_243] : memref<50048x32xbf16, #tpu.memory_space<hbm>> -> memref<50048x32xbf16, #tpu.memory_space<hbm>>
      tpu.enqueue_indirect_dma source(%dma_start3A_244 : memref<50048x32xbf16, #tpu.memory_space<hbm>>) target(%arg11 : memref<128x32xbf16, #tpu.memory_space<vmem>>) offsets(%dma_start3A_241 : memref<128xi32, #tpu.memory_space<vmem>>) semaphore(%arg15 : memref<!tpu.dma_semaphore, #tpu.memory_space<semaphore_mem>>)
      %add3A_245 = arith.constant 2 : i32
      %add3A_246 = arith.addi %mul3A_144, %add3A_245 : i32
      %dma_wait3A_247 = arith.constant 0 : i32
      %dma_wait3A_248 = tpu.memref_slice %arg8[%add3A_246, %dma_wait3A_247] : memref<232x128xi32, #tpu.memory_space<vmem>> -> memref<1x128xi32, #tpu.memory_space<vmem>>
      %dma_wait3A_249 = tpu.memref_squeeze %dma_wait3A_248 : memref<1x128xi32, #tpu.memory_space<vmem>> -> memref<128xi32, #tpu.memory_space<vmem>>
      %dma_wait3A_250 = arith.constant 0 : i32
      %dma_wait3A_251 = arith.constant 0 : i32
      %dma_wait3A_252 = tpu.memref_slice %arg9[%dma_wait3A_250, %dma_wait3A_251] : memref<50048x32xbf16, #tpu.memory_space<vmem_shared>> -> memref<50048x32xbf16, #tpu.memory_space<vmem_shared>>
      tpu.wait_indirect_dma semaphore(%arg20 : memref<!tpu.dma_semaphore, #tpu.memory_space<semaphore_mem>>) src(%arg12 : memref<128x32xbf16, #tpu.memory_space<vmem>>) dst(%dma_wait3A_252 : memref<50048x32xbf16, #tpu.memory_space<vmem_shared>>)
      %add3A_253 = arith.constant 4 : i32
      %add3A_254 = arith.addi %mul3A_144, %add3A_253 : i32
      %add3A_255 = arith.constant 2 : i32
      %add3A_256 = arith.addi %add3A_254, %add3A_255 : i32
      %dma_start3A_257 = arith.constant 0 : i32
      %dma_start3A_258 = tpu.memref_slice %arg7[%add3A_256, %dma_start3A_257] : memref<232x128xi32, #tpu.memory_space<vmem>> -> memref<1x128xi32, #tpu.memory_space<vmem>>
      %dma_start3A_259 = tpu.memref_squeeze %dma_start3A_258 : memref<1x128xi32, #tpu.memory_space<vmem>> -> memref<128xi32, #tpu.memory_space<vmem>>
      %dma_start3A_260 = arith.constant 0 : i32
      %dma_start3A_261 = arith.constant 0 : i32
      %dma_start3A_262 = tpu.memref_slice %arg4[%dma_start3A_260, %dma_start3A_261] : memref<50048x32xbf16, #tpu.memory_space<hbm>> -> memref<50048x32xbf16, #tpu.memory_space<hbm>>
      tpu.enqueue_indirect_dma source(%dma_start3A_262 : memref<50048x32xbf16, #tpu.memory_space<hbm>>) target(%arg12 : memref<128x32xbf16, #tpu.memory_space<vmem>>) offsets(%dma_start3A_259 : memref<128xi32, #tpu.memory_space<vmem>>) semaphore(%arg16 : memref<!tpu.dma_semaphore, #tpu.memory_space<semaphore_mem>>)
      %add3A_263 = arith.constant 3 : i32
      %add3A_264 = arith.addi %mul3A_144, %add3A_263 : i32
      %dma_wait3A_265 = arith.constant 0 : i32
      %dma_wait3A_266 = tpu.memref_slice %arg8[%add3A_264, %dma_wait3A_265] : memref<232x128xi32, #tpu.memory_space<vmem>> -> memref<1x128xi32, #tpu.memory_space<vmem>>
      %dma_wait3A_267 = tpu.memref_squeeze %dma_wait3A_266 : memref<1x128xi32, #tpu.memory_space<vmem>> -> memref<128xi32, #tpu.memory_space<vmem>>
      %dma_wait3A_268 = arith.constant 0 : i32
      %dma_wait3A_269 = arith.constant 0 : i32
      %dma_wait3A_270 = tpu.memref_slice %arg9[%dma_wait3A_268, %dma_wait3A_269] : memref<50048x32xbf16, #tpu.memory_space<vmem_shared>> -> memref<50048x32xbf16, #tpu.memory_space<vmem_shared>>
      tpu.wait_indirect_dma semaphore(%arg21 : memref<!tpu.dma_semaphore, #tpu.memory_space<semaphore_mem>>) src(%arg13 : memref<128x32xbf16, #tpu.memory_space<vmem>>) dst(%dma_wait3A_270 : memref<50048x32xbf16, #tpu.memory_space<vmem_shared>>)
      %add3A_271 = arith.constant 4 : i32
      %add3A_272 = arith.addi %mul3A_144, %add3A_271 : i32
      %add3A_273 = arith.constant 3 : i32
      %add3A_274 = arith.addi %add3A_272, %add3A_273 : i32
      %dma_start3A_275 = arith.constant 0 : i32
      %dma_start3A_276 = tpu.memref_slice %arg7[%add3A_274, %dma_start3A_275] : memref<232x128xi32, #tpu.memory_space<vmem>> -> memref<1x128xi32, #tpu.memory_space<vmem>>
      %dma_start3A_277 = tpu.memref_squeeze %dma_start3A_276 : memref<1x128xi32, #tpu.memory_space<vmem>> -> memref<128xi32, #tpu.memory_space<vmem>>
      %dma_start3A_278 = arith.constant 0 : i32
      %dma_start3A_279 = arith.constant 0 : i32
      %dma_start3A_280 = tpu.memref_slice %arg4[%dma_start3A_278, %dma_start3A_279] : memref<50048x32xbf16, #tpu.memory_space<hbm>> -> memref<50048x32xbf16, #tpu.memory_space<hbm>>
      tpu.enqueue_indirect_dma source(%dma_start3A_280 : memref<50048x32xbf16, #tpu.memory_space<hbm>>) target(%arg13 : memref<128x32xbf16, #tpu.memory_space<vmem>>) offsets(%dma_start3A_277 : memref<128xi32, #tpu.memory_space<vmem>>) semaphore(%arg17 : memref<!tpu.dma_semaphore, #tpu.memory_space<semaphore_mem>>)
    }
    %sub3A_42 = arith.constant 1 : i32
    %sub3A_43 = arith.subi %select_n3A, %sub3A_42 : i32
    %mul3A_44 = arith.constant 4 : i32
    %mul3A_45 = arith.muli %sub3A_43, %mul3A_44 : i32
    %add3A_46 = arith.constant 0 : i32
    %add3A_47 = arith.addi %mul3A_45, %add3A_46 : i32
    %dma_wait3A = arith.constant 0 : i32
    %dma_wait3A_48 = tpu.memref_slice %arg7[%add3A_47, %dma_wait3A] : memref<232x128xi32, #tpu.memory_space<vmem>> -> memref<1x128xi32, #tpu.memory_space<vmem>>
    %dma_wait3A_49 = tpu.memref_squeeze %dma_wait3A_48 : memref<1x128xi32, #tpu.memory_space<vmem>> -> memref<128xi32, #tpu.memory_space<vmem>>
    %dma_wait3A_50 = arith.constant 0 : i32
    %dma_wait3A_51 = arith.constant 0 : i32
    %dma_wait3A_52 = tpu.memref_slice %arg4[%dma_wait3A_50, %dma_wait3A_51] : memref<50048x32xbf16, #tpu.memory_space<hbm>> -> memref<50048x32xbf16, #tpu.memory_space<hbm>>
    tpu.wait_indirect_dma semaphore(%arg14 : memref<!tpu.dma_semaphore, #tpu.memory_space<semaphore_mem>>) src(%dma_wait3A_52 : memref<50048x32xbf16, #tpu.memory_space<hbm>>) dst(%arg10 : memref<128x32xbf16, #tpu.memory_space<vmem>>)
    %add3A_53 = arith.constant 0 : i32
    %add3A_54 = arith.addi %mul3A_45, %add3A_53 : i32
    %dma_start3A_55 = arith.constant 0 : i32
    %dma_start3A_56 = tpu.memref_slice %arg8[%add3A_54, %dma_start3A_55] : memref<232x128xi32, #tpu.memory_space<vmem>> -> memref<1x128xi32, #tpu.memory_space<vmem>>
    %dma_start3A_57 = tpu.memref_squeeze %dma_start3A_56 : memref<1x128xi32, #tpu.memory_space<vmem>> -> memref<128xi32, #tpu.memory_space<vmem>>
    %dma_start3A_58 = arith.constant 0 : i32
    %dma_start3A_59 = arith.constant 0 : i32
    %dma_start3A_60 = tpu.memref_slice %arg9[%dma_start3A_58, %dma_start3A_59] : memref<50048x32xbf16, #tpu.memory_space<vmem_shared>> -> memref<50048x32xbf16, #tpu.memory_space<vmem_shared>>
    tpu.enqueue_indirect_dma source(%arg10 : memref<128x32xbf16, #tpu.memory_space<vmem>>) target(%dma_start3A_60 : memref<50048x32xbf16, #tpu.memory_space<vmem_shared>>) offsets(%dma_start3A_57 : memref<128xi32, #tpu.memory_space<vmem>>) semaphore(%arg18 : memref<!tpu.dma_semaphore, #tpu.memory_space<semaphore_mem>>) {add = true}
    %add3A_61 = arith.constant 1 : i32
    %add3A_62 = arith.addi %mul3A_45, %add3A_61 : i32
    %dma_wait3A_63 = arith.constant 0 : i32
    %dma_wait3A_64 = tpu.memref_slice %arg7[%add3A_62, %dma_wait3A_63] : memref<232x128xi32, #tpu.memory_space<vmem>> -> memref<1x128xi32, #tpu.memory_space<vmem>>
    %dma_wait3A_65 = tpu.memref_squeeze %dma_wait3A_64 : memref<1x128xi32, #tpu.memory_space<vmem>> -> memref<128xi32, #tpu.memory_space<vmem>>
    %dma_wait3A_66 = arith.constant 0 : i32
    %dma_wait3A_67 = arith.constant 0 : i32
    %dma_wait3A_68 = tpu.memref_slice %arg4[%dma_wait3A_66, %dma_wait3A_67] : memref<50048x32xbf16, #tpu.memory_space<hbm>> -> memref<50048x32xbf16, #tpu.memory_space<hbm>>
    tpu.wait_indirect_dma semaphore(%arg15 : memref<!tpu.dma_semaphore, #tpu.memory_space<semaphore_mem>>) src(%dma_wait3A_68 : memref<50048x32xbf16, #tpu.memory_space<hbm>>) dst(%arg11 : memref<128x32xbf16, #tpu.memory_space<vmem>>)
    %add3A_69 = arith.constant 1 : i32
    %add3A_70 = arith.addi %mul3A_45, %add3A_69 : i32
    %dma_start3A_71 = arith.constant 0 : i32
    %dma_start3A_72 = tpu.memref_slice %arg8[%add3A_70, %dma_start3A_71] : memref<232x128xi32, #tpu.memory_space<vmem>> -> memref<1x128xi32, #tpu.memory_space<vmem>>
    %dma_start3A_73 = tpu.memref_squeeze %dma_start3A_72 : memref<1x128xi32, #tpu.memory_space<vmem>> -> memref<128xi32, #tpu.memory_space<vmem>>
    %dma_start3A_74 = arith.constant 0 : i32
    %dma_start3A_75 = arith.constant 0 : i32
    %dma_start3A_76 = tpu.memref_slice %arg9[%dma_start3A_74, %dma_start3A_75] : memref<50048x32xbf16, #tpu.memory_space<vmem_shared>> -> memref<50048x32xbf16, #tpu.memory_space<vmem_shared>>
    tpu.enqueue_indirect_dma source(%arg11 : memref<128x32xbf16, #tpu.memory_space<vmem>>) target(%dma_start3A_76 : memref<50048x32xbf16, #tpu.memory_space<vmem_shared>>) offsets(%dma_start3A_73 : memref<128xi32, #tpu.memory_space<vmem>>) semaphore(%arg19 : memref<!tpu.dma_semaphore, #tpu.memory_space<semaphore_mem>>) {add = true}
    %add3A_77 = arith.constant 2 : i32
    %add3A_78 = arith.addi %mul3A_45, %add3A_77 : i32
    %dma_wait3A_79 = arith.constant 0 : i32
    %dma_wait3A_80 = tpu.memref_slice %arg7[%add3A_78, %dma_wait3A_79] : memref<232x128xi32, #tpu.memory_space<vmem>> -> memref<1x128xi32, #tpu.memory_space<vmem>>
    %dma_wait3A_81 = tpu.memref_squeeze %dma_wait3A_80 : memref<1x128xi32, #tpu.memory_space<vmem>> -> memref<128xi32, #tpu.memory_space<vmem>>
    %dma_wait3A_82 = arith.constant 0 : i32
    %dma_wait3A_83 = arith.constant 0 : i32
    %dma_wait3A_84 = tpu.memref_slice %arg4[%dma_wait3A_82, %dma_wait3A_83] : memref<50048x32xbf16, #tpu.memory_space<hbm>> -> memref<50048x32xbf16, #tpu.memory_space<hbm>>
    tpu.wait_indirect_dma semaphore(%arg16 : memref<!tpu.dma_semaphore, #tpu.memory_space<semaphore_mem>>) src(%dma_wait3A_84 : memref<50048x32xbf16, #tpu.memory_space<hbm>>) dst(%arg12 : memref<128x32xbf16, #tpu.memory_space<vmem>>)
    %add3A_85 = arith.constant 2 : i32
    %add3A_86 = arith.addi %mul3A_45, %add3A_85 : i32
    %dma_start3A_87 = arith.constant 0 : i32
    %dma_start3A_88 = tpu.memref_slice %arg8[%add3A_86, %dma_start3A_87] : memref<232x128xi32, #tpu.memory_space<vmem>> -> memref<1x128xi32, #tpu.memory_space<vmem>>
    %dma_start3A_89 = tpu.memref_squeeze %dma_start3A_88 : memref<1x128xi32, #tpu.memory_space<vmem>> -> memref<128xi32, #tpu.memory_space<vmem>>
    %dma_start3A_90 = arith.constant 0 : i32
    %dma_start3A_91 = arith.constant 0 : i32
    %dma_start3A_92 = tpu.memref_slice %arg9[%dma_start3A_90, %dma_start3A_91] : memref<50048x32xbf16, #tpu.memory_space<vmem_shared>> -> memref<50048x32xbf16, #tpu.memory_space<vmem_shared>>
    tpu.enqueue_indirect_dma source(%arg12 : memref<128x32xbf16, #tpu.memory_space<vmem>>) target(%dma_start3A_92 : memref<50048x32xbf16, #tpu.memory_space<vmem_shared>>) offsets(%dma_start3A_89 : memref<128xi32, #tpu.memory_space<vmem>>) semaphore(%arg20 : memref<!tpu.dma_semaphore, #tpu.memory_space<semaphore_mem>>) {add = true}
    %add3A_93 = arith.constant 3 : i32
    %add3A_94 = arith.addi %mul3A_45, %add3A_93 : i32
    %dma_wait3A_95 = arith.constant 0 : i32
    %dma_wait3A_96 = tpu.memref_slice %arg7[%add3A_94, %dma_wait3A_95] : memref<232x128xi32, #tpu.memory_space<vmem>> -> memref<1x128xi32, #tpu.memory_space<vmem>>
    %dma_wait3A_97 = tpu.memref_squeeze %dma_wait3A_96 : memref<1x128xi32, #tpu.memory_space<vmem>> -> memref<128xi32, #tpu.memory_space<vmem>>
    %dma_wait3A_98 = arith.constant 0 : i32
    %dma_wait3A_99 = arith.constant 0 : i32
    %dma_wait3A_100 = tpu.memref_slice %arg4[%dma_wait3A_98, %dma_wait3A_99] : memref<50048x32xbf16, #tpu.memory_space<hbm>> -> memref<50048x32xbf16, #tpu.memory_space<hbm>>
    tpu.wait_indirect_dma semaphore(%arg17 : memref<!tpu.dma_semaphore, #tpu.memory_space<semaphore_mem>>) src(%dma_wait3A_100 : memref<50048x32xbf16, #tpu.memory_space<hbm>>) dst(%arg13 : memref<128x32xbf16, #tpu.memory_space<vmem>>)
    %add3A_101 = arith.constant 3 : i32
    %add3A_102 = arith.addi %mul3A_45, %add3A_101 : i32
    %dma_start3A_103 = arith.constant 0 : i32
    %dma_start3A_104 = tpu.memref_slice %arg8[%add3A_102, %dma_start3A_103] : memref<232x128xi32, #tpu.memory_space<vmem>> -> memref<1x128xi32, #tpu.memory_space<vmem>>
    %dma_start3A_105 = tpu.memref_squeeze %dma_start3A_104 : memref<1x128xi32, #tpu.memory_space<vmem>> -> memref<128xi32, #tpu.memory_space<vmem>>
    %dma_start3A_106 = arith.constant 0 : i32
    %dma_start3A_107 = arith.constant 0 : i32
    %dma_start3A_108 = tpu.memref_slice %arg9[%dma_start3A_106, %dma_start3A_107] : memref<50048x32xbf16, #tpu.memory_space<vmem_shared>> -> memref<50048x32xbf16, #tpu.memory_space<vmem_shared>>
    tpu.enqueue_indirect_dma source(%arg13 : memref<128x32xbf16, #tpu.memory_space<vmem>>) target(%dma_start3A_108 : memref<50048x32xbf16, #tpu.memory_space<vmem_shared>>) offsets(%dma_start3A_105 : memref<128xi32, #tpu.memory_space<vmem>>) semaphore(%arg21 : memref<!tpu.dma_semaphore, #tpu.memory_space<semaphore_mem>>) {add = true}
    %add3A_109 = arith.constant 0 : i32
    %add3A_110 = arith.addi %mul3A_45, %add3A_109 : i32
    %dma_wait3A_111 = arith.constant 0 : i32
    %dma_wait3A_112 = tpu.memref_slice %arg8[%add3A_110, %dma_wait3A_111] : memref<232x128xi32, #tpu.memory_space<vmem>> -> memref<1x128xi32, #tpu.memory_space<vmem>>
    %dma_wait3A_113 = tpu.memref_squeeze %dma_wait3A_112 : memref<1x128xi32, #tpu.memory_space<vmem>> -> memref<128xi32, #tpu.memory_space<vmem>>
    %dma_wait3A_114 = arith.constant 0 : i32
    %dma_wait3A_115 = arith.constant 0 : i32
    %dma_wait3A_116 = tpu.memref_slice %arg9[%dma_wait3A_114, %dma_wait3A_115] : memref<50048x32xbf16, #tpu.memory_space<vmem_shared>> -> memref<50048x32xbf16, #tpu.memory_space<vmem_shared>>
    tpu.wait_indirect_dma semaphore(%arg18 : memref<!tpu.dma_semaphore, #tpu.memory_space<semaphore_mem>>) src(%arg10 : memref<128x32xbf16, #tpu.memory_space<vmem>>) dst(%dma_wait3A_116 : memref<50048x32xbf16, #tpu.memory_space<vmem_shared>>)
    %add3A_117 = arith.constant 1 : i32
    %add3A_118 = arith.addi %mul3A_45, %add3A_117 : i32
    %dma_wait3A_119 = arith.constant 0 : i32
    %dma_wait3A_120 = tpu.memref_slice %arg8[%add3A_118, %dma_wait3A_119] : memref<232x128xi32, #tpu.memory_space<vmem>> -> memref<1x128xi32, #tpu.memory_space<vmem>>
    %dma_wait3A_121 = tpu.memref_squeeze %dma_wait3A_120 : memref<1x128xi32, #tpu.memory_space<vmem>> -> memref<128xi32, #tpu.memory_space<vmem>>
    %dma_wait3A_122 = arith.constant 0 : i32
    %dma_wait3A_123 = arith.constant 0 : i32
    %dma_wait3A_124 = tpu.memref_slice %arg9[%dma_wait3A_122, %dma_wait3A_123] : memref<50048x32xbf16, #tpu.memory_space<vmem_shared>> -> memref<50048x32xbf16, #tpu.memory_space<vmem_shared>>
    tpu.wait_indirect_dma semaphore(%arg19 : memref<!tpu.dma_semaphore, #tpu.memory_space<semaphore_mem>>) src(%arg11 : memref<128x32xbf16, #tpu.memory_space<vmem>>) dst(%dma_wait3A_124 : memref<50048x32xbf16, #tpu.memory_space<vmem_shared>>)
    %add3A_125 = arith.constant 2 : i32
    %add3A_126 = arith.addi %mul3A_45, %add3A_125 : i32
    %dma_wait3A_127 = arith.constant 0 : i32
    %dma_wait3A_128 = tpu.memref_slice %arg8[%add3A_126, %dma_wait3A_127] : memref<232x128xi32, #tpu.memory_space<vmem>> -> memref<1x128xi32, #tpu.memory_space<vmem>>
    %dma_wait3A_129 = tpu.memref_squeeze %dma_wait3A_128 : memref<1x128xi32, #tpu.memory_space<vmem>> -> memref<128xi32, #tpu.memory_space<vmem>>
    %dma_wait3A_130 = arith.constant 0 : i32
    %dma_wait3A_131 = arith.constant 0 : i32
    %dma_wait3A_132 = tpu.memref_slice %arg9[%dma_wait3A_130, %dma_wait3A_131] : memref<50048x32xbf16, #tpu.memory_space<vmem_shared>> -> memref<50048x32xbf16, #tpu.memory_space<vmem_shared>>
    tpu.wait_indirect_dma semaphore(%arg20 : memref<!tpu.dma_semaphore, #tpu.memory_space<semaphore_mem>>) src(%arg12 : memref<128x32xbf16, #tpu.memory_space<vmem>>) dst(%dma_wait3A_132 : memref<50048x32xbf16, #tpu.memory_space<vmem_shared>>)
    %add3A_133 = arith.constant 3 : i32
    %add3A_134 = arith.addi %mul3A_45, %add3A_133 : i32
    %dma_wait3A_135 = arith.constant 0 : i32
    %dma_wait3A_136 = tpu.memref_slice %arg8[%add3A_134, %dma_wait3A_135] : memref<232x128xi32, #tpu.memory_space<vmem>> -> memref<1x128xi32, #tpu.memory_space<vmem>>
    %dma_wait3A_137 = tpu.memref_squeeze %dma_wait3A_136 : memref<1x128xi32, #tpu.memory_space<vmem>> -> memref<128xi32, #tpu.memory_space<vmem>>
    %dma_wait3A_138 = arith.constant 0 : i32
    %dma_wait3A_139 = arith.constant 0 : i32
    %dma_wait3A_140 = tpu.memref_slice %arg9[%dma_wait3A_138, %dma_wait3A_139] : memref<50048x32xbf16, #tpu.memory_space<vmem_shared>> -> memref<50048x32xbf16, #tpu.memory_space<vmem_shared>>
    tpu.wait_indirect_dma semaphore(%arg21 : memref<!tpu.dma_semaphore, #tpu.memory_space<semaphore_mem>>) src(%arg13 : memref<128x32xbf16, #tpu.memory_space<vmem>>) dst(%dma_wait3A_140 : memref<50048x32xbf16, #tpu.memory_space<vmem_shared>>)
    %barrier3A_141 = arith.constant 0 : index
    tpu.barrier barrier_id(%barrier3A_141)
    "tpu.region"() ({
      %run_scoped3A = tpu.sem_alloc : memref<!tpu.dma_semaphore, #tpu.memory_space<semaphore_mem>>
      %dma_start3A_142 = arith.constant 0 : i32
      %dma_start3A_143 = tpu.memref_slice %arg6[%arg0, %mul3A_2, %dma_start3A_142] : memref<2x50048x32xbf16, #tpu.memory_space<hbm>> -> memref<1x3128x32xbf16, #tpu.memory_space<hbm>>
      %dma_start3A_144 = tpu.memref_squeeze %dma_start3A_143 : memref<1x3128x32xbf16, #tpu.memory_space<hbm>> -> memref<3128x32xbf16, #tpu.memory_space<hbm>>
      %dma_start3A_145 = arith.constant 0 : i32
      %dma_start3A_146 = tpu.memref_slice %arg9[%mul3A_2, %dma_start3A_145] : memref<50048x32xbf16, #tpu.memory_space<vmem_shared>> -> memref<3128x32xbf16, #tpu.memory_space<vmem_shared>>
      tpu.enqueue_dma source(%dma_start3A_146 : memref<3128x32xbf16, #tpu.memory_space<vmem_shared>>) target(%dma_start3A_144 : memref<3128x32xbf16, #tpu.memory_space<hbm>>) target_semaphore(%run_scoped3A : memref<!tpu.dma_semaphore, #tpu.memory_space<semaphore_mem>>)
      %dma_wait3A_147 = arith.constant 0 : i32
      %dma_wait3A_148 = tpu.memref_slice %arg6[%arg0, %mul3A_2, %dma_wait3A_147] : memref<2x50048x32xbf16, #tpu.memory_space<hbm>> -> memref<1x3128x32xbf16, #tpu.memory_space<hbm>>
      %dma_wait3A_149 = tpu.memref_squeeze %dma_wait3A_148 : memref<1x3128x32xbf16, #tpu.memory_space<hbm>> -> memref<3128x32xbf16, #tpu.memory_space<hbm>>
      %dma_wait3A_150 = arith.constant 0 : i32
      %dma_wait3A_151 = tpu.memref_slice %arg9[%mul3A_2, %dma_wait3A_150] : memref<50048x32xbf16, #tpu.memory_space<vmem_shared>> -> memref<3128x32xbf16, #tpu.memory_space<vmem_shared>>
      tpu.wait_dma2 semaphore(%run_scoped3A : memref<!tpu.dma_semaphore, #tpu.memory_space<semaphore_mem>>) src(%dma_wait3A_151 : memref<3128x32xbf16, #tpu.memory_space<vmem_shared>>) dst(%dma_wait3A_149 : memref<3128x32xbf16, #tpu.memory_space<hbm>>)
      tpu.yield
    }) : () -> ()
    return
  }
}

module attributes {stable_mosaic.version = 14 : i64} {
  func.func @_k0_body(%arg0: memref<2x1x50048xf32, #tpu.memory_space<vmem>>, %arg1: memref<1x50048xf32, #tpu.memory_space<vmem>>, %arg2: memref<1x50048xf32, #tpu.memory_space<vmem>>, %arg3: memref<16x50048xf32, #tpu.memory_space<vmem>>) attributes {dimension_semantics = [], scalar_prefetch = 0 : i64, scratch_operands = 0 : i64, tpu.core_type = #tpu.core_type<tc>} {
    %get3A = arith.constant 0 : index
    %get3A_0 = arith.constant 0 : index
    %get3A_1 = arith.constant 0 : index
    %get3A_2 = vector.load %arg0[%get3A, %get3A_0, %get3A_1] : memref<2x1x50048xf32, #tpu.memory_space<vmem>>, vector<1x1x50048xf32>
    %get3A_3 = vector.shape_cast %get3A_2 : vector<1x1x50048xf32> to vector<1x50048xf32>
    %get3A_4 = arith.constant 1 : index
    %get3A_5 = arith.constant 0 : index
    %get3A_6 = arith.constant 0 : index
    %get3A_7 = vector.load %arg0[%get3A_4, %get3A_5, %get3A_6] : memref<2x1x50048xf32, #tpu.memory_space<vmem>>, vector<1x1x50048xf32>
    %get3A_8 = vector.shape_cast %get3A_7 : vector<1x1x50048xf32> to vector<1x50048xf32>
    %add3A = arith.addf %get3A_3, %get3A_8 : vector<1x50048xf32>
    %add3A_9 = arith.constant 1.000000e+00 : f32
    %add3A_10 = vector.broadcast %add3A_9 : f32 to vector<1x50048xf32>
    %add3A_11 = arith.addf %add3A, %add3A_10 : vector<1x50048xf32>
    %rsqrt3A = math.rsqrt %add3A_11 : vector<1x50048xf32>
    %iota3A = tpu.iota {dimensions = array<i32: 1>} : vector<1x50048xi32>
    %lt3A = arith.constant 50000 : i32
    %lt3A_12 = vector.broadcast %lt3A : i32 to vector<1x50048xi32>
    %lt3A_13 = arith.cmpi slt, %iota3A, %lt3A_12 : vector<1x50048xi32>
    %convert_element_type3A = arith.extui %lt3A_13 : vector<1x50048xi1> to vector<1x50048xi32>
    %convert_element_type3A_14 = arith.sitofp %convert_element_type3A : vector<1x50048xi32> to vector<1x50048xf32>
    %mul3A = arith.mulf %rsqrt3A, %convert_element_type3A_14 : vector<1x50048xf32>
    %swap3A = arith.constant 0 : index
    %swap3A_15 = arith.constant 0 : index
    %swap3A_16 = vector.load %arg2[%swap3A, %swap3A_15] : memref<1x50048xf32, #tpu.memory_space<vmem>>, vector<1x50048xf32>
    tpu.vector_store %arg2[%swap3A, %swap3A_15], %mul3A {strides = array<i32>} : memref<1x50048xf32, #tpu.memory_space<vmem>>, vector<1x50048xf32>,
    %get3A_17 = arith.constant 0 : index
    %get3A_18 = arith.constant 0 : index
    %get3A_19 = vector.load %arg1[%get3A_17, %get3A_18] : memref<1x50048xf32, #tpu.memory_space<vmem>>, vector<1x50048xf32>
    %mul3A_20 = arith.mulf %mul3A, %get3A_19 : vector<1x50048xf32>
    %broadcast_in_dim3A = arith.constant 0.000000e+00 : f32
    %broadcast_in_dim3A_21 = vector.broadcast %broadcast_in_dim3A : f32 to vector<15x50048xf32>
    %concatenate3A = tpu.concatenate %mul3A_20, %broadcast_in_dim3A_21 in 0 : vector<1x50048xf32>, vector<15x50048xf32> -> vector<16x50048xf32>
    %swap3A_22 = arith.constant 0 : index
    %swap3A_23 = arith.constant 0 : index
    %swap3A_24 = vector.load %arg3[%swap3A_22, %swap3A_23] : memref<16x50048xf32, #tpu.memory_space<vmem>>, vector<16x50048xf32>
    tpu.vector_store %arg3[%swap3A_22, %swap3A_23], %concatenate3A {strides = array<i32>} : memref<16x50048xf32, #tpu.memory_space<vmem>>, vector<16x50048xf32>,
    return
  }
}

module attributes {stable_mosaic.version = 14 : i64} {
  func.func @_layer_body(%arg0: memref<2x16x50048xf32, #tpu.memory_space<vmem>>, %arg1: memref<16x50048xf32, #tpu.memory_space<vmem>>, %arg2: memref<1x50048xf32, #tpu.memory_space<vmem>>, %arg3: memref<8x1xf32, #tpu.memory_space<vmem>>, %arg4: memref<8x1xf32, #tpu.memory_space<vmem>>, %arg5: memref<8x1xf32, #tpu.memory_space<vmem>>, %arg6: memref<8x1xf32, #tpu.memory_space<vmem>>, %arg7: memref<16x50048xf32, #tpu.memory_space<vmem>>) attributes {dimension_semantics = [], scalar_prefetch = 0 : i64, scratch_operands = 0 : i64, tpu.core_type = #tpu.core_type<tc>} {
    %get3A = arith.constant 0 : index
    %get3A_0 = arith.constant 0 : index
    %get3A_1 = arith.constant 0 : index
    %get3A_2 = vector.load %arg0[%get3A, %get3A_0, %get3A_1] : memref<2x16x50048xf32, #tpu.memory_space<vmem>>, vector<1x1x50048xf32>
    %get3A_3 = vector.shape_cast %get3A_2 : vector<1x1x50048xf32> to vector<1x50048xf32>
    %get3A_4 = arith.constant 1 : index
    %get3A_5 = arith.constant 0 : index
    %get3A_6 = arith.constant 0 : index
    %get3A_7 = vector.load %arg0[%get3A_4, %get3A_5, %get3A_6] : memref<2x16x50048xf32, #tpu.memory_space<vmem>>, vector<1x1x50048xf32>
    %get3A_8 = vector.shape_cast %get3A_7 : vector<1x1x50048xf32> to vector<1x50048xf32>
    %add3A = arith.addf %get3A_3, %get3A_8 : vector<1x50048xf32>
    %get3A_9 = arith.constant 0 : index
    %get3A_10 = arith.constant 0 : index
    %get3A_11 = vector.load %arg1[%get3A_9, %get3A_10] : memref<16x50048xf32, #tpu.memory_space<vmem>>, vector<1x50048xf32>
    %add3A_12 = arith.addf %add3A, %get3A_11 : vector<1x50048xf32>
    %get3A_13 = arith.constant 0 : index
    %get3A_14 = arith.constant 0 : index
    %get3A_15 = vector.load %arg2[%get3A_13, %get3A_14] : memref<1x50048xf32, #tpu.memory_space<vmem>>, vector<1x50048xf32>
    %mul3A = arith.mulf %add3A_12, %get3A_15 : vector<1x50048xf32>
    %get3A_16 = arith.constant 0 : index
    %get3A_17 = arith.constant 0 : index
    %get3A_18 = vector.load %arg3[%get3A_16, %get3A_17] : memref<8x1xf32, #tpu.memory_space<vmem>>, vector<8x1xf32>
    %mul3A_19 = vector.broadcast %get3A_18 : vector<8x1xf32> to vector<8x50048xf32>
    %mul3A_20 = vector.broadcast %mul3A : vector<1x50048xf32> to vector<8x50048xf32>
    %mul3A_21 = arith.mulf %mul3A_19, %mul3A_20 : vector<8x50048xf32>
    %get3A_22 = arith.constant 0 : index
    %get3A_23 = arith.constant 0 : index
    %get3A_24 = vector.load %arg4[%get3A_22, %get3A_23] : memref<8x1xf32, #tpu.memory_space<vmem>>, vector<8x1xf32>
    %add3A_25 = vector.broadcast %get3A_24 : vector<8x1xf32> to vector<8x50048xf32>
    %add3A_26 = arith.addf %mul3A_21, %add3A_25 : vector<8x50048xf32>
    %mul3A_27 = arith.constant 5.000000e-01 : f32
    %mul3A_28 = vector.broadcast %mul3A_27 : f32 to vector<8x50048xf32>
    %mul3A_29 = arith.mulf %mul3A_28, %add3A_26 : vector<8x50048xf32>
    %mul3A_30 = arith.constant 0.707106769 : f32
    %mul3A_31 = vector.broadcast %mul3A_30 : f32 to vector<8x50048xf32>
    %mul3A_32 = arith.mulf %add3A_26, %mul3A_31 : vector<8x50048xf32>
    %erf3A = math.erf %mul3A_32 : vector<8x50048xf32>
    %add3A_33 = arith.constant 1.000000e+00 : f32
    %add3A_34 = vector.broadcast %add3A_33 : f32 to vector<8x50048xf32>
    %add3A_35 = arith.addf %add3A_34, %erf3A : vector<8x50048xf32>
    %mul3A_36 = arith.mulf %mul3A_29, %add3A_35 : vector<8x50048xf32>
    %get3A_37 = arith.constant 0 : index
    %get3A_38 = arith.constant 0 : index
    %get3A_39 = vector.load %arg2[%get3A_37, %get3A_38] : memref<1x50048xf32, #tpu.memory_space<vmem>>, vector<1x50048xf32>
    %iota3A = tpu.iota {dimensions = array<i32: 1>} : vector<1x50048xi32>
    %lt3A = arith.constant 50000 : i32
    %lt3A_40 = vector.broadcast %lt3A : i32 to vector<1x50048xi32>
    %lt3A_41 = arith.cmpi slt, %iota3A, %lt3A_40 : vector<1x50048xi32>
    %convert_element_type3A = arith.extui %lt3A_41 : vector<1x50048xi1> to vector<1x50048xi32>
    %convert_element_type3A_42 = arith.sitofp %convert_element_type3A : vector<1x50048xi32> to vector<1x50048xf32>
    %mul3A_43 = vector.broadcast %convert_element_type3A_42 : vector<1x50048xf32> to vector<8x50048xf32>
    %mul3A_44 = arith.mulf %mul3A_36, %mul3A_43 : vector<8x50048xf32>
    %reduce_sum3A = arith.constant dense<0.000000e+00> : vector<8xf32>
    %reduce_sum3A_45 = vector.multi_reduction <add>, %mul3A_44, %reduce_sum3A [1] : vector<8x50048xf32> to vector<8xf32>
    %broadcast_in_dim3A = vector.shape_cast %reduce_sum3A_45 : vector<8xf32> to vector<8x1xf32>
    %mul3A_46 = arith.constant 2.000000e-05 : f32
    %mul3A_47 = vector.broadcast %mul3A_46 : f32 to vector<8x1xf32>
    %mul3A_48 = arith.mulf %broadcast_in_dim3A, %mul3A_47 : vector<8x1xf32>
    %sub3A = vector.broadcast %mul3A_48 : vector<8x1xf32> to vector<8x50048xf32>
    %sub3A_49 = arith.subf %mul3A_36, %sub3A : vector<8x50048xf32>
    %mul3A_50 = vector.broadcast %convert_element_type3A_42 : vector<1x50048xf32> to vector<8x50048xf32>
    %mul3A_51 = arith.mulf %sub3A_49, %mul3A_50 : vector<8x50048xf32>
    %mul3A_52 = arith.mulf %mul3A_51, %mul3A_51 : vector<8x50048xf32>
    %reduce_sum3A_53 = arith.constant dense<0.000000e+00> : vector<8xf32>
    %reduce_sum3A_54 = vector.multi_reduction <add>, %mul3A_52, %reduce_sum3A_53 [1] : vector<8x50048xf32> to vector<8xf32>
    %broadcast_in_dim3A_55 = vector.shape_cast %reduce_sum3A_54 : vector<8xf32> to vector<8x1xf32>
    %mul3A_56 = arith.constant 2.000000e-05 : f32
    %mul3A_57 = vector.broadcast %mul3A_56 : f32 to vector<8x1xf32>
    %mul3A_58 = arith.mulf %broadcast_in_dim3A_55, %mul3A_57 : vector<8x1xf32>
    %sub3A_59 = vector.broadcast %mul3A_48 : vector<8x1xf32> to vector<8x50048xf32>
    %sub3A_60 = arith.subf %mul3A_36, %sub3A_59 : vector<8x50048xf32>
    %add3A_61 = arith.constant 9.99999974E-6 : f32
    %add3A_62 = vector.broadcast %add3A_61 : f32 to vector<8x1xf32>
    %add3A_63 = arith.addf %mul3A_58, %add3A_62 : vector<8x1xf32>
    %rsqrt3A = math.rsqrt %add3A_63 : vector<8x1xf32>
    %mul3A_64 = vector.broadcast %rsqrt3A : vector<8x1xf32> to vector<8x50048xf32>
    %mul3A_65 = arith.mulf %sub3A_60, %mul3A_64 : vector<8x50048xf32>
    %get3A_66 = arith.constant 0 : index
    %get3A_67 = arith.constant 0 : index
    %get3A_68 = vector.load %arg5[%get3A_66, %get3A_67] : memref<8x1xf32, #tpu.memory_space<vmem>>, vector<8x1xf32>
    %mul3A_69 = vector.broadcast %get3A_68 : vector<8x1xf32> to vector<8x50048xf32>
    %mul3A_70 = arith.mulf %mul3A_65, %mul3A_69 : vector<8x50048xf32>
    %get3A_71 = arith.constant 0 : index
    %get3A_72 = arith.constant 0 : index
    %get3A_73 = vector.load %arg6[%get3A_71, %get3A_72] : memref<8x1xf32, #tpu.memory_space<vmem>>, vector<8x1xf32>
    %add3A_74 = vector.broadcast %get3A_73 : vector<8x1xf32> to vector<8x50048xf32>
    %add3A_75 = arith.addf %mul3A_70, %add3A_74 : vector<8x50048xf32>
    %mul3A_76 = vector.broadcast %get3A_39 : vector<1x50048xf32> to vector<8x50048xf32>
    %mul3A_77 = arith.mulf %add3A_75, %mul3A_76 : vector<8x50048xf32>
    %broadcast_in_dim3A_78 = arith.constant 0.000000e+00 : f32
    %broadcast_in_dim3A_79 = vector.broadcast %broadcast_in_dim3A_78 : f32 to vector<8x50048xf32>
    %concatenate3A = tpu.concatenate %mul3A_77, %broadcast_in_dim3A_79 in 0 : vector<8x50048xf32>, vector<8x50048xf32> -> vector<16x50048xf32>
    %swap3A = arith.constant 0 : index
    %swap3A_80 = arith.constant 0 : index
    %swap3A_81 = vector.load %arg7[%swap3A, %swap3A_80] : memref<16x50048xf32, #tpu.memory_space<vmem>>, vector<16x50048xf32>
    tpu.vector_store %arg7[%swap3A, %swap3A_80], %concatenate3A {strides = array<i32>} : memref<16x50048xf32, #tpu.memory_space<vmem>>, vector<16x50048xf32>,
    return
  }
}

module attributes {stable_mosaic.version = 14 : i64} {
  func.func @_layer_body(%arg0: memref<2x16x50048xf32, #tpu.memory_space<vmem>>, %arg1: memref<16x50048xf32, #tpu.memory_space<vmem>>, %arg2: memref<1x50048xf32, #tpu.memory_space<vmem>>, %arg3: memref<16x8xf32, #tpu.memory_space<vmem>>, %arg4: memref<16x1xf32, #tpu.memory_space<vmem>>, %arg5: memref<16x1xf32, #tpu.memory_space<vmem>>, %arg6: memref<16x1xf32, #tpu.memory_space<vmem>>, %arg7: memref<16x50048xf32, #tpu.memory_space<vmem>>) attributes {dimension_semantics = [], scalar_prefetch = 0 : i64, scratch_operands = 0 : i64, tpu.core_type = #tpu.core_type<tc>} {
    %get3A = arith.constant 0 : index
    %get3A_0 = arith.constant 0 : index
    %get3A_1 = arith.constant 0 : index
    %get3A_2 = vector.load %arg0[%get3A, %get3A_0, %get3A_1] : memref<2x16x50048xf32, #tpu.memory_space<vmem>>, vector<1x8x50048xf32>
    %get3A_3 = vector.shape_cast %get3A_2 : vector<1x8x50048xf32> to vector<8x50048xf32>
    %get3A_4 = arith.constant 1 : index
    %get3A_5 = arith.constant 0 : index
    %get3A_6 = arith.constant 0 : index
    %get3A_7 = vector.load %arg0[%get3A_4, %get3A_5, %get3A_6] : memref<2x16x50048xf32, #tpu.memory_space<vmem>>, vector<1x8x50048xf32>
    %get3A_8 = vector.shape_cast %get3A_7 : vector<1x8x50048xf32> to vector<8x50048xf32>
    %add3A = arith.addf %get3A_3, %get3A_8 : vector<8x50048xf32>
    %get3A_9 = arith.constant 0 : index
    %get3A_10 = arith.constant 0 : index
    %get3A_11 = vector.load %arg1[%get3A_9, %get3A_10] : memref<16x50048xf32, #tpu.memory_space<vmem>>, vector<8x50048xf32>
    %add3A_12 = arith.addf %add3A, %get3A_11 : vector<8x50048xf32>
    %get3A_13 = arith.constant 0 : index
    %get3A_14 = arith.constant 0 : index
    %get3A_15 = vector.load %arg2[%get3A_13, %get3A_14] : memref<1x50048xf32, #tpu.memory_space<vmem>>, vector<1x50048xf32>
    %mul3A = vector.broadcast %get3A_15 : vector<1x50048xf32> to vector<8x50048xf32>
    %mul3A_16 = arith.mulf %add3A_12, %mul3A : vector<8x50048xf32>
    %get3A_17 = arith.constant 0 : index
    %get3A_18 = arith.constant 0 : index
    %get3A_19 = vector.load %arg3[%get3A_17, %get3A_18] : memref<16x8xf32, #tpu.memory_space<vmem>>, vector<16x8xf32>
    %dot_general3A = arith.constant dense<0.000000e+00> : vector<16x50048xf32>
    %dot_general3A_20 = tpu.matmul %get3A_19, %mul3A_16, %dot_general3A {dimension_numbers = #tpu.dot_dimension_numbers<[1], [0], [0], [1], [0, 0, 1, 1], [], []>, transpose_lhs_hint = false} : vector<16x8xf32>, vector<8x50048xf32>, vector<16x50048xf32> -> vector<16x50048xf32>
    %get3A_21 = arith.constant 0 : index
    %get3A_22 = arith.constant 0 : index
    %get3A_23 = vector.load %arg4[%get3A_21, %get3A_22] : memref<16x1xf32, #tpu.memory_space<vmem>>, vector<16x1xf32>
    %add3A_24 = vector.broadcast %get3A_23 : vector<16x1xf32> to vector<16x50048xf32>
    %add3A_25 = arith.addf %dot_general3A_20, %add3A_24 : vector<16x50048xf32>
    %mul3A_26 = arith.constant 5.000000e-01 : f32
    %mul3A_27 = vector.broadcast %mul3A_26 : f32 to vector<16x50048xf32>
    %mul3A_28 = arith.mulf %mul3A_27, %add3A_25 : vector<16x50048xf32>
    %mul3A_29 = arith.constant 0.707106769 : f32
    %mul3A_30 = vector.broadcast %mul3A_29 : f32 to vector<16x50048xf32>
    %mul3A_31 = arith.mulf %add3A_25, %mul3A_30 : vector<16x50048xf32>
    %erf3A = math.erf %mul3A_31 : vector<16x50048xf32>
    %add3A_32 = arith.constant 1.000000e+00 : f32
    %add3A_33 = vector.broadcast %add3A_32 : f32 to vector<16x50048xf32>
    %add3A_34 = arith.addf %add3A_33, %erf3A : vector<16x50048xf32>
    %mul3A_35 = arith.mulf %mul3A_28, %add3A_34 : vector<16x50048xf32>
    %get3A_36 = arith.constant 0 : index
    %get3A_37 = arith.constant 0 : index
    %get3A_38 = vector.load %arg2[%get3A_36, %get3A_37] : memref<1x50048xf32, #tpu.memory_space<vmem>>, vector<1x50048xf32>
    %iota3A = tpu.iota {dimensions = array<i32: 1>} : vector<1x50048xi32>
    %lt3A = arith.constant 50000 : i32
    %lt3A_39 = vector.broadcast %lt3A : i32 to vector<1x50048xi32>
    %lt3A_40 = arith.cmpi slt, %iota3A, %lt3A_39 : vector<1x50048xi32>
    %convert_element_type3A = arith.extui %lt3A_40 : vector<1x50048xi1> to vector<1x50048xi32>
    %convert_element_type3A_41 = arith.sitofp %convert_element_type3A : vector<1x50048xi32> to vector<1x50048xf32>
    %mul3A_42 = vector.broadcast %convert_element_type3A_41 : vector<1x50048xf32> to vector<16x50048xf32>
    %mul3A_43 = arith.mulf %mul3A_35, %mul3A_42 : vector<16x50048xf32>
    %reduce_sum3A = arith.constant dense<0.000000e+00> : vector<16xf32>
    %reduce_sum3A_44 = vector.multi_reduction <add>, %mul3A_43, %reduce_sum3A [1] : vector<16x50048xf32> to vector<16xf32>
    %broadcast_in_dim3A = vector.shape_cast %reduce_sum3A_44 : vector<16xf32> to vector<16x1xf32>
    %mul3A_45 = arith.constant 2.000000e-05 : f32
    %mul3A_46 = vector.broadcast %mul3A_45 : f32 to vector<16x1xf32>
    %mul3A_47 = arith.mulf %broadcast_in_dim3A, %mul3A_46 : vector<16x1xf32>
    %sub3A = vector.broadcast %mul3A_47 : vector<16x1xf32> to vector<16x50048xf32>
    %sub3A_48 = arith.subf %mul3A_35, %sub3A : vector<16x50048xf32>
    %mul3A_49 = vector.broadcast %convert_element_type3A_41 : vector<1x50048xf32> to vector<16x50048xf32>
    %mul3A_50 = arith.mulf %sub3A_48, %mul3A_49 : vector<16x50048xf32>
    %mul3A_51 = arith.mulf %mul3A_50, %mul3A_50 : vector<16x50048xf32>
    %reduce_sum3A_52 = arith.constant dense<0.000000e+00> : vector<16xf32>
    %reduce_sum3A_53 = vector.multi_reduction <add>, %mul3A_51, %reduce_sum3A_52 [1] : vector<16x50048xf32> to vector<16xf32>
    %broadcast_in_dim3A_54 = vector.shape_cast %reduce_sum3A_53 : vector<16xf32> to vector<16x1xf32>
    %mul3A_55 = arith.constant 2.000000e-05 : f32
    %mul3A_56 = vector.broadcast %mul3A_55 : f32 to vector<16x1xf32>
    %mul3A_57 = arith.mulf %broadcast_in_dim3A_54, %mul3A_56 : vector<16x1xf32>
    %sub3A_58 = vector.broadcast %mul3A_47 : vector<16x1xf32> to vector<16x50048xf32>
    %sub3A_59 = arith.subf %mul3A_35, %sub3A_58 : vector<16x50048xf32>
    %add3A_60 = arith.constant 9.99999974E-6 : f32
    %add3A_61 = vector.broadcast %add3A_60 : f32 to vector<16x1xf32>
    %add3A_62 = arith.addf %mul3A_57, %add3A_61 : vector<16x1xf32>
    %rsqrt3A = math.rsqrt %add3A_62 : vector<16x1xf32>
    %mul3A_63 = vector.broadcast %rsqrt3A : vector<16x1xf32> to vector<16x50048xf32>
    %mul3A_64 = arith.mulf %sub3A_59, %mul3A_63 : vector<16x50048xf32>
    %get3A_65 = arith.constant 0 : index
    %get3A_66 = arith.constant 0 : index
    %get3A_67 = vector.load %arg5[%get3A_65, %get3A_66] : memref<16x1xf32, #tpu.memory_space<vmem>>, vector<16x1xf32>
    %mul3A_68 = vector.broadcast %get3A_67 : vector<16x1xf32> to vector<16x50048xf32>
    %mul3A_69 = arith.mulf %mul3A_64, %mul3A_68 : vector<16x50048xf32>
    %get3A_70 = arith.constant 0 : index
    %get3A_71 = arith.constant 0 : index
    %get3A_72 = vector.load %arg6[%get3A_70, %get3A_71] : memref<16x1xf32, #tpu.memory_space<vmem>>, vector<16x1xf32>
    %add3A_73 = vector.broadcast %get3A_72 : vector<16x1xf32> to vector<16x50048xf32>
    %add3A_74 = arith.addf %mul3A_69, %add3A_73 : vector<16x50048xf32>
    %mul3A_75 = vector.broadcast %get3A_38 : vector<1x50048xf32> to vector<16x50048xf32>
    %mul3A_76 = arith.mulf %add3A_74, %mul3A_75 : vector<16x50048xf32>
    %swap3A = arith.constant 0 : index
    %swap3A_77 = arith.constant 0 : index
    %swap3A_78 = vector.load %arg7[%swap3A, %swap3A_77] : memref<16x50048xf32, #tpu.memory_space<vmem>>, vector<16x50048xf32>
    tpu.vector_store %arg7[%swap3A, %swap3A_77], %mul3A_76 {strides = array<i32>} : memref<16x50048xf32, #tpu.memory_space<vmem>>, vector<16x50048xf32>,
    return
  }
}

module attributes {stable_mosaic.version = 14 : i64} {
  func.func @_layer_body(%arg0: memref<2x16x50048xf32, #tpu.memory_space<vmem>>, %arg1: memref<16x50048xf32, #tpu.memory_space<vmem>>, %arg2: memref<1x50048xf32, #tpu.memory_space<vmem>>, %arg3: memref<32x16xf32, #tpu.memory_space<vmem>>, %arg4: memref<32x1xf32, #tpu.memory_space<vmem>>, %arg5: memref<32x1xf32, #tpu.memory_space<vmem>>, %arg6: memref<32x1xf32, #tpu.memory_space<vmem>>, %arg7: memref<32x50048xf32, #tpu.memory_space<vmem>>) attributes {dimension_semantics = [], scalar_prefetch = 0 : i64, scratch_operands = 0 : i64, tpu.core_type = #tpu.core_type<tc>} {
    %get3A = arith.constant 0 : index
    %get3A_0 = arith.constant 0 : index
    %get3A_1 = arith.constant 0 : index
    %get3A_2 = vector.load %arg0[%get3A, %get3A_0, %get3A_1] : memref<2x16x50048xf32, #tpu.memory_space<vmem>>, vector<1x16x50048xf32>
    %get3A_3 = vector.shape_cast %get3A_2 : vector<1x16x50048xf32> to vector<16x50048xf32>
    %get3A_4 = arith.constant 1 : index
    %get3A_5 = arith.constant 0 : index
    %get3A_6 = arith.constant 0 : index
    %get3A_7 = vector.load %arg0[%get3A_4, %get3A_5, %get3A_6] : memref<2x16x50048xf32, #tpu.memory_space<vmem>>, vector<1x16x50048xf32>
    %get3A_8 = vector.shape_cast %get3A_7 : vector<1x16x50048xf32> to vector<16x50048xf32>
    %add3A = arith.addf %get3A_3, %get3A_8 : vector<16x50048xf32>
    %get3A_9 = arith.constant 0 : index
    %get3A_10 = arith.constant 0 : index
    %get3A_11 = vector.load %arg1[%get3A_9, %get3A_10] : memref<16x50048xf32, #tpu.memory_space<vmem>>, vector<16x50048xf32>
    %add3A_12 = arith.addf %add3A, %get3A_11 : vector<16x50048xf32>
    %get3A_13 = arith.constant 0 : index
    %get3A_14 = arith.constant 0 : index
    %get3A_15 = vector.load %arg2[%get3A_13, %get3A_14] : memref<1x50048xf32, #tpu.memory_space<vmem>>, vector<1x50048xf32>
    %mul3A = vector.broadcast %get3A_15 : vector<1x50048xf32> to vector<16x50048xf32>
    %mul3A_16 = arith.mulf %add3A_12, %mul3A : vector<16x50048xf32>
    %get3A_17 = arith.constant 0 : index
    %get3A_18 = arith.constant 0 : index
    %get3A_19 = vector.load %arg3[%get3A_17, %get3A_18] : memref<32x16xf32, #tpu.memory_space<vmem>>, vector<32x16xf32>
    %dot_general3A = arith.constant dense<0.000000e+00> : vector<32x50048xf32>
    %dot_general3A_20 = tpu.matmul %get3A_19, %mul3A_16, %dot_general3A {dimension_numbers = #tpu.dot_dimension_numbers<[1], [0], [0], [1], [0, 0, 1, 1], [], []>, transpose_lhs_hint = false} : vector<32x16xf32>, vector<16x50048xf32>, vector<32x50048xf32> -> vector<32x50048xf32>
    %get3A_21 = arith.constant 0 : index
    %get3A_22 = arith.constant 0 : index
    %get3A_23 = vector.load %arg4[%get3A_21, %get3A_22] : memref<32x1xf32, #tpu.memory_space<vmem>>, vector<32x1xf32>
    %add3A_24 = vector.broadcast %get3A_23 : vector<32x1xf32> to vector<32x50048xf32>
    %add3A_25 = arith.addf %dot_general3A_20, %add3A_24 : vector<32x50048xf32>
    %mul3A_26 = arith.constant 5.000000e-01 : f32
    %mul3A_27 = vector.broadcast %mul3A_26 : f32 to vector<32x50048xf32>
    %mul3A_28 = arith.mulf %mul3A_27, %add3A_25 : vector<32x50048xf32>
    %mul3A_29 = arith.constant 0.707106769 : f32
    %mul3A_30 = vector.broadcast %mul3A_29 : f32 to vector<32x50048xf32>
    %mul3A_31 = arith.mulf %add3A_25, %mul3A_30 : vector<32x50048xf32>
    %erf3A = math.erf %mul3A_31 : vector<32x50048xf32>
    %add3A_32 = arith.constant 1.000000e+00 : f32
    %add3A_33 = vector.broadcast %add3A_32 : f32 to vector<32x50048xf32>
    %add3A_34 = arith.addf %add3A_33, %erf3A : vector<32x50048xf32>
    %mul3A_35 = arith.mulf %mul3A_28, %add3A_34 : vector<32x50048xf32>
    %get3A_36 = arith.constant 0 : index
    %get3A_37 = arith.constant 0 : index
    %get3A_38 = vector.load %arg2[%get3A_36, %get3A_37] : memref<1x50048xf32, #tpu.memory_space<vmem>>, vector<1x50048xf32>
    %iota3A = tpu.iota {dimensions = array<i32: 1>} : vector<1x50048xi32>
    %lt3A = arith.constant 50000 : i32
    %lt3A_39 = vector.broadcast %lt3A : i32 to vector<1x50048xi32>
    %lt3A_40 = arith.cmpi slt, %iota3A, %lt3A_39 : vector<1x50048xi32>
    %convert_element_type3A = arith.extui %lt3A_40 : vector<1x50048xi1> to vector<1x50048xi32>
    %convert_element_type3A_41 = arith.sitofp %convert_element_type3A : vector<1x50048xi32> to vector<1x50048xf32>
    %mul3A_42 = vector.broadcast %convert_element_type3A_41 : vector<1x50048xf32> to vector<32x50048xf32>
    %mul3A_43 = arith.mulf %mul3A_35, %mul3A_42 : vector<32x50048xf32>
    %reduce_sum3A = arith.constant dense<0.000000e+00> : vector<32xf32>
    %reduce_sum3A_44 = vector.multi_reduction <add>, %mul3A_43, %reduce_sum3A [1] : vector<32x50048xf32> to vector<32xf32>
    %broadcast_in_dim3A = vector.shape_cast %reduce_sum3A_44 : vector<32xf32> to vector<32x1xf32>
    %mul3A_45 = arith.constant 2.000000e-05 : f32
    %mul3A_46 = vector.broadcast %mul3A_45 : f32 to vector<32x1xf32>
    %mul3A_47 = arith.mulf %broadcast_in_dim3A, %mul3A_46 : vector<32x1xf32>
    %sub3A = vector.broadcast %mul3A_47 : vector<32x1xf32> to vector<32x50048xf32>
    %sub3A_48 = arith.subf %mul3A_35, %sub3A : vector<32x50048xf32>
    %mul3A_49 = vector.broadcast %convert_element_type3A_41 : vector<1x50048xf32> to vector<32x50048xf32>
    %mul3A_50 = arith.mulf %sub3A_48, %mul3A_49 : vector<32x50048xf32>
    %mul3A_51 = arith.mulf %mul3A_50, %mul3A_50 : vector<32x50048xf32>
    %reduce_sum3A_52 = arith.constant dense<0.000000e+00> : vector<32xf32>
    %reduce_sum3A_53 = vector.multi_reduction <add>, %mul3A_51, %reduce_sum3A_52 [1] : vector<32x50048xf32> to vector<32xf32>
    %broadcast_in_dim3A_54 = vector.shape_cast %reduce_sum3A_53 : vector<32xf32> to vector<32x1xf32>
    %mul3A_55 = arith.constant 2.000000e-05 : f32
    %mul3A_56 = vector.broadcast %mul3A_55 : f32 to vector<32x1xf32>
    %mul3A_57 = arith.mulf %broadcast_in_dim3A_54, %mul3A_56 : vector<32x1xf32>
    %sub3A_58 = vector.broadcast %mul3A_47 : vector<32x1xf32> to vector<32x50048xf32>
    %sub3A_59 = arith.subf %mul3A_35, %sub3A_58 : vector<32x50048xf32>
    %add3A_60 = arith.constant 9.99999974E-6 : f32
    %add3A_61 = vector.broadcast %add3A_60 : f32 to vector<32x1xf32>
    %add3A_62 = arith.addf %mul3A_57, %add3A_61 : vector<32x1xf32>
    %rsqrt3A = math.rsqrt %add3A_62 : vector<32x1xf32>
    %mul3A_63 = vector.broadcast %rsqrt3A : vector<32x1xf32> to vector<32x50048xf32>
    %mul3A_64 = arith.mulf %sub3A_59, %mul3A_63 : vector<32x50048xf32>
    %get3A_65 = arith.constant 0 : index
    %get3A_66 = arith.constant 0 : index
    %get3A_67 = vector.load %arg5[%get3A_65, %get3A_66] : memref<32x1xf32, #tpu.memory_space<vmem>>, vector<32x1xf32>
    %mul3A_68 = vector.broadcast %get3A_67 : vector<32x1xf32> to vector<32x50048xf32>
    %mul3A_69 = arith.mulf %mul3A_64, %mul3A_68 : vector<32x50048xf32>
    %get3A_70 = arith.constant 0 : index
    %get3A_71 = arith.constant 0 : index
    %get3A_72 = vector.load %arg6[%get3A_70, %get3A_71] : memref<32x1xf32, #tpu.memory_space<vmem>>, vector<32x1xf32>
    %add3A_73 = vector.broadcast %get3A_72 : vector<32x1xf32> to vector<32x50048xf32>
    %add3A_74 = arith.addf %mul3A_69, %add3A_73 : vector<32x50048xf32>
    %mul3A_75 = vector.broadcast %get3A_38 : vector<1x50048xf32> to vector<32x50048xf32>
    %mul3A_76 = arith.mulf %add3A_74, %mul3A_75 : vector<32x50048xf32>
    %swap3A = arith.constant 0 : index
    %swap3A_77 = arith.constant 0 : index
    %swap3A_78 = vector.load %arg7[%swap3A, %swap3A_77] : memref<32x50048xf32, #tpu.memory_space<vmem>>, vector<32x50048xf32>
    tpu.vector_store %arg7[%swap3A, %swap3A_77], %mul3A_76 {strides = array<i32>} : memref<32x50048xf32, #tpu.memory_space<vmem>>, vector<32x50048xf32>,
    return
  }
}

module attributes {stable_mosaic.version = 14 : i64} {
  func.func @_layer4_body(%arg0: memref<2x32x50048xbf16, #tpu.memory_space<vmem>>, %arg1: memref<32x50048xf32, #tpu.memory_space<vmem>>, %arg2: memref<1x50048xf32, #tpu.memory_space<vmem>>, %arg3: memref<64x32xf32, #tpu.memory_space<vmem>>, %arg4: memref<64x1xf32, #tpu.memory_space<vmem>>, %arg5: memref<64x50048xf32, #tpu.memory_space<vmem>>) attributes {dimension_semantics = [], scalar_prefetch = 0 : i64, scratch_operands = 0 : i64, tpu.core_type = #tpu.core_type<tc>} {
    %get3A = arith.constant 0 : index
    %get3A_0 = arith.constant 0 : index
    %get3A_1 = arith.constant 0 : index
    %get3A_2 = vector.load %arg0[%get3A, %get3A_0, %get3A_1] : memref<2x32x50048xbf16, #tpu.memory_space<vmem>>, vector<2x32x50048xbf16>
    %convert_element_type3A = arith.extf %get3A_2 : vector<2x32x50048xbf16> to vector<2x32x50048xf32>
    %slice3A = vector.extract_strided_slice %convert_element_type3A {offsets = [0, 0, 0], sizes = [1, 32, 50048], strides = [1, 1, 1]} : vector<2x32x50048xf32> to vector<1x32x50048xf32>
    %squeeze3A = vector.shape_cast %slice3A : vector<1x32x50048xf32> to vector<32x50048xf32>
    %slice3A_3 = vector.extract_strided_slice %convert_element_type3A {offsets = [1, 0, 0], sizes = [1, 32, 50048], strides = [1, 1, 1]} : vector<2x32x50048xf32> to vector<1x32x50048xf32>
    %squeeze3A_4 = vector.shape_cast %slice3A_3 : vector<1x32x50048xf32> to vector<32x50048xf32>
    %add3A = arith.addf %squeeze3A, %squeeze3A_4 : vector<32x50048xf32>
    %get3A_5 = arith.constant 0 : index
    %get3A_6 = arith.constant 0 : index
    %get3A_7 = vector.load %arg1[%get3A_5, %get3A_6] : memref<32x50048xf32, #tpu.memory_space<vmem>>, vector<32x50048xf32>
    %add3A_8 = arith.addf %add3A, %get3A_7 : vector<32x50048xf32>
    %get3A_9 = arith.constant 0 : index
    %get3A_10 = arith.constant 0 : index
    %get3A_11 = vector.load %arg2[%get3A_9, %get3A_10] : memref<1x50048xf32, #tpu.memory_space<vmem>>, vector<1x50048xf32>
    %mul3A = vector.broadcast %get3A_11 : vector<1x50048xf32> to vector<32x50048xf32>
    %mul3A_12 = arith.mulf %add3A_8, %mul3A : vector<32x50048xf32>
    %get3A_13 = arith.constant 0 : index
    %get3A_14 = arith.constant 0 : index
    %get3A_15 = vector.load %arg3[%get3A_13, %get3A_14] : memref<64x32xf32, #tpu.memory_space<vmem>>, vector<64x32xf32>
    %dot_general3A = arith.constant dense<0.000000e+00> : vector<64x50048xf32>
    %dot_general3A_16 = tpu.matmul %get3A_15, %mul3A_12, %dot_general3A {dimension_numbers = #tpu.dot_dimension_numbers<[1], [0], [0], [1], [0, 0, 1, 1], [], []>, transpose_lhs_hint = false} : vector<64x32xf32>, vector<32x50048xf32>, vector<64x50048xf32> -> vector<64x50048xf32>
    %get3A_17 = arith.constant 0 : index
    %get3A_18 = arith.constant 0 : index
    %get3A_19 = vector.load %arg4[%get3A_17, %get3A_18] : memref<64x1xf32, #tpu.memory_space<vmem>>, vector<64x1xf32>
    %add3A_20 = vector.broadcast %get3A_19 : vector<64x1xf32> to vector<64x50048xf32>
    %add3A_21 = arith.addf %dot_general3A_16, %add3A_20 : vector<64x50048xf32>
    %mul3A_22 = arith.constant 5.000000e-01 : f32
    %mul3A_23 = vector.broadcast %mul3A_22 : f32 to vector<64x50048xf32>
    %mul3A_24 = arith.mulf %mul3A_23, %add3A_21 : vector<64x50048xf32>
    %mul3A_25 = arith.constant 0.707106769 : f32
    %mul3A_26 = vector.broadcast %mul3A_25 : f32 to vector<64x50048xf32>
    %mul3A_27 = arith.mulf %add3A_21, %mul3A_26 : vector<64x50048xf32>
    %erf3A = math.erf %mul3A_27 : vector<64x50048xf32>
    %add3A_28 = arith.constant 1.000000e+00 : f32
    %add3A_29 = vector.broadcast %add3A_28 : f32 to vector<64x50048xf32>
    %add3A_30 = arith.addf %add3A_29, %erf3A : vector<64x50048xf32>
    %mul3A_31 = arith.mulf %mul3A_24, %add3A_30 : vector<64x50048xf32>
    %swap3A = arith.constant 0 : index
    %swap3A_32 = arith.constant 0 : index
    %swap3A_33 = vector.load %arg5[%swap3A, %swap3A_32] : memref<64x50048xf32, #tpu.memory_space<vmem>>, vector<64x50048xf32>
    tpu.vector_store %arg5[%swap3A, %swap3A_32], %mul3A_31 {strides = array<i32>} : memref<64x50048xf32, #tpu.memory_space<vmem>>, vector<64x50048xf32>,
    return
  }
}

module attributes {stable_mosaic.version = 14 : i64} {
  func.func @_pool_body(%arg0: memref<64x50048xf32, #tpu.memory_space<vmem>>, %arg1: memref<1x50048xi32, #tpu.memory_space<vmem>>, %arg2: memref<64x7xf32, #tpu.memory_space<vmem>>, %arg3: memref<64x128xf32, #tpu.memory_space<vmem>>, %arg4: memref<7x128xf32, #tpu.memory_space<vmem>>, %arg5: memref<1x128xf32, #tpu.memory_space<vmem>>, %arg6: memref<128x64xf32, #tpu.memory_space<vmem>>, %arg7: memref<1x64xf32, #tpu.memory_space<vmem>>, %arg8: memref<64x32xf32, #tpu.memory_space<vmem>>, %arg9: memref<1x32xf32, #tpu.memory_space<vmem>>, %arg10: memref<32x2xf32, #tpu.memory_space<vmem>>, %arg11: memref<1x2xf32, #tpu.memory_space<vmem>>, %arg12: memref<64x2xf32, #tpu.memory_space<vmem>>) attributes {dimension_semantics = [], scalar_prefetch = 0 : i64, scratch_operands = 0 : i64, tpu.core_type = #tpu.core_type<tc>} {
    %iota3A = tpu.iota {dimensions = array<i32: 0>} : vector<64x1xi32>
    %get3A = arith.constant 0 : index
    %get3A_0 = arith.constant 0 : index
    %get3A_1 = vector.load %arg1[%get3A, %get3A_0] : memref<1x50048xi32, #tpu.memory_space<vmem>>, vector<1x50048xi32>
    %eq3A = vector.broadcast %get3A_1 : vector<1x50048xi32> to vector<64x50048xi32>
    %eq3A_2 = vector.broadcast %iota3A : vector<64x1xi32> to vector<64x50048xi32>
    %eq3A_3 = arith.cmpi eq, %eq3A, %eq3A_2 : vector<64x50048xi32>
    %convert_element_type3A = arith.extui %eq3A_3 : vector<64x50048xi1> to vector<64x50048xi32>
    %convert_element_type3A_4 = arith.sitofp %convert_element_type3A : vector<64x50048xi32> to vector<64x50048xf32>
    %get3A_5 = arith.constant 0 : index
    %get3A_6 = arith.constant 0 : index
    %get3A_7 = vector.load %arg0[%get3A_5, %get3A_6] : memref<64x50048xf32, #tpu.memory_space<vmem>>, vector<64x50048xf32>
    %dot_general3A = arith.constant dense<0.000000e+00> : vector<64x64xf32>
    %dot_general3A_8 = tpu.matmul %convert_element_type3A_4, %get3A_7, %dot_general3A {dimension_numbers = #tpu.dot_dimension_numbers<[1], [1], [0], [0], [0, 0, 1, 0], [], []>, transpose_lhs_hint = false} : vector<64x50048xf32>, vector<64x50048xf32>, vector<64x64xf32> -> vector<64x64xf32>
    %reduce_sum3A = arith.constant dense<0.000000e+00> : vector<64xf32>
    %reduce_sum3A_9 = vector.multi_reduction <add>, %convert_element_type3A_4, %reduce_sum3A [1] : vector<64x50048xf32> to vector<64xf32>
    %broadcast_in_dim3A = vector.shape_cast %reduce_sum3A_9 : vector<64xf32> to vector<64x1xf32>
    %max3A = arith.constant 1.000000e+00 : f32
    %max3A_10 = vector.broadcast %max3A : f32 to vector<64x1xf32>
    %max3A_11 = arith.maximumf %broadcast_in_dim3A, %max3A_10 : vector<64x1xf32>
    %div3A = vector.broadcast %max3A_11 : vector<64x1xf32> to vector<64x64xf32>
    %div3A_12 = arith.divf %dot_general3A_8, %div3A : vector<64x64xf32>
    %get3A_13 = arith.constant 0 : index
    %get3A_14 = arith.constant 0 : index
    %get3A_15 = vector.load %arg3[%get3A_13, %get3A_14] : memref<64x128xf32, #tpu.memory_space<vmem>>, vector<64x128xf32>
    %dot_general3A_16 = arith.constant dense<0.000000e+00> : vector<64x128xf32>
    %dot_general3A_17 = tpu.matmul %div3A_12, %get3A_15, %dot_general3A_16 {dimension_numbers = #tpu.dot_dimension_numbers<[1], [0], [0], [1], [0, 0, 1, 1], [], []>, transpose_lhs_hint = false} : vector<64x64xf32>, vector<64x128xf32>, vector<64x128xf32> -> vector<64x128xf32>
    %get3A_18 = arith.constant 0 : index
    %get3A_19 = arith.constant 0 : index
    %get3A_20 = vector.load %arg2[%get3A_18, %get3A_19] : memref<64x7xf32, #tpu.memory_space<vmem>>, vector<64x7xf32>
    %get3A_21 = arith.constant 0 : index
    %get3A_22 = arith.constant 0 : index
    %get3A_23 = vector.load %arg4[%get3A_21, %get3A_22] : memref<7x128xf32, #tpu.memory_space<vmem>>, vector<7x128xf32>
    %dot_general3A_24 = arith.constant dense<0.000000e+00> : vector<64x128xf32>
    %dot_general3A_25 = tpu.matmul %get3A_20, %get3A_23, %dot_general3A_24 {dimension_numbers = #tpu.dot_dimension_numbers<[1], [0], [0], [1], [0, 0, 1, 1], [], []>, transpose_lhs_hint = false} : vector<64x7xf32>, vector<7x128xf32>, vector<64x128xf32> -> vector<64x128xf32>
    %add3A = arith.addf %dot_general3A_17, %dot_general3A_25 : vector<64x128xf32>
    %get3A_26 = arith.constant 0 : index
    %get3A_27 = arith.constant 0 : index
    %get3A_28 = vector.load %arg5[%get3A_26, %get3A_27] : memref<1x128xf32, #tpu.memory_space<vmem>>, vector<1x128xf32>
    %add3A_29 = vector.broadcast %get3A_28 : vector<1x128xf32> to vector<64x128xf32>
    %add3A_30 = arith.addf %add3A, %add3A_29 : vector<64x128xf32>
    %mul3A = arith.constant 5.000000e-01 : f32
    %mul3A_31 = vector.broadcast %mul3A : f32 to vector<64x128xf32>
    %mul3A_32 = arith.mulf %mul3A_31, %add3A_30 : vector<64x128xf32>
    %mul3A_33 = arith.constant 0.707106769 : f32
    %mul3A_34 = vector.broadcast %mul3A_33 : f32 to vector<64x128xf32>
    %mul3A_35 = arith.mulf %add3A_30, %mul3A_34 : vector<64x128xf32>
    %erf3A = math.erf %mul3A_35 : vector<64x128xf32>
    %add3A_36 = arith.constant 1.000000e+00 : f32
    %add3A_37 = vector.broadcast %add3A_36 : f32 to vector<64x128xf32>
    %add3A_38 = arith.addf %add3A_37, %erf3A : vector<64x128xf32>
    %mul3A_39 = arith.mulf %mul3A_32, %add3A_38 : vector<64x128xf32>
    %get3A_40 = arith.constant 0 : index
    %get3A_41 = arith.constant 0 : index
    %get3A_42 = vector.load %arg6[%get3A_40, %get3A_41] : memref<128x64xf32, #tpu.memory_space<vmem>>, vector<128x64xf32>
    %dot_general3A_43 = arith.constant dense<0.000000e+00> : vector<64x64xf32>
    %dot_general3A_44 = tpu.matmul %mul3A_39, %get3A_42, %dot_general3A_43 {dimension_numbers = #tpu.dot_dimension_numbers<[1], [0], [0], [1], [0, 0, 1, 1], [], []>, transpose_lhs_hint = false} : vector<64x128xf32>, vector<128x64xf32>, vector<64x64xf32> -> vector<64x64xf32>
    %get3A_45 = arith.constant 0 : index
    %get3A_46 = arith.constant 0 : index
    %get3A_47 = vector.load %arg7[%get3A_45, %get3A_46] : memref<1x64xf32, #tpu.memory_space<vmem>>, vector<1x64xf32>
    %add3A_48 = vector.broadcast %get3A_47 : vector<1x64xf32> to vector<64x64xf32>
    %add3A_49 = arith.addf %dot_general3A_44, %add3A_48 : vector<64x64xf32>
    %mul3A_50 = arith.constant 5.000000e-01 : f32
    %mul3A_51 = vector.broadcast %mul3A_50 : f32 to vector<64x64xf32>
    %mul3A_52 = arith.mulf %mul3A_51, %add3A_49 : vector<64x64xf32>
    %mul3A_53 = arith.constant 0.707106769 : f32
    %mul3A_54 = vector.broadcast %mul3A_53 : f32 to vector<64x64xf32>
    %mul3A_55 = arith.mulf %add3A_49, %mul3A_54 : vector<64x64xf32>
    %erf3A_56 = math.erf %mul3A_55 : vector<64x64xf32>
    %add3A_57 = arith.constant 1.000000e+00 : f32
    %add3A_58 = vector.broadcast %add3A_57 : f32 to vector<64x64xf32>
    %add3A_59 = arith.addf %add3A_58, %erf3A_56 : vector<64x64xf32>
    %mul3A_60 = arith.mulf %mul3A_52, %add3A_59 : vector<64x64xf32>
    %get3A_61 = arith.constant 0 : index
    %get3A_62 = arith.constant 0 : index
    %get3A_63 = vector.load %arg8[%get3A_61, %get3A_62] : memref<64x32xf32, #tpu.memory_space<vmem>>, vector<64x32xf32>
    %dot_general3A_64 = arith.constant dense<0.000000e+00> : vector<64x32xf32>
    %dot_general3A_65 = tpu.matmul %mul3A_60, %get3A_63, %dot_general3A_64 {dimension_numbers = #tpu.dot_dimension_numbers<[1], [0], [0], [1], [0, 0, 1, 1], [], []>, transpose_lhs_hint = false} : vector<64x64xf32>, vector<64x32xf32>, vector<64x32xf32> -> vector<64x32xf32>
    %get3A_66 = arith.constant 0 : index
    %get3A_67 = arith.constant 0 : index
    %get3A_68 = vector.load %arg9[%get3A_66, %get3A_67] : memref<1x32xf32, #tpu.memory_space<vmem>>, vector<1x32xf32>
    %add3A_69 = vector.broadcast %get3A_68 : vector<1x32xf32> to vector<64x32xf32>
    %add3A_70 = arith.addf %dot_general3A_65, %add3A_69 : vector<64x32xf32>
    %mul3A_71 = arith.constant 5.000000e-01 : f32
    %mul3A_72 = vector.broadcast %mul3A_71 : f32 to vector<64x32xf32>
    %mul3A_73 = arith.mulf %mul3A_72, %add3A_70 : vector<64x32xf32>
    %mul3A_74 = arith.constant 0.707106769 : f32
    %mul3A_75 = vector.broadcast %mul3A_74 : f32 to vector<64x32xf32>
    %mul3A_76 = arith.mulf %add3A_70, %mul3A_75 : vector<64x32xf32>
    %erf3A_77 = math.erf %mul3A_76 : vector<64x32xf32>
    %add3A_78 = arith.constant 1.000000e+00 : f32
    %add3A_79 = vector.broadcast %add3A_78 : f32 to vector<64x32xf32>
    %add3A_80 = arith.addf %add3A_79, %erf3A_77 : vector<64x32xf32>
    %mul3A_81 = arith.mulf %mul3A_73, %add3A_80 : vector<64x32xf32>
    %get3A_82 = arith.constant 0 : index
    %get3A_83 = arith.constant 0 : index
    %get3A_84 = vector.load %arg10[%get3A_82, %get3A_83] : memref<32x2xf32, #tpu.memory_space<vmem>>, vector<32x2xf32>
    %dot_general3A_85 = arith.constant dense<0.000000e+00> : vector<64x2xf32>
    %dot_general3A_86 = tpu.matmul %mul3A_81, %get3A_84, %dot_general3A_85 {dimension_numbers = #tpu.dot_dimension_numbers<[1], [0], [0], [1], [0, 0, 1, 1], [], []>, transpose_lhs_hint = false} : vector<64x32xf32>, vector<32x2xf32>, vector<64x2xf32> -> vector<64x2xf32>
    %get3A_87 = arith.constant 0 : index
    %get3A_88 = arith.constant 0 : index
    %get3A_89 = vector.load %arg11[%get3A_87, %get3A_88] : memref<1x2xf32, #tpu.memory_space<vmem>>, vector<1x2xf32>
    %add3A_90 = vector.broadcast %get3A_89 : vector<1x2xf32> to vector<64x2xf32>
    %add3A_91 = arith.addf %dot_general3A_86, %add3A_90 : vector<64x2xf32>
    %logistic3A = arith.negf %add3A_91 : vector<64x2xf32>
    %logistic3A_92 = math.exp %logistic3A : vector<64x2xf32>
    %logistic3A_93 = arith.constant 1.000000e+00 : f32
    %logistic3A_94 = vector.broadcast %logistic3A_93 : f32 to vector<64x2xf32>
    %logistic3A_95 = arith.addf %logistic3A_94, %logistic3A_92 : vector<64x2xf32>
    %logistic3A_96 = arith.divf %logistic3A_94, %logistic3A_95 : vector<64x2xf32>
    %swap3A = arith.constant 0 : index
    %swap3A_97 = arith.constant 0 : index
    %swap3A_98 = vector.load %arg12[%swap3A, %swap3A_97] : memref<64x2xf32, #tpu.memory_space<vmem>>, vector<64x2xf32>
    tpu.vector_store %arg12[%swap3A, %swap3A_97], %logistic3A_96 {strides = array<i32>} : memref<64x2xf32, #tpu.memory_space<vmem>>, vector<64x2xf32>,
    return
  }
}

</mosaic_0001>

<sc_bundles>
// kernel: kernel.13.cloned.1.call-start
scs
__scs_entry_jumppad:
0x0: {  	(pc) =	sbr.rel $0x88, $3  }
0x1: {  	(tag) =	ssettag $0x0;
	lr =	simm.s32 $0x1  }
0x2: {  	[smem:$0x3F87] =	sst lr;
	_ =	strace $0xD0000000  }
0x3: {  	_ = 	snop  }
0x4: {  	_ = 	snop  }
0x5: {  	_ = 	snop  }
0x6: {  	_ = 	snop  }
0x7: {  	_ = 	snop  }
__scs_overlays_trampoline_lowered:
0x8: {  	[smem:$0x3F96] =	sst s0  }
0x9: {  	[smem:$0x3F97] =	sst s1  }
0xa: {  	[smem:$0x3F98] =	sst s2  }
0xb: {  	[smem:$0x3F99] =	sst s3  }
0xc: {  	[smem:$0x3F9A] =	sst s4  }
0xd: {  	[smem:$0x3F9B] =	sst s5  }
0xe: {  	[smem:$0x3F9C] =	sst s6  }
0xf: {  	[smem:$0x3F9D] =	sst s7  }
0x10: {  	[smem:$0x3F9E] =	sst s8  }
0x11: {  	[smem:$0x3F9F] =	sst s9;
	s0 =	simm.s32 @!p0 $0x0  }
0x12: {  	s1 =	sld [smem:$0x3F85];
	s0 =	simm.s32 @p0 $0x1  }
0x13: {  	[smem:$0x3FA0] =	sst s0;
	s0 =	simm.s32 @!p1 $0x0  }
0x14: {  	s2 =	sld [smem:$0x3F84];
	s0 =	simm.s32 @p1 $0x1  }
0x15: {  	[smem:$0x3FA1] =	sst s0;
	s0 =	simm.s32 @!p2 $0x0  }
0x16: {  	s3 =	sld [smem:$0x3FDB];
	s0 =	simm.s32 @p2 $0x1  }
0x17: {  	s4 =	simm.s32 $0x1BF5;
	[smem:$0x3FA3] =	sst s0  }
0x18: {  	s0 =	sld [smem:$0x3F86];
	_ =	swait.ge [sflag:s4], $0x0  }
0x19: {  	s7 =	sld [smem:$0x3F87]  }
0x1a: {  	s8 =	sadd.s32 $0xFFFFE003, lr  }
0x1b: {  	s9 =	sadd.s32 $0xFFFFFEF7, lr;
	s5 =	simm.s32 $0xFFFFFFFF;
	p2 =	slt.u32 s8, $0xFFFFF086  }
0x1c: {  	p1 =	slt.u32 s9, $0xF7A;
	s5 =	simm.s32 @!p2 $0x0  }
0x1d: {  	s5 =	simm.s32 @p1 $0x1;
	p0 =	seq.s32 s7, s2  }
0x1e: {  	s7 =	smul.u32 @!p0 $0xF7A, s2;
	p2 =	seq.s32 @!p0 s5, $0x0  }
0x1f: {  	s9 =	smul.u32 $0xF7A, s1;
	s8 =	simm.s32 @!p0 $0x1BF5;
	p2 =	por !p2, p0  }
0x20: {  	[sflag:s8] =	ssyncset.s32 @!p0 $0xFFFFF086;
	s6 =	sadd.s32 @!p0 s3, s7;
	s7 =	simm.s32 @!p0 $0x108  }
0x21: {  	s3 =	sadd.s32 s3, s9;
	s6 =	sadd.s32 @!p0 $0x88, s6;
	s7 =	simm.s32 @p2 $0x1082  }
0x22: {  	[simem:s7], [sflag:s8] =	dma.local @!p0 [hbm:s6], $0xF7A  }
0x23: {  	s9 =	sor.u32 $0xD0000000, s2;
	s6 =	simm.s32 $0x108;
	_ =	swait.ge @!p0 [sflag:s8], $0x0  }
0x24: {  	s3 =	sadd.s32 $0x88, s3;
	s6 =	simm.s32 @!p1 $0x1082;
	[sflag:s4] =	ssyncset.s32 $0xFFFFF086  }
0x25: {  	[simem:s6], [sflag:s4] =	dma.local [hbm:s3], $0xF7A  }
0x26: {  	[smem:$0x3F87] =	sst s1;
	(tag) =	ssettag s2;
	_ =	strace s9  }
0x27: {  	s1 =	sld [smem:$0x3F97]  }
0x28: {  	s2 =	sld [smem:$0x3F98]  }
0x29: {  	s4 =	sld [smem:$0x3F9A]  }
0x2a: {  	p0 =	seq.s32 s5, $0x0;
	s5 =	sld [smem:$0x3F9B]  }
0x2b: {  	s6 =	sld [smem:$0x3F9C]  }
0x2c: {  	s7 =	sld [smem:$0x3F9D]  }
0x2d: {  	s3 =	simm.s32 $0x108;
	s8 =	sld [smem:$0x3F9E]  }
0x2e: {  	s3 =	simm.s32 @!p0 $0x1082;
	s9 =	sld [smem:$0x3F9F]  }
0x2f: {  	lr =	sadd.s32 s0, s3;
	s0 =	sld [smem:$0x3F96]  }
0x30: {  	s3 =	sld [smem:$0x3F99]  }
0x31: {  	[smem:$0x3FA2] =	sst s10  }
0x32: {  	s10 =	sld [smem:$0x3FA0];
	_ =	sdelay $0x3  }
0x33: {  	p0 =	seq.s32 s10, $0x1;
	s10 =	sld [smem:$0x3FA2];
	_ =	sdelay $0x3  }
0x34: {  	[smem:$0x3FA2] =	sst s10  }
0x35: {  	s10 =	sld [smem:$0x3FA1];
	_ =	sdelay $0x3  }
0x36: {  	p1 =	seq.s32 s10, $0x1;
	s10 =	sld [smem:$0x3FA2];
	_ =	sdelay $0x3  }
0x37: {  	[smem:$0x3FA2] =	sst s10  }
0x38: {  	s10 =	sld [smem:$0x3FA3]  }
0x39: {  	_ = 	snop;
	(pc) =	sbr.ind lr, $3  }
0x3a: {  	_ = 	snop  }
0x3b: {  	_ = 	snop  }
0x3c: {  	p2 =	seq.s32 s10, $0x1;
	s10 =	sld [smem:$0x3FA2]  }
0x3d: {  	_ =	shalt  }
0x3e: {  	_ =	shalt  }
0x3f: {  	_ =	shalt  }
0x40: {  	_ =	shalt  }
0x41: {  	_ =	shalt  }
0x42: {  	_ =	shalt  }
0x43: {  	_ =	shalt  }
0x44: {  	_ =	shalt  }
0x45: {  	_ =	shalt  }
0x46: {  	_ =	shalt  }
0x47: {  	_ =	shalt  }
0x48: {  	_ =	shalt  }
0x49: {  	_ =	shalt  }
0x4a: {  	_ =	shalt  }
0x4b: {  	_ =	shalt  }
0x4c: {  	_ =	shalt  }
0x4d: {  	_ =	shalt  }
0x4e: {  	_ =	shalt  }
0x4f: {  	_ =	shalt  }
0x50: {  	_ =	shalt  }
0x51: {  	_ =	shalt  }
0x52: {  	_ =	shalt  }
0x53: {  	_ =	shalt  }
0x54: {  	_ =	shalt  }
0x55: {  	_ =	shalt  }
0x56: {  	_ =	shalt  }
0x57: {  	_ =	shalt  }
0x58: {  	_ =	shalt  }
0x59: {  	_ =	shalt  }
0x5a: {  	_ =	shalt  }
0x5b: {  	_ =	shalt  }
0x5c: {  	_ =	shalt  }
0x5d: {  	_ =	shalt  }
0x5e: {  	_ =	shalt  }
0x5f: {  	_ =	shalt  }
0x60: {  	_ =	shalt  }
0x61: {  	_ =	shalt  }
0x62: {  	_ =	shalt  }
0x63: {  	_ =	shalt  }
0x64: {  	_ =	shalt  }
0x65: {  	_ =	shalt  }
0x66: {  	_ =	shalt  }
0x67: {  	_ =	shalt  }
0x68: {  	_ =	shalt  }
0x69: {  	_ =	shalt  }
0x6a: {  	_ =	shalt  }
0x6b: {  	_ =	shalt  }
0x6c: {  	_ =	shalt  }
0x6d: {  	_ =	shalt  }
0x6e: {  	_ =	shalt  }
0x6f: {  	_ =	shalt  }
0x70: {  	_ =	shalt  }
0x71: {  	_ =	shalt  }
0x72: {  	_ =	shalt  }
0x73: {  	_ =	shalt  }
0x74: {  	_ =	shalt  }
0x75: {  	_ =	shalt  }
0x76: {  	_ =	shalt  }
0x77: {  	_ =	shalt  }
0x78: {  	_ =	shalt  }
0x79: {  	_ =	shalt  }
0x7a: {  	_ =	shalt  }
0x7b: {  	_ =	shalt  }
0x7c: {  	_ =	shalt  }
0x7d: {  	_ =	shalt  }
0x7e: {  	_ =	shalt  }
0x7f: {  	_ =	shalt  }
0x80: {  	_ =	shalt  }
0x81: {  	_ =	shalt  }
0x82: {  	_ =	shalt  }
0x83: {  	_ =	shalt  }
0x84: {  	_ =	shalt  }
0x85: {  	_ =	shalt  }
0x86: {  	_ =	shalt  }
0x87: {  	_ =	shalt  }
.Lfunc_end0:
.L_simem_size_0:
called_computation_lowered:
.L_overlay_start_0:
0x88: {  	s2 =	sld [smem:$0x3FD9]  }
0x89: {  	s3 =	sld [smem:$0x3FFE];
	_ =	sdelay $0x1  }
0x8a: {  	s1 =	srdreg.scid  }
0x8b: {  	s0 =	sand.u32 $0x1, s1  }
0x8c: {  	s16 =	sshll.u32 s0, $0xA;
	s2 =	sadd.s32 s3, s2  }
0x8d: {  	s2 =	sadd.s32 s2, s16  }
0x8e: {  	[smem:$0x3FAE] =	sst s2  }
0x8f: {  	_ = 	snop  }
0x90: {  	(tm) =	ssettm $0x1  }
0x91: {  	s17 =	sld [smem:$0x3FFB];
	_ =	sdelay $0x3  }
0x92: {  	_ =	strace s17  }
0x93: {  	s2 =	sld [smem:$0x3FFC];
	_ =	sdelay $0x3  }
0x94: {  	_ =	strace s2  }
0x95: {  	s2 =	sld [smem:$0x3FFD];
	_ =	sdelay $0x3  }
0x96: {  	_ =	strace s2  }
0x97: {  	_ =	strace $0x8FFFFFFF  }
0x98: {  	s18 =	sld [smem:$0x3FDB];
	_ =	sdelay $0x1  }
0x99: {  	s19 =	simm.s32 $_scs_section_size  }
0x9a: {  	s4 =	simm.s32 $_size__tile_overlayer_lowered;
	s5 =	simm.s32 $_tile_overlayer_lowered  }
0x9b: {  	s22 =	simm.s32 $0x1BFF;
	s21 =	sshll.u32 s5, $0x1;
	s2 =	sadd.s32 s19, s18  }
0x9c: {  	s6 =	simm.s32 $0x0;
	s20 =	sshll.u32 s4, $0x1;
	s4 =	sadd.s32 s21, s2  }
0x9d: {  	[timem:s6], [sflag:s22] =	dma.local [hbm:s4], s20  }
0x9e: {  	_ =	swait.ge [sflag:s22], s20  }
0x9f: {  	s3 =	ssub.s32 $0x0, s20;
	[sflag:s22] =	ssyncset.done $0x0  }
0xa0: {  	[sflag:s22] =	ssyncadd.s32 s3;
	_ =	sdelay $0x1  }
0xa1: {  	s23 =	simm.s32 $0x1B8B  }
0xa2: {  	_ =	swait.ge [sflag:s23], $0x1  }
0xa3: {  	[sflag:s23] =	ssyncset.done $0x0  }
0xa4: {  	s25 =	simm.s32 $0x1B8E;
	s24 =	sld [smem:$0x3FFE];
	[sflag:s23] =	ssyncadd.s32 $0xFFFFFFFF  }
0xa5: {  	s26 =	simm.s32 $execute0_lowered;
	[smem:$0x3FD2] =	sst s25  }
0xa6: {  	s4 =	sshll.u32 s26, $0x1;
	_ =	strace $0x80000046;
	[dreg:$0x1] =	wrdreg $0xFFFFFFFF  }
0xa7: {  	s28 =	simm.s32 $_size_execute0_lowered;
	s2 =	sadd.s32 s2, s4;
	[dreg:$0x0] =	wrdreg $0x0  }
0xa8: {  	s4 =	sshll.u32 s28, $0x1;
	[dreg:$0x2] =	wrdreg s2  }
0xa9: {  	[dreg:$0x3] =	wrdreg s4  }
0xaa: {  	[dreg:$0x4] =	wrdreg $0xC0  }
0xab: {  	_ =	task [dreg:s6], $0x5FFFF  }
0xac: {  	[dreg:$0x1] =	wrdreg $0xFFFFFFFF  }
0xad: {  	[dreg:$0x0] =	wrdreg $0x60  }
0xae: {  	[dreg:$0x2] =	wrdreg s24  }
0xaf: {  	[dreg:$0x3] =	wrdreg $0x74800  }
0xb0: {  	[dreg:$0x4] =	wrdreg $0x9  }
0xb1: {  	_ =	task.clear_ibuf [dreg:s6], $0x5FFFF;
	_ =	strace $0x90000046  }
0xb2: {  	s29 =	simm.s32 $0x9;
	_ =	strace $0x80000048  }
0xb3: {  	_ =	swait.ge [sflag:s29], $0x1  }
0xb4: {  	[sflag:s29] =	ssyncadd.s32 $0xFFFFFFFF  }
0xb5: {  	_ =	strace $0x90000048  }
0xb6: {  	_ =	sfence  }
0xb7: {  	s30 =	sld [smem:$0x0];
	_ =	sdelay $0x2  }
0xb8: {  	s31 =	sshll.u32 s1, $0xD;
	s1 =	sshrl.u32 s1, $0x2  }
0xb9: {  	s3 =	sand.u32 $0x4000, s31;
	s1 =	sadd.s32 s1, s30  }
0xba: {  	s0 =	sor.u32 s3, s0;
	s1 =	sshll.u32 s1, $0x11  }
0xbb: {  	s0 =	sor.u32 s1, s0  }
0xbc: {  	s0 =	sadd.s32 $0x8F2B, s0  }
0xbd: {  	[sflag:s0] =	ssyncadd.remote.s32 $0x1  }
0xbe: {  	_ =	sfence.sel $0xFFFF  }
0xbf: {  	[dreg:$0x0] =	wrdreg $0xFFFFFFFF;
	(pc) =	sbr.abs _section_cstart, $3  }
0xc0: {  	[dreg:$0x1] =	wrdreg $0xFFFFFFFF  }
0xc1: {  	_ =	task.clear_ibuf [dreg:s6], $0x2FFFF;
	_ =	strace $0x9FFFFFFF  }
0xc2: {  	(tm) =	ssettm $0x7FFFFFFF  }
0xc3: {  	_ =	shalt  }
tec
execute0_lowered:
.L_overlay_start_1:
0x0: {  	(tag) =	ssettag $0x1  }
0x1: {  	s4 =	rddreg [dreg:$0x0]  }
0x2: {  	s0 =	srdreg.scid;
	s2 =	rddreg [dreg:$0x1]  }
0x3: {  	s1 =	stileid.u32;
	s3 =	simm.s32 $0x0;
	s13 =	simm.s32 $0x7400  }
0x4: {  	s14 =	simm.s32 $0x1;
	s15 =	simm.s32 $0x2;
	s16 =	simm.s32 $0x3  }
0x5: {  	s17 =	simm.s32 $0x4;
	s5 =	sand.u32 $0x1, s0;
	s0 =	rddreg [dreg:$0x2]  }
0x6: {  	s18 =	simm.s32 $0x0;
	s7 =	smul.u32 $0xC38, s1;
	[smem:$0x7FF] =	sst s3  }
0x7: {  	s31 =	sshll.u32 s1, $0x6;
	s6 =	sshll.u32 s5, $0x4;
	s8 =	smul.u32 $0xC380, s5  }
0x8: {  	_ =	strace $0x80000047;
	s10 =	ssub.s32 $0x2, s5;
	s6 =	sor.u32 s1, s6  }
0x9: {  	p0 =	seq.s32 s5, $0x0;
	s30 =	sshrl.u32 s7, $0x3;
	s6 =	smul.u32 $0xE80, s6  }
0xa: {  	s11 =	sshrl.u32 s10, $0x1;
	s12 =	sadd.s32 s7, s2;
	s8 =	sadd.s32 s7, s8  }
0xb: {  	s10 =	ssub.s32 s10, s11;
	s8 =	sshrl.u32 s8, $0x3;
	s9 =	sadd.s32 s6, s4  }
0xc: {  	s6 =	sadd.s32 s30, s4;
	s8 =	sadd.s32 s8, s4;
	s4 =	simm.s32 $0x28  }
0xd: {  	s11 =	simm.s32 $0x5;
	s4 =	simm.s32 @!p0 $0x3A;
	s5 =	sadd.s32 $0x20E00, s6  }
0xe: {  	s6 =	sor.u32 $0x1C05, s31;
	s7 =	sadd.s32 $0x3E00, s9;
	s8 =	sadd.s32 $0x22800, s8  }
0xf: {  	v0 =	vimm.f32 $1.000000000e+00;
	s9 =	smax.u32 s10, $0x1;
	s10 =	sshrl.u32 s12, $0x3;
	s12 =	simm.s32 $0x80  }
.LBB2_1:
0x10: {  	[spmem:s10], [sflag:s6] =	dma.local [hbm:s5], $0x187  }
0x11: {  	_ =	swait.ge [sflag:s11], $0x187  }
0x12: {  	[sflag:s11] =	ssyncset.done $0x0  }
0x13: {  	[sflag:s11] =	ssyncadd.s32 $0xFFFFFE79  }
0x14: {  	[tilespmem:s3], [sflag:$0x5] =	stream.linear.gather [hbm4b:s7+s3], $0x7400, $0x38;
	[tilespmem:$0x80B8] =	vst v63  }
0x15: {  	_ =	swait.ge [sflag:s11], $0x7400  }
0x16: {  	[sflag:s11] =	ssyncset.done $0x0  }
0x17: {  	[sflag:s11] =	ssyncadd.s32 $0xFFFF8C00  }
0x18: {  	[tilespmem:$0x7400] =	vst v0  }
0x19: {  	[tilespmem:$0x7410] =	vst v0  }
0x1a: {  	[tilespmem:$0x7420] =	vst v0  }
0x1b: {  	[tilespmem:$0x7430] =	vst v0  }
0x1c: {  	p1 =	sne.s32 s4, $0x1;
	[tilespmem:$0x7440] =	vst v0  }
.Ltmp0:
0x1d: {  	[tilespmem:$0x7450] =	vst v0;
	(pc) =	sbr.rel @!p1 .LBB2_4-.Ltmp0, $4  }
0x1e: {  	[tilespmem:$0x7460] =	vst v0  }
0x1f: {  	[tilespmem:$0x7470] =	vst v0  }
0x20: {  	[bflag:$0x0] =	sbarrier.arrive $0xFFFF  }
0x21: {  	s19 =	simm.s32 $0x180;
	s20 =	sadd.s32 $0xFFFFFFFF, s4;
	p0 =	por $0x0, $0x0  }
0x22: {  	s21 =	simm.s32 $0x0  }
0x23: {  	[spmem:s2] =	stream.indirect.scatter.add.f32 [tilespmem:s13], [sflag:$0x1], $0x1, s21, s12, $0xb8;
	[tilespmem:$0x80B8] =	vst v63  }
0x24: {  	s30 =	simm.s32 $0x80  }
0x25: {  	[spmem:s2] =	stream.indirect.scatter.add.f32 [tilespmem:s13], [sflag:$0x2], $0x1, s30, s12, $0xb8;
	[tilespmem:$0x80B8] =	vst v63  }
0x26: {  	s31 =	simm.s32 $0x100  }
0x27: {  	[spmem:s2] =	stream.indirect.scatter.add.f32 [tilespmem:s13], [sflag:$0x3], $0x1, s31, s12, $0xb8;
	[tilespmem:$0x80B8] =	vst v63  }
0x28: {  	_ = 	snop  }
0x29: {  	[spmem:s2] =	stream.indirect.scatter.add.f32 [tilespmem:s13], [sflag:$0x4], $0x1, s19, s12, $0xb8;
	[tilespmem:$0x80B8] =	vst v63  }
0x2a: {  	_ =	swait.ge [sflag:s14], $0x80  }
0x2b: {  	[sflag:s14] =	ssyncset.done $0x0  }
0x2c: {  	[sflag:s14] =	ssyncadd.s32 $0xFFFFFF80  }
0x2d: {  	_ =	swait.ge [sflag:s15], $0x80  }
0x2e: {  	[sflag:s15] =	ssyncset.done $0x0  }
0x2f: {  	p1 =	sne.s32 s20, $0x1;
	[sflag:s15] =	ssyncadd.s32 $0xFFFFFF80  }
.Ltmp1:
0x30: {  	_ =	swait.ge [sflag:s16], $0x80;
	(pc) =	sbr.rel @!p1 .LBB2_4-.Ltmp1, $4  }
0x31: {  	[sflag:s16] =	ssyncset.done $0x0  }
0x32: {  	[sflag:s16] =	ssyncadd.s32 $0xFFFFFF80  }
0x33: {  	s20 =	sadd.s32 $0xFFFFFFFF, s20;
	_ =	swait.ge [sflag:s17], $0x80  }
0x34: {  	p0 =	por $0x1, $0x1;
	s19 =	simm.s32 $0x380;
	[sflag:s17] =	ssyncset.done $0x0  }
.LBB2_3:
0x35: {  	p1 =	sne.s32 s20, $0x1;
	s21 =	sadd.s32 $0xFFFFFE80, s19;
	[sflag:s17] =	ssyncadd.s32 $0xFFFFFF80  }
0x36: {  	[spmem:s2] =	stream.indirect.scatter.add.f32 [tilespmem:s13], [sflag:$0x1], $0x1, s21, s12, $0xb8;
	[tilespmem:$0x80B8] =	vst v63  }
0x37: {  	s20 =	sadd.s32 $0xFFFFFFFF, s20;
	s21 =	sadd.s32 $0xFFFFFF00, s19  }
0x38: {  	[spmem:s2] =	stream.indirect.scatter.add.f32 [tilespmem:s13], [sflag:$0x2], $0x1, s21, s12, $0xb8;
	[tilespmem:$0x80B8] =	vst v63  }
0x39: {  	s21 =	sadd.s32 $0xFFFFFF80, s19  }
0x3a: {  	[spmem:s2] =	stream.indirect.scatter.add.f32 [tilespmem:s13], [sflag:$0x3], $0x1, s21, s12, $0xb8;
	[tilespmem:$0x80B8] =	vst v63  }
0x3b: {  	_ = 	snop  }
0x3c: {  	[spmem:s2] =	stream.indirect.scatter.add.f32 [tilespmem:s13], [sflag:$0x4], $0x1, s19, s12, $0xb8;
	[tilespmem:$0x80B8] =	vst v63  }
0x3d: {  	_ =	swait.ge [sflag:s14], $0x80  }
0x3e: {  	[sflag:s14] =	ssyncset.done $0x0  }
0x3f: {  	[sflag:s14] =	ssyncadd.s32 $0xFFFFFF80  }
0x40: {  	_ =	swait.ge [sflag:s15], $0x80  }
0x41: {  	[sflag:s15] =	ssyncset.done $0x0  }
0x42: {  	[sflag:s15] =	ssyncadd.s32 $0xFFFFFF80  }
.Ltmp2:
0x43: {  	_ =	swait.ge [sflag:s16], $0x80;
	(pc) =	sbr.rel @p1 .LBB2_3-.Ltmp2, $4  }
0x44: {  	[sflag:s16] =	ssyncset.done $0x0  }
0x45: {  	[sflag:s16] =	ssyncadd.s32 $0xFFFFFF80  }
0x46: {  	_ =	swait.ge [sflag:s17], $0x80  }
0x47: {  	s19 =	sadd.s32 $0x200, s19;
	[sflag:s17] =	ssyncset.done $0x0  }
.LBB2_4:
0x48: {  	s20 =	sadd.s32 $0xFFFFFE80, s19;
	[sflag:s17] =	ssyncadd.s32 @p0 $0xFFFFFF80  }
0x49: {  	[spmem:s2] =	stream.indirect.scatter.add.f32 [tilespmem:s13], [sflag:$0x1], $0x1, s20, s12, $0xb8;
	[tilespmem:$0x80B8] =	vst v63  }
0x4a: {  	s30 =	sadd.s32 $0xFFFFFF00, s19  }
0x4b: {  	[spmem:s2] =	stream.indirect.scatter.add.f32 [tilespmem:s13], [sflag:$0x2], $0x1, s30, s12, $0xb8;
	[tilespmem:$0x80B8] =	vst v63  }
0x4c: {  	s31 =	sadd.s32 $0xFFFFFF80, s19  }
0x4d: {  	[spmem:s2] =	stream.indirect.scatter.add.f32 [tilespmem:s13], [sflag:$0x3], $0x1, s31, s12, $0xb8;
	[tilespmem:$0x80B8] =	vst v63  }
0x4e: {  	_ = 	snop  }
0x4f: {  	[spmem:s2] =	stream.indirect.scatter.add.f32 [tilespmem:s13], [sflag:$0x4], $0x1, s19, s12, $0xb8;
	[tilespmem:$0x80B8] =	vst v63  }
0x50: {  	_ =	swait.ge [sflag:s14], $0x80  }
0x51: {  	[sflag:s14] =	ssyncset.done $0x0  }
0x52: {  	[sflag:s14] =	ssyncadd.s32 $0xFFFFFF80  }
0x53: {  	_ =	swait.ge [sflag:s15], $0x80  }
0x54: {  	[sflag:s15] =	ssyncset.done $0x0  }
0x55: {  	[sflag:s15] =	ssyncadd.s32 $0xFFFFFF80  }
0x56: {  	_ =	swait.ge [sflag:s16], $0x80  }
0x57: {  	[sflag:s16] =	ssyncset.done $0x0  }
0x58: {  	[sflag:s16] =	ssyncadd.s32 $0xFFFFFF80  }
0x59: {  	_ =	swait.ge [sflag:s17], $0x80  }
0x5a: {  	s18 =	sadd.s32 $0x1, s18;
	[sflag:s17] =	ssyncset.done $0x0  }
0x5b: {  	p0 =	sne.s32 s18, s9;
	[sflag:s17] =	ssyncadd.s32 $0xFFFFFF80  }
.Ltmp3:
0x5c: {  	[bflag:$0x0] =	sbarrier.arrive $0xFFFF;
	(pc) =	sbr.rel @p0 .LBB2_1-.Ltmp3, $4  }
0x5d: {  	[hbm:s8], [sflag:s6] =	dma.local [spmem:s10], $0x187  }
0x5e: {  	_ =	swait.ge [sflag:s11], $0x187  }
0x5f: {  	[sflag:s11] =	ssyncset.done $0x0  }
0x60: {  	[sflag:s11] =	ssyncadd.s32 $0xFFFFFE79  }
0x61: {  	_ =	sfence.sel $0x180000  }
0x62: {  	[bflag:$0x0] =	sbarrier.arrive $0xFFFF  }
0x63: {  	p0 =	sne.s32 s1, $0x0;
	_ =	strace $0x90000047  }
0x64: {  	s0 =	sadd.s32 @!p0 $0x100000, s0;
	[bflag:$0x2] =	sbarrier.arrive $0xFFFF  }
0x65: {  	[sflag:s0] =	ssyncadd.tile.s32 @!p0 $0x1;
	_ =	shalt  }
.Lfunc_end2:
_tile_overlayer_lowered:
.L_overlay_start_2:
0x66: {  	(tag) =	ssettag $0x2  }
0x67: {  	s0 =	rddreg [dreg:$0x0];
	s2 =	stileid.u32  }
0x68: {  	s1 =	rddreg [dreg:$0x1];
	p0 =	sne.s32 s2, $0x0  }
0x69: {  	s3 =	rddreg [dreg:$0x2];
	[bflag:$0x3] =	sbarrier.arrive $0xFFFF;
	s2 =	simm.s32 @!p0 $0x1C05  }
0x6a: {  	[timem:s3], [sflag:s2] =	dma.local @!p0 [hbm:s0], s1  }
0x6b: {  	s0 =	simm.s32 @!p0 $0x5  }
0x6c: {  	_ =	swait.ge @!p0 [sflag:s0], s1  }
0x6d: {  	s1 =	ssub.s32 @!p0 $0x0, s1;
	[sflag:s0] =	ssyncset.done @!p0 $0x0  }
0x6e: {  	[sflag:s0] =	ssyncadd.s32 @!p0 s1  }
0x6f: {  	[bflag:$0x3] =	sbarrier.arrive $0xFFFF  }
0x70: {  	_ =	shalt  }

// kernel: kernel.16.cloned.1.call-start
scs
__scs_entry_jumppad:
0x0: {  	(pc) =	sbr.rel $0x88, $3  }
0x1: {  	(tag) =	ssettag $0x0;
	lr =	simm.s32 $0x1  }
0x2: {  	[smem:$0x3F87] =	sst lr;
	_ =	strace $0xD0000000  }
0x3: {  	_ = 	snop  }
0x4: {  	_ = 	snop  }
0x5: {  	_ = 	snop  }
0x6: {  	_ = 	snop  }
0x7: {  	_ = 	snop  }
__scs_overlays_trampoline_lowered:
0x8: {  	[smem:$0x3F96] =	sst s0  }
0x9: {  	[smem:$0x3F97] =	sst s1  }
0xa: {  	[smem:$0x3F98] =	sst s2  }
0xb: {  	[smem:$0x3F99] =	sst s3  }
0xc: {  	[smem:$0x3F9A] =	sst s4  }
0xd: {  	[smem:$0x3F9B] =	sst s5  }
0xe: {  	[smem:$0x3F9C] =	sst s6  }
0xf: {  	[smem:$0x3F9D] =	sst s7  }
0x10: {  	[smem:$0x3F9E] =	sst s8  }
0x11: {  	[smem:$0x3F9F] =	sst s9;
	s0 =	simm.s32 @!p0 $0x0  }
0x12: {  	s1 =	sld [smem:$0x3F85];
	s0 =	simm.s32 @p0 $0x1  }
0x13: {  	[smem:$0x3FA0] =	sst s0;
	s0 =	simm.s32 @!p1 $0x0  }
0x14: {  	s2 =	sld [smem:$0x3F84];
	s0 =	simm.s32 @p1 $0x1  }
0x15: {  	[smem:$0x3FA1] =	sst s0;
	s0 =	simm.s32 @!p2 $0x0  }
0x16: {  	s3 =	sld [smem:$0x3FDB];
	s0 =	simm.s32 @p2 $0x1  }
0x17: {  	s4 =	simm.s32 $0x1BF5;
	[smem:$0x3FA3] =	sst s0  }
0x18: {  	s0 =	sld [smem:$0x3F86];
	_ =	swait.ge [sflag:s4], $0x0  }
0x19: {  	s7 =	sld [smem:$0x3F87]  }
0x1a: {  	s8 =	sadd.s32 $0xFFFFE003, lr  }
0x1b: {  	s9 =	sadd.s32 $0xFFFFFEF7, lr;
	s5 =	simm.s32 $0xFFFFFFFF;
	p2 =	slt.u32 s8, $0xFFFFF086  }
0x1c: {  	p1 =	slt.u32 s9, $0xF7A;
	s5 =	simm.s32 @!p2 $0x0  }
0x1d: {  	s5 =	simm.s32 @p1 $0x1;
	p0 =	seq.s32 s7, s2  }
0x1e: {  	s7 =	smul.u32 @!p0 $0xF7A, s2;
	p2 =	seq.s32 @!p0 s5, $0x0  }
0x1f: {  	s9 =	smul.u32 $0xF7A, s1;
	s8 =	simm.s32 @!p0 $0x1BF5;
	p2 =	por !p2, p0  }
0x20: {  	[sflag:s8] =	ssyncset.s32 @!p0 $0xFFFFF086;
	s6 =	sadd.s32 @!p0 s3, s7;
	s7 =	simm.s32 @!p0 $0x108  }
0x21: {  	s3 =	sadd.s32 s3, s9;
	s6 =	sadd.s32 @!p0 $0x88, s6;
	s7 =	simm.s32 @p2 $0x1082  }
0x22: {  	[simem:s7], [sflag:s8] =	dma.local @!p0 [hbm:s6], $0xF7A  }
0x23: {  	s9 =	sor.u32 $0xD0000000, s2;
	s6 =	simm.s32 $0x108;
	_ =	swait.ge @!p0 [sflag:s8], $0x0  }
0x24: {  	s3 =	sadd.s32 $0x88, s3;
	s6 =	simm.s32 @!p1 $0x1082;
	[sflag:s4] =	ssyncset.s32 $0xFFFFF086  }
0x25: {  	[simem:s6], [sflag:s4] =	dma.local [hbm:s3], $0xF7A  }
0x26: {  	[smem:$0x3F87] =	sst s1;
	(tag) =	ssettag s2;
	_ =	strace s9  }
0x27: {  	s1 =	sld [smem:$0x3F97]  }
0x28: {  	s2 =	sld [smem:$0x3F98]  }
0x29: {  	s4 =	sld [smem:$0x3F9A]  }
0x2a: {  	p0 =	seq.s32 s5, $0x0;
	s5 =	sld [smem:$0x3F9B]  }
0x2b: {  	s6 =	sld [smem:$0x3F9C]  }
0x2c: {  	s7 =	sld [smem:$0x3F9D]  }
0x2d: {  	s3 =	simm.s32 $0x108;
	s8 =	sld [smem:$0x3F9E]  }
0x2e: {  	s3 =	simm.s32 @!p0 $0x1082;
	s9 =	sld [smem:$0x3F9F]  }
0x2f: {  	lr =	sadd.s32 s0, s3;
	s0 =	sld [smem:$0x3F96]  }
0x30: {  	s3 =	sld [smem:$0x3F99]  }
0x31: {  	[smem:$0x3FA2] =	sst s10  }
0x32: {  	s10 =	sld [smem:$0x3FA0];
	_ =	sdelay $0x3  }
0x33: {  	p0 =	seq.s32 s10, $0x1;
	s10 =	sld [smem:$0x3FA2];
	_ =	sdelay $0x3  }
0x34: {  	[smem:$0x3FA2] =	sst s10  }
0x35: {  	s10 =	sld [smem:$0x3FA1];
	_ =	sdelay $0x3  }
0x36: {  	p1 =	seq.s32 s10, $0x1;
	s10 =	sld [smem:$0x3FA2];
	_ =	sdelay $0x3  }
0x37: {  	[smem:$0x3FA2] =	sst s10  }
0x38: {  	s10 =	sld [smem:$0x3FA3]  }
0x39: {  	_ = 	snop;
	(pc) =	sbr.ind lr, $3  }
0x3a: {  	_ = 	snop  }
0x3b: {  	_ = 	snop  }
0x3c: {  	p2 =	seq.s32 s10, $0x1;
	s10 =	sld [smem:$0x3FA2]  }
0x3d: {  	_ =	shalt  }
0x3e: {  	_ =	shalt  }
0x3f: {  	_ =	shalt  }
0x40: {  	_ =	shalt  }
0x41: {  	_ =	shalt  }
0x42: {  	_ =	shalt  }
0x43: {  	_ =	shalt  }
0x44: {  	_ =	shalt  }
0x45: {  	_ =	shalt  }
0x46: {  	_ =	shalt  }
0x47: {  	_ =	shalt  }
0x48: {  	_ =	shalt  }
0x49: {  	_ =	shalt  }
0x4a: {  	_ =	shalt  }
0x4b: {  	_ =	shalt  }
0x4c: {  	_ =	shalt  }
0x4d: {  	_ =	shalt  }
0x4e: {  	_ =	shalt  }
0x4f: {  	_ =	shalt  }
0x50: {  	_ =	shalt  }
0x51: {  	_ =	shalt  }
0x52: {  	_ =	shalt  }
0x53: {  	_ =	shalt  }
0x54: {  	_ =	shalt  }
0x55: {  	_ =	shalt  }
0x56: {  	_ =	shalt  }
0x57: {  	_ =	shalt  }
0x58: {  	_ =	shalt  }
0x59: {  	_ =	shalt  }
0x5a: {  	_ =	shalt  }
0x5b: {  	_ =	shalt  }
0x5c: {  	_ =	shalt  }
0x5d: {  	_ =	shalt  }
0x5e: {  	_ =	shalt  }
0x5f: {  	_ =	shalt  }
0x60: {  	_ =	shalt  }
0x61: {  	_ =	shalt  }
0x62: {  	_ =	shalt  }
0x63: {  	_ =	shalt  }
0x64: {  	_ =	shalt  }
0x65: {  	_ =	shalt  }
0x66: {  	_ =	shalt  }
0x67: {  	_ =	shalt  }
0x68: {  	_ =	shalt  }
0x69: {  	_ =	shalt  }
0x6a: {  	_ =	shalt  }
0x6b: {  	_ =	shalt  }
0x6c: {  	_ =	shalt  }
0x6d: {  	_ =	shalt  }
0x6e: {  	_ =	shalt  }
0x6f: {  	_ =	shalt  }
0x70: {  	_ =	shalt  }
0x71: {  	_ =	shalt  }
0x72: {  	_ =	shalt  }
0x73: {  	_ =	shalt  }
0x74: {  	_ =	shalt  }
0x75: {  	_ =	shalt  }
0x76: {  	_ =	shalt  }
0x77: {  	_ =	shalt  }
0x78: {  	_ =	shalt  }
0x79: {  	_ =	shalt  }
0x7a: {  	_ =	shalt  }
0x7b: {  	_ =	shalt  }
0x7c: {  	_ =	shalt  }
0x7d: {  	_ =	shalt  }
0x7e: {  	_ =	shalt  }
0x7f: {  	_ =	shalt  }
0x80: {  	_ =	shalt  }
0x81: {  	_ =	shalt  }
0x82: {  	_ =	shalt  }
0x83: {  	_ =	shalt  }
0x84: {  	_ =	shalt  }
0x85: {  	_ =	shalt  }
0x86: {  	_ =	shalt  }
0x87: {  	_ =	shalt  }
.Lfunc_end0:
.L_simem_size_0:
called_computation.1_lowered:
.L_overlay_start_0:
0x88: {  	s2 =	sld [smem:$0x3FD9]  }
0x89: {  	s3 =	sld [smem:$0x3FFE];
	_ =	sdelay $0x1  }
0x8a: {  	s1 =	srdreg.scid  }
0x8b: {  	s0 =	sand.u32 $0x1, s1  }
0x8c: {  	s16 =	sshll.u32 s0, $0xA;
	s2 =	sadd.s32 s3, s2  }
0x8d: {  	s2 =	sadd.s32 s2, s16  }
0x8e: {  	[smem:$0x3FAE] =	sst s2  }
0x8f: {  	_ = 	snop  }
0x90: {  	(tm) =	ssettm $0x1  }
0x91: {  	s17 =	sld [smem:$0x3FFB];
	_ =	sdelay $0x3  }
0x92: {  	_ =	strace s17  }
0x93: {  	s2 =	sld [smem:$0x3FFC];
	_ =	sdelay $0x3  }
0x94: {  	_ =	strace s2  }
0x95: {  	s2 =	sld [smem:$0x3FFD];
	_ =	sdelay $0x3  }
0x96: {  	_ =	strace s2  }
0x97: {  	_ =	strace $0x8FFFFFFF  }
0x98: {  	s18 =	sld [smem:$0x3FDB];
	_ =	sdelay $0x1  }
0x99: {  	s19 =	simm.s32 $_scs_section_size  }
0x9a: {  	s4 =	simm.s32 $_size__tile_overlayer_lowered;
	s5 =	simm.s32 $_tile_overlayer_lowered  }
0x9b: {  	s22 =	simm.s32 $0x1BFF;
	s21 =	sshll.u32 s5, $0x1;
	s2 =	sadd.s32 s19, s18  }
0x9c: {  	s6 =	simm.s32 $0x0;
	s20 =	sshll.u32 s4, $0x1;
	s4 =	sadd.s32 s21, s2  }
0x9d: {  	[timem:s6], [sflag:s22] =	dma.local [hbm:s4], s20  }
0x9e: {  	_ =	swait.ge [sflag:s22], s20  }
0x9f: {  	s3 =	ssub.s32 $0x0, s20;
	[sflag:s22] =	ssyncset.done $0x0  }
0xa0: {  	[sflag:s22] =	ssyncadd.s32 s3;
	_ =	sdelay $0x1  }
0xa1: {  	s23 =	simm.s32 $0x1B8B  }
0xa2: {  	_ =	swait.ge [sflag:s23], $0x1  }
0xa3: {  	[sflag:s23] =	ssyncset.done $0x0  }
0xa4: {  	s25 =	simm.s32 $0x1B8E;
	s24 =	sld [smem:$0x3FFE];
	[sflag:s23] =	ssyncadd.s32 $0xFFFFFFFF  }
0xa5: {  	s26 =	simm.s32 $execute0_lowered;
	[smem:$0x3FD2] =	sst s25  }
0xa6: {  	s4 =	sshll.u32 s26, $0x1;
	_ =	strace $0x80000049;
	[dreg:$0x1] =	wrdreg $0xFFFFFFFF  }
0xa7: {  	s28 =	simm.s32 $_size_execute0_lowered;
	s2 =	sadd.s32 s2, s4;
	[dreg:$0x0] =	wrdreg $0x0  }
0xa8: {  	s4 =	sshll.u32 s28, $0x1;
	[dreg:$0x2] =	wrdreg s2  }
0xa9: {  	[dreg:$0x3] =	wrdreg s4  }
0xaa: {  	[dreg:$0x4] =	wrdreg $0xC0  }
0xab: {  	_ =	task [dreg:s6], $0x5FFFF  }
0xac: {  	[dreg:$0x1] =	wrdreg $0xFFFFFFFF  }
0xad: {  	[dreg:$0x0] =	wrdreg $0x60  }
0xae: {  	[dreg:$0x2] =	wrdreg s24  }
0xaf: {  	[dreg:$0x3] =	wrdreg $0xE8000  }
0xb0: {  	[dreg:$0x4] =	wrdreg $0x9  }
0xb1: {  	_ =	task.clear_ibuf [dreg:s6], $0x5FFFF;
	_ =	strace $0x90000049  }
0xb2: {  	s29 =	simm.s32 $0x9;
	_ =	strace $0x8000004B  }
0xb3: {  	_ =	swait.ge [sflag:s29], $0x1  }
0xb4: {  	[sflag:s29] =	ssyncadd.s32 $0xFFFFFFFF  }
0xb5: {  	_ =	strace $0x9000004B  }
0xb6: {  	_ =	sfence  }
0xb7: {  	s30 =	sld [smem:$0x0];
	_ =	sdelay $0x2  }
0xb8: {  	s31 =	sshll.u32 s1, $0xD;
	s1 =	sshrl.u32 s1, $0x2  }
0xb9: {  	s3 =	sand.u32 $0x4000, s31;
	s1 =	sadd.s32 s1, s30  }
0xba: {  	s0 =	sor.u32 s3, s0;
	s1 =	sshll.u32 s1, $0x11  }
0xbb: {  	s0 =	sor.u32 s1, s0  }
0xbc: {  	s0 =	sadd.s32 $0x8F2B, s0  }
0xbd: {  	[sflag:s0] =	ssyncadd.remote.s32 $0x1  }
0xbe: {  	_ =	sfence.sel $0xFFFF  }
0xbf: {  	[dreg:$0x0] =	wrdreg $0xFFFFFFFF;
	(pc) =	sbr.abs _section_cstart, $3  }
0xc0: {  	[dreg:$0x1] =	wrdreg $0xFFFFFFFF  }
0xc1: {  	_ =	task.clear_ibuf [dreg:s6], $0x2FFFF;
	_ =	strace $0x9FFFFFFF  }
0xc2: {  	(tm) =	ssettm $0x7FFFFFFF  }
0xc3: {  	_ =	shalt  }
tec
execute0_lowered:
.L_overlay_start_1:
0x0: {  	(tag) =	ssettag $0x1  }
0x1: {  	s0 =	srdreg.scid  }
0x2: {  	s10 =	stileid.u32;
	s5 =	rddreg [dreg:$0x0]  }
0x3: {  	s2 =	rddreg [dreg:$0x1];
	s3 =	simm.s32 $0x0;
	s17 =	simm.s32 $0x9  }
0x4: {  	s19 =	simm.s32 $0x80;
	s20 =	simm.s32 $0x1AB80;
	s28 =	simm.s32 $0x2  }
0x5: {  	s29 =	simm.s32 $0x3;
	s30 =	simm.s32 $0x4;
	s31 =	simm.s32 $0x5  }
0x6: {  	s18 =	simm.s32 $0x8;
	s0 =	sand.u32 $0x1, s0;
	s6 =	smul.u32 $0xC380, s10  }
0x7: {  	[smem:$0x7FF] =	sst s3;
	s4 =	sadd.s32 $0x42A00, s5;
	s23 =	sshll.u32 s10, $0x6  }
0x8: {  	s1 =	sshll.u32 s0, $0x4;
	s7 =	smul.u32 $0xC3800, s0;
	_ =	strace $0x8000004A  }
0x9: {  	s9 =	ssub.s32 $0x2, s0;
	p0 =	seq.s32 s0, $0x0;
	s0 =	simm.s32 $0x7  }
0xa: {  	s1 =	sor.u32 s10, s1;
	s8 =	sshrl.u32 s6, $0x3;
	s21 =	sshrl.u32 s9, $0x1  }
0xb: {  	s22 =	sadd.s32 s6, s2;
	s1 =	smul.u32 $0xE80, s1;
	s7 =	sadd.s32 s6, s7  }
0xc: {  	s8 =	sadd.s32 s8, s5;
	s15 =	ssub.s32 s9, s21;
	s16 =	sshrl.u32 s22, $0x3  }
0xd: {  	s21 =	simm.s32 $0x1B380;
	s22 =	simm.s32 $0x0;
	s7 =	sshrl.u32 s7, $0x3  }
0xe: {  	s24 =	sadd.s32 $0x5B200, s8;
	s15 =	smax.u32 s15, $0x1;
	s1 =	sadd.s32 s1, s5  }
0xf: {  	s14 =	sadd.s32 s7, s5;
	s5 =	simm.s32 $0x13800;
	[dreg:$0x3] =	wrdreg s24  }
0x10: {  	s7 =	sor.u32 $0x1C09, s23;
	s23 =	simm.s32 $0x1BB80;
	s5 =	simm.s32 @!p0 $0x1C800  }
0x11: {  	s26 =	sadd.s32 $0x25A00, s1;
	s9 =	sadd.s32 $0x3E00, s1;
	s14 =	sadd.s32 $0x73A00, s14  }
0x12: {  	s1 =	simm.s32 $0x6;
	s25 =	sshrl.u32 s5, $0x2;
	[dreg:$0x4] =	wrdreg s26  }
0x13: {  	s26 =	simm.s32 $0x1;
	s10 =	sadd.s32 $0x7400, s25;
	s11 =	sadd.s32 $0x7480, s25  }
0x14: {  	s12 =	sadd.s32 $0x7500, s25;
	s13 =	sadd.s32 $0x7580, s25;
	s25 =	simm.s32 $0x1C380  }
.LBB2_1:
0x15: {  	s6 =	rddreg [dreg:$0x3]  }
0x16: {  	[spmem:s16], [sflag:s7] =	dma.local [hbm:s6], $0x1870  }
0x17: {  	_ =	swait.ge [sflag:s17], $0x1870  }
0x18: {  	[sflag:s17] =	ssyncset.done $0x0  }
0x19: {  	s24 =	rddreg [dreg:$0x4];
	[sflag:s17] =	ssyncadd.s32 $0xFFFFE790  }
0x1a: {  	[tilespmem:s3], [sflag:$0x9] =	stream.linear.gather [hbm4b:s24+s3], $0x7400, $0x38;
	[tilespmem:$0x1CB80] =	vst v63  }
0x1b: {  	_ =	swait.ge [sflag:s17], $0x7400  }
0x1c: {  	[sflag:s17] =	ssyncset.done $0x0  }
0x1d: {  	s8 =	simm.s32 $0x7400;
	[sflag:s17] =	ssyncadd.s32 $0xFFFF8C00  }
0x1e: {  	[tilespmem:s8], [sflag:$0x9] =	stream.linear.gather [hbm4b:s9+s3], $0x7400, $0x38;
	[tilespmem:$0x1CB80] =	vst v63  }
0x1f: {  	_ =	swait.ge [sflag:s17], $0x7400  }
0x20: {  	[sflag:s17] =	ssyncset.done $0x0  }
0x21: {  	[sflag:s17] =	ssyncadd.s32 $0xFFFF8C00  }
0x22: {  	[bflag:$0x0] =	sbarrier.arrive $0xFFFF  }
0x23: {  	[tilespmem:s20], [sflag:$0x1] =	stream.indirect.gather [hbm4b:s4+s19], $0x10, s3, s19, $0xb8;
	[tilespmem:$0x1CB80] =	vst v63  }
0x24: {  	_ = 	snop  }
0x25: {  	[tilespmem:s21], [sflag:$0x2] =	stream.indirect.gather [hbm4b:s4+s19], $0x10, s19, s19, $0xb8;
	[tilespmem:$0x1CB80] =	vst v63  }
0x26: {  	s24 =	simm.s32 $0x100  }
0x27: {  	[tilespmem:s23], [sflag:$0x3] =	stream.indirect.gather [hbm4b:s4+s19], $0x10, s24, s19, $0xb8;
	[tilespmem:$0x1CB80] =	vst v63  }
0x28: {  	s8 =	simm.s32 $0x180  }
0x29: {  	[tilespmem:s25], [sflag:$0x4] =	stream.indirect.gather [hbm4b:s4+s19], $0x10, s8, s19, $0xb8;
	[tilespmem:$0x1CB80] =	vst v63  }
0x2a: {  	_ =	swait.ge [sflag:s26], $0x800  }
0x2b: {  	[sflag:s26] =	ssyncset.done $0x0  }
0x2c: {  	s24 =	simm.s32 $0x7400;
	[sflag:s26] =	ssyncadd.s32 $0xFFFFF800  }
0x2d: {  	[spmem:s2] =	stream.indirect.scatter.add.f32 [tilespmem:s20], [sflag:$0x5], $0x10, s24, s19, $0xb8;
	[tilespmem:$0x1CB80] =	vst v63  }
0x2e: {  	_ =	swait.ge [sflag:s28], $0x800  }
0x2f: {  	[sflag:s28] =	ssyncset.done $0x0  }
0x30: {  	s8 =	simm.s32 $0x7480;
	[sflag:s28] =	ssyncadd.s32 $0xFFFFF800  }
0x31: {  	[spmem:s2] =	stream.indirect.scatter.add.f32 [tilespmem:s21], [sflag:$0x6], $0x10, s8, s19, $0xb8;
	[tilespmem:$0x1CB80] =	vst v63  }
0x32: {  	_ =	swait.ge [sflag:s29], $0x800  }
0x33: {  	[sflag:s29] =	ssyncset.done $0x0  }
0x34: {  	s24 =	simm.s32 $0x7500;
	[sflag:s29] =	ssyncadd.s32 $0xFFFFF800  }
0x35: {  	[spmem:s2] =	stream.indirect.scatter.add.f32 [tilespmem:s23], [sflag:$0x7], $0x10, s24, s19, $0xb8;
	[tilespmem:$0x1CB80] =	vst v63  }
0x36: {  	_ =	swait.ge [sflag:s30], $0x800  }
0x37: {  	[sflag:s30] =	ssyncset.done $0x0  }
0x38: {  	s8 =	simm.s32 $0x7580;
	[sflag:s30] =	ssyncadd.s32 $0xFFFFF800  }
0x39: {  	[spmem:s2] =	stream.indirect.scatter.add.f32 [tilespmem:s25], [sflag:$0x8], $0x10, s8, s19, $0xb8;
	[tilespmem:$0x1CB80] =	vst v63  }
0x3a: {  	_ =	swait.ge [sflag:s31], $0x800  }
0x3b: {  	[sflag:s31] =	ssyncset.done $0x0  }
0x3c: {  	s24 =	simm.s32 $0x200;
	[sflag:s31] =	ssyncadd.s32 $0xFFFFF800  }
0x3d: {  	[tilespmem:s20], [sflag:$0x1] =	stream.indirect.gather [hbm4b:s4+s19], $0x10, s24, s19, $0xb8;
	[tilespmem:$0x1CB80] =	vst v63  }
0x3e: {  	_ =	swait.ge [sflag:s1], $0x800  }
0x3f: {  	[sflag:s1] =	ssyncset.done $0x0  }
0x40: {  	s8 =	simm.s32 $0x280;
	[sflag:s1] =	ssyncadd.s32 $0xFFFFF800  }
0x41: {  	[tilespmem:s21], [sflag:$0x2] =	stream.indirect.gather [hbm4b:s4+s19], $0x10, s8, s19, $0xb8;
	[tilespmem:$0x1CB80] =	vst v63  }
0x42: {  	_ =	swait.ge [sflag:s0], $0x800  }
0x43: {  	p0 =	sne.s32 s5, $0x800;
	[sflag:s0] =	ssyncset.done $0x0  }
.Ltmp0:
0x44: {  	s24 =	simm.s32 $0x300;
	[sflag:s0] =	ssyncadd.s32 $0xFFFFF800;
	(pc) =	sbr.rel @!p0 .LBB2_3-.Ltmp0, $4  }
0x45: {  	[tilespmem:s23], [sflag:$0x3] =	stream.indirect.gather [hbm4b:s4+s19], $0x10, s24, s19, $0xb8;
	[tilespmem:$0x1CB80] =	vst v63  }
0x46: {  	_ =	swait.ge [sflag:s18], $0x800  }
0x47: {  	[sflag:s18] =	ssyncset.done $0x0  }
0x48: {  	s6 =	simm.s32 $0x380;
	s24 =	simm.s32 $0x800;
	[sflag:s18] =	ssyncadd.s32 $0xFFFFF800  }
.LBB2_2:
0x49: {  	[tilespmem:s25], [sflag:$0x4] =	stream.indirect.gather [hbm4b:s4+s19], $0x10, s6, s19, $0xb8;
	[tilespmem:$0x1CB80] =	vst v63  }
0x4a: {  	s6 =	smov.u32 s24;
	s24 =	sadd.s32 $0x800, s24;
	_ =	swait.ge [sflag:s26], $0x800  }
0x4b: {  	s6 =	sshra.s32 s6, $0x2;
	p0 =	sne.s32 s5, s24;
	[sflag:s26] =	ssyncset.done $0x0  }
0x4c: {  	s8 =	sadd.s32 $0x7400, s6;
	[sflag:s26] =	ssyncadd.s32 $0xFFFFF800  }
0x4d: {  	[spmem:s2] =	stream.indirect.scatter.add.f32 [tilespmem:s20], [sflag:$0x5], $0x10, s8, s19, $0xb8;
	[tilespmem:$0x1CB80] =	vst v63  }
0x4e: {  	_ =	swait.ge [sflag:s28], $0x800  }
0x4f: {  	[sflag:s28] =	ssyncset.done $0x0  }
0x50: {  	s8 =	sadd.s32 $0x7480, s6;
	[sflag:s28] =	ssyncadd.s32 $0xFFFFF800  }
0x51: {  	[spmem:s2] =	stream.indirect.scatter.add.f32 [tilespmem:s21], [sflag:$0x6], $0x10, s8, s19, $0xb8;
	[tilespmem:$0x1CB80] =	vst v63  }
0x52: {  	_ =	swait.ge [sflag:s29], $0x800  }
0x53: {  	[sflag:s29] =	ssyncset.done $0x0  }
0x54: {  	s8 =	sadd.s32 $0x7500, s6;
	[sflag:s29] =	ssyncadd.s32 $0xFFFFF800  }
0x55: {  	[spmem:s2] =	stream.indirect.scatter.add.f32 [tilespmem:s23], [sflag:$0x7], $0x10, s8, s19, $0xb8;
	[tilespmem:$0x1CB80] =	vst v63  }
0x56: {  	_ =	swait.ge [sflag:s30], $0x800  }
0x57: {  	[sflag:s30] =	ssyncset.done $0x0  }
0x58: {  	s8 =	sadd.s32 $0x7580, s6;
	[sflag:s30] =	ssyncadd.s32 $0xFFFFF800  }
0x59: {  	[spmem:s2] =	stream.indirect.scatter.add.f32 [tilespmem:s25], [sflag:$0x8], $0x10, s8, s19, $0xb8;
	[tilespmem:$0x1CB80] =	vst v63  }
0x5a: {  	_ =	swait.ge [sflag:s31], $0x800  }
0x5b: {  	[sflag:s31] =	ssyncset.done $0x0  }
0x5c: {  	s8 =	sadd.s32 $0x200, s6;
	[sflag:s31] =	ssyncadd.s32 $0xFFFFF800  }
0x5d: {  	[tilespmem:s20], [sflag:$0x1] =	stream.indirect.gather [hbm4b:s4+s19], $0x10, s8, s19, $0xb8;
	[tilespmem:$0x1CB80] =	vst v63  }
0x5e: {  	_ =	swait.ge [sflag:s1], $0x800  }
0x5f: {  	[sflag:s1] =	ssyncset.done $0x0  }
0x60: {  	s8 =	sadd.s32 $0x280, s6;
	[sflag:s1] =	ssyncadd.s32 $0xFFFFF800  }
0x61: {  	[tilespmem:s21], [sflag:$0x2] =	stream.indirect.gather [hbm4b:s4+s19], $0x10, s8, s19, $0xb8;
	[tilespmem:$0x1CB80] =	vst v63  }
0x62: {  	_ =	swait.ge [sflag:s0], $0x800  }
0x63: {  	[sflag:s0] =	ssyncset.done $0x0  }
.Ltmp1:
0x64: {  	s8 =	sadd.s32 $0x300, s6;
	[sflag:s0] =	ssyncadd.s32 $0xFFFFF800;
	(pc) =	sbr.rel @p0 .LBB2_2-.Ltmp1, $4  }
0x65: {  	[tilespmem:s23], [sflag:$0x3] =	stream.indirect.gather [hbm4b:s4+s19], $0x10, s8, s19, $0xb8;
	[tilespmem:$0x1CB80] =	vst v63  }
0x66: {  	_ =	swait.ge [sflag:s18], $0x800  }
0x67: {  	[sflag:s18] =	ssyncset.done $0x0  }
0x68: {  	s6 =	sadd.s32 $0x380, s6;
	[sflag:s18] =	ssyncadd.s32 $0xFFFFF800  }
.LBB2_3:
0x69: {  	[tilespmem:s25], [sflag:$0x4] =	stream.indirect.gather [hbm4b:s4+s19], $0x10, s6, s19, $0xb8;
	[tilespmem:$0x1CB80] =	vst v63  }
0x6a: {  	_ =	swait.ge [sflag:s26], $0x800  }
0x6b: {  	[sflag:s26] =	ssyncset.done $0x0  }
0x6c: {  	[sflag:s26] =	ssyncadd.s32 $0xFFFFF800  }
0x6d: {  	[spmem:s2] =	stream.indirect.scatter.add.f32 [tilespmem:s20], [sflag:$0x5], $0x10, s10, s19, $0xb8;
	[tilespmem:$0x1CB80] =	vst v63  }
0x6e: {  	_ =	swait.ge [sflag:s28], $0x800  }
0x6f: {  	[sflag:s28] =	ssyncset.done $0x0  }
0x70: {  	[sflag:s28] =	ssyncadd.s32 $0xFFFFF800  }
0x71: {  	[spmem:s2] =	stream.indirect.scatter.add.f32 [tilespmem:s21], [sflag:$0x6], $0x10, s11, s19, $0xb8;
	[tilespmem:$0x1CB80] =	vst v63  }
0x72: {  	_ =	swait.ge [sflag:s29], $0x800  }
0x73: {  	[sflag:s29] =	ssyncset.done $0x0  }
0x74: {  	[sflag:s29] =	ssyncadd.s32 $0xFFFFF800  }
0x75: {  	[spmem:s2] =	stream.indirect.scatter.add.f32 [tilespmem:s23], [sflag:$0x7], $0x10, s12, s19, $0xb8;
	[tilespmem:$0x1CB80] =	vst v63  }
0x76: {  	_ =	swait.ge [sflag:s30], $0x800  }
0x77: {  	[sflag:s30] =	ssyncset.done $0x0  }
0x78: {  	[sflag:s30] =	ssyncadd.s32 $0xFFFFF800  }
0x79: {  	[spmem:s2] =	stream.indirect.scatter.add.f32 [tilespmem:s25], [sflag:$0x8], $0x10, s13, s19, $0xb8;
	[tilespmem:$0x1CB80] =	vst v63  }
0x7a: {  	_ =	swait.ge [sflag:s31], $0x800  }
0x7b: {  	[sflag:s31] =	ssyncset.done $0x0  }
0x7c: {  	[sflag:s31] =	ssyncadd.s32 $0xFFFFF800  }
0x7d: {  	_ =	swait.ge [sflag:s1], $0x800  }
0x7e: {  	[sflag:s1] =	ssyncset.done $0x0  }
0x7f: {  	[sflag:s1] =	ssyncadd.s32 $0xFFFFF800  }
0x80: {  	_ =	swait.ge [sflag:s0], $0x800  }
0x81: {  	[sflag:s0] =	ssyncset.done $0x0  }
0x82: {  	[sflag:s0] =	ssyncadd.s32 $0xFFFFF800  }
0x83: {  	_ =	swait.ge [sflag:s18], $0x800  }
0x84: {  	s22 =	sadd.s32 $0x1, s22;
	[sflag:s18] =	ssyncset.done $0x0  }
0x85: {  	p0 =	sne.s32 s22, s15;
	[sflag:s18] =	ssyncadd.s32 $0xFFFFF800  }
.Ltmp2:
0x86: {  	[bflag:$0x0] =	sbarrier.arrive $0xFFFF;
	(pc) =	sbr.rel @p0 .LBB2_1-.Ltmp2, $4  }
0x87: {  	[hbm:s14], [sflag:s7] =	dma.local [spmem:s16], $0x1870  }
0x88: {  	_ =	swait.ge [sflag:s17], $0x1870  }
0x89: {  	[sflag:s17] =	ssyncset.done $0x0  }
0x8a: {  	[sflag:s17] =	ssyncadd.s32 $0xFFFFE790  }
0x8b: {  	_ =	sfence.sel $0x180000  }
0x8c: {  	[bflag:$0x0] =	sbarrier.arrive $0xFFFF  }
0x8d: {  	_ =	strace $0x9000004A  }
0x8e: {  	s0 =	stileid.u32;
	[bflag:$0x2] =	sbarrier.arrive $0xFFFF  }
0x8f: {  	p0 =	sne.s32 s0, $0x0;
	s0 =	rddreg [dreg:$0x2]  }
0x90: {  	s0 =	sadd.s32 @!p0 $0x100000, s0  }
0x91: {  	[sflag:s0] =	ssyncadd.tile.s32 @!p0 $0x1;
	_ =	shalt  }
.Lfunc_end2:
_tile_overlayer_lowered:
.L_overlay_start_2:
0x92: {  	(tag) =	ssettag $0x2  }
0x93: {  	s0 =	rddreg [dreg:$0x0];
	s2 =	stileid.u32  }
0x94: {  	s1 =	rddreg [dreg:$0x1];
	p0 =	sne.s32 s2, $0x0  }
0x95: {  	s3 =	rddreg [dreg:$0x2];
	[bflag:$0x3] =	sbarrier.arrive $0xFFFF;
	s2 =	simm.s32 @!p0 $0x1C09  }
0x96: {  	[timem:s3], [sflag:s2] =	dma.local @!p0 [hbm:s0], s1  }
0x97: {  	s0 =	simm.s32 @!p0 $0x9  }
0x98: {  	_ =	swait.ge @!p0 [sflag:s0], s1  }
0x99: {  	s1 =	ssub.s32 @!p0 $0x0, s1;
	[sflag:s0] =	ssyncset.done @!p0 $0x0  }
0x9a: {  	[sflag:s0] =	ssyncadd.s32 @!p0 s1  }
0x9b: {  	[bflag:$0x3] =	sbarrier.arrive $0xFFFF  }
0x9c: {  	_ =	shalt  }

// kernel: kernel.19.cloned.1.call-start
scs
__scs_entry_jumppad:
0x0: {  	(pc) =	sbr.rel $0x88, $3  }
0x1: {  	(tag) =	ssettag $0x0;
	lr =	simm.s32 $0x1  }
0x2: {  	[smem:$0x3F87] =	sst lr;
	_ =	strace $0xD0000000  }
0x3: {  	_ = 	snop  }
0x4: {  	_ = 	snop  }
0x5: {  	_ = 	snop  }
0x6: {  	_ = 	snop  }
0x7: {  	_ = 	snop  }
__scs_overlays_trampoline_lowered:
0x8: {  	[smem:$0x3F96] =	sst s0  }
0x9: {  	[smem:$0x3F97] =	sst s1  }
0xa: {  	[smem:$0x3F98] =	sst s2  }
0xb: {  	[smem:$0x3F99] =	sst s3  }
0xc: {  	[smem:$0x3F9A] =	sst s4  }
0xd: {  	[smem:$0x3F9B] =	sst s5  }
0xe: {  	[smem:$0x3F9C] =	sst s6  }
0xf: {  	[smem:$0x3F9D] =	sst s7  }
0x10: {  	[smem:$0x3F9E] =	sst s8  }
0x11: {  	[smem:$0x3F9F] =	sst s9;
	s0 =	simm.s32 @!p0 $0x0  }
0x12: {  	s1 =	sld [smem:$0x3F85];
	s0 =	simm.s32 @p0 $0x1  }
0x13: {  	[smem:$0x3FA0] =	sst s0;
	s0 =	simm.s32 @!p1 $0x0  }
0x14: {  	s2 =	sld [smem:$0x3F84];
	s0 =	simm.s32 @p1 $0x1  }
0x15: {  	[smem:$0x3FA1] =	sst s0;
	s0 =	simm.s32 @!p2 $0x0  }
0x16: {  	s3 =	sld [smem:$0x3FDB];
	s0 =	simm.s32 @p2 $0x1  }
0x17: {  	s4 =	simm.s32 $0x1BF5;
	[smem:$0x3FA3] =	sst s0  }
0x18: {  	s0 =	sld [smem:$0x3F86];
	_ =	swait.ge [sflag:s4], $0x0  }
0x19: {  	s7 =	sld [smem:$0x3F87]  }
0x1a: {  	s8 =	sadd.s32 $0xFFFFE003, lr  }
0x1b: {  	s9 =	sadd.s32 $0xFFFFFEF7, lr;
	s5 =	simm.s32 $0xFFFFFFFF;
	p2 =	slt.u32 s8, $0xFFFFF086  }
0x1c: {  	p1 =	slt.u32 s9, $0xF7A;
	s5 =	simm.s32 @!p2 $0x0  }
0x1d: {  	s5 =	simm.s32 @p1 $0x1;
	p0 =	seq.s32 s7, s2  }
0x1e: {  	s7 =	smul.u32 @!p0 $0xF7A, s2;
	p2 =	seq.s32 @!p0 s5, $0x0  }
0x1f: {  	s9 =	smul.u32 $0xF7A, s1;
	s8 =	simm.s32 @!p0 $0x1BF5;
	p2 =	por !p2, p0  }
0x20: {  	[sflag:s8] =	ssyncset.s32 @!p0 $0xFFFFF086;
	s6 =	sadd.s32 @!p0 s3, s7;
	s7 =	simm.s32 @!p0 $0x108  }
0x21: {  	s3 =	sadd.s32 s3, s9;
	s6 =	sadd.s32 @!p0 $0x88, s6;
	s7 =	simm.s32 @p2 $0x1082  }
0x22: {  	[simem:s7], [sflag:s8] =	dma.local @!p0 [hbm:s6], $0xF7A  }
0x23: {  	s9 =	sor.u32 $0xD0000000, s2;
	s6 =	simm.s32 $0x108;
	_ =	swait.ge @!p0 [sflag:s8], $0x0  }
0x24: {  	s3 =	sadd.s32 $0x88, s3;
	s6 =	simm.s32 @!p1 $0x1082;
	[sflag:s4] =	ssyncset.s32 $0xFFFFF086  }
0x25: {  	[simem:s6], [sflag:s4] =	dma.local [hbm:s3], $0xF7A  }
0x26: {  	[smem:$0x3F87] =	sst s1;
	(tag) =	ssettag s2;
	_ =	strace s9  }
0x27: {  	s1 =	sld [smem:$0x3F97]  }
0x28: {  	s2 =	sld [smem:$0x3F98]  }
0x29: {  	s4 =	sld [smem:$0x3F9A]  }
0x2a: {  	p0 =	seq.s32 s5, $0x0;
	s5 =	sld [smem:$0x3F9B]  }
0x2b: {  	s6 =	sld [smem:$0x3F9C]  }
0x2c: {  	s7 =	sld [smem:$0x3F9D]  }
0x2d: {  	s3 =	simm.s32 $0x108;
	s8 =	sld [smem:$0x3F9E]  }
0x2e: {  	s3 =	simm.s32 @!p0 $0x1082;
	s9 =	sld [smem:$0x3F9F]  }
0x2f: {  	lr =	sadd.s32 s0, s3;
	s0 =	sld [smem:$0x3F96]  }
0x30: {  	s3 =	sld [smem:$0x3F99]  }
0x31: {  	[smem:$0x3FA2] =	sst s10  }
0x32: {  	s10 =	sld [smem:$0x3FA0];
	_ =	sdelay $0x3  }
0x33: {  	p0 =	seq.s32 s10, $0x1;
	s10 =	sld [smem:$0x3FA2];
	_ =	sdelay $0x3  }
0x34: {  	[smem:$0x3FA2] =	sst s10  }
0x35: {  	s10 =	sld [smem:$0x3FA1];
	_ =	sdelay $0x3  }
0x36: {  	p1 =	seq.s32 s10, $0x1;
	s10 =	sld [smem:$0x3FA2];
	_ =	sdelay $0x3  }
0x37: {  	[smem:$0x3FA2] =	sst s10  }
0x38: {  	s10 =	sld [smem:$0x3FA3]  }
0x39: {  	_ = 	snop;
	(pc) =	sbr.ind lr, $3  }
0x3a: {  	_ = 	snop  }
0x3b: {  	_ = 	snop  }
0x3c: {  	p2 =	seq.s32 s10, $0x1;
	s10 =	sld [smem:$0x3FA2]  }
0x3d: {  	_ =	shalt  }
0x3e: {  	_ =	shalt  }
0x3f: {  	_ =	shalt  }
0x40: {  	_ =	shalt  }
0x41: {  	_ =	shalt  }
0x42: {  	_ =	shalt  }
0x43: {  	_ =	shalt  }
0x44: {  	_ =	shalt  }
0x45: {  	_ =	shalt  }
0x46: {  	_ =	shalt  }
0x47: {  	_ =	shalt  }
0x48: {  	_ =	shalt  }
0x49: {  	_ =	shalt  }
0x4a: {  	_ =	shalt  }
0x4b: {  	_ =	shalt  }
0x4c: {  	_ =	shalt  }
0x4d: {  	_ =	shalt  }
0x4e: {  	_ =	shalt  }
0x4f: {  	_ =	shalt  }
0x50: {  	_ =	shalt  }
0x51: {  	_ =	shalt  }
0x52: {  	_ =	shalt  }
0x53: {  	_ =	shalt  }
0x54: {  	_ =	shalt  }
0x55: {  	_ =	shalt  }
0x56: {  	_ =	shalt  }
0x57: {  	_ =	shalt  }
0x58: {  	_ =	shalt  }
0x59: {  	_ =	shalt  }
0x5a: {  	_ =	shalt  }
0x5b: {  	_ =	shalt  }
0x5c: {  	_ =	shalt  }
0x5d: {  	_ =	shalt  }
0x5e: {  	_ =	shalt  }
0x5f: {  	_ =	shalt  }
0x60: {  	_ =	shalt  }
0x61: {  	_ =	shalt  }
0x62: {  	_ =	shalt  }
0x63: {  	_ =	shalt  }
0x64: {  	_ =	shalt  }
0x65: {  	_ =	shalt  }
0x66: {  	_ =	shalt  }
0x67: {  	_ =	shalt  }
0x68: {  	_ =	shalt  }
0x69: {  	_ =	shalt  }
0x6a: {  	_ =	shalt  }
0x6b: {  	_ =	shalt  }
0x6c: {  	_ =	shalt  }
0x6d: {  	_ =	shalt  }
0x6e: {  	_ =	shalt  }
0x6f: {  	_ =	shalt  }
0x70: {  	_ =	shalt  }
0x71: {  	_ =	shalt  }
0x72: {  	_ =	shalt  }
0x73: {  	_ =	shalt  }
0x74: {  	_ =	shalt  }
0x75: {  	_ =	shalt  }
0x76: {  	_ =	shalt  }
0x77: {  	_ =	shalt  }
0x78: {  	_ =	shalt  }
0x79: {  	_ =	shalt  }
0x7a: {  	_ =	shalt  }
0x7b: {  	_ =	shalt  }
0x7c: {  	_ =	shalt  }
0x7d: {  	_ =	shalt  }
0x7e: {  	_ =	shalt  }
0x7f: {  	_ =	shalt  }
0x80: {  	_ =	shalt  }
0x81: {  	_ =	shalt  }
0x82: {  	_ =	shalt  }
0x83: {  	_ =	shalt  }
0x84: {  	_ =	shalt  }
0x85: {  	_ =	shalt  }
0x86: {  	_ =	shalt  }
0x87: {  	_ =	shalt  }
.Lfunc_end0:
.L_simem_size_0:
called_computation.2_lowered:
.L_overlay_start_0:
0x88: {  	s2 =	sld [smem:$0x3FD9]  }
0x89: {  	s3 =	sld [smem:$0x3FFE];
	_ =	sdelay $0x1  }
0x8a: {  	s1 =	srdreg.scid  }
0x8b: {  	s0 =	sand.u32 $0x1, s1  }
0x8c: {  	s16 =	sshll.u32 s0, $0xA;
	s2 =	sadd.s32 s3, s2  }
0x8d: {  	s2 =	sadd.s32 s2, s16  }
0x8e: {  	[smem:$0x3FAE] =	sst s2  }
0x8f: {  	_ = 	snop  }
0x90: {  	(tm) =	ssettm $0x1  }
0x91: {  	s17 =	sld [smem:$0x3FFB];
	_ =	sdelay $0x3  }
0x92: {  	_ =	strace s17  }
0x93: {  	s2 =	sld [smem:$0x3FFC];
	_ =	sdelay $0x3  }
0x94: {  	_ =	strace s2  }
0x95: {  	s2 =	sld [smem:$0x3FFD];
	_ =	sdelay $0x3  }
0x96: {  	_ =	strace s2  }
0x97: {  	_ =	strace $0x8FFFFFFF  }
0x98: {  	s18 =	sld [smem:$0x3FDB];
	_ =	sdelay $0x1  }
0x99: {  	s19 =	simm.s32 $_scs_section_size  }
0x9a: {  	s4 =	simm.s32 $_size__tile_overlayer_lowered;
	s5 =	simm.s32 $_tile_overlayer_lowered  }
0x9b: {  	s22 =	simm.s32 $0x1BFF;
	s21 =	sshll.u32 s5, $0x1;
	s2 =	sadd.s32 s19, s18  }
0x9c: {  	s6 =	simm.s32 $0x0;
	s20 =	sshll.u32 s4, $0x1;
	s4 =	sadd.s32 s21, s2  }
0x9d: {  	[timem:s6], [sflag:s22] =	dma.local [hbm:s4], s20  }
0x9e: {  	_ =	swait.ge [sflag:s22], s20  }
0x9f: {  	s3 =	ssub.s32 $0x0, s20;
	[sflag:s22] =	ssyncset.done $0x0  }
0xa0: {  	[sflag:s22] =	ssyncadd.s32 s3;
	_ =	sdelay $0x1  }
0xa1: {  	s23 =	simm.s32 $0x1B8B  }
0xa2: {  	_ =	swait.ge [sflag:s23], $0x1  }
0xa3: {  	[sflag:s23] =	ssyncset.done $0x0  }
0xa4: {  	s25 =	simm.s32 $0x1B8E;
	s24 =	sld [smem:$0x3FFE];
	[sflag:s23] =	ssyncadd.s32 $0xFFFFFFFF  }
0xa5: {  	s26 =	simm.s32 $execute0_lowered;
	[smem:$0x3FD2] =	sst s25  }
0xa6: {  	s4 =	sshll.u32 s26, $0x1;
	_ =	strace $0x8000004C;
	[dreg:$0x1] =	wrdreg $0xFFFFFFFF  }
0xa7: {  	s28 =	simm.s32 $_size_execute0_lowered;
	s2 =	sadd.s32 s2, s4;
	[dreg:$0x0] =	wrdreg $0x0  }
0xa8: {  	s4 =	sshll.u32 s28, $0x1;
	[dreg:$0x2] =	wrdreg s2  }
0xa9: {  	[dreg:$0x3] =	wrdreg s4  }
0xaa: {  	[dreg:$0x4] =	wrdreg $0xC0  }
0xab: {  	_ =	task [dreg:s6], $0x5FFFF  }
0xac: {  	[dreg:$0x1] =	wrdreg $0xFFFFFFFF  }
0xad: {  	[dreg:$0x0] =	wrdreg $0x60  }
0xae: {  	[dreg:$0x2] =	wrdreg s24  }
0xaf: {  	[dreg:$0x3] =	wrdreg $0xE8000  }
0xb0: {  	[dreg:$0x4] =	wrdreg $0x9  }
0xb1: {  	_ =	task.clear_ibuf [dreg:s6], $0x5FFFF;
	_ =	strace $0x9000004C  }
0xb2: {  	s29 =	simm.s32 $0x9;
	_ =	strace $0x8000004E  }
0xb3: {  	_ =	swait.ge [sflag:s29], $0x1  }
0xb4: {  	[sflag:s29] =	ssyncadd.s32 $0xFFFFFFFF  }
0xb5: {  	_ =	strace $0x9000004E  }
0xb6: {  	_ =	sfence  }
0xb7: {  	s30 =	sld [smem:$0x0];
	_ =	sdelay $0x2  }
0xb8: {  	s31 =	sshll.u32 s1, $0xD;
	s1 =	sshrl.u32 s1, $0x2  }
0xb9: {  	s3 =	sand.u32 $0x4000, s31;
	s1 =	sadd.s32 s1, s30  }
0xba: {  	s0 =	sor.u32 s3, s0;
	s1 =	sshll.u32 s1, $0x11  }
0xbb: {  	s0 =	sor.u32 s1, s0  }
0xbc: {  	s0 =	sadd.s32 $0x8F2B, s0  }
0xbd: {  	[sflag:s0] =	ssyncadd.remote.s32 $0x1  }
0xbe: {  	_ =	sfence.sel $0xFFFF  }
0xbf: {  	[dreg:$0x0] =	wrdreg $0xFFFFFFFF;
	(pc) =	sbr.abs _section_cstart, $3  }
0xc0: {  	[dreg:$0x1] =	wrdreg $0xFFFFFFFF  }
0xc1: {  	_ =	task.clear_ibuf [dreg:s6], $0x2FFFF;
	_ =	strace $0x9FFFFFFF  }
0xc2: {  	(tm) =	ssettm $0x7FFFFFFF  }
0xc3: {  	_ =	shalt  }
tec
execute0_lowered:
.L_overlay_start_1:
0x0: {  	(tag) =	ssettag $0x1  }
0x1: {  	s0 =	srdreg.scid  }
0x2: {  	s10 =	stileid.u32;
	s5 =	rddreg [dreg:$0x0]  }
0x3: {  	s2 =	rddreg [dreg:$0x1];
	s3 =	simm.s32 $0x0;
	s17 =	simm.s32 $0x9  }
0x4: {  	s19 =	simm.s32 $0x80;
	s20 =	simm.s32 $0x1AB80;
	s28 =	simm.s32 $0x2  }
0x5: {  	s29 =	simm.s32 $0x3;
	s30 =	simm.s32 $0x4;
	s31 =	simm.s32 $0x5  }
0x6: {  	s18 =	simm.s32 $0x8;
	s0 =	sand.u32 $0x1, s0;
	s6 =	smul.u32 $0xC380, s10  }
0x7: {  	[smem:$0x7FF] =	sst s3;
	s4 =	sadd.s32 $0x42A00, s5;
	s23 =	sshll.u32 s10, $0x6  }
0x8: {  	s1 =	sshll.u32 s0, $0x4;
	s7 =	smul.u32 $0xC3800, s0;
	_ =	strace $0x8000004D  }
0x9: {  	s9 =	ssub.s32 $0x2, s0;
	p0 =	seq.s32 s0, $0x0;
	s0 =	simm.s32 $0x7  }
0xa: {  	s1 =	sor.u32 s10, s1;
	s8 =	sshrl.u32 s6, $0x3;
	s21 =	sshrl.u32 s9, $0x1  }
0xb: {  	s22 =	sadd.s32 s6, s2;
	s1 =	smul.u32 $0xE80, s1;
	s7 =	sadd.s32 s6, s7  }
0xc: {  	s8 =	sadd.s32 s8, s5;
	s15 =	ssub.s32 s9, s21;
	s16 =	sshrl.u32 s22, $0x3  }
0xd: {  	s21 =	simm.s32 $0x1B380;
	s22 =	simm.s32 $0x0;
	s7 =	sshrl.u32 s7, $0x3  }
0xe: {  	s24 =	sadd.s32 $0x5B200, s8;
	s15 =	smax.u32 s15, $0x1;
	s1 =	sadd.s32 s1, s5  }
0xf: {  	s14 =	sadd.s32 s7, s5;
	s5 =	simm.s32 $0x13800;
	[dreg:$0x3] =	wrdreg s24  }
0x10: {  	s7 =	sor.u32 $0x1C09, s23;
	s23 =	simm.s32 $0x1BB80;
	s5 =	simm.s32 @!p0 $0x1C800  }
0x11: {  	s26 =	sadd.s32 $0x25A00, s1;
	s9 =	sadd.s32 $0x3E00, s1;
	s14 =	sadd.s32 $0x73A00, s14  }
0x12: {  	s1 =	simm.s32 $0x6;
	s25 =	sshrl.u32 s5, $0x2;
	[dreg:$0x4] =	wrdreg s26  }
0x13: {  	s26 =	simm.s32 $0x1;
	s10 =	sadd.s32 $0x7400, s25;
	s11 =	sadd.s32 $0x7480, s25  }
0x14: {  	s12 =	sadd.s32 $0x7500, s25;
	s13 =	sadd.s32 $0x7580, s25;
	s25 =	simm.s32 $0x1C380  }
.LBB2_1:
0x15: {  	s6 =	rddreg [dreg:$0x3]  }
0x16: {  	[spmem:s16], [sflag:s7] =	dma.local [hbm:s6], $0x1870  }
0x17: {  	_ =	swait.ge [sflag:s17], $0x1870  }
0x18: {  	[sflag:s17] =	ssyncset.done $0x0  }
0x19: {  	s24 =	rddreg [dreg:$0x4];
	[sflag:s17] =	ssyncadd.s32 $0xFFFFE790  }
0x1a: {  	[tilespmem:s3], [sflag:$0x9] =	stream.linear.gather [hbm4b:s24+s3], $0x7400, $0x38;
	[tilespmem:$0x1CB80] =	vst v63  }
0x1b: {  	_ =	swait.ge [sflag:s17], $0x7400  }
0x1c: {  	[sflag:s17] =	ssyncset.done $0x0  }
0x1d: {  	s8 =	simm.s32 $0x7400;
	[sflag:s17] =	ssyncadd.s32 $0xFFFF8C00  }
0x1e: {  	[tilespmem:s8], [sflag:$0x9] =	stream.linear.gather [hbm4b:s9+s3], $0x7400, $0x38;
	[tilespmem:$0x1CB80] =	vst v63  }
0x1f: {  	_ =	swait.ge [sflag:s17], $0x7400  }
0x20: {  	[sflag:s17] =	ssyncset.done $0x0  }
0x21: {  	[sflag:s17] =	ssyncadd.s32 $0xFFFF8C00  }
0x22: {  	[bflag:$0x0] =	sbarrier.arrive $0xFFFF  }
0x23: {  	[tilespmem:s20], [sflag:$0x1] =	stream.indirect.gather [hbm4b:s4+s19], $0x10, s3, s19, $0xb8;
	[tilespmem:$0x1CB80] =	vst v63  }
0x24: {  	_ = 	snop  }
0x25: {  	[tilespmem:s21], [sflag:$0x2] =	stream.indirect.gather [hbm4b:s4+s19], $0x10, s19, s19, $0xb8;
	[tilespmem:$0x1CB80] =	vst v63  }
0x26: {  	s24 =	simm.s32 $0x100  }
0x27: {  	[tilespmem:s23], [sflag:$0x3] =	stream.indirect.gather [hbm4b:s4+s19], $0x10, s24, s19, $0xb8;
	[tilespmem:$0x1CB80] =	vst v63  }
0x28: {  	s8 =	simm.s32 $0x180  }
0x29: {  	[tilespmem:s25], [sflag:$0x4] =	stream.indirect.gather [hbm4b:s4+s19], $0x10, s8, s19, $0xb8;
	[tilespmem:$0x1CB80] =	vst v63  }
0x2a: {  	_ =	swait.ge [sflag:s26], $0x800  }
0x2b: {  	[sflag:s26] =	ssyncset.done $0x0  }
0x2c: {  	s24 =	simm.s32 $0x7400;
	[sflag:s26] =	ssyncadd.s32 $0xFFFFF800  }
0x2d: {  	[spmem:s2] =	stream.indirect.scatter.add.f32 [tilespmem:s20], [sflag:$0x5], $0x10, s24, s19, $0xb8;
	[tilespmem:$0x1CB80] =	vst v63  }
0x2e: {  	_ =	swait.ge [sflag:s28], $0x800  }
0x2f: {  	[sflag:s28] =	ssyncset.done $0x0  }
0x30: {  	s8 =	simm.s32 $0x7480;
	[sflag:s28] =	ssyncadd.s32 $0xFFFFF800  }
0x31: {  	[spmem:s2] =	stream.indirect.scatter.add.f32 [tilespmem:s21], [sflag:$0x6], $0x10, s8, s19, $0xb8;
	[tilespmem:$0x1CB80] =	vst v63  }
0x32: {  	_ =	swait.ge [sflag:s29], $0x800  }
0x33: {  	[sflag:s29] =	ssyncset.done $0x0  }
0x34: {  	s24 =	simm.s32 $0x7500;
	[sflag:s29] =	ssyncadd.s32 $0xFFFFF800  }
0x35: {  	[spmem:s2] =	stream.indirect.scatter.add.f32 [tilespmem:s23], [sflag:$0x7], $0x10, s24, s19, $0xb8;
	[tilespmem:$0x1CB80] =	vst v63  }
0x36: {  	_ =	swait.ge [sflag:s30], $0x800  }
0x37: {  	[sflag:s30] =	ssyncset.done $0x0  }
0x38: {  	s8 =	simm.s32 $0x7580;
	[sflag:s30] =	ssyncadd.s32 $0xFFFFF800  }
0x39: {  	[spmem:s2] =	stream.indirect.scatter.add.f32 [tilespmem:s25], [sflag:$0x8], $0x10, s8, s19, $0xb8;
	[tilespmem:$0x1CB80] =	vst v63  }
0x3a: {  	_ =	swait.ge [sflag:s31], $0x800  }
0x3b: {  	[sflag:s31] =	ssyncset.done $0x0  }
0x3c: {  	s24 =	simm.s32 $0x200;
	[sflag:s31] =	ssyncadd.s32 $0xFFFFF800  }
0x3d: {  	[tilespmem:s20], [sflag:$0x1] =	stream.indirect.gather [hbm4b:s4+s19], $0x10, s24, s19, $0xb8;
	[tilespmem:$0x1CB80] =	vst v63  }
0x3e: {  	_ =	swait.ge [sflag:s1], $0x800  }
0x3f: {  	[sflag:s1] =	ssyncset.done $0x0  }
0x40: {  	s8 =	simm.s32 $0x280;
	[sflag:s1] =	ssyncadd.s32 $0xFFFFF800  }
0x41: {  	[tilespmem:s21], [sflag:$0x2] =	stream.indirect.gather [hbm4b:s4+s19], $0x10, s8, s19, $0xb8;
	[tilespmem:$0x1CB80] =	vst v63  }
0x42: {  	_ =	swait.ge [sflag:s0], $0x800  }
0x43: {  	p0 =	sne.s32 s5, $0x800;
	[sflag:s0] =	ssyncset.done $0x0  }
.Ltmp0:
0x44: {  	s24 =	simm.s32 $0x300;
	[sflag:s0] =	ssyncadd.s32 $0xFFFFF800;
	(pc) =	sbr.rel @!p0 .LBB2_3-.Ltmp0, $4  }
0x45: {  	[tilespmem:s23], [sflag:$0x3] =	stream.indirect.gather [hbm4b:s4+s19], $0x10, s24, s19, $0xb8;
	[tilespmem:$0x1CB80] =	vst v63  }
0x46: {  	_ =	swait.ge [sflag:s18], $0x800  }
0x47: {  	[sflag:s18] =	ssyncset.done $0x0  }
0x48: {  	s6 =	simm.s32 $0x380;
	s24 =	simm.s32 $0x800;
	[sflag:s18] =	ssyncadd.s32 $0xFFFFF800  }
.LBB2_2:
0x49: {  	[tilespmem:s25], [sflag:$0x4] =	stream.indirect.gather [hbm4b:s4+s19], $0x10, s6, s19, $0xb8;
	[tilespmem:$0x1CB80] =	vst v63  }
0x4a: {  	s6 =	smov.u32 s24;
	s24 =	sadd.s32 $0x800, s24;
	_ =	swait.ge [sflag:s26], $0x800  }
0x4b: {  	s6 =	sshra.s32 s6, $0x2;
	p0 =	sne.s32 s5, s24;
	[sflag:s26] =	ssyncset.done $0x0  }
0x4c: {  	s8 =	sadd.s32 $0x7400, s6;
	[sflag:s26] =	ssyncadd.s32 $0xFFFFF800  }
0x4d: {  	[spmem:s2] =	stream.indirect.scatter.add.f32 [tilespmem:s20], [sflag:$0x5], $0x10, s8, s19, $0xb8;
	[tilespmem:$0x1CB80] =	vst v63  }
0x4e: {  	_ =	swait.ge [sflag:s28], $0x800  }
0x4f: {  	[sflag:s28] =	ssyncset.done $0x0  }
0x50: {  	s8 =	sadd.s32 $0x7480, s6;
	[sflag:s28] =	ssyncadd.s32 $0xFFFFF800  }
0x51: {  	[spmem:s2] =	stream.indirect.scatter.add.f32 [tilespmem:s21], [sflag:$0x6], $0x10, s8, s19, $0xb8;
	[tilespmem:$0x1CB80] =	vst v63  }
0x52: {  	_ =	swait.ge [sflag:s29], $0x800  }
0x53: {  	[sflag:s29] =	ssyncset.done $0x0  }
0x54: {  	s8 =	sadd.s32 $0x7500, s6;
	[sflag:s29] =	ssyncadd.s32 $0xFFFFF800  }
0x55: {  	[spmem:s2] =	stream.indirect.scatter.add.f32 [tilespmem:s23], [sflag:$0x7], $0x10, s8, s19, $0xb8;
	[tilespmem:$0x1CB80] =	vst v63  }
0x56: {  	_ =	swait.ge [sflag:s30], $0x800  }
0x57: {  	[sflag:s30] =	ssyncset.done $0x0  }
0x58: {  	s8 =	sadd.s32 $0x7580, s6;
	[sflag:s30] =	ssyncadd.s32 $0xFFFFF800  }
0x59: {  	[spmem:s2] =	stream.indirect.scatter.add.f32 [tilespmem:s25], [sflag:$0x8], $0x10, s8, s19, $0xb8;
	[tilespmem:$0x1CB80] =	vst v63  }
0x5a: {  	_ =	swait.ge [sflag:s31], $0x800  }
0x5b: {  	[sflag:s31] =	ssyncset.done $0x0  }
0x5c: {  	s8 =	sadd.s32 $0x200, s6;
	[sflag:s31] =	ssyncadd.s32 $0xFFFFF800  }
0x5d: {  	[tilespmem:s20], [sflag:$0x1] =	stream.indirect.gather [hbm4b:s4+s19], $0x10, s8, s19, $0xb8;
	[tilespmem:$0x1CB80] =	vst v63  }
0x5e: {  	_ =	swait.ge [sflag:s1], $0x800  }
0x5f: {  	[sflag:s1] =	ssyncset.done $0x0  }
0x60: {  	s8 =	sadd.s32 $0x280, s6;
	[sflag:s1] =	ssyncadd.s32 $0xFFFFF800  }
0x61: {  	[tilespmem:s21], [sflag:$0x2] =	stream.indirect.gather [hbm4b:s4+s19], $0x10, s8, s19, $0xb8;
	[tilespmem:$0x1CB80] =	vst v63  }
0x62: {  	_ =	swait.ge [sflag:s0], $0x800  }
0x63: {  	[sflag:s0] =	ssyncset.done $0x0  }
.Ltmp1:
0x64: {  	s8 =	sadd.s32 $0x300, s6;
	[sflag:s0] =	ssyncadd.s32 $0xFFFFF800;
	(pc) =	sbr.rel @p0 .LBB2_2-.Ltmp1, $4  }
0x65: {  	[tilespmem:s23], [sflag:$0x3] =	stream.indirect.gather [hbm4b:s4+s19], $0x10, s8, s19, $0xb8;
	[tilespmem:$0x1CB80] =	vst v63  }
0x66: {  	_ =	swait.ge [sflag:s18], $0x800  }
0x67: {  	[sflag:s18] =	ssyncset.done $0x0  }
0x68: {  	s6 =	sadd.s32 $0x380, s6;
	[sflag:s18] =	ssyncadd.s32 $0xFFFFF800  }
.LBB2_3:
0x69: {  	[tilespmem:s25], [sflag:$0x4] =	stream.indirect.gather [hbm4b:s4+s19], $0x10, s6, s19, $0xb8;
	[tilespmem:$0x1CB80] =	vst v63  }
0x6a: {  	_ =	swait.ge [sflag:s26], $0x800  }
0x6b: {  	[sflag:s26] =	ssyncset.done $0x0  }
0x6c: {  	[sflag:s26] =	ssyncadd.s32 $0xFFFFF800  }
0x6d: {  	[spmem:s2] =	stream.indirect.scatter.add.f32 [tilespmem:s20], [sflag:$0x5], $0x10, s10, s19, $0xb8;
	[tilespmem:$0x1CB80] =	vst v63  }
0x6e: {  	_ =	swait.ge [sflag:s28], $0x800  }
0x6f: {  	[sflag:s28] =	ssyncset.done $0x0  }
0x70: {  	[sflag:s28] =	ssyncadd.s32 $0xFFFFF800  }
0x71: {  	[spmem:s2] =	stream.indirect.scatter.add.f32 [tilespmem:s21], [sflag:$0x6], $0x10, s11, s19, $0xb8;
	[tilespmem:$0x1CB80] =	vst v63  }
0x72: {  	_ =	swait.ge [sflag:s29], $0x800  }
0x73: {  	[sflag:s29] =	ssyncset.done $0x0  }
0x74: {  	[sflag:s29] =	ssyncadd.s32 $0xFFFFF800  }
0x75: {  	[spmem:s2] =	stream.indirect.scatter.add.f32 [tilespmem:s23], [sflag:$0x7], $0x10, s12, s19, $0xb8;
	[tilespmem:$0x1CB80] =	vst v63  }
0x76: {  	_ =	swait.ge [sflag:s30], $0x800  }
0x77: {  	[sflag:s30] =	ssyncset.done $0x0  }
0x78: {  	[sflag:s30] =	ssyncadd.s32 $0xFFFFF800  }
0x79: {  	[spmem:s2] =	stream.indirect.scatter.add.f32 [tilespmem:s25], [sflag:$0x8], $0x10, s13, s19, $0xb8;
	[tilespmem:$0x1CB80] =	vst v63  }
0x7a: {  	_ =	swait.ge [sflag:s31], $0x800  }
0x7b: {  	[sflag:s31] =	ssyncset.done $0x0  }
0x7c: {  	[sflag:s31] =	ssyncadd.s32 $0xFFFFF800  }
0x7d: {  	_ =	swait.ge [sflag:s1], $0x800  }
0x7e: {  	[sflag:s1] =	ssyncset.done $0x0  }
0x7f: {  	[sflag:s1] =	ssyncadd.s32 $0xFFFFF800  }
0x80: {  	_ =	swait.ge [sflag:s0], $0x800  }
0x81: {  	[sflag:s0] =	ssyncset.done $0x0  }
0x82: {  	[sflag:s0] =	ssyncadd.s32 $0xFFFFF800  }
0x83: {  	_ =	swait.ge [sflag:s18], $0x800  }
0x84: {  	s22 =	sadd.s32 $0x1, s22;
	[sflag:s18] =	ssyncset.done $0x0  }
0x85: {  	p0 =	sne.s32 s22, s15;
	[sflag:s18] =	ssyncadd.s32 $0xFFFFF800  }
.Ltmp2:
0x86: {  	[bflag:$0x0] =	sbarrier.arrive $0xFFFF;
	(pc) =	sbr.rel @p0 .LBB2_1-.Ltmp2, $4  }
0x87: {  	[hbm:s14], [sflag:s7] =	dma.local [spmem:s16], $0x1870  }
0x88: {  	_ =	swait.ge [sflag:s17], $0x1870  }
0x89: {  	[sflag:s17] =	ssyncset.done $0x0  }
0x8a: {  	[sflag:s17] =	ssyncadd.s32 $0xFFFFE790  }
0x8b: {  	_ =	sfence.sel $0x180000  }
0x8c: {  	[bflag:$0x0] =	sbarrier.arrive $0xFFFF  }
0x8d: {  	_ =	strace $0x9000004D  }
0x8e: {  	s0 =	stileid.u32;
	[bflag:$0x2] =	sbarrier.arrive $0xFFFF  }
0x8f: {  	p0 =	sne.s32 s0, $0x0;
	s0 =	rddreg [dreg:$0x2]  }
0x90: {  	s0 =	sadd.s32 @!p0 $0x100000, s0  }
0x91: {  	[sflag:s0] =	ssyncadd.tile.s32 @!p0 $0x1;
	_ =	shalt  }
.Lfunc_end2:
_tile_overlayer_lowered:
.L_overlay_start_2:
0x92: {  	(tag) =	ssettag $0x2  }
0x93: {  	s0 =	rddreg [dreg:$0x0];
	s2 =	stileid.u32  }
0x94: {  	s1 =	rddreg [dreg:$0x1];
	p0 =	sne.s32 s2, $0x0  }
0x95: {  	s3 =	rddreg [dreg:$0x2];
	[bflag:$0x3] =	sbarrier.arrive $0xFFFF;
	s2 =	simm.s32 @!p0 $0x1C09  }
0x96: {  	[timem:s3], [sflag:s2] =	dma.local @!p0 [hbm:s0], s1  }
0x97: {  	s0 =	simm.s32 @!p0 $0x9  }
0x98: {  	_ =	swait.ge @!p0 [sflag:s0], s1  }
0x99: {  	s1 =	ssub.s32 @!p0 $0x0, s1;
	[sflag:s0] =	ssyncset.done @!p0 $0x0  }
0x9a: {  	[sflag:s0] =	ssyncadd.s32 @!p0 s1  }
0x9b: {  	[bflag:$0x3] =	sbarrier.arrive $0xFFFF  }
0x9c: {  	_ =	shalt  }

// kernel: kernel.22.cloned.1.call-start
scs
__scs_entry_jumppad:
0x0: {  	(pc) =	sbr.rel $0x88, $3  }
0x1: {  	(tag) =	ssettag $0x0;
	lr =	simm.s32 $0x1  }
0x2: {  	[smem:$0x3F87] =	sst lr;
	_ =	strace $0xD0000000  }
0x3: {  	_ = 	snop  }
0x4: {  	_ = 	snop  }
0x5: {  	_ = 	snop  }
0x6: {  	_ = 	snop  }
0x7: {  	_ = 	snop  }
__scs_overlays_trampoline_lowered:
0x8: {  	[smem:$0x3F96] =	sst s0  }
0x9: {  	[smem:$0x3F97] =	sst s1  }
0xa: {  	[smem:$0x3F98] =	sst s2  }
0xb: {  	[smem:$0x3F99] =	sst s3  }
0xc: {  	[smem:$0x3F9A] =	sst s4  }
0xd: {  	[smem:$0x3F9B] =	sst s5  }
0xe: {  	[smem:$0x3F9C] =	sst s6  }
0xf: {  	[smem:$0x3F9D] =	sst s7  }
0x10: {  	[smem:$0x3F9E] =	sst s8  }
0x11: {  	[smem:$0x3F9F] =	sst s9;
	s0 =	simm.s32 @!p0 $0x0  }
0x12: {  	s1 =	sld [smem:$0x3F85];
	s0 =	simm.s32 @p0 $0x1  }
0x13: {  	[smem:$0x3FA0] =	sst s0;
	s0 =	simm.s32 @!p1 $0x0  }
0x14: {  	s2 =	sld [smem:$0x3F84];
	s0 =	simm.s32 @p1 $0x1  }
0x15: {  	[smem:$0x3FA1] =	sst s0;
	s0 =	simm.s32 @!p2 $0x0  }
0x16: {  	s3 =	sld [smem:$0x3FDB];
	s0 =	simm.s32 @p2 $0x1  }
0x17: {  	s4 =	simm.s32 $0x1BF5;
	[smem:$0x3FA3] =	sst s0  }
0x18: {  	s0 =	sld [smem:$0x3F86];
	_ =	swait.ge [sflag:s4], $0x0  }
0x19: {  	s7 =	sld [smem:$0x3F87]  }
0x1a: {  	s8 =	sadd.s32 $0xFFFFE003, lr  }
0x1b: {  	s9 =	sadd.s32 $0xFFFFFEF7, lr;
	s5 =	simm.s32 $0xFFFFFFFF;
	p2 =	slt.u32 s8, $0xFFFFF086  }
0x1c: {  	p1 =	slt.u32 s9, $0xF7A;
	s5 =	simm.s32 @!p2 $0x0  }
0x1d: {  	s5 =	simm.s32 @p1 $0x1;
	p0 =	seq.s32 s7, s2  }
0x1e: {  	s7 =	smul.u32 @!p0 $0xF7A, s2;
	p2 =	seq.s32 @!p0 s5, $0x0  }
0x1f: {  	s9 =	smul.u32 $0xF7A, s1;
	s8 =	simm.s32 @!p0 $0x1BF5;
	p2 =	por !p2, p0  }
0x20: {  	[sflag:s8] =	ssyncset.s32 @!p0 $0xFFFFF086;
	s6 =	sadd.s32 @!p0 s3, s7;
	s7 =	simm.s32 @!p0 $0x108  }
0x21: {  	s3 =	sadd.s32 s3, s9;
	s6 =	sadd.s32 @!p0 $0x88, s6;
	s7 =	simm.s32 @p2 $0x1082  }
0x22: {  	[simem:s7], [sflag:s8] =	dma.local @!p0 [hbm:s6], $0xF7A  }
0x23: {  	s9 =	sor.u32 $0xD0000000, s2;
	s6 =	simm.s32 $0x108;
	_ =	swait.ge @!p0 [sflag:s8], $0x0  }
0x24: {  	s3 =	sadd.s32 $0x88, s3;
	s6 =	simm.s32 @!p1 $0x1082;
	[sflag:s4] =	ssyncset.s32 $0xFFFFF086  }
0x25: {  	[simem:s6], [sflag:s4] =	dma.local [hbm:s3], $0xF7A  }
0x26: {  	[smem:$0x3F87] =	sst s1;
	(tag) =	ssettag s2;
	_ =	strace s9  }
0x27: {  	s1 =	sld [smem:$0x3F97]  }
0x28: {  	s2 =	sld [smem:$0x3F98]  }
0x29: {  	s4 =	sld [smem:$0x3F9A]  }
0x2a: {  	p0 =	seq.s32 s5, $0x0;
	s5 =	sld [smem:$0x3F9B]  }
0x2b: {  	s6 =	sld [smem:$0x3F9C]  }
0x2c: {  	s7 =	sld [smem:$0x3F9D]  }
0x2d: {  	s3 =	simm.s32 $0x108;
	s8 =	sld [smem:$0x3F9E]  }
0x2e: {  	s3 =	simm.s32 @!p0 $0x1082;
	s9 =	sld [smem:$0x3F9F]  }
0x2f: {  	lr =	sadd.s32 s0, s3;
	s0 =	sld [smem:$0x3F96]  }
0x30: {  	s3 =	sld [smem:$0x3F99]  }
0x31: {  	[smem:$0x3FA2] =	sst s10  }
0x32: {  	s10 =	sld [smem:$0x3FA0];
	_ =	sdelay $0x3  }
0x33: {  	p0 =	seq.s32 s10, $0x1;
	s10 =	sld [smem:$0x3FA2];
	_ =	sdelay $0x3  }
0x34: {  	[smem:$0x3FA2] =	sst s10  }
0x35: {  	s10 =	sld [smem:$0x3FA1];
	_ =	sdelay $0x3  }
0x36: {  	p1 =	seq.s32 s10, $0x1;
	s10 =	sld [smem:$0x3FA2];
	_ =	sdelay $0x3  }
0x37: {  	[smem:$0x3FA2] =	sst s10  }
0x38: {  	s10 =	sld [smem:$0x3FA3]  }
0x39: {  	_ = 	snop;
	(pc) =	sbr.ind lr, $3  }
0x3a: {  	_ = 	snop  }
0x3b: {  	_ = 	snop  }
0x3c: {  	p2 =	seq.s32 s10, $0x1;
	s10 =	sld [smem:$0x3FA2]  }
0x3d: {  	_ =	shalt  }
0x3e: {  	_ =	shalt  }
0x3f: {  	_ =	shalt  }
0x40: {  	_ =	shalt  }
0x41: {  	_ =	shalt  }
0x42: {  	_ =	shalt  }
0x43: {  	_ =	shalt  }
0x44: {  	_ =	shalt  }
0x45: {  	_ =	shalt  }
0x46: {  	_ =	shalt  }
0x47: {  	_ =	shalt  }
0x48: {  	_ =	shalt  }
0x49: {  	_ =	shalt  }
0x4a: {  	_ =	shalt  }
0x4b: {  	_ =	shalt  }
0x4c: {  	_ =	shalt  }
0x4d: {  	_ =	shalt  }
0x4e: {  	_ =	shalt  }
0x4f: {  	_ =	shalt  }
0x50: {  	_ =	shalt  }
0x51: {  	_ =	shalt  }
0x52: {  	_ =	shalt  }
0x53: {  	_ =	shalt  }
0x54: {  	_ =	shalt  }
0x55: {  	_ =	shalt  }
0x56: {  	_ =	shalt  }
0x57: {  	_ =	shalt  }
0x58: {  	_ =	shalt  }
0x59: {  	_ =	shalt  }
0x5a: {  	_ =	shalt  }
0x5b: {  	_ =	shalt  }
0x5c: {  	_ =	shalt  }
0x5d: {  	_ =	shalt  }
0x5e: {  	_ =	shalt  }
0x5f: {  	_ =	shalt  }
0x60: {  	_ =	shalt  }
0x61: {  	_ =	shalt  }
0x62: {  	_ =	shalt  }
0x63: {  	_ =	shalt  }
0x64: {  	_ =	shalt  }
0x65: {  	_ =	shalt  }
0x66: {  	_ =	shalt  }
0x67: {  	_ =	shalt  }
0x68: {  	_ =	shalt  }
0x69: {  	_ =	shalt  }
0x6a: {  	_ =	shalt  }
0x6b: {  	_ =	shalt  }
0x6c: {  	_ =	shalt  }
0x6d: {  	_ =	shalt  }
0x6e: {  	_ =	shalt  }
0x6f: {  	_ =	shalt  }
0x70: {  	_ =	shalt  }
0x71: {  	_ =	shalt  }
0x72: {  	_ =	shalt  }
0x73: {  	_ =	shalt  }
0x74: {  	_ =	shalt  }
0x75: {  	_ =	shalt  }
0x76: {  	_ =	shalt  }
0x77: {  	_ =	shalt  }
0x78: {  	_ =	shalt  }
0x79: {  	_ =	shalt  }
0x7a: {  	_ =	shalt  }
0x7b: {  	_ =	shalt  }
0x7c: {  	_ =	shalt  }
0x7d: {  	_ =	shalt  }
0x7e: {  	_ =	shalt  }
0x7f: {  	_ =	shalt  }
0x80: {  	_ =	shalt  }
0x81: {  	_ =	shalt  }
0x82: {  	_ =	shalt  }
0x83: {  	_ =	shalt  }
0x84: {  	_ =	shalt  }
0x85: {  	_ =	shalt  }
0x86: {  	_ =	shalt  }
0x87: {  	_ =	shalt  }
.Lfunc_end0:
.L_simem_size_0:
called_computation.3_lowered:
.L_overlay_start_0:
0x88: {  	s2 =	sld [smem:$0x3FD9]  }
0x89: {  	s3 =	sld [smem:$0x3FFE];
	_ =	sdelay $0x1  }
0x8a: {  	s1 =	srdreg.scid  }
0x8b: {  	s0 =	sand.u32 $0x1, s1  }
0x8c: {  	s16 =	sshll.u32 s0, $0xA;
	s2 =	sadd.s32 s3, s2  }
0x8d: {  	s2 =	sadd.s32 s2, s16  }
0x8e: {  	[smem:$0x3FAE] =	sst s2  }
0x8f: {  	_ = 	snop  }
0x90: {  	(tm) =	ssettm $0x1  }
0x91: {  	s17 =	sld [smem:$0x3FFB];
	_ =	sdelay $0x3  }
0x92: {  	_ =	strace s17  }
0x93: {  	s2 =	sld [smem:$0x3FFC];
	_ =	sdelay $0x3  }
0x94: {  	_ =	strace s2  }
0x95: {  	s2 =	sld [smem:$0x3FFD];
	_ =	sdelay $0x3  }
0x96: {  	_ =	strace s2  }
0x97: {  	_ =	strace $0x8FFFFFFF  }
0x98: {  	s18 =	sld [smem:$0x3FDB];
	_ =	sdelay $0x1  }
0x99: {  	s19 =	simm.s32 $_scs_section_size  }
0x9a: {  	s4 =	simm.s32 $_size__tile_overlayer_lowered;
	s5 =	simm.s32 $_tile_overlayer_lowered  }
0x9b: {  	s22 =	simm.s32 $0x1BFF;
	s21 =	sshll.u32 s5, $0x1;
	s2 =	sadd.s32 s19, s18  }
0x9c: {  	s6 =	simm.s32 $0x0;
	s20 =	sshll.u32 s4, $0x1;
	s4 =	sadd.s32 s21, s2  }
0x9d: {  	[timem:s6], [sflag:s22] =	dma.local [hbm:s4], s20  }
0x9e: {  	_ =	swait.ge [sflag:s22], s20  }
0x9f: {  	s3 =	ssub.s32 $0x0, s20;
	[sflag:s22] =	ssyncset.done $0x0  }
0xa0: {  	[sflag:s22] =	ssyncadd.s32 s3;
	_ =	sdelay $0x1  }
0xa1: {  	s23 =	simm.s32 $0x1B8B  }
0xa2: {  	_ =	swait.ge [sflag:s23], $0x1  }
0xa3: {  	[sflag:s23] =	ssyncset.done $0x0  }
0xa4: {  	s25 =	simm.s32 $0x1B8E;
	s24 =	sld [smem:$0x3FFE];
	[sflag:s23] =	ssyncadd.s32 $0xFFFFFFFF  }
0xa5: {  	s26 =	simm.s32 $execute0_lowered;
	[smem:$0x3FD2] =	sst s25  }
0xa6: {  	s4 =	sshll.u32 s26, $0x1;
	_ =	strace $0x8000004F;
	[dreg:$0x1] =	wrdreg $0xFFFFFFFF  }
0xa7: {  	s28 =	simm.s32 $_size_execute0_lowered;
	s2 =	sadd.s32 s2, s4;
	[dreg:$0x0] =	wrdreg $0x0  }
0xa8: {  	s4 =	sshll.u32 s28, $0x1;
	[dreg:$0x2] =	wrdreg s2  }
0xa9: {  	[dreg:$0x3] =	wrdreg s4  }
0xaa: {  	[dreg:$0x4] =	wrdreg $0xC0  }
0xab: {  	_ =	task [dreg:s6], $0x5FFFF  }
0xac: {  	[dreg:$0x1] =	wrdreg $0xFFFFFFFF  }
0xad: {  	[dreg:$0x0] =	wrdreg $0x60  }
0xae: {  	[dreg:$0x2] =	wrdreg s24  }
0xaf: {  	[dreg:$0x3] =	wrdreg $0xE8000  }
0xb0: {  	[dreg:$0x4] =	wrdreg $0x9  }
0xb1: {  	_ =	task.clear_ibuf [dreg:s6], $0x5FFFF;
	_ =	strace $0x9000004F  }
0xb2: {  	s29 =	simm.s32 $0x9;
	_ =	strace $0x80000051  }
0xb3: {  	_ =	swait.ge [sflag:s29], $0x1  }
0xb4: {  	[sflag:s29] =	ssyncadd.s32 $0xFFFFFFFF  }
0xb5: {  	_ =	strace $0x90000051  }
0xb6: {  	_ =	sfence  }
0xb7: {  	s30 =	sld [smem:$0x0];
	_ =	sdelay $0x2  }
0xb8: {  	s31 =	sshll.u32 s1, $0xD;
	s1 =	sshrl.u32 s1, $0x2  }
0xb9: {  	s3 =	sand.u32 $0x4000, s31;
	s1 =	sadd.s32 s1, s30  }
0xba: {  	s0 =	sor.u32 s3, s0;
	s1 =	sshll.u32 s1, $0x11  }
0xbb: {  	s0 =	sor.u32 s1, s0  }
0xbc: {  	s0 =	sadd.s32 $0x8F2B, s0  }
0xbd: {  	[sflag:s0] =	ssyncadd.remote.s32 $0x1  }
0xbe: {  	_ =	sfence.sel $0xFFFF  }
0xbf: {  	[dreg:$0x0] =	wrdreg $0xFFFFFFFF;
	(pc) =	sbr.abs _section_cstart, $3  }
0xc0: {  	[dreg:$0x1] =	wrdreg $0xFFFFFFFF  }
0xc1: {  	_ =	task.clear_ibuf [dreg:s6], $0x2FFFF;
	_ =	strace $0x9FFFFFFF  }
0xc2: {  	(tm) =	ssettm $0x7FFFFFFF  }
0xc3: {  	_ =	shalt  }
tec
execute0_lowered:
.L_overlay_start_1:
0x0: {  	(tag) =	ssettag $0x1  }
0x1: {  	s0 =	srdreg.scid  }
0x2: {  	s10 =	stileid.u32;
	s5 =	rddreg [dreg:$0x0]  }
0x3: {  	s2 =	rddreg [dreg:$0x1];
	s3 =	simm.s32 $0x0;
	s17 =	simm.s32 $0x9  }
0x4: {  	s19 =	simm.s32 $0x80;
	s20 =	simm.s32 $0x1AB80;
	s28 =	simm.s32 $0x2  }
0x5: {  	s29 =	simm.s32 $0x3;
	s30 =	simm.s32 $0x4;
	s31 =	simm.s32 $0x5  }
0x6: {  	s18 =	simm.s32 $0x8;
	s0 =	sand.u32 $0x1, s0;
	s6 =	smul.u32 $0xC380, s10  }
0x7: {  	[smem:$0x7FF] =	sst s3;
	s4 =	sadd.s32 $0x42A00, s5;
	s23 =	sshll.u32 s10, $0x6  }
0x8: {  	s1 =	sshll.u32 s0, $0x4;
	s7 =	smul.u32 $0xC3800, s0;
	_ =	strace $0x80000050  }
0x9: {  	s9 =	ssub.s32 $0x2, s0;
	p0 =	seq.s32 s0, $0x0;
	s0 =	simm.s32 $0x7  }
0xa: {  	s1 =	sor.u32 s10, s1;
	s8 =	sshrl.u32 s6, $0x3;
	s21 =	sshrl.u32 s9, $0x1  }
0xb: {  	s22 =	sadd.s32 s6, s2;
	s1 =	smul.u32 $0xE80, s1;
	s7 =	sadd.s32 s6, s7  }
0xc: {  	s8 =	sadd.s32 s8, s5;
	s15 =	ssub.s32 s9, s21;
	s16 =	sshrl.u32 s22, $0x3  }
0xd: {  	s21 =	simm.s32 $0x1B380;
	s22 =	simm.s32 $0x0;
	s7 =	sshrl.u32 s7, $0x3  }
0xe: {  	s24 =	sadd.s32 $0x5B200, s8;
	s15 =	smax.u32 s15, $0x1;
	s1 =	sadd.s32 s1, s5  }
0xf: {  	s14 =	sadd.s32 s7, s5;
	s5 =	simm.s32 $0x13800;
	[dreg:$0x3] =	wrdreg s24  }
0x10: {  	s7 =	sor.u32 $0x1C09, s23;
	s23 =	simm.s32 $0x1BB80;
	s5 =	simm.s32 @!p0 $0x1C800  }
0x11: {  	s26 =	sadd.s32 $0x25A00, s1;
	s9 =	sadd.s32 $0x3E00, s1;
	s14 =	sadd.s32 $0x73A00, s14  }
0x12: {  	s1 =	simm.s32 $0x6;
	s25 =	sshrl.u32 s5, $0x2;
	[dreg:$0x4] =	wrdreg s26  }
0x13: {  	s26 =	simm.s32 $0x1;
	s10 =	sadd.s32 $0x7400, s25;
	s11 =	sadd.s32 $0x7480, s25  }
0x14: {  	s12 =	sadd.s32 $0x7500, s25;
	s13 =	sadd.s32 $0x7580, s25;
	s25 =	simm.s32 $0x1C380  }
.LBB2_1:
0x15: {  	s6 =	rddreg [dreg:$0x3]  }
0x16: {  	[spmem:s16], [sflag:s7] =	dma.local [hbm:s6], $0x1870  }
0x17: {  	_ =	swait.ge [sflag:s17], $0x1870  }
0x18: {  	[sflag:s17] =	ssyncset.done $0x0  }
0x19: {  	s24 =	rddreg [dreg:$0x4];
	[sflag:s17] =	ssyncadd.s32 $0xFFFFE790  }
0x1a: {  	[tilespmem:s3], [sflag:$0x9] =	stream.linear.gather [hbm4b:s24+s3], $0x7400, $0x38;
	[tilespmem:$0x1CB80] =	vst v63  }
0x1b: {  	_ =	swait.ge [sflag:s17], $0x7400  }
0x1c: {  	[sflag:s17] =	ssyncset.done $0x0  }
0x1d: {  	s8 =	simm.s32 $0x7400;
	[sflag:s17] =	ssyncadd.s32 $0xFFFF8C00  }
0x1e: {  	[tilespmem:s8], [sflag:$0x9] =	stream.linear.gather [hbm4b:s9+s3], $0x7400, $0x38;
	[tilespmem:$0x1CB80] =	vst v63  }
0x1f: {  	_ =	swait.ge [sflag:s17], $0x7400  }
0x20: {  	[sflag:s17] =	ssyncset.done $0x0  }
0x21: {  	[sflag:s17] =	ssyncadd.s32 $0xFFFF8C00  }
0x22: {  	[bflag:$0x0] =	sbarrier.arrive $0xFFFF  }
0x23: {  	[tilespmem:s20], [sflag:$0x1] =	stream.indirect.gather [hbm4b:s4+s19], $0x10, s3, s19, $0xb8;
	[tilespmem:$0x1CB80] =	vst v63  }
0x24: {  	_ = 	snop  }
0x25: {  	[tilespmem:s21], [sflag:$0x2] =	stream.indirect.gather [hbm4b:s4+s19], $0x10, s19, s19, $0xb8;
	[tilespmem:$0x1CB80] =	vst v63  }
0x26: {  	s24 =	simm.s32 $0x100  }
0x27: {  	[tilespmem:s23], [sflag:$0x3] =	stream.indirect.gather [hbm4b:s4+s19], $0x10, s24, s19, $0xb8;
	[tilespmem:$0x1CB80] =	vst v63  }
0x28: {  	s8 =	simm.s32 $0x180  }
0x29: {  	[tilespmem:s25], [sflag:$0x4] =	stream.indirect.gather [hbm4b:s4+s19], $0x10, s8, s19, $0xb8;
	[tilespmem:$0x1CB80] =	vst v63  }
0x2a: {  	_ =	swait.ge [sflag:s26], $0x800  }
0x2b: {  	[sflag:s26] =	ssyncset.done $0x0  }
0x2c: {  	s24 =	simm.s32 $0x7400;
	[sflag:s26] =	ssyncadd.s32 $0xFFFFF800  }
0x2d: {  	[spmem:s2] =	stream.indirect.scatter.add.f32 [tilespmem:s20], [sflag:$0x5], $0x10, s24, s19, $0xb8;
	[tilespmem:$0x1CB80] =	vst v63  }
0x2e: {  	_ =	swait.ge [sflag:s28], $0x800  }
0x2f: {  	[sflag:s28] =	ssyncset.done $0x0  }
0x30: {  	s8 =	simm.s32 $0x7480;
	[sflag:s28] =	ssyncadd.s32 $0xFFFFF800  }
0x31: {  	[spmem:s2] =	stream.indirect.scatter.add.f32 [tilespmem:s21], [sflag:$0x6], $0x10, s8, s19, $0xb8;
	[tilespmem:$0x1CB80] =	vst v63  }
0x32: {  	_ =	swait.ge [sflag:s29], $0x800  }
0x33: {  	[sflag:s29] =	ssyncset.done $0x0  }
0x34: {  	s24 =	simm.s32 $0x7500;
	[sflag:s29] =	ssyncadd.s32 $0xFFFFF800  }
0x35: {  	[spmem:s2] =	stream.indirect.scatter.add.f32 [tilespmem:s23], [sflag:$0x7], $0x10, s24, s19, $0xb8;
	[tilespmem:$0x1CB80] =	vst v63  }
0x36: {  	_ =	swait.ge [sflag:s30], $0x800  }
0x37: {  	[sflag:s30] =	ssyncset.done $0x0  }
0x38: {  	s8 =	simm.s32 $0x7580;
	[sflag:s30] =	ssyncadd.s32 $0xFFFFF800  }
0x39: {  	[spmem:s2] =	stream.indirect.scatter.add.f32 [tilespmem:s25], [sflag:$0x8], $0x10, s8, s19, $0xb8;
	[tilespmem:$0x1CB80] =	vst v63  }
0x3a: {  	_ =	swait.ge [sflag:s31], $0x800  }
0x3b: {  	[sflag:s31] =	ssyncset.done $0x0  }
0x3c: {  	s24 =	simm.s32 $0x200;
	[sflag:s31] =	ssyncadd.s32 $0xFFFFF800  }
0x3d: {  	[tilespmem:s20], [sflag:$0x1] =	stream.indirect.gather [hbm4b:s4+s19], $0x10, s24, s19, $0xb8;
	[tilespmem:$0x1CB80] =	vst v63  }
0x3e: {  	_ =	swait.ge [sflag:s1], $0x800  }
0x3f: {  	[sflag:s1] =	ssyncset.done $0x0  }
0x40: {  	s8 =	simm.s32 $0x280;
	[sflag:s1] =	ssyncadd.s32 $0xFFFFF800  }
0x41: {  	[tilespmem:s21], [sflag:$0x2] =	stream.indirect.gather [hbm4b:s4+s19], $0x10, s8, s19, $0xb8;
	[tilespmem:$0x1CB80] =	vst v63  }
0x42: {  	_ =	swait.ge [sflag:s0], $0x800  }
0x43: {  	p0 =	sne.s32 s5, $0x800;
	[sflag:s0] =	ssyncset.done $0x0  }
.Ltmp0:
0x44: {  	s24 =	simm.s32 $0x300;
	[sflag:s0] =	ssyncadd.s32 $0xFFFFF800;
	(pc) =	sbr.rel @!p0 .LBB2_3-.Ltmp0, $4  }
0x45: {  	[tilespmem:s23], [sflag:$0x3] =	stream.indirect.gather [hbm4b:s4+s19], $0x10, s24, s19, $0xb8;
	[tilespmem:$0x1CB80] =	vst v63  }
0x46: {  	_ =	swait.ge [sflag:s18], $0x800  }
0x47: {  	[sflag:s18] =	ssyncset.done $0x0  }
0x48: {  	s6 =	simm.s32 $0x380;
	s24 =	simm.s32 $0x800;
	[sflag:s18] =	ssyncadd.s32 $0xFFFFF800  }
.LBB2_2:
0x49: {  	[tilespmem:s25], [sflag:$0x4] =	stream.indirect.gather [hbm4b:s4+s19], $0x10, s6, s19, $0xb8;
	[tilespmem:$0x1CB80] =	vst v63  }
0x4a: {  	s6 =	smov.u32 s24;
	s24 =	sadd.s32 $0x800, s24;
	_ =	swait.ge [sflag:s26], $0x800  }
0x4b: {  	s6 =	sshra.s32 s6, $0x2;
	p0 =	sne.s32 s5, s24;
	[sflag:s26] =	ssyncset.done $0x0  }
0x4c: {  	s8 =	sadd.s32 $0x7400, s6;
	[sflag:s26] =	ssyncadd.s32 $0xFFFFF800  }
0x4d: {  	[spmem:s2] =	stream.indirect.scatter.add.f32 [tilespmem:s20], [sflag:$0x5], $0x10, s8, s19, $0xb8;
	[tilespmem:$0x1CB80] =	vst v63  }
0x4e: {  	_ =	swait.ge [sflag:s28], $0x800  }
0x4f: {  	[sflag:s28] =	ssyncset.done $0x0  }
0x50: {  	s8 =	sadd.s32 $0x7480, s6;
	[sflag:s28] =	ssyncadd.s32 $0xFFFFF800  }
0x51: {  	[spmem:s2] =	stream.indirect.scatter.add.f32 [tilespmem:s21], [sflag:$0x6], $0x10, s8, s19, $0xb8;
	[tilespmem:$0x1CB80] =	vst v63  }
0x52: {  	_ =	swait.ge [sflag:s29], $0x800  }
0x53: {  	[sflag:s29] =	ssyncset.done $0x0  }
0x54: {  	s8 =	sadd.s32 $0x7500, s6;
	[sflag:s29] =	ssyncadd.s32 $0xFFFFF800  }
0x55: {  	[spmem:s2] =	stream.indirect.scatter.add.f32 [tilespmem:s23], [sflag:$0x7], $0x10, s8, s19, $0xb8;
	[tilespmem:$0x1CB80] =	vst v63  }
0x56: {  	_ =	swait.ge [sflag:s30], $0x800  }
0x57: {  	[sflag:s30] =	ssyncset.done $0x0  }
0x58: {  	s8 =	sadd.s32 $0x7580, s6;
	[sflag:s30] =	ssyncadd.s32 $0xFFFFF800  }
0x59: {  	[spmem:s2] =	stream.indirect.scatter.add.f32 [tilespmem:s25], [sflag:$0x8], $0x10, s8, s19, $0xb8;
	[tilespmem:$0x1CB80] =	vst v63  }
0x5a: {  	_ =	swait.ge [sflag:s31], $0x800  }
0x5b: {  	[sflag:s31] =	ssyncset.done $0x0  }
0x5c: {  	s8 =	sadd.s32 $0x200, s6;
	[sflag:s31] =	ssyncadd.s32 $0xFFFFF800  }
0x5d: {  	[tilespmem:s20], [sflag:$0x1] =	stream.indirect.gather [hbm4b:s4+s19], $0x10, s8, s19, $0xb8;
	[tilespmem:$0x1CB80] =	vst v63  }
0x5e: {  	_ =	swait.ge [sflag:s1], $0x800  }
0x5f: {  	[sflag:s1] =	ssyncset.done $0x0  }
0x60: {  	s8 =	sadd.s32 $0x280, s6;
	[sflag:s1] =	ssyncadd.s32 $0xFFFFF800  }
0x61: {  	[tilespmem:s21], [sflag:$0x2] =	stream.indirect.gather [hbm4b:s4+s19], $0x10, s8, s19, $0xb8;
	[tilespmem:$0x1CB80] =	vst v63  }
0x62: {  	_ =	swait.ge [sflag:s0], $0x800  }
0x63: {  	[sflag:s0] =	ssyncset.done $0x0  }
.Ltmp1:
0x64: {  	s8 =	sadd.s32 $0x300, s6;
	[sflag:s0] =	ssyncadd.s32 $0xFFFFF800;
	(pc) =	sbr.rel @p0 .LBB2_2-.Ltmp1, $4  }
0x65: {  	[tilespmem:s23], [sflag:$0x3] =	stream.indirect.gather [hbm4b:s4+s19], $0x10, s8, s19, $0xb8;
	[tilespmem:$0x1CB80] =	vst v63  }
0x66: {  	_ =	swait.ge [sflag:s18], $0x800  }
0x67: {  	[sflag:s18] =	ssyncset.done $0x0  }
0x68: {  	s6 =	sadd.s32 $0x380, s6;
	[sflag:s18] =	ssyncadd.s32 $0xFFFFF800  }
.LBB2_3:
0x69: {  	[tilespmem:s25], [sflag:$0x4] =	stream.indirect.gather [hbm4b:s4+s19], $0x10, s6, s19, $0xb8;
	[tilespmem:$0x1CB80] =	vst v63  }
0x6a: {  	_ =	swait.ge [sflag:s26], $0x800  }
0x6b: {  	[sflag:s26] =	ssyncset.done $0x0  }
0x6c: {  	[sflag:s26] =	ssyncadd.s32 $0xFFFFF800  }
0x6d: {  	[spmem:s2] =	stream.indirect.scatter.add.f32 [tilespmem:s20], [sflag:$0x5], $0x10, s10, s19, $0xb8;
	[tilespmem:$0x1CB80] =	vst v63  }
0x6e: {  	_ =	swait.ge [sflag:s28], $0x800  }
0x6f: {  	[sflag:s28] =	ssyncset.done $0x0  }
0x70: {  	[sflag:s28] =	ssyncadd.s32 $0xFFFFF800  }
0x71: {  	[spmem:s2] =	stream.indirect.scatter.add.f32 [tilespmem:s21], [sflag:$0x6], $0x10, s11, s19, $0xb8;
	[tilespmem:$0x1CB80] =	vst v63  }
0x72: {  	_ =	swait.ge [sflag:s29], $0x800  }
0x73: {  	[sflag:s29] =	ssyncset.done $0x0  }
0x74: {  	[sflag:s29] =	ssyncadd.s32 $0xFFFFF800  }
0x75: {  	[spmem:s2] =	stream.indirect.scatter.add.f32 [tilespmem:s23], [sflag:$0x7], $0x10, s12, s19, $0xb8;
	[tilespmem:$0x1CB80] =	vst v63  }
0x76: {  	_ =	swait.ge [sflag:s30], $0x800  }
0x77: {  	[sflag:s30] =	ssyncset.done $0x0  }
0x78: {  	[sflag:s30] =	ssyncadd.s32 $0xFFFFF800  }
0x79: {  	[spmem:s2] =	stream.indirect.scatter.add.f32 [tilespmem:s25], [sflag:$0x8], $0x10, s13, s19, $0xb8;
	[tilespmem:$0x1CB80] =	vst v63  }
0x7a: {  	_ =	swait.ge [sflag:s31], $0x800  }
0x7b: {  	[sflag:s31] =	ssyncset.done $0x0  }
0x7c: {  	[sflag:s31] =	ssyncadd.s32 $0xFFFFF800  }
0x7d: {  	_ =	swait.ge [sflag:s1], $0x800  }
0x7e: {  	[sflag:s1] =	ssyncset.done $0x0  }
0x7f: {  	[sflag:s1] =	ssyncadd.s32 $0xFFFFF800  }
0x80: {  	_ =	swait.ge [sflag:s0], $0x800  }
0x81: {  	[sflag:s0] =	ssyncset.done $0x0  }
0x82: {  	[sflag:s0] =	ssyncadd.s32 $0xFFFFF800  }
0x83: {  	_ =	swait.ge [sflag:s18], $0x800  }
0x84: {  	s22 =	sadd.s32 $0x1, s22;
	[sflag:s18] =	ssyncset.done $0x0  }
0x85: {  	p0 =	sne.s32 s22, s15;
	[sflag:s18] =	ssyncadd.s32 $0xFFFFF800  }
.Ltmp2:
0x86: {  	[bflag:$0x0] =	sbarrier.arrive $0xFFFF;
	(pc) =	sbr.rel @p0 .LBB2_1-.Ltmp2, $4  }
0x87: {  	[hbm:s14], [sflag:s7] =	dma.local [spmem:s16], $0x1870  }
0x88: {  	_ =	swait.ge [sflag:s17], $0x1870  }
0x89: {  	[sflag:s17] =	ssyncset.done $0x0  }
0x8a: {  	[sflag:s17] =	ssyncadd.s32 $0xFFFFE790  }
0x8b: {  	_ =	sfence.sel $0x180000  }
0x8c: {  	[bflag:$0x0] =	sbarrier.arrive $0xFFFF  }
0x8d: {  	_ =	strace $0x90000050  }
0x8e: {  	s0 =	stileid.u32;
	[bflag:$0x2] =	sbarrier.arrive $0xFFFF  }
0x8f: {  	p0 =	sne.s32 s0, $0x0;
	s0 =	rddreg [dreg:$0x2]  }
0x90: {  	s0 =	sadd.s32 @!p0 $0x100000, s0  }
0x91: {  	[sflag:s0] =	ssyncadd.tile.s32 @!p0 $0x1;
	_ =	shalt  }
.Lfunc_end2:
_tile_overlayer_lowered:
.L_overlay_start_2:
0x92: {  	(tag) =	ssettag $0x2  }
0x93: {  	s0 =	rddreg [dreg:$0x0];
	s2 =	stileid.u32  }
0x94: {  	s1 =	rddreg [dreg:$0x1];
	p0 =	sne.s32 s2, $0x0  }
0x95: {  	s3 =	rddreg [dreg:$0x2];
	[bflag:$0x3] =	sbarrier.arrive $0xFFFF;
	s2 =	simm.s32 @!p0 $0x1C09  }
0x96: {  	[timem:s3], [sflag:s2] =	dma.local @!p0 [hbm:s0], s1  }
0x97: {  	s0 =	simm.s32 @!p0 $0x9  }
0x98: {  	_ =	swait.ge @!p0 [sflag:s0], s1  }
0x99: {  	s1 =	ssub.s32 @!p0 $0x0, s1;
	[sflag:s0] =	ssyncset.done @!p0 $0x0  }
0x9a: {  	[sflag:s0] =	ssyncadd.s32 @!p0 s1  }
0x9b: {  	[bflag:$0x3] =	sbarrier.arrive $0xFFFF  }
0x9c: {  	_ =	shalt  }

// kernel: kernel.25.cloned.1.call-start
scs
__scs_entry_jumppad:
0x0: {  	(pc) =	sbr.rel $0x88, $3  }
0x1: {  	(tag) =	ssettag $0x0;
	lr =	simm.s32 $0x1  }
0x2: {  	[smem:$0x3F87] =	sst lr;
	_ =	strace $0xD0000000  }
0x3: {  	_ = 	snop  }
0x4: {  	_ = 	snop  }
0x5: {  	_ = 	snop  }
0x6: {  	_ = 	snop  }
0x7: {  	_ = 	snop  }
__scs_overlays_trampoline_lowered:
0x8: {  	[smem:$0x3F96] =	sst s0  }
0x9: {  	[smem:$0x3F97] =	sst s1  }
0xa: {  	[smem:$0x3F98] =	sst s2  }
0xb: {  	[smem:$0x3F99] =	sst s3  }
0xc: {  	[smem:$0x3F9A] =	sst s4  }
0xd: {  	[smem:$0x3F9B] =	sst s5  }
0xe: {  	[smem:$0x3F9C] =	sst s6  }
0xf: {  	[smem:$0x3F9D] =	sst s7  }
0x10: {  	[smem:$0x3F9E] =	sst s8  }
0x11: {  	[smem:$0x3F9F] =	sst s9;
	s0 =	simm.s32 @!p0 $0x0  }
0x12: {  	s1 =	sld [smem:$0x3F85];
	s0 =	simm.s32 @p0 $0x1  }
0x13: {  	[smem:$0x3FA0] =	sst s0;
	s0 =	simm.s32 @!p1 $0x0  }
0x14: {  	s2 =	sld [smem:$0x3F84];
	s0 =	simm.s32 @p1 $0x1  }
0x15: {  	[smem:$0x3FA1] =	sst s0;
	s0 =	simm.s32 @!p2 $0x0  }
0x16: {  	s3 =	sld [smem:$0x3FDB];
	s0 =	simm.s32 @p2 $0x1  }
0x17: {  	s4 =	simm.s32 $0x1BF5;
	[smem:$0x3FA3] =	sst s0  }
0x18: {  	s0 =	sld [smem:$0x3F86];
	_ =	swait.ge [sflag:s4], $0x0  }
0x19: {  	s7 =	sld [smem:$0x3F87]  }
0x1a: {  	s8 =	sadd.s32 $0xFFFFE003, lr  }
0x1b: {  	s9 =	sadd.s32 $0xFFFFFEF7, lr;
	s5 =	simm.s32 $0xFFFFFFFF;
	p2 =	slt.u32 s8, $0xFFFFF086  }
0x1c: {  	p1 =	slt.u32 s9, $0xF7A;
	s5 =	simm.s32 @!p2 $0x0  }
0x1d: {  	s5 =	simm.s32 @p1 $0x1;
	p0 =	seq.s32 s7, s2  }
0x1e: {  	s7 =	smul.u32 @!p0 $0xF7A, s2;
	p2 =	seq.s32 @!p0 s5, $0x0  }
0x1f: {  	s9 =	smul.u32 $0xF7A, s1;
	s8 =	simm.s32 @!p0 $0x1BF5;
	p2 =	por !p2, p0  }
0x20: {  	[sflag:s8] =	ssyncset.s32 @!p0 $0xFFFFF086;
	s6 =	sadd.s32 @!p0 s3, s7;
	s7 =	simm.s32 @!p0 $0x108  }
0x21: {  	s3 =	sadd.s32 s3, s9;
	s6 =	sadd.s32 @!p0 $0x88, s6;
	s7 =	simm.s32 @p2 $0x1082  }
0x22: {  	[simem:s7], [sflag:s8] =	dma.local @!p0 [hbm:s6], $0xF7A  }
0x23: {  	s9 =	sor.u32 $0xD0000000, s2;
	s6 =	simm.s32 $0x108;
	_ =	swait.ge @!p0 [sflag:s8], $0x0  }
0x24: {  	s3 =	sadd.s32 $0x88, s3;
	s6 =	simm.s32 @!p1 $0x1082;
	[sflag:s4] =	ssyncset.s32 $0xFFFFF086  }
0x25: {  	[simem:s6], [sflag:s4] =	dma.local [hbm:s3], $0xF7A  }
0x26: {  	[smem:$0x3F87] =	sst s1;
	(tag) =	ssettag s2;
	_ =	strace s9  }
0x27: {  	s1 =	sld [smem:$0x3F97]  }
0x28: {  	s2 =	sld [smem:$0x3F98]  }
0x29: {  	s4 =	sld [smem:$0x3F9A]  }
0x2a: {  	p0 =	seq.s32 s5, $0x0;
	s5 =	sld [smem:$0x3F9B]  }
0x2b: {  	s6 =	sld [smem:$0x3F9C]  }
0x2c: {  	s7 =	sld [smem:$0x3F9D]  }
0x2d: {  	s3 =	simm.s32 $0x108;
	s8 =	sld [smem:$0x3F9E]  }
0x2e: {  	s3 =	simm.s32 @!p0 $0x1082;
	s9 =	sld [smem:$0x3F9F]  }
0x2f: {  	lr =	sadd.s32 s0, s3;
	s0 =	sld [smem:$0x3F96]  }
0x30: {  	s3 =	sld [smem:$0x3F99]  }
0x31: {  	[smem:$0x3FA2] =	sst s10  }
0x32: {  	s10 =	sld [smem:$0x3FA0];
	_ =	sdelay $0x3  }
0x33: {  	p0 =	seq.s32 s10, $0x1;
	s10 =	sld [smem:$0x3FA2];
	_ =	sdelay $0x3  }
0x34: {  	[smem:$0x3FA2] =	sst s10  }
0x35: {  	s10 =	sld [smem:$0x3FA1];
	_ =	sdelay $0x3  }
0x36: {  	p1 =	seq.s32 s10, $0x1;
	s10 =	sld [smem:$0x3FA2];
	_ =	sdelay $0x3  }
0x37: {  	[smem:$0x3FA2] =	sst s10  }
0x38: {  	s10 =	sld [smem:$0x3FA3]  }
0x39: {  	_ = 	snop;
	(pc) =	sbr.ind lr, $3  }
0x3a: {  	_ = 	snop  }
0x3b: {  	_ = 	snop  }
0x3c: {  	p2 =	seq.s32 s10, $0x1;
	s10 =	sld [smem:$0x3FA2]  }
0x3d: {  	_ =	shalt  }
0x3e: {  	_ =	shalt  }
0x3f: {  	_ =	shalt  }
0x40: {  	_ =	shalt  }
0x41: {  	_ =	shalt  }
0x42: {  	_ =	shalt  }
0x43: {  	_ =	shalt  }
0x44: {  	_ =	shalt  }
0x45: {  	_ =	shalt  }
0x46: {  	_ =	shalt  }
0x47: {  	_ =	shalt  }
0x48: {  	_ =	shalt  }
0x49: {  	_ =	shalt  }
0x4a: {  	_ =	shalt  }
0x4b: {  	_ =	shalt  }
0x4c: {  	_ =	shalt  }
0x4d: {  	_ =	shalt  }
0x4e: {  	_ =	shalt  }
0x4f: {  	_ =	shalt  }
0x50: {  	_ =	shalt  }
0x51: {  	_ =	shalt  }
0x52: {  	_ =	shalt  }
0x53: {  	_ =	shalt  }
0x54: {  	_ =	shalt  }
0x55: {  	_ =	shalt  }
0x56: {  	_ =	shalt  }
0x57: {  	_ =	shalt  }
0x58: {  	_ =	shalt  }
0x59: {  	_ =	shalt  }
0x5a: {  	_ =	shalt  }
0x5b: {  	_ =	shalt  }
0x5c: {  	_ =	shalt  }
0x5d: {  	_ =	shalt  }
0x5e: {  	_ =	shalt  }
0x5f: {  	_ =	shalt  }
0x60: {  	_ =	shalt  }
0x61: {  	_ =	shalt  }
0x62: {  	_ =	shalt  }
0x63: {  	_ =	shalt  }
0x64: {  	_ =	shalt  }
0x65: {  	_ =	shalt  }
0x66: {  	_ =	shalt  }
0x67: {  	_ =	shalt  }
0x68: {  	_ =	shalt  }
0x69: {  	_ =	shalt  }
0x6a: {  	_ =	shalt  }
0x6b: {  	_ =	shalt  }
0x6c: {  	_ =	shalt  }
0x6d: {  	_ =	shalt  }
0x6e: {  	_ =	shalt  }
0x6f: {  	_ =	shalt  }
0x70: {  	_ =	shalt  }
0x71: {  	_ =	shalt  }
0x72: {  	_ =	shalt  }
0x73: {  	_ =	shalt  }
0x74: {  	_ =	shalt  }
0x75: {  	_ =	shalt  }
0x76: {  	_ =	shalt  }
0x77: {  	_ =	shalt  }
0x78: {  	_ =	shalt  }
0x79: {  	_ =	shalt  }
0x7a: {  	_ =	shalt  }
0x7b: {  	_ =	shalt  }
0x7c: {  	_ =	shalt  }
0x7d: {  	_ =	shalt  }
0x7e: {  	_ =	shalt  }
0x7f: {  	_ =	shalt  }
0x80: {  	_ =	shalt  }
0x81: {  	_ =	shalt  }
0x82: {  	_ =	shalt  }
0x83: {  	_ =	shalt  }
0x84: {  	_ =	shalt  }
0x85: {  	_ =	shalt  }
0x86: {  	_ =	shalt  }
0x87: {  	_ =	shalt  }
.Lfunc_end0:
.L_simem_size_0:
called_computation.4_lowered:
.L_overlay_start_0:
0x88: {  	s2 =	sld [smem:$0x3FD9]  }
0x89: {  	s3 =	sld [smem:$0x3FFE];
	_ =	sdelay $0x1  }
0x8a: {  	s1 =	srdreg.scid  }
0x8b: {  	s0 =	sand.u32 $0x1, s1  }
0x8c: {  	s16 =	sshll.u32 s0, $0xA;
	s2 =	sadd.s32 s3, s2  }
0x8d: {  	s2 =	sadd.s32 s2, s16  }
0x8e: {  	[smem:$0x3FAE] =	sst s2  }
0x8f: {  	_ = 	snop  }
0x90: {  	(tm) =	ssettm $0x1  }
0x91: {  	s17 =	sld [smem:$0x3FFB];
	_ =	sdelay $0x3  }
0x92: {  	_ =	strace s17  }
0x93: {  	s2 =	sld [smem:$0x3FFC];
	_ =	sdelay $0x3  }
0x94: {  	_ =	strace s2  }
0x95: {  	s2 =	sld [smem:$0x3FFD];
	_ =	sdelay $0x3  }
0x96: {  	_ =	strace s2  }
0x97: {  	_ =	strace $0x8FFFFFFF  }
0x98: {  	s18 =	sld [smem:$0x3FDB];
	_ =	sdelay $0x1  }
0x99: {  	s19 =	simm.s32 $_scs_section_size  }
0x9a: {  	s4 =	simm.s32 $_size__tile_overlayer_lowered;
	s5 =	simm.s32 $_tile_overlayer_lowered  }
0x9b: {  	s22 =	simm.s32 $0x1BFF;
	s21 =	sshll.u32 s5, $0x1;
	s2 =	sadd.s32 s19, s18  }
0x9c: {  	s6 =	simm.s32 $0x0;
	s20 =	sshll.u32 s4, $0x1;
	s4 =	sadd.s32 s21, s2  }
0x9d: {  	[timem:s6], [sflag:s22] =	dma.local [hbm:s4], s20  }
0x9e: {  	_ =	swait.ge [sflag:s22], s20  }
0x9f: {  	s3 =	ssub.s32 $0x0, s20;
	[sflag:s22] =	ssyncset.done $0x0  }
0xa0: {  	[sflag:s22] =	ssyncadd.s32 s3;
	_ =	sdelay $0x1  }
0xa1: {  	s23 =	simm.s32 $0x1B8B  }
0xa2: {  	_ =	swait.ge [sflag:s23], $0x1  }
0xa3: {  	[sflag:s23] =	ssyncset.done $0x0  }
0xa4: {  	s25 =	simm.s32 $0x1B8E;
	s24 =	sld [smem:$0x3FFE];
	[sflag:s23] =	ssyncadd.s32 $0xFFFFFFFF  }
0xa5: {  	s26 =	simm.s32 $execute0_lowered;
	[smem:$0x3FD2] =	sst s25  }
0xa6: {  	s4 =	sshll.u32 s26, $0x1;
	_ =	strace $0x80000052;
	[dreg:$0x1] =	wrdreg $0xFFFFFFFF  }
0xa7: {  	s28 =	simm.s32 $_size_execute0_lowered;
	s2 =	sadd.s32 s2, s4;
	[dreg:$0x0] =	wrdreg $0x0  }
0xa8: {  	s4 =	sshll.u32 s28, $0x1;
	[dreg:$0x2] =	wrdreg s2  }
0xa9: {  	[dreg:$0x3] =	wrdreg s4  }
0xaa: {  	[dreg:$0x4] =	wrdreg $0xC0  }
0xab: {  	_ =	task [dreg:s6], $0x5FFFF  }
0xac: {  	[dreg:$0x1] =	wrdreg $0xFFFFFFFF  }
0xad: {  	[dreg:$0x0] =	wrdreg $0x60  }
0xae: {  	[dreg:$0x2] =	wrdreg s24  }
0xaf: {  	[dreg:$0x3] =	wrdreg $0xE8000  }
0xb0: {  	[dreg:$0x4] =	wrdreg $0x9  }
0xb1: {  	_ =	task.clear_ibuf [dreg:s6], $0x5FFFF;
	_ =	strace $0x90000052  }
0xb2: {  	s29 =	simm.s32 $0x9;
	_ =	strace $0x80000054  }
0xb3: {  	_ =	swait.ge [sflag:s29], $0x1  }
0xb4: {  	[sflag:s29] =	ssyncadd.s32 $0xFFFFFFFF  }
0xb5: {  	_ =	strace $0x90000054  }
0xb6: {  	_ =	sfence  }
0xb7: {  	s30 =	sld [smem:$0x0];
	_ =	sdelay $0x2  }
0xb8: {  	s31 =	sshll.u32 s1, $0xD;
	s1 =	sshrl.u32 s1, $0x2  }
0xb9: {  	s3 =	sand.u32 $0x4000, s31;
	s1 =	sadd.s32 s1, s30  }
0xba: {  	s0 =	sor.u32 s3, s0;
	s1 =	sshll.u32 s1, $0x11  }
0xbb: {  	s0 =	sor.u32 s1, s0  }
0xbc: {  	s0 =	sadd.s32 $0x8F2B, s0  }
0xbd: {  	[sflag:s0] =	ssyncadd.remote.s32 $0x1  }
0xbe: {  	_ =	sfence.sel $0xFFFF  }
0xbf: {  	[dreg:$0x0] =	wrdreg $0xFFFFFFFF;
	(pc) =	sbr.abs _section_cstart, $3  }
0xc0: {  	[dreg:$0x1] =	wrdreg $0xFFFFFFFF  }
0xc1: {  	_ =	task.clear_ibuf [dreg:s6], $0x2FFFF;
	_ =	strace $0x9FFFFFFF  }
0xc2: {  	(tm) =	ssettm $0x7FFFFFFF  }
0xc3: {  	_ =	shalt  }
tec
execute0_lowered:
.L_overlay_start_1:
0x0: {  	(tag) =	ssettag $0x1  }
0x1: {  	s0 =	srdreg.scid;
	s5 =	rddreg [dreg:$0x0]  }
0x2: {  	s11 =	stileid.u32;
	s2 =	rddreg [dreg:$0x1]  }
0x3: {  	s3 =	simm.s32 $0x0;
	s17 =	simm.s32 $0x9;
	s19 =	simm.s32 $0x80  }
0x4: {  	s20 =	simm.s32 $0x1AB80;
	s21 =	simm.s32 $0x1B380;
	s28 =	simm.s32 $0x2  }
0x5: {  	s29 =	simm.s32 $0x3;
	s30 =	simm.s32 $0x4;
	s31 =	simm.s32 $0x5  }
0x6: {  	s18 =	simm.s32 $0x8;
	s0 =	sand.u32 $0x1, s0;
	s6 =	smul.u32 $0x18700, s11  }
0x7: {  	[smem:$0x7FF] =	sst s3;
	s4 =	sadd.s32 $0x42A00, s5;
	s23 =	sshll.u32 s11, $0x6  }
0x8: {  	s1 =	sshll.u32 s0, $0x4;
	s7 =	smul.u32 $0x187000, s0;
	_ =	strace $0x80000053  }
0x9: {  	s8 =	ssub.s32 $0x2, s0;
	p0 =	seq.s32 s0, $0x0;
	s1 =	sor.u32 s11, s1  }
0xa: {  	s9 =	sshrl.u32 s6, $0x4;
	s10 =	sshrl.u32 s8, $0x1;
	s22 =	sshrl.u32 s6, $0x1  }
0xb: {  	s1 =	smul.u32 $0xE80, s1;
	s7 =	sadd.s32 s6, s7;
	s9 =	sadd.s32 s9, s5  }
0xc: {  	s15 =	ssub.s32 s8, s10;
	s0 =	sadd.s32 s22, s2;
	s22 =	simm.s32 $0x0  }
0xd: {  	s7 =	sshrl.u32 s7, $0x4;
	s24 =	sadd.s32 $0xA4800, s9;
	s15 =	smax.u32 s15, $0x1  }
0xe: {  	s16 =	sshrl.u32 s0, $0x3;
	s0 =	simm.s32 $0x7;
	s1 =	sadd.s32 s1, s5  }
0xf: {  	s14 =	sadd.s32 s7, s5;
	s5 =	simm.s32 $0x13800;
	[dreg:$0x3] =	wrdreg s24  }
0x10: {  	s7 =	sor.u32 $0x1C09, s23;
	s23 =	simm.s32 $0x1BB80;
	s5 =	simm.s32 @!p0 $0x1C800  }
0x11: {  	s26 =	sadd.s32 $0x25A00, s1;
	s9 =	sadd.s32 $0x3E00, s1;
	s14 =	sadd.s32 $0x5B200, s14  }
0x12: {  	s1 =	simm.s32 $0x6;
	s25 =	sshrl.u32 s5, $0x2;
	[dreg:$0x4] =	wrdreg s26  }
0x13: {  	s26 =	simm.s32 $0x1;
	s10 =	sadd.s32 $0x7400, s25;
	s11 =	sadd.s32 $0x7480, s25  }
0x14: {  	s12 =	sadd.s32 $0x7500, s25;
	s13 =	sadd.s32 $0x7580, s25;
	s25 =	simm.s32 $0x1C380  }
.LBB2_1:
0x15: {  	s6 =	rddreg [dreg:$0x3]  }
0x16: {  	[spmem:s16], [sflag:s7] =	dma.local [hbm:s6], $0x1870  }
0x17: {  	_ =	swait.ge [sflag:s17], $0x1870  }
0x18: {  	[sflag:s17] =	ssyncset.done $0x0  }
0x19: {  	s24 =	rddreg [dreg:$0x4];
	[sflag:s17] =	ssyncadd.s32 $0xFFFFE790  }
0x1a: {  	[tilespmem:s3], [sflag:$0x9] =	stream.linear.gather [hbm4b:s24+s3], $0x7400, $0x38;
	[tilespmem:$0x1CB80] =	vst v63  }
0x1b: {  	_ =	swait.ge [sflag:s17], $0x7400  }
0x1c: {  	[sflag:s17] =	ssyncset.done $0x0  }
0x1d: {  	s8 =	simm.s32 $0x7400;
	[sflag:s17] =	ssyncadd.s32 $0xFFFF8C00  }
0x1e: {  	[tilespmem:s8], [sflag:$0x9] =	stream.linear.gather [hbm4b:s9+s3], $0x7400, $0x38;
	[tilespmem:$0x1CB80] =	vst v63  }
0x1f: {  	_ =	swait.ge [sflag:s17], $0x7400  }
0x20: {  	[sflag:s17] =	ssyncset.done $0x0  }
0x21: {  	[sflag:s17] =	ssyncadd.s32 $0xFFFF8C00  }
0x22: {  	[bflag:$0x0] =	sbarrier.arrive $0xFFFF  }
0x23: {  	[tilespmem:s20], [sflag:$0x1] =	stream.indirect.gather [hbm4b:s4+s19], $0x10, s3, s19, $0xb8;
	[tilespmem:$0x1CB80] =	vst v63  }
0x24: {  	_ = 	snop  }
0x25: {  	[tilespmem:s21], [sflag:$0x2] =	stream.indirect.gather [hbm4b:s4+s19], $0x10, s19, s19, $0xb8;
	[tilespmem:$0x1CB80] =	vst v63  }
0x26: {  	s24 =	simm.s32 $0x100  }
0x27: {  	[tilespmem:s23], [sflag:$0x3] =	stream.indirect.gather [hbm4b:s4+s19], $0x10, s24, s19, $0xb8;
	[tilespmem:$0x1CB80] =	vst v63  }
0x28: {  	s8 =	simm.s32 $0x180  }
0x29: {  	[tilespmem:s25], [sflag:$0x4] =	stream.indirect.gather [hbm4b:s4+s19], $0x10, s8, s19, $0xb8;
	[tilespmem:$0x1CB80] =	vst v63  }
0x2a: {  	_ =	swait.ge [sflag:s26], $0x800  }
0x2b: {  	[sflag:s26] =	ssyncset.done $0x0  }
0x2c: {  	s24 =	simm.s32 $0x7400;
	[sflag:s26] =	ssyncadd.s32 $0xFFFFF800  }
0x2d: {  	[spmem:s2] =	stream.indirect.scatter.add.bf16 [tilespmem:s20], [sflag:$0x5], $0x10, s24, s19, $0xb8;
	[tilespmem:$0x1CB80] =	vst v63  }
0x2e: {  	_ =	swait.ge [sflag:s28], $0x800  }
0x2f: {  	[sflag:s28] =	ssyncset.done $0x0  }
0x30: {  	s8 =	simm.s32 $0x7480;
	[sflag:s28] =	ssyncadd.s32 $0xFFFFF800  }
0x31: {  	[spmem:s2] =	stream.indirect.scatter.add.bf16 [tilespmem:s21], [sflag:$0x6], $0x10, s8, s19, $0xb8;
	[tilespmem:$0x1CB80] =	vst v63  }
0x32: {  	_ =	swait.ge [sflag:s29], $0x800  }
0x33: {  	[sflag:s29] =	ssyncset.done $0x0  }
0x34: {  	s24 =	simm.s32 $0x7500;
	[sflag:s29] =	ssyncadd.s32 $0xFFFFF800  }
0x35: {  	[spmem:s2] =	stream.indirect.scatter.add.bf16 [tilespmem:s23], [sflag:$0x7], $0x10, s24, s19, $0xb8;
	[tilespmem:$0x1CB80] =	vst v63  }
0x36: {  	_ =	swait.ge [sflag:s30], $0x800  }
0x37: {  	[sflag:s30] =	ssyncset.done $0x0  }
0x38: {  	s8 =	simm.s32 $0x7580;
	[sflag:s30] =	ssyncadd.s32 $0xFFFFF800  }
0x39: {  	[spmem:s2] =	stream.indirect.scatter.add.bf16 [tilespmem:s25], [sflag:$0x8], $0x10, s8, s19, $0xb8;
	[tilespmem:$0x1CB80] =	vst v63  }
0x3a: {  	_ =	swait.ge [sflag:s31], $0x800  }
0x3b: {  	[sflag:s31] =	ssyncset.done $0x0  }
0x3c: {  	s24 =	simm.s32 $0x200;
	[sflag:s31] =	ssyncadd.s32 $0xFFFFF800  }
0x3d: {  	[tilespmem:s20], [sflag:$0x1] =	stream.indirect.gather [hbm4b:s4+s19], $0x10, s24, s19, $0xb8;
	[tilespmem:$0x1CB80] =	vst v63  }
0x3e: {  	_ =	swait.ge [sflag:s1], $0x800  }
0x3f: {  	[sflag:s1] =	ssyncset.done $0x0  }
0x40: {  	s8 =	simm.s32 $0x280;
	[sflag:s1] =	ssyncadd.s32 $0xFFFFF800  }
0x41: {  	[tilespmem:s21], [sflag:$0x2] =	stream.indirect.gather [hbm4b:s4+s19], $0x10, s8, s19, $0xb8;
	[tilespmem:$0x1CB80] =	vst v63  }
0x42: {  	_ =	swait.ge [sflag:s0], $0x800  }
0x43: {  	p0 =	sne.s32 s5, $0x800;
	[sflag:s0] =	ssyncset.done $0x0  }
.Ltmp0:
0x44: {  	s24 =	simm.s32 $0x300;
	[sflag:s0] =	ssyncadd.s32 $0xFFFFF800;
	(pc) =	sbr.rel @!p0 .LBB2_3-.Ltmp0, $4  }
0x45: {  	[tilespmem:s23], [sflag:$0x3] =	stream.indirect.gather [hbm4b:s4+s19], $0x10, s24, s19, $0xb8;
	[tilespmem:$0x1CB80] =	vst v63  }
0x46: {  	_ =	swait.ge [sflag:s18], $0x800  }
0x47: {  	[sflag:s18] =	ssyncset.done $0x0  }
0x48: {  	s6 =	simm.s32 $0x380;
	s24 =	simm.s32 $0x800;
	[sflag:s18] =	ssyncadd.s32 $0xFFFFF800  }
.LBB2_2:
0x49: {  	[tilespmem:s25], [sflag:$0x4] =	stream.indirect.gather [hbm4b:s4+s19], $0x10, s6, s19, $0xb8;
	[tilespmem:$0x1CB80] =	vst v63  }
0x4a: {  	s6 =	smov.u32 s24;
	s24 =	sadd.s32 $0x800, s24;
	_ =	swait.ge [sflag:s26], $0x800  }
0x4b: {  	s6 =	sshra.s32 s6, $0x2;
	p0 =	sne.s32 s5, s24;
	[sflag:s26] =	ssyncset.done $0x0  }
0x4c: {  	s8 =	sadd.s32 $0x7400, s6;
	[sflag:s26] =	ssyncadd.s32 $0xFFFFF800  }
0x4d: {  	[spmem:s2] =	stream.indirect.scatter.add.bf16 [tilespmem:s20], [sflag:$0x5], $0x10, s8, s19, $0xb8;
	[tilespmem:$0x1CB80] =	vst v63  }
0x4e: {  	_ =	swait.ge [sflag:s28], $0x800  }
0x4f: {  	[sflag:s28] =	ssyncset.done $0x0  }
0x50: {  	s8 =	sadd.s32 $0x7480, s6;
	[sflag:s28] =	ssyncadd.s32 $0xFFFFF800  }
0x51: {  	[spmem:s2] =	stream.indirect.scatter.add.bf16 [tilespmem:s21], [sflag:$0x6], $0x10, s8, s19, $0xb8;
	[tilespmem:$0x1CB80] =	vst v63  }
0x52: {  	_ =	swait.ge [sflag:s29], $0x800  }
0x53: {  	[sflag:s29] =	ssyncset.done $0x0  }
0x54: {  	s8 =	sadd.s32 $0x7500, s6;
	[sflag:s29] =	ssyncadd.s32 $0xFFFFF800  }
0x55: {  	[spmem:s2] =	stream.indirect.scatter.add.bf16 [tilespmem:s23], [sflag:$0x7], $0x10, s8, s19, $0xb8;
	[tilespmem:$0x1CB80] =	vst v63  }
0x56: {  	_ =	swait.ge [sflag:s30], $0x800  }
0x57: {  	[sflag:s30] =	ssyncset.done $0x0  }
0x58: {  	s8 =	sadd.s32 $0x7580, s6;
	[sflag:s30] =	ssyncadd.s32 $0xFFFFF800  }
0x59: {  	[spmem:s2] =	stream.indirect.scatter.add.bf16 [tilespmem:s25], [sflag:$0x8], $0x10, s8, s19, $0xb8;
	[tilespmem:$0x1CB80] =	vst v63  }
0x5a: {  	_ =	swait.ge [sflag:s31], $0x800  }
0x5b: {  	[sflag:s31] =	ssyncset.done $0x0  }
0x5c: {  	s8 =	sadd.s32 $0x200, s6;
	[sflag:s31] =	ssyncadd.s32 $0xFFFFF800  }
0x5d: {  	[tilespmem:s20], [sflag:$0x1] =	stream.indirect.gather [hbm4b:s4+s19], $0x10, s8, s19, $0xb8;
	[tilespmem:$0x1CB80] =	vst v63  }
0x5e: {  	_ =	swait.ge [sflag:s1], $0x800  }
0x5f: {  	[sflag:s1] =	ssyncset.done $0x0  }
0x60: {  	s8 =	sadd.s32 $0x280, s6;
	[sflag:s1] =	ssyncadd.s32 $0xFFFFF800  }
0x61: {  	[tilespmem:s21], [sflag:$0x2] =	stream.indirect.gather [hbm4b:s4+s19], $0x10, s8, s19, $0xb8;
	[tilespmem:$0x1CB80] =	vst v63  }
0x62: {  	_ =	swait.ge [sflag:s0], $0x800  }
0x63: {  	[sflag:s0] =	ssyncset.done $0x0  }
.Ltmp1:
0x64: {  	s8 =	sadd.s32 $0x300, s6;
	[sflag:s0] =	ssyncadd.s32 $0xFFFFF800;
	(pc) =	sbr.rel @p0 .LBB2_2-.Ltmp1, $4  }
0x65: {  	[tilespmem:s23], [sflag:$0x3] =	stream.indirect.gather [hbm4b:s4+s19], $0x10, s8, s19, $0xb8;
	[tilespmem:$0x1CB80] =	vst v63  }
0x66: {  	_ =	swait.ge [sflag:s18], $0x800  }
0x67: {  	[sflag:s18] =	ssyncset.done $0x0  }
0x68: {  	s6 =	sadd.s32 $0x380, s6;
	[sflag:s18] =	ssyncadd.s32 $0xFFFFF800  }
.LBB2_3:
0x69: {  	[tilespmem:s25], [sflag:$0x4] =	stream.indirect.gather [hbm4b:s4+s19], $0x10, s6, s19, $0xb8;
	[tilespmem:$0x1CB80] =	vst v63  }
0x6a: {  	_ =	swait.ge [sflag:s26], $0x800  }
0x6b: {  	[sflag:s26] =	ssyncset.done $0x0  }
0x6c: {  	[sflag:s26] =	ssyncadd.s32 $0xFFFFF800  }
0x6d: {  	[spmem:s2] =	stream.indirect.scatter.add.bf16 [tilespmem:s20], [sflag:$0x5], $0x10, s10, s19, $0xb8;
	[tilespmem:$0x1CB80] =	vst v63  }
0x6e: {  	_ =	swait.ge [sflag:s28], $0x800  }
0x6f: {  	[sflag:s28] =	ssyncset.done $0x0  }
0x70: {  	[sflag:s28] =	ssyncadd.s32 $0xFFFFF800  }
0x71: {  	[spmem:s2] =	stream.indirect.scatter.add.bf16 [tilespmem:s21], [sflag:$0x6], $0x10, s11, s19, $0xb8;
	[tilespmem:$0x1CB80] =	vst v63  }
0x72: {  	_ =	swait.ge [sflag:s29], $0x800  }
0x73: {  	[sflag:s29] =	ssyncset.done $0x0  }
0x74: {  	[sflag:s29] =	ssyncadd.s32 $0xFFFFF800  }
0x75: {  	[spmem:s2] =	stream.indirect.scatter.add.bf16 [tilespmem:s23], [sflag:$0x7], $0x10, s12, s19, $0xb8;
	[tilespmem:$0x1CB80] =	vst v63  }
0x76: {  	_ =	swait.ge [sflag:s30], $0x800  }
0x77: {  	[sflag:s30] =	ssyncset.done $0x0  }
0x78: {  	[sflag:s30] =	ssyncadd.s32 $0xFFFFF800  }
0x79: {  	[spmem:s2] =	stream.indirect.scatter.add.bf16 [tilespmem:s25], [sflag:$0x8], $0x10, s13, s19, $0xb8;
	[tilespmem:$0x1CB80] =	vst v63  }
0x7a: {  	_ =	swait.ge [sflag:s31], $0x800  }
0x7b: {  	[sflag:s31] =	ssyncset.done $0x0  }
0x7c: {  	[sflag:s31] =	ssyncadd.s32 $0xFFFFF800  }
0x7d: {  	_ =	swait.ge [sflag:s1], $0x800  }
0x7e: {  	[sflag:s1] =	ssyncset.done $0x0  }
0x7f: {  	[sflag:s1] =	ssyncadd.s32 $0xFFFFF800  }
0x80: {  	_ =	swait.ge [sflag:s0], $0x800  }
0x81: {  	[sflag:s0] =	ssyncset.done $0x0  }
0x82: {  	[sflag:s0] =	ssyncadd.s32 $0xFFFFF800  }
0x83: {  	_ =	swait.ge [sflag:s18], $0x800  }
0x84: {  	s22 =	sadd.s32 $0x1, s22;
	[sflag:s18] =	ssyncset.done $0x0  }
0x85: {  	p0 =	sne.s32 s22, s15;
	[sflag:s18] =	ssyncadd.s32 $0xFFFFF800  }
.Ltmp2:
0x86: {  	[bflag:$0x0] =	sbarrier.arrive $0xFFFF;
	(pc) =	sbr.rel @p0 .LBB2_1-.Ltmp2, $4  }
0x87: {  	[hbm:s14], [sflag:s7] =	dma.local [spmem:s16], $0x1870  }
0x88: {  	_ =	swait.ge [sflag:s17], $0x1870  }
0x89: {  	[sflag:s17] =	ssyncset.done $0x0  }
0x8a: {  	[sflag:s17] =	ssyncadd.s32 $0xFFFFE790  }
0x8b: {  	_ =	sfence.sel $0x180000  }
0x8c: {  	[bflag:$0x0] =	sbarrier.arrive $0xFFFF  }
0x8d: {  	_ =	strace $0x90000053  }
0x8e: {  	s0 =	stileid.u32;
	[bflag:$0x2] =	sbarrier.arrive $0xFFFF  }
0x8f: {  	p0 =	sne.s32 s0, $0x0;
	s0 =	rddreg [dreg:$0x2]  }
0x90: {  	s0 =	sadd.s32 @!p0 $0x100000, s0  }
0x91: {  	[sflag:s0] =	ssyncadd.tile.s32 @!p0 $0x1;
	_ =	shalt  }
.Lfunc_end2:
_tile_overlayer_lowered:
.L_overlay_start_2:
0x92: {  	(tag) =	ssettag $0x2  }
0x93: {  	s0 =	rddreg [dreg:$0x0];
	s2 =	stileid.u32  }
0x94: {  	s1 =	rddreg [dreg:$0x1];
	p0 =	sne.s32 s2, $0x0  }
0x95: {  	s3 =	rddreg [dreg:$0x2];
	[bflag:$0x3] =	sbarrier.arrive $0xFFFF;
	s2 =	simm.s32 @!p0 $0x1C09  }
0x96: {  	[timem:s3], [sflag:s2] =	dma.local @!p0 [hbm:s0], s1  }
0x97: {  	s0 =	simm.s32 @!p0 $0x9  }
0x98: {  	_ =	swait.ge @!p0 [sflag:s0], s1  }
0x99: {  	s1 =	ssub.s32 @!p0 $0x0, s1;
	[sflag:s0] =	ssyncset.done @!p0 $0x0  }
0x9a: {  	[sflag:s0] =	ssyncadd.s32 @!p0 s1  }
0x9b: {  	[bflag:$0x3] =	sbarrier.arrive $0xFFFF  }
0x9c: {  	_ =	shalt  }

</sc_bundles>
